<compile_context>
chip_gen: v7x
topology: tpu7x:2x2x1
jax: 0.10.2.dev20260603
libtpu: 0.0.44.dev20260713+nightly
codegen_flags: <defaults>
</compile_context>

<pallas_src>
import functools

import jax
import jax.numpy as jnp
from jax import lax
from jax.experimental import pallas as pl
from jax.experimental.pallas import tpu as pltpu
from jax.experimental.pallas import tpu_sc as plsc

B = 2
N = 4096
D = 3
K = 16
NREP = 1024
IN_F = 256
OUT_F = 512
LIFT = 64
PD = 16
PDG = 128

_NC = 2
_NS = 16
_NW = _NC * _NS


def _sc_mesh():
    return plsc.VectorSubcoreMesh(
        core_axis_name="c", subcore_axis_name="s",
        num_cores=_NC, num_subcores=_NS)


def _make_row_gather(n_rows, table_rows, row_w, chunk):
    n_chunks = n_rows // (_NW * chunk)
    assert n_rows == n_chunks * _NW * chunk and chunk <= 128

    @functools.partial(
        pl.kernel,
        out_type=jax.ShapeDtypeStruct((n_rows, row_w), jnp.float32),
        mesh=_sc_mesh(),
        scratch_types=[
            pltpu.VMEM((chunk,), jnp.int32),
            pltpu.VMEM((chunk, row_w), jnp.float32),
            pltpu.SemaphoreType.DMA,
        ],
    )
    def gather_k(idx_hbm, table_hbm, out_hbm, idx_v, rows_v, sem):
        wid = lax.axis_index("s") * _NC + lax.axis_index("c")
        for c in range(n_chunks):
            base = (wid * n_chunks + c) * chunk
            pltpu.sync_copy(idx_hbm.at[pl.ds(base, chunk)], idx_v)
            pltpu.async_copy(table_hbm.at[idx_v], rows_v, sem).wait()
            pltpu.sync_copy(rows_v, out_hbm.at[pl.ds(base, chunk)])

    return gather_k


def _make_row_gather2(n_rows, row_w1, row_w2, chunk, dt1=jnp.float32,
                      dt2=jnp.float32):
    n_chunks = n_rows // (_NW * chunk)
    per_w = n_chunks * chunk
    assert n_rows == n_chunks * _NW * chunk and chunk <= 128

    @functools.partial(
        pl.kernel,
        out_type=[jax.ShapeDtypeStruct((n_rows, row_w1), dt1),
                  jax.ShapeDtypeStruct((n_rows, row_w2), dt2)],
        mesh=_sc_mesh(),
        scratch_types=[
            pltpu.VMEM((per_w,), jnp.int32),
            pltpu.VMEM((2, chunk, row_w1), dt1),
            pltpu.VMEM((2, chunk, row_w2), dt2),
            pltpu.SemaphoreType.DMA,
            pltpu.SemaphoreType.DMA,
        ],
    )
    def gather_k(idx_hbm, t1_hbm, t2_hbm, out1_hbm, out2_hbm,
                 idx_v, r1_v, r2_v, gsem, osem):
        wid = lax.axis_index("s") * _NC + lax.axis_index("c")
        base0 = wid * per_w
        pltpu.sync_copy(idx_hbm.at[pl.ds(base0, per_w)], idx_v)

        def fire(c, buf):
            ii = idx_v.at[pl.ds(c * chunk, chunk)]
            return (pltpu.async_copy(t1_hbm.at[ii], r1_v.at[buf], gsem),
                    pltpu.async_copy(t2_hbm.at[ii], r2_v.at[buf], gsem))

        g = fire(0, 0)
        outs = None
        for c in range(n_chunks):
            buf = c % 2
            g[0].wait()
            g[1].wait()
            if outs is not None:
                outs[0].wait()
                outs[1].wait()
            if c + 1 < n_chunks:
                g = fire(c + 1, 1 - buf)
            dst = pl.ds(base0 + c * chunk, chunk)
            outs = (pltpu.async_copy(r1_v.at[buf], out1_hbm.at[dst], osem),
                    pltpu.async_copy(r2_v.at[buf], out2_hbm.at[dst], osem))
        outs[0].wait()
        outs[1].wait()

    return gather_k


_R_KNN = 256


def _knn_body(ppadT_ref, repp_ref, out_ref):
    b = pl.program_id(0)
    pT = ppadT_ref[0]
    rep = repp_ref[0]
    x2 = pT[0:1, :] * pT[0:1, :] + pT[1:2, :] * pT[1:2, :]
    x2 = x2 + pT[2:3, :] * pT[2:3, :]
    x2r = rep[:, 0:1] * rep[:, 0:1] + rep[:, 1:2] * rep[:, 1:2]
    x2r = x2r + rep[:, 2:3] * rep[:, 2:3]
    cross = lax.dot_general(rep, pT, (((1,), (0,)), ((), ())),
                            preferred_element_type=jnp.float32)
    d = jnp.sqrt(jnp.maximum(x2r + x2 - 2.0 * cross, 0.0))
    iota = lax.broadcasted_iota(jnp.int32, d.shape, 1)
    cols = []
    for i in range(K + 1):
        m = jnp.min(d, axis=1, keepdims=True)
        idx = jnp.min(jnp.where(d == m, iota, N), axis=1, keepdims=True)
        if i > 0:
            cols.append(idx)
        d = jnp.where(iota == idx, jnp.float32(jnp.inf), d)
    out_ref[0] = jnp.concatenate(cols, axis=1) + b * N


def _knn_topk(ppadT, reppad):
    nr = reppad.shape[1]
    grid = (B, nr // _R_KNN)
    return pl.pallas_call(
        _knn_body,
        grid=grid,
        in_specs=[
            pl.BlockSpec((1, PD, N), lambda b, j: (b, 0, 0)),
            pl.BlockSpec((1, _R_KNN, PD), lambda b, j: (b, j, 0)),
        ],
        out_specs=pl.BlockSpec((1, _R_KNN, K), lambda b, j: (b, j, 0)),
        out_shape=jax.ShapeDtypeStruct((B, nr, K), jnp.int32),
    )(ppadT, reppad)


_R_XC = 128


def _xconv_body(repp_ref, npos_ref, nfeat_ref, wlp_ref, blift_ref,
                wt1p_ref, bt1_ref, wt2t_ref, bt2_ref, wt3t_ref, bt3_ref,
                wc3l_ref, wc3f_ref, bc_ref, out_ref):
    rep = repp_ref[...]
    npos = npos_ref[...]
    pts = npos - rep[:, None, :]
    nfeat = nfeat_ref[...]

    acc = jnp.reshape(blift_ref[...], (1, 1, LIFT))
    for dd in range(D):
        w = jnp.reshape(wlp_ref[dd:dd + 1, :], (1, 1, LIFT))
        acc = acc + pts[:, :, dd:dd + 1] * w
    lifted = jnp.maximum(acc, 0.0)

    h = bt1_ref[...]
    for k in range(K):
        h = h + lax.dot_general(pts[:, k, :], wt1p_ref[k],
                                (((1,), (0,)), ((), ())),
                                preferred_element_type=jnp.float32)
    h = jnp.maximum(h, 0.0)
    h = jnp.maximum(
        lax.dot_general(h, wt2t_ref[...], (((1,), (0,)), ((), ())),
                        preferred_element_type=jnp.float32) + bt2_ref[...],
        0.0)
    h = lax.dot_general(h, wt3t_ref[...], (((1,), (0,)), ((), ())),
                        preferred_element_type=jnp.float32) + bt3_ref[...]

    G = _R_XC // 8
    p_iota = lax.broadcasted_iota(jnp.int32, (128, 128), 0)
    q_iota = lax.broadcasted_iota(jnp.int32, (128, 128), 1)
    bd_mask = (q_iota // K) == (p_iota % 8)
    pf, plf = [], []
    for g in range(G):
        hg = h[8 * g:8 * g + 8, :]
        z = jnp.concatenate([hg[:, K * i:K * i + K] for i in range(K)],
                            axis=0)
        bd = jnp.where(bd_mask, jnp.concatenate([z] * 8, axis=1), 0.0)
        fg = jnp.reshape(nfeat[8 * g:8 * g + 8], (8 * K, IN_F))
        lg = jnp.reshape(lifted[8 * g:8 * g + 8], (8 * K, LIFT))
        pf.append(lax.dot_general(bd, fg, (((1,), (0,)), ((), ())),
                                  preferred_element_type=jnp.float32))
        plf.append(lax.dot_general(bd, lg, (((1,), (0,)), ((), ())),
                                   preferred_element_type=jnp.float32))

    out = bc_ref[...]
    for i in range(K):
        fmf = jnp.concatenate([pf[g][8 * i:8 * i + 8] for g in range(G)],
                              axis=0)
        fml = jnp.concatenate([plf[g][8 * i:8 * i + 8] for g in range(G)],
                              axis=0)
        out = out + lax.dot_general(fml, wc3l_ref[i],
                                    (((1,), (0,)), ((), ())),
                                    preferred_element_type=jnp.float32)
        out = out + lax.dot_general(fmf, wc3f_ref[i],
                                    (((1,), (0,)), ((), ())),
                                    preferred_element_type=jnp.float32)
    out_ref[...] = out


def _xconv(reppad, npos, nfeat, wlp, blift, wt1p, bt1, wt2t, bt2, wt3t, bt3,
           wc3l, wc3f, bc):
    bb = reppad.shape[0]
    grid = (bb // _R_XC,)
    full = lambda *s: pl.BlockSpec(s, lambda i: (0,) * len(s))
    return pl.pallas_call(
        _xconv_body,
        grid=grid,
        in_specs=[
            pl.BlockSpec((_R_XC, PD), lambda i: (i, 0)),
            pl.BlockSpec((_R_XC, K, PD), lambda i: (i, 0, 0)),
            pl.BlockSpec((_R_XC, K, IN_F), lambda i: (i, 0, 0)),
            full(PD, LIFT), full(1, LIFT),
            full(K, PD, K * K), full(1, K * K),
            full(K * K, K * K), full(1, K * K),
            full(K * K, K * K), full(1, K * K),
            full(K, LIFT, OUT_F), full(K, IN_F, OUT_F), full(1, OUT_F),
        ],
        out_specs=pl.BlockSpec((_R_XC, OUT_F), lambda i: (i, 0)),
        out_shape=jax.ShapeDtypeStruct((bb, OUT_F), jnp.float32),
    )(reppad, npos, nfeat, wlp, blift, wt1p, bt1, wt2t, bt2, wt3t, bt3,
      wc3l, wc3f, bc)


def kernel(points, features, rep_idx, W_lift, b_lift, Wt1, bt1, Wt2, bt2,
           Wt3, bt3, Wc, bc):
    ppad = jnp.pad(points, ((0, 0), (0, 0), (0, PD - D)))
    ppad_flat = jnp.pad(points, ((0, 0), (0, 0), (0, PDG - D))
                        ).reshape(B * N, PDG)
    ppadT = jnp.transpose(ppad, (0, 2, 1))
    feat_flat = features.reshape(B * N, IN_F)

    rep_gidx = (rep_idx[None, :] + jnp.arange(B, dtype=jnp.int32)[:, None]
                * N).reshape(-1)

    wlp = jnp.pad(W_lift.T, ((0, PD - D), (0, 0)))
    wt1p = jnp.pad(Wt1.T.reshape(K, D, K * K),
                   ((0, 0), (0, PD - D), (0, 0)))
    wt2t = Wt2.T
    wt3t = Wt3.T
    wc3 = jnp.transpose(Wc, (2, 1, 0))
    wc3l = wc3[:, :LIFT, :]
    wc3f = wc3[:, LIFT:, :]

    reppad = _make_row_gather(B * NREP, B * N, PDG, 64)(
        rep_gidx, ppad_flat)[:, :PD]

    H = 1
    NH = NREP // H
    rep3 = reppad.reshape(B, NREP, PD)
    outs = []
    for h in range(H):
        rp_h = rep3[:, h * NH:(h + 1) * NH]
        nn_h = _knn_topk(ppadT, rp_h)
        nfeat, npos = _make_row_gather2(B * NH * K, IN_F, PDG, 128)(
            nn_h.reshape(-1), feat_flat, ppad_flat)
        out_h = _xconv(rp_h.reshape(B * NH, PD),
                       npos[:, :PD].reshape(B * NH, K, PD),
                       nfeat.reshape(B * NH, K, IN_F),
                       wlp, b_lift.reshape(1, LIFT),
                       wt1p, bt1.reshape(1, K * K),
                       wt2t, bt2.reshape(1, K * K),
                       wt3t, bt3.reshape(1, K * K), wc3l, wc3f,
                       bc.reshape(1, OUT_F))
        outs.append(out_h.reshape(B, NH, OUT_F))

    rep_pos = rep3[:, :, :D]
    new_features = jnp.concatenate(outs, axis=1)
    return rep_pos, new_features

# --- scband reference (transcript-rebuilt; emitter-appended) ---
"""Pipeline reference for scband-point-cnnlayer-64037962384012 (READ-ONLY COPY).

The authoritative reference and input builder live on the scoring server;
editing this copy changes nothing except your own understanding.
"""

import jax, jax.numpy as jnp
import numpy as np

B, N, D = 2, 4096, 3
K = 16
NREP = 1024
IN_F, OUT_F, LIFT = 256, 512, 64


def setup_inputs(seed: int = 0):
    key = jax.random.key(seed)
    ks = jax.random.split(key, 12)
    s = 0.05
    return {
        "points": jax.random.normal(ks[0], (B, N, D), dtype=jnp.float32),
        "features": jax.random.normal(ks[1], (B, N, IN_F), dtype=jnp.float32),
        "rep_idx": jax.random.randint(ks[2], (NREP,), 0, N, dtype=jnp.int32),
        "W_lift": jax.random.normal(ks[3], (LIFT, D), dtype=jnp.float32) * s,
        "b_lift": jnp.zeros((LIFT,), dtype=jnp.float32),
        "Wt1": jax.random.normal(ks[4], (K * K, D * K), dtype=jnp.float32) * s,
        "bt1": jnp.zeros((K * K,), dtype=jnp.float32),
        "Wt2": jax.random.normal(ks[5], (K * K, K * K), dtype=jnp.float32) * s,
        "bt2": jnp.zeros((K * K,), dtype=jnp.float32),
        "Wt3": jax.random.normal(ks[6], (K * K, K * K), dtype=jnp.float32) * s,
        "bt3": jnp.zeros((K * K,), dtype=jnp.float32),
        "Wc": jax.random.normal(ks[7], (OUT_F, IN_F + LIFT, K), dtype=jnp.float32) * s,
        "bc": jnp.zeros((OUT_F,), dtype=jnp.float32),
    }


def reference(points, features, rep_idx, W_lift, b_lift, Wt1, bt1, Wt2, bt2, Wt3, bt3, Wc, bc):
    b, n, d = points.shape
    # knn via cdist + topk(smallest), excluding self (first column)
    x2 = jnp.sum(points * points, axis=-1)
    dist2 = x2[:, :, None] + x2[:, None, :] - 2.0 * jnp.einsum('bnd,bmd->bnm', points, points)
    dist = jnp.sqrt(jnp.clip(dist2, 0.0, None))
    _, nn_idx = jax.lax.top_k(-dist, K + 1)
    nn_idx = nn_idx[:, :, 1:]
    # representative selection (fixed index set, mirrors randperm(n)[:NREP])
    rep_pos = points[:, rep_idx]
    neigh_idx = nn_idx[:, rep_idx, :]
    neigh_pos = jax.vmap(lambda p, i: p[i])(points, neigh_idx)
    neigh_feat = jax.vmap(lambda f, i: f[i])(features, neigh_idx)
    # X_conv
    BB = b * NREP
    pts = neigh_pos.reshape(BB, K, d) - rep_pos.reshape(BB, d)[:, None, :]
    lifted = jax.nn.relu(pts @ W_lift.T + b_lift)  # SharedMLP (pointwise conv, BN=eval identity)
    feat = jnp.concatenate([lifted, neigh_feat.reshape(BB, K, IN_F)], axis=-1)
    t = pts.reshape(BB, d * K)
    h = jax.nn.relu(t @ Wt1.T + bt1)
    h = jax.nn.relu(h @ Wt2.T + bt2)
    h = h @ Wt3.T + bt3  # final Linear + BN(eval identity)
    Tm = h.reshape(BB, K, K)
    fm = jnp.einsum('bij,bjc->bci', Tm, feat)  # bmm then transpose(1,2): (BB, C, K)
    out = jnp.einsum('bck,ock->bo', fm, Wc) + bc  # Conv1d kernel=K (full width)
    new_features = out.reshape(b, NREP, OUT_F)
    return rep_pos, new_features

if __name__ == "__main__":
    import jax
    _d = setup_inputs()
    print(jax.jit(kernel)(*tuple(_d.values())))

</pallas_src>

<mosaic_0001>
#map = affine_map<(d0, d1) -> (0)>
#map1 = affine_map<(d0, d1) -> (0, 0)>
module attributes {stable_mosaic.version = 14 : i64} {
  func.func @gather_k(%arg0: i32, %arg1: i32, %arg2: memref<32768xi32, #tpu.memory_space<hbm>>, %arg3: memref<8192x256xf32, #tpu.memory_space<hbm>>, %arg4: memref<8192x128xf32, #tpu.memory_space<hbm>>, %arg5: memref<32768x256xf32, #tpu.memory_space<hbm>>, %arg6: memref<32768x128xf32, #tpu.memory_space<hbm>>, %arg7: memref<1024xi32, #tpu.memory_space<vmem>>, %arg8: memref<2x128x256xf32, #tpu.memory_space<vmem>>, %arg9: memref<2x128x128xf32, #tpu.memory_space<vmem>>, %arg10: memref<!tpu.dma_semaphore, #tpu.memory_space<semaphore_mem>>, %arg11: memref<!tpu.dma_semaphore, #tpu.memory_space<semaphore_mem>>) attributes {dimension_semantics = [#tpu.dimension_semantics<core_parallel>, #tpu.dimension_semantics<subcore_parallel>], iteration_bounds = array<i64: 2, 16>, scalar_prefetch = 0 : i64, scratch_operands = 5 : i64, tpu.core_type = #tpu.core_type<sc_vector_subcore>, window_params = [{transform_indices = #map}, {transform_indices = #map1}, {transform_indices = #map1}, {transform_indices = #map1}, {transform_indices = #map1}]} {
    %mul3A = arith.constant 2 : i32
    %mul3A_0 = arith.muli %arg1, %mul3A : i32
    %add3A = arith.addi %mul3A_0, %arg0 : i32
    %mul3A_1 = arith.constant 1024 : i32
    %mul3A_2 = arith.muli %add3A, %mul3A_1 : i32
    "tpu.region"() ({
      %run_scoped3A = tpu.sem_alloc : memref<!tpu.dma_semaphore, #tpu.memory_space<semaphore_mem>>
      %dma_start3A_753 = tpu.memref_slice %arg2[%mul3A_2] : memref<32768xi32, #tpu.memory_space<hbm>> -> memref<1024xi32, #tpu.memory_space<hbm>>
      %dma_start3A_754 = tpu.memref_slice %arg2[%mul3A_2] : memref<32768xi32, #tpu.memory_space<hbm>> -> memref<1024xi32, #tpu.memory_space<hbm>>
      tpu.enqueue_dma source(%dma_start3A_754 : memref<1024xi32, #tpu.memory_space<hbm>>) target(%arg7 : memref<1024xi32, #tpu.memory_space<vmem>>) target_semaphore(%run_scoped3A : memref<!tpu.dma_semaphore, #tpu.memory_space<semaphore_mem>>)
      %dma_wait3A_755 = tpu.memref_slice %arg2[%mul3A_2] : memref<32768xi32, #tpu.memory_space<hbm>> -> memref<1024xi32, #tpu.memory_space<hbm>>
      %dma_wait3A_756 = tpu.memref_slice %arg2[%mul3A_2] : memref<32768xi32, #tpu.memory_space<hbm>> -> memref<1024xi32, #tpu.memory_space<hbm>>
      tpu.wait_dma2 semaphore(%run_scoped3A : memref<!tpu.dma_semaphore, #tpu.memory_space<semaphore_mem>>) src(%dma_wait3A_756 : memref<1024xi32, #tpu.memory_space<hbm>>) dst(%arg7 : memref<1024xi32, #tpu.memory_space<vmem>>)
      tpu.yield
    }) : () -> ()
    %dma_start3A = arith.constant 0 : i32
    %dma_start3A_3 = arith.constant 0 : i32
    %dma_start3A_4 = arith.constant 0 : i32
    %dma_start3A_5 = tpu.memref_slice %arg8[%dma_start3A, %dma_start3A_3, %dma_start3A_4] : memref<2x128x256xf32, #tpu.memory_space<vmem>> -> memref<1x128x256xf32, #tpu.memory_space<vmem>>
    %dma_start3A_6 = tpu.memref_squeeze %dma_start3A_5 : memref<1x128x256xf32, #tpu.memory_space<vmem>> -> memref<128x256xf32, #tpu.memory_space<vmem>>
    %dma_start3A_7 = arith.constant 0 : i32
    %dma_start3A_8 = tpu.memref_slice %arg7[%dma_start3A_7] : memref<1024xi32, #tpu.memory_space<vmem>> -> memref<128xi32, #tpu.memory_space<vmem>>
    %dma_start3A_9 = arith.constant 0 : i32
    %dma_start3A_10 = arith.constant 0 : i32
    %dma_start3A_11 = tpu.memref_slice %arg3[%dma_start3A_9, %dma_start3A_10] : memref<8192x256xf32, #tpu.memory_space<hbm>> -> memref<8192x256xf32, #tpu.memory_space<hbm>>
    tpu.enqueue_indirect_dma source(%dma_start3A_11 : memref<8192x256xf32, #tpu.memory_space<hbm>>) target(%dma_start3A_6 : memref<128x256xf32, #tpu.memory_space<vmem>>) offsets(%dma_start3A_8 : memref<128xi32, #tpu.memory_space<vmem>>) semaphore(%arg10 : memref<!tpu.dma_semaphore, #tpu.memory_space<semaphore_mem>>)
    %dma_start3A_12 = arith.constant 0 : i32
    %dma_start3A_13 = arith.constant 0 : i32
    %dma_start3A_14 = arith.constant 0 : i32
    %dma_start3A_15 = tpu.memref_slice %arg9[%dma_start3A_12, %dma_start3A_13, %dma_start3A_14] : memref<2x128x128xf32, #tpu.memory_space<vmem>> -> memref<1x128x128xf32, #tpu.memory_space<vmem>>
    %dma_start3A_16 = tpu.memref_squeeze %dma_start3A_15 : memref<1x128x128xf32, #tpu.memory_space<vmem>> -> memref<128x128xf32, #tpu.memory_space<vmem>>
    %dma_start3A_17 = arith.constant 0 : i32
    %dma_start3A_18 = tpu.memref_slice %arg7[%dma_start3A_17] : memref<1024xi32, #tpu.memory_space<vmem>> -> memref<128xi32, #tpu.memory_space<vmem>>
    %dma_start3A_19 = arith.constant 0 : i32
    %dma_start3A_20 = arith.constant 0 : i32
    %dma_start3A_21 = tpu.memref_slice %arg4[%dma_start3A_19, %dma_start3A_20] : memref<8192x128xf32, #tpu.memory_space<hbm>> -> memref<8192x128xf32, #tpu.memory_space<hbm>>
    tpu.enqueue_indirect_dma source(%dma_start3A_21 : memref<8192x128xf32, #tpu.memory_space<hbm>>) target(%dma_start3A_16 : memref<128x128xf32, #tpu.memory_space<vmem>>) offsets(%dma_start3A_18 : memref<128xi32, #tpu.memory_space<vmem>>) semaphore(%arg10 : memref<!tpu.dma_semaphore, #tpu.memory_space<semaphore_mem>>)
    %dma_wait3A = arith.constant 0 : i32
    %dma_wait3A_22 = arith.constant 0 : i32
    %dma_wait3A_23 = arith.constant 0 : i32
    %dma_wait3A_24 = tpu.memref_slice %arg8[%dma_wait3A, %dma_wait3A_22, %dma_wait3A_23] : memref<2x128x256xf32, #tpu.memory_space<vmem>> -> memref<1x128x256xf32, #tpu.memory_space<vmem>>
    %dma_wait3A_25 = tpu.memref_squeeze %dma_wait3A_24 : memref<1x128x256xf32, #tpu.memory_space<vmem>> -> memref<128x256xf32, #tpu.memory_space<vmem>>
    %dma_wait3A_26 = arith.constant 0 : i32
    %dma_wait3A_27 = tpu.memref_slice %arg7[%dma_wait3A_26] : memref<1024xi32, #tpu.memory_space<vmem>> -> memref<128xi32, #tpu.memory_space<vmem>>
    %dma_wait3A_28 = arith.constant 0 : i32
    %dma_wait3A_29 = arith.constant 0 : i32
    %dma_wait3A_30 = tpu.memref_slice %arg3[%dma_wait3A_28, %dma_wait3A_29] : memref<8192x256xf32, #tpu.memory_space<hbm>> -> memref<8192x256xf32, #tpu.memory_space<hbm>>
    tpu.wait_indirect_dma semaphore(%arg10 : memref<!tpu.dma_semaphore, #tpu.memory_space<semaphore_mem>>) src(%dma_wait3A_30 : memref<8192x256xf32, #tpu.memory_space<hbm>>) dst(%dma_wait3A_25 : memref<128x256xf32, #tpu.memory_space<vmem>>)
    %dma_wait3A_31 = arith.constant 0 : i32
    %dma_wait3A_32 = arith.constant 0 : i32
    %dma_wait3A_33 = arith.constant 0 : i32
    %dma_wait3A_34 = tpu.memref_slice %arg9[%dma_wait3A_31, %dma_wait3A_32, %dma_wait3A_33] : memref<2x128x128xf32, #tpu.memory_space<vmem>> -> memref<1x128x128xf32, #tpu.memory_space<vmem>>
    %dma_wait3A_35 = tpu.memref_squeeze %dma_wait3A_34 : memref<1x128x128xf32, #tpu.memory_space<vmem>> -> memref<128x128xf32, #tpu.memory_space<vmem>>
    %dma_wait3A_36 = arith.constant 0 : i32
    %dma_wait3A_37 = tpu.memref_slice %arg7[%dma_wait3A_36] : memref<1024xi32, #tpu.memory_space<vmem>> -> memref<128xi32, #tpu.memory_space<vmem>>
    %dma_wait3A_38 = arith.constant 0 : i32
    %dma_wait3A_39 = arith.constant 0 : i32
    %dma_wait3A_40 = tpu.memref_slice %arg4[%dma_wait3A_38, %dma_wait3A_39] : memref<8192x128xf32, #tpu.memory_space<hbm>> -> memref<8192x128xf32, #tpu.memory_space<hbm>>
    tpu.wait_indirect_dma semaphore(%arg10 : memref<!tpu.dma_semaphore, #tpu.memory_space<semaphore_mem>>) src(%dma_wait3A_40 : memref<8192x128xf32, #tpu.memory_space<hbm>>) dst(%dma_wait3A_35 : memref<128x128xf32, #tpu.memory_space<vmem>>)
    %dma_start3A_41 = arith.constant 1 : i32
    %dma_start3A_42 = arith.constant 0 : i32
    %dma_start3A_43 = arith.constant 0 : i32
    %dma_start3A_44 = tpu.memref_slice %arg8[%dma_start3A_41, %dma_start3A_42, %dma_start3A_43] : memref<2x128x256xf32, #tpu.memory_space<vmem>> -> memref<1x128x256xf32, #tpu.memory_space<vmem>>
    %dma_start3A_45 = tpu.memref_squeeze %dma_start3A_44 : memref<1x128x256xf32, #tpu.memory_space<vmem>> -> memref<128x256xf32, #tpu.memory_space<vmem>>
    %dma_start3A_46 = arith.constant 128 : i32
    %dma_start3A_47 = tpu.memref_slice %arg7[%dma_start3A_46] : memref<1024xi32, #tpu.memory_space<vmem>> -> memref<128xi32, #tpu.memory_space<vmem>>
    %dma_start3A_48 = arith.constant 0 : i32
    %dma_start3A_49 = arith.constant 0 : i32
    %dma_start3A_50 = tpu.memref_slice %arg3[%dma_start3A_48, %dma_start3A_49] : memref<8192x256xf32, #tpu.memory_space<hbm>> -> memref<8192x256xf32, #tpu.memory_space<hbm>>
    tpu.enqueue_indirect_dma source(%dma_start3A_50 : memref<8192x256xf32, #tpu.memory_space<hbm>>) target(%dma_start3A_45 : memref<128x256xf32, #tpu.memory_space<vmem>>) offsets(%dma_start3A_47 : memref<128xi32, #tpu.memory_space<vmem>>) semaphore(%arg10 : memref<!tpu.dma_semaphore, #tpu.memory_space<semaphore_mem>>)
    %dma_start3A_51 = arith.constant 1 : i32
    %dma_start3A_52 = arith.constant 0 : i32
    %dma_start3A_53 = arith.constant 0 : i32
    %dma_start3A_54 = tpu.memref_slice %arg9[%dma_start3A_51, %dma_start3A_52, %dma_start3A_53] : memref<2x128x128xf32, #tpu.memory_space<vmem>> -> memref<1x128x128xf32, #tpu.memory_space<vmem>>
    %dma_start3A_55 = tpu.memref_squeeze %dma_start3A_54 : memref<1x128x128xf32, #tpu.memory_space<vmem>> -> memref<128x128xf32, #tpu.memory_space<vmem>>
    %dma_start3A_56 = arith.constant 128 : i32
    %dma_start3A_57 = tpu.memref_slice %arg7[%dma_start3A_56] : memref<1024xi32, #tpu.memory_space<vmem>> -> memref<128xi32, #tpu.memory_space<vmem>>
    %dma_start3A_58 = arith.constant 0 : i32
    %dma_start3A_59 = arith.constant 0 : i32
    %dma_start3A_60 = tpu.memref_slice %arg4[%dma_start3A_58, %dma_start3A_59] : memref<8192x128xf32, #tpu.memory_space<hbm>> -> memref<8192x128xf32, #tpu.memory_space<hbm>>
    tpu.enqueue_indirect_dma source(%dma_start3A_60 : memref<8192x128xf32, #tpu.memory_space<hbm>>) target(%dma_start3A_55 : memref<128x128xf32, #tpu.memory_space<vmem>>) offsets(%dma_start3A_57 : memref<128xi32, #tpu.memory_space<vmem>>) semaphore(%arg10 : memref<!tpu.dma_semaphore, #tpu.memory_space<semaphore_mem>>)
    %add3A_61 = arith.constant 0 : i32
    %add3A_62 = arith.addi %mul3A_2, %add3A_61 : i32
    %dma_start3A_63 = arith.constant 0 : i32
    %dma_start3A_64 = arith.constant 0 : i32
    %dma_start3A_65 = arith.constant 0 : i32
    %dma_start3A_66 = tpu.memref_slice %arg8[%dma_start3A_63, %dma_start3A_64, %dma_start3A_65] : memref<2x128x256xf32, #tpu.memory_space<vmem>> -> memref<1x128x256xf32, #tpu.memory_space<vmem>>
    %dma_start3A_67 = tpu.memref_squeeze %dma_start3A_66 : memref<1x128x256xf32, #tpu.memory_space<vmem>> -> memref<128x256xf32, #tpu.memory_space<vmem>>
    %dma_start3A_68 = arith.constant 0 : i32
    %dma_start3A_69 = tpu.memref_slice %arg5[%add3A_62, %dma_start3A_68] : memref<32768x256xf32, #tpu.memory_space<hbm>> -> memref<128x256xf32, #tpu.memory_space<hbm>>
    %dma_start3A_70 = arith.constant 0 : i32
    %dma_start3A_71 = tpu.memref_slice %arg5[%add3A_62, %dma_start3A_70] : memref<32768x256xf32, #tpu.memory_space<hbm>> -> memref<128x256xf32, #tpu.memory_space<hbm>>
    %dma_start3A_72 = arith.constant 0 : i32
    %dma_start3A_73 = arith.constant 0 : i32
    %dma_start3A_74 = tpu.memref_slice %arg8[%dma_start3A_63, %dma_start3A_72, %dma_start3A_73] : memref<2x128x256xf32, #tpu.memory_space<vmem>> -> memref<1x128x256xf32, #tpu.memory_space<vmem>>
    %dma_start3A_75 = tpu.memref_squeeze %dma_start3A_74 : memref<1x128x256xf32, #tpu.memory_space<vmem>> -> memref<128x256xf32, #tpu.memory_space<vmem>>
    tpu.enqueue_dma source(%dma_start3A_75 : memref<128x256xf32, #tpu.memory_space<vmem>>) target(%dma_start3A_71 : memref<128x256xf32, #tpu.memory_space<hbm>>) target_semaphore(%arg11 : memref<!tpu.dma_semaphore, #tpu.memory_space<semaphore_mem>>)
    %dma_start3A_76 = arith.constant 0 : i32
    %dma_start3A_77 = arith.constant 0 : i32
    %dma_start3A_78 = arith.constant 0 : i32
    %dma_start3A_79 = tpu.memref_slice %arg9[%dma_start3A_76, %dma_start3A_77, %dma_start3A_78] : memref<2x128x128xf32, #tpu.memory_space<vmem>> -> memref<1x128x128xf32, #tpu.memory_space<vmem>>
    %dma_start3A_80 = tpu.memref_squeeze %dma_start3A_79 : memref<1x128x128xf32, #tpu.memory_space<vmem>> -> memref<128x128xf32, #tpu.memory_space<vmem>>
    %dma_start3A_81 = arith.constant 0 : i32
    %dma_start3A_82 = tpu.memref_slice %arg6[%add3A_62, %dma_start3A_81] : memref<32768x128xf32, #tpu.memory_space<hbm>> -> memref<128x128xf32, #tpu.memory_space<hbm>>
    %dma_start3A_83 = arith.constant 0 : i32
    %dma_start3A_84 = tpu.memref_slice %arg6[%add3A_62, %dma_start3A_83] : memref<32768x128xf32, #tpu.memory_space<hbm>> -> memref<128x128xf32, #tpu.memory_space<hbm>>
    %dma_start3A_85 = arith.constant 0 : i32
    %dma_start3A_86 = arith.constant 0 : i32
    %dma_start3A_87 = tpu.memref_slice %arg9[%dma_start3A_76, %dma_start3A_85, %dma_start3A_86] : memref<2x128x128xf32, #tpu.memory_space<vmem>> -> memref<1x128x128xf32, #tpu.memory_space<vmem>>
    %dma_start3A_88 = tpu.memref_squeeze %dma_start3A_87 : memref<1x128x128xf32, #tpu.memory_space<vmem>> -> memref<128x128xf32, #tpu.memory_space<vmem>>
    tpu.enqueue_dma source(%dma_start3A_88 : memref<128x128xf32, #tpu.memory_space<vmem>>) target(%dma_start3A_84 : memref<128x128xf32, #tpu.memory_space<hbm>>) target_semaphore(%arg11 : memref<!tpu.dma_semaphore, #tpu.memory_space<semaphore_mem>>)
    %dma_wait3A_89 = arith.constant 1 : i32
    %dma_wait3A_90 = arith.constant 0 : i32
    %dma_wait3A_91 = arith.constant 0 : i32
    %dma_wait3A_92 = tpu.memref_slice %arg8[%dma_wait3A_89, %dma_wait3A_90, %dma_wait3A_91] : memref<2x128x256xf32, #tpu.memory_space<vmem>> -> memref<1x128x256xf32, #tpu.memory_space<vmem>>
    %dma_wait3A_93 = tpu.memref_squeeze %dma_wait3A_92 : memref<1x128x256xf32, #tpu.memory_space<vmem>> -> memref<128x256xf32, #tpu.memory_space<vmem>>
    %dma_wait3A_94 = arith.constant 128 : i32
    %dma_wait3A_95 = tpu.memref_slice %arg7[%dma_wait3A_94] : memref<1024xi32, #tpu.memory_space<vmem>> -> memref<128xi32, #tpu.memory_space<vmem>>
    %dma_wait3A_96 = arith.constant 0 : i32
    %dma_wait3A_97 = arith.constant 0 : i32
    %dma_wait3A_98 = tpu.memref_slice %arg3[%dma_wait3A_96, %dma_wait3A_97] : memref<8192x256xf32, #tpu.memory_space<hbm>> -> memref<8192x256xf32, #tpu.memory_space<hbm>>
    tpu.wait_indirect_dma semaphore(%arg10 : memref<!tpu.dma_semaphore, #tpu.memory_space<semaphore_mem>>) src(%dma_wait3A_98 : memref<8192x256xf32, #tpu.memory_space<hbm>>) dst(%dma_wait3A_93 : memref<128x256xf32, #tpu.memory_space<vmem>>)
    %dma_wait3A_99 = arith.constant 1 : i32
    %dma_wait3A_100 = arith.constant 0 : i32
    %dma_wait3A_101 = arith.constant 0 : i32
    %dma_wait3A_102 = tpu.memref_slice %arg9[%dma_wait3A_99, %dma_wait3A_100, %dma_wait3A_101] : memref<2x128x128xf32, #tpu.memory_space<vmem>> -> memref<1x128x128xf32, #tpu.memory_space<vmem>>
    %dma_wait3A_103 = tpu.memref_squeeze %dma_wait3A_102 : memref<1x128x128xf32, #tpu.memory_space<vmem>> -> memref<128x128xf32, #tpu.memory_space<vmem>>
    %dma_wait3A_104 = arith.constant 128 : i32
    %dma_wait3A_105 = tpu.memref_slice %arg7[%dma_wait3A_104] : memref<1024xi32, #tpu.memory_space<vmem>> -> memref<128xi32, #tpu.memory_space<vmem>>
    %dma_wait3A_106 = arith.constant 0 : i32
    %dma_wait3A_107 = arith.constant 0 : i32
    %dma_wait3A_108 = tpu.memref_slice %arg4[%dma_wait3A_106, %dma_wait3A_107] : memref<8192x128xf32, #tpu.memory_space<hbm>> -> memref<8192x128xf32, #tpu.memory_space<hbm>>
    tpu.wait_indirect_dma semaphore(%arg10 : memref<!tpu.dma_semaphore, #tpu.memory_space<semaphore_mem>>) src(%dma_wait3A_108 : memref<8192x128xf32, #tpu.memory_space<hbm>>) dst(%dma_wait3A_103 : memref<128x128xf32, #tpu.memory_space<vmem>>)
    %dma_wait3A_109 = arith.constant 0 : i32
    %dma_wait3A_110 = arith.constant 0 : i32
    %dma_wait3A_111 = arith.constant 0 : i32
    %dma_wait3A_112 = tpu.memref_slice %arg8[%dma_wait3A_109, %dma_wait3A_110, %dma_wait3A_111] : memref<2x128x256xf32, #tpu.memory_space<vmem>> -> memref<1x128x256xf32, #tpu.memory_space<vmem>>
    %dma_wait3A_113 = tpu.memref_squeeze %dma_wait3A_112 : memref<1x128x256xf32, #tpu.memory_space<vmem>> -> memref<128x256xf32, #tpu.memory_space<vmem>>
    %dma_wait3A_114 = arith.constant 0 : i32
    %dma_wait3A_115 = tpu.memref_slice %arg5[%add3A_62, %dma_wait3A_114] : memref<32768x256xf32, #tpu.memory_space<hbm>> -> memref<128x256xf32, #tpu.memory_space<hbm>>
    %dma_wait3A_116 = arith.constant 0 : i32
    %dma_wait3A_117 = tpu.memref_slice %arg5[%add3A_62, %dma_wait3A_116] : memref<32768x256xf32, #tpu.memory_space<hbm>> -> memref<128x256xf32, #tpu.memory_space<hbm>>
    %dma_wait3A_118 = arith.constant 0 : i32
    %dma_wait3A_119 = arith.constant 0 : i32
    %dma_wait3A_120 = tpu.memref_slice %arg8[%dma_wait3A_109, %dma_wait3A_118, %dma_wait3A_119] : memref<2x128x256xf32, #tpu.memory_space<vmem>> -> memref<1x128x256xf32, #tpu.memory_space<vmem>>
    %dma_wait3A_121 = tpu.memref_squeeze %dma_wait3A_120 : memref<1x128x256xf32, #tpu.memory_space<vmem>> -> memref<128x256xf32, #tpu.memory_space<vmem>>
    tpu.wait_dma2 semaphore(%arg11 : memref<!tpu.dma_semaphore, #tpu.memory_space<semaphore_mem>>) src(%dma_wait3A_121 : memref<128x256xf32, #tpu.memory_space<vmem>>) dst(%dma_wait3A_117 : memref<128x256xf32, #tpu.memory_space<hbm>>)
    %dma_wait3A_122 = arith.constant 0 : i32
    %dma_wait3A_123 = arith.constant 0 : i32
    %dma_wait3A_124 = arith.constant 0 : i32
    %dma_wait3A_125 = tpu.memref_slice %arg9[%dma_wait3A_122, %dma_wait3A_123, %dma_wait3A_124] : memref<2x128x128xf32, #tpu.memory_space<vmem>> -> memref<1x128x128xf32, #tpu.memory_space<vmem>>
    %dma_wait3A_126 = tpu.memref_squeeze %dma_wait3A_125 : memref<1x128x128xf32, #tpu.memory_space<vmem>> -> memref<128x128xf32, #tpu.memory_space<vmem>>
    %dma_wait3A_127 = arith.constant 0 : i32
    %dma_wait3A_128 = tpu.memref_slice %arg6[%add3A_62, %dma_wait3A_127] : memref<32768x128xf32, #tpu.memory_space<hbm>> -> memref<128x128xf32, #tpu.memory_space<hbm>>
    %dma_wait3A_129 = arith.constant 0 : i32
    %dma_wait3A_130 = tpu.memref_slice %arg6[%add3A_62, %dma_wait3A_129] : memref<32768x128xf32, #tpu.memory_space<hbm>> -> memref<128x128xf32, #tpu.memory_space<hbm>>
    %dma_wait3A_131 = arith.constant 0 : i32
    %dma_wait3A_132 = arith.constant 0 : i32
    %dma_wait3A_133 = tpu.memref_slice %arg9[%dma_wait3A_122, %dma_wait3A_131, %dma_wait3A_132] : memref<2x128x128xf32, #tpu.memory_space<vmem>> -> memref<1x128x128xf32, #tpu.memory_space<vmem>>
    %dma_wait3A_134 = tpu.memref_squeeze %dma_wait3A_133 : memref<1x128x128xf32, #tpu.memory_space<vmem>> -> memref<128x128xf32, #tpu.memory_space<vmem>>
    tpu.wait_dma2 semaphore(%arg11 : memref<!tpu.dma_semaphore, #tpu.memory_space<semaphore_mem>>) src(%dma_wait3A_134 : memref<128x128xf32, #tpu.memory_space<vmem>>) dst(%dma_wait3A_130 : memref<128x128xf32, #tpu.memory_space<hbm>>)
    %dma_start3A_135 = arith.constant 0 : i32
    %dma_start3A_136 = arith.constant 0 : i32
    %dma_start3A_137 = arith.constant 0 : i32
    %dma_start3A_138 = tpu.memref_slice %arg8[%dma_start3A_135, %dma_start3A_136, %dma_start3A_137] : memref<2x128x256xf32, #tpu.memory_space<vmem>> -> memref<1x128x256xf32, #tpu.memory_space<vmem>>
    %dma_start3A_139 = tpu.memref_squeeze %dma_start3A_138 : memref<1x128x256xf32, #tpu.memory_space<vmem>> -> memref<128x256xf32, #tpu.memory_space<vmem>>
    %dma_start3A_140 = arith.constant 256 : i32
    %dma_start3A_141 = tpu.memref_slice %arg7[%dma_start3A_140] : memref<1024xi32, #tpu.memory_space<vmem>> -> memref<128xi32, #tpu.memory_space<vmem>>
    %dma_start3A_142 = arith.constant 0 : i32
    %dma_start3A_143 = arith.constant 0 : i32
    %dma_start3A_144 = tpu.memref_slice %arg3[%dma_start3A_142, %dma_start3A_143] : memref<8192x256xf32, #tpu.memory_space<hbm>> -> memref<8192x256xf32, #tpu.memory_space<hbm>>
    tpu.enqueue_indirect_dma source(%dma_start3A_144 : memref<8192x256xf32, #tpu.memory_space<hbm>>) target(%dma_start3A_139 : memref<128x256xf32, #tpu.memory_space<vmem>>) offsets(%dma_start3A_141 : memref<128xi32, #tpu.memory_space<vmem>>) semaphore(%arg10 : memref<!tpu.dma_semaphore, #tpu.memory_space<semaphore_mem>>)
    %dma_start3A_145 = arith.constant 0 : i32
    %dma_start3A_146 = arith.constant 0 : i32
    %dma_start3A_147 = arith.constant 0 : i32
    %dma_start3A_148 = tpu.memref_slice %arg9[%dma_start3A_145, %dma_start3A_146, %dma_start3A_147] : memref<2x128x128xf32, #tpu.memory_space<vmem>> -> memref<1x128x128xf32, #tpu.memory_space<vmem>>
    %dma_start3A_149 = tpu.memref_squeeze %dma_start3A_148 : memref<1x128x128xf32, #tpu.memory_space<vmem>> -> memref<128x128xf32, #tpu.memory_space<vmem>>
    %dma_start3A_150 = arith.constant 256 : i32
    %dma_start3A_151 = tpu.memref_slice %arg7[%dma_start3A_150] : memref<1024xi32, #tpu.memory_space<vmem>> -> memref<128xi32, #tpu.memory_space<vmem>>
    %dma_start3A_152 = arith.constant 0 : i32
    %dma_start3A_153 = arith.constant 0 : i32
    %dma_start3A_154 = tpu.memref_slice %arg4[%dma_start3A_152, %dma_start3A_153] : memref<8192x128xf32, #tpu.memory_space<hbm>> -> memref<8192x128xf32, #tpu.memory_space<hbm>>
    tpu.enqueue_indirect_dma source(%dma_start3A_154 : memref<8192x128xf32, #tpu.memory_space<hbm>>) target(%dma_start3A_149 : memref<128x128xf32, #tpu.memory_space<vmem>>) offsets(%dma_start3A_151 : memref<128xi32, #tpu.memory_space<vmem>>) semaphore(%arg10 : memref<!tpu.dma_semaphore, #tpu.memory_space<semaphore_mem>>)
    %add3A_155 = arith.constant 128 : i32
    %add3A_156 = arith.addi %mul3A_2, %add3A_155 : i32
    %dma_start3A_157 = arith.constant 1 : i32
    %dma_start3A_158 = arith.constant 0 : i32
    %dma_start3A_159 = arith.constant 0 : i32
    %dma_start3A_160 = tpu.memref_slice %arg8[%dma_start3A_157, %dma_start3A_158, %dma_start3A_159] : memref<2x128x256xf32, #tpu.memory_space<vmem>> -> memref<1x128x256xf32, #tpu.memory_space<vmem>>
    %dma_start3A_161 = tpu.memref_squeeze %dma_start3A_160 : memref<1x128x256xf32, #tpu.memory_space<vmem>> -> memref<128x256xf32, #tpu.memory_space<vmem>>
    %dma_start3A_162 = arith.constant 0 : i32
    %dma_start3A_163 = tpu.memref_slice %arg5[%add3A_156, %dma_start3A_162] : memref<32768x256xf32, #tpu.memory_space<hbm>> -> memref<128x256xf32, #tpu.memory_space<hbm>>
    %dma_start3A_164 = arith.constant 0 : i32
    %dma_start3A_165 = tpu.memref_slice %arg5[%add3A_156, %dma_start3A_164] : memref<32768x256xf32, #tpu.memory_space<hbm>> -> memref<128x256xf32, #tpu.memory_space<hbm>>
    %dma_start3A_166 = arith.constant 0 : i32
    %dma_start3A_167 = arith.constant 0 : i32
    %dma_start3A_168 = tpu.memref_slice %arg8[%dma_start3A_157, %dma_start3A_166, %dma_start3A_167] : memref<2x128x256xf32, #tpu.memory_space<vmem>> -> memref<1x128x256xf32, #tpu.memory_space<vmem>>
    %dma_start3A_169 = tpu.memref_squeeze %dma_start3A_168 : memref<1x128x256xf32, #tpu.memory_space<vmem>> -> memref<128x256xf32, #tpu.memory_space<vmem>>
    tpu.enqueue_dma source(%dma_start3A_169 : memref<128x256xf32, #tpu.memory_space<vmem>>) target(%dma_start3A_165 : memref<128x256xf32, #tpu.memory_space<hbm>>) target_semaphore(%arg11 : memref<!tpu.dma_semaphore, #tpu.memory_space<semaphore_mem>>)
    %dma_start3A_170 = arith.constant 1 : i32
    %dma_start3A_171 = arith.constant 0 : i32
    %dma_start3A_172 = arith.constant 0 : i32
    %dma_start3A_173 = tpu.memref_slice %arg9[%dma_start3A_170, %dma_start3A_171, %dma_start3A_172] : memref<2x128x128xf32, #tpu.memory_space<vmem>> -> memref<1x128x128xf32, #tpu.memory_space<vmem>>
    %dma_start3A_174 = tpu.memref_squeeze %dma_start3A_173 : memref<1x128x128xf32, #tpu.memory_space<vmem>> -> memref<128x128xf32, #tpu.memory_space<vmem>>
    %dma_start3A_175 = arith.constant 0 : i32
    %dma_start3A_176 = tpu.memref_slice %arg6[%add3A_156, %dma_start3A_175] : memref<32768x128xf32, #tpu.memory_space<hbm>> -> memref<128x128xf32, #tpu.memory_space<hbm>>
    %dma_start3A_177 = arith.constant 0 : i32
    %dma_start3A_178 = tpu.memref_slice %arg6[%add3A_156, %dma_start3A_177] : memref<32768x128xf32, #tpu.memory_space<hbm>> -> memref<128x128xf32, #tpu.memory_space<hbm>>
    %dma_start3A_179 = arith.constant 0 : i32
    %dma_start3A_180 = arith.constant 0 : i32
    %dma_start3A_181 = tpu.memref_slice %arg9[%dma_start3A_170, %dma_start3A_179, %dma_start3A_180] : memref<2x128x128xf32, #tpu.memory_space<vmem>> -> memref<1x128x128xf32, #tpu.memory_space<vmem>>
    %dma_start3A_182 = tpu.memref_squeeze %dma_start3A_181 : memref<1x128x128xf32, #tpu.memory_space<vmem>> -> memref<128x128xf32, #tpu.memory_space<vmem>>
    tpu.enqueue_dma source(%dma_start3A_182 : memref<128x128xf32, #tpu.memory_space<vmem>>) target(%dma_start3A_178 : memref<128x128xf32, #tpu.memory_space<hbm>>) target_semaphore(%arg11 : memref<!tpu.dma_semaphore, #tpu.memory_space<semaphore_mem>>)
    %dma_wait3A_183 = arith.constant 0 : i32
    %dma_wait3A_184 = arith.constant 0 : i32
    %dma_wait3A_185 = arith.constant 0 : i32
    %dma_wait3A_186 = tpu.memref_slice %arg8[%dma_wait3A_183, %dma_wait3A_184, %dma_wait3A_185] : memref<2x128x256xf32, #tpu.memory_space<vmem>> -> memref<1x128x256xf32, #tpu.memory_space<vmem>>
    %dma_wait3A_187 = tpu.memref_squeeze %dma_wait3A_186 : memref<1x128x256xf32, #tpu.memory_space<vmem>> -> memref<128x256xf32, #tpu.memory_space<vmem>>
    %dma_wait3A_188 = arith.constant 256 : i32
    %dma_wait3A_189 = tpu.memref_slice %arg7[%dma_wait3A_188] : memref<1024xi32, #tpu.memory_space<vmem>> -> memref<128xi32, #tpu.memory_space<vmem>>
    %dma_wait3A_190 = arith.constant 0 : i32
    %dma_wait3A_191 = arith.constant 0 : i32
    %dma_wait3A_192 = tpu.memref_slice %arg3[%dma_wait3A_190, %dma_wait3A_191] : memref<8192x256xf32, #tpu.memory_space<hbm>> -> memref<8192x256xf32, #tpu.memory_space<hbm>>
    tpu.wait_indirect_dma semaphore(%arg10 : memref<!tpu.dma_semaphore, #tpu.memory_space<semaphore_mem>>) src(%dma_wait3A_192 : memref<8192x256xf32, #tpu.memory_space<hbm>>) dst(%dma_wait3A_187 : memref<128x256xf32, #tpu.memory_space<vmem>>)
    %dma_wait3A_193 = arith.constant 0 : i32
    %dma_wait3A_194 = arith.constant 0 : i32
    %dma_wait3A_195 = arith.constant 0 : i32
    %dma_wait3A_196 = tpu.memref_slice %arg9[%dma_wait3A_193, %dma_wait3A_194, %dma_wait3A_195] : memref<2x128x128xf32, #tpu.memory_space<vmem>> -> memref<1x128x128xf32, #tpu.memory_space<vmem>>
    %dma_wait3A_197 = tpu.memref_squeeze %dma_wait3A_196 : memref<1x128x128xf32, #tpu.memory_space<vmem>> -> memref<128x128xf32, #tpu.memory_space<vmem>>
    %dma_wait3A_198 = arith.constant 256 : i32
    %dma_wait3A_199 = tpu.memref_slice %arg7[%dma_wait3A_198] : memref<1024xi32, #tpu.memory_space<vmem>> -> memref<128xi32, #tpu.memory_space<vmem>>
    %dma_wait3A_200 = arith.constant 0 : i32
    %dma_wait3A_201 = arith.constant 0 : i32
    %dma_wait3A_202 = tpu.memref_slice %arg4[%dma_wait3A_200, %dma_wait3A_201] : memref<8192x128xf32, #tpu.memory_space<hbm>> -> memref<8192x128xf32, #tpu.memory_space<hbm>>
    tpu.wait_indirect_dma semaphore(%arg10 : memref<!tpu.dma_semaphore, #tpu.memory_space<semaphore_mem>>) src(%dma_wait3A_202 : memref<8192x128xf32, #tpu.memory_space<hbm>>) dst(%dma_wait3A_197 : memref<128x128xf32, #tpu.memory_space<vmem>>)
    %dma_wait3A_203 = arith.constant 1 : i32
    %dma_wait3A_204 = arith.constant 0 : i32
    %dma_wait3A_205 = arith.constant 0 : i32
    %dma_wait3A_206 = tpu.memref_slice %arg8[%dma_wait3A_203, %dma_wait3A_204, %dma_wait3A_205] : memref<2x128x256xf32, #tpu.memory_space<vmem>> -> memref<1x128x256xf32, #tpu.memory_space<vmem>>
    %dma_wait3A_207 = tpu.memref_squeeze %dma_wait3A_206 : memref<1x128x256xf32, #tpu.memory_space<vmem>> -> memref<128x256xf32, #tpu.memory_space<vmem>>
    %dma_wait3A_208 = arith.constant 0 : i32
    %dma_wait3A_209 = tpu.memref_slice %arg5[%add3A_156, %dma_wait3A_208] : memref<32768x256xf32, #tpu.memory_space<hbm>> -> memref<128x256xf32, #tpu.memory_space<hbm>>
    %dma_wait3A_210 = arith.constant 0 : i32
    %dma_wait3A_211 = tpu.memref_slice %arg5[%add3A_156, %dma_wait3A_210] : memref<32768x256xf32, #tpu.memory_space<hbm>> -> memref<128x256xf32, #tpu.memory_space<hbm>>
    %dma_wait3A_212 = arith.constant 0 : i32
    %dma_wait3A_213 = arith.constant 0 : i32
    %dma_wait3A_214 = tpu.memref_slice %arg8[%dma_wait3A_203, %dma_wait3A_212, %dma_wait3A_213] : memref<2x128x256xf32, #tpu.memory_space<vmem>> -> memref<1x128x256xf32, #tpu.memory_space<vmem>>
    %dma_wait3A_215 = tpu.memref_squeeze %dma_wait3A_214 : memref<1x128x256xf32, #tpu.memory_space<vmem>> -> memref<128x256xf32, #tpu.memory_space<vmem>>
    tpu.wait_dma2 semaphore(%arg11 : memref<!tpu.dma_semaphore, #tpu.memory_space<semaphore_mem>>) src(%dma_wait3A_215 : memref<128x256xf32, #tpu.memory_space<vmem>>) dst(%dma_wait3A_211 : memref<128x256xf32, #tpu.memory_space<hbm>>)
    %dma_wait3A_216 = arith.constant 1 : i32
    %dma_wait3A_217 = arith.constant 0 : i32
    %dma_wait3A_218 = arith.constant 0 : i32
    %dma_wait3A_219 = tpu.memref_slice %arg9[%dma_wait3A_216, %dma_wait3A_217, %dma_wait3A_218] : memref<2x128x128xf32, #tpu.memory_space<vmem>> -> memref<1x128x128xf32, #tpu.memory_space<vmem>>
    %dma_wait3A_220 = tpu.memref_squeeze %dma_wait3A_219 : memref<1x128x128xf32, #tpu.memory_space<vmem>> -> memref<128x128xf32, #tpu.memory_space<vmem>>
    %dma_wait3A_221 = arith.constant 0 : i32
    %dma_wait3A_222 = tpu.memref_slice %arg6[%add3A_156, %dma_wait3A_221] : memref<32768x128xf32, #tpu.memory_space<hbm>> -> memref<128x128xf32, #tpu.memory_space<hbm>>
    %dma_wait3A_223 = arith.constant 0 : i32
    %dma_wait3A_224 = tpu.memref_slice %arg6[%add3A_156, %dma_wait3A_223] : memref<32768x128xf32, #tpu.memory_space<hbm>> -> memref<128x128xf32, #tpu.memory_space<hbm>>
    %dma_wait3A_225 = arith.constant 0 : i32
    %dma_wait3A_226 = arith.constant 0 : i32
    %dma_wait3A_227 = tpu.memref_slice %arg9[%dma_wait3A_216, %dma_wait3A_225, %dma_wait3A_226] : memref<2x128x128xf32, #tpu.memory_space<vmem>> -> memref<1x128x128xf32, #tpu.memory_space<vmem>>
    %dma_wait3A_228 = tpu.memref_squeeze %dma_wait3A_227 : memref<1x128x128xf32, #tpu.memory_space<vmem>> -> memref<128x128xf32, #tpu.memory_space<vmem>>
    tpu.wait_dma2 semaphore(%arg11 : memref<!tpu.dma_semaphore, #tpu.memory_space<semaphore_mem>>) src(%dma_wait3A_228 : memref<128x128xf32, #tpu.memory_space<vmem>>) dst(%dma_wait3A_224 : memref<128x128xf32, #tpu.memory_space<hbm>>)
    %dma_start3A_229 = arith.constant 1 : i32
    %dma_start3A_230 = arith.constant 0 : i32
    %dma_start3A_231 = arith.constant 0 : i32
    %dma_start3A_232 = tpu.memref_slice %arg8[%dma_start3A_229, %dma_start3A_230, %dma_start3A_231] : memref<2x128x256xf32, #tpu.memory_space<vmem>> -> memref<1x128x256xf32, #tpu.memory_space<vmem>>
    %dma_start3A_233 = tpu.memref_squeeze %dma_start3A_232 : memref<1x128x256xf32, #tpu.memory_space<vmem>> -> memref<128x256xf32, #tpu.memory_space<vmem>>
    %dma_start3A_234 = arith.constant 384 : i32
    %dma_start3A_235 = tpu.memref_slice %arg7[%dma_start3A_234] : memref<1024xi32, #tpu.memory_space<vmem>> -> memref<128xi32, #tpu.memory_space<vmem>>
    %dma_start3A_236 = arith.constant 0 : i32
    %dma_start3A_237 = arith.constant 0 : i32
    %dma_start3A_238 = tpu.memref_slice %arg3[%dma_start3A_236, %dma_start3A_237] : memref<8192x256xf32, #tpu.memory_space<hbm>> -> memref<8192x256xf32, #tpu.memory_space<hbm>>
    tpu.enqueue_indirect_dma source(%dma_start3A_238 : memref<8192x256xf32, #tpu.memory_space<hbm>>) target(%dma_start3A_233 : memref<128x256xf32, #tpu.memory_space<vmem>>) offsets(%dma_start3A_235 : memref<128xi32, #tpu.memory_space<vmem>>) semaphore(%arg10 : memref<!tpu.dma_semaphore, #tpu.memory_space<semaphore_mem>>)
    %dma_start3A_239 = arith.constant 1 : i32
    %dma_start3A_240 = arith.constant 0 : i32
    %dma_start3A_241 = arith.constant 0 : i32
    %dma_start3A_242 = tpu.memref_slice %arg9[%dma_start3A_239, %dma_start3A_240, %dma_start3A_241] : memref<2x128x128xf32, #tpu.memory_space<vmem>> -> memref<1x128x128xf32, #tpu.memory_space<vmem>>
    %dma_start3A_243 = tpu.memref_squeeze %dma_start3A_242 : memref<1x128x128xf32, #tpu.memory_space<vmem>> -> memref<128x128xf32, #tpu.memory_space<vmem>>
    %dma_start3A_244 = arith.constant 384 : i32
    %dma_start3A_245 = tpu.memref_slice %arg7[%dma_start3A_244] : memref<1024xi32, #tpu.memory_space<vmem>> -> memref<128xi32, #tpu.memory_space<vmem>>
    %dma_start3A_246 = arith.constant 0 : i32
    %dma_start3A_247 = arith.constant 0 : i32
    %dma_start3A_248 = tpu.memref_slice %arg4[%dma_start3A_246, %dma_start3A_247] : memref<8192x128xf32, #tpu.memory_space<hbm>> -> memref<8192x128xf32, #tpu.memory_space<hbm>>
    tpu.enqueue_indirect_dma source(%dma_start3A_248 : memref<8192x128xf32, #tpu.memory_space<hbm>>) target(%dma_start3A_243 : memref<128x128xf32, #tpu.memory_space<vmem>>) offsets(%dma_start3A_245 : memref<128xi32, #tpu.memory_space<vmem>>) semaphore(%arg10 : memref<!tpu.dma_semaphore, #tpu.memory_space<semaphore_mem>>)
    %add3A_249 = arith.constant 256 : i32
    %add3A_250 = arith.addi %mul3A_2, %add3A_249 : i32
    %dma_start3A_251 = arith.constant 0 : i32
    %dma_start3A_252 = arith.constant 0 : i32
    %dma_start3A_253 = arith.constant 0 : i32
    %dma_start3A_254 = tpu.memref_slice %arg8[%dma_start3A_251, %dma_start3A_252, %dma_start3A_253] : memref<2x128x256xf32, #tpu.memory_space<vmem>> -> memref<1x128x256xf32, #tpu.memory_space<vmem>>
    %dma_start3A_255 = tpu.memref_squeeze %dma_start3A_254 : memref<1x128x256xf32, #tpu.memory_space<vmem>> -> memref<128x256xf32, #tpu.memory_space<vmem>>
    %dma_start3A_256 = arith.constant 0 : i32
    %dma_start3A_257 = tpu.memref_slice %arg5[%add3A_250, %dma_start3A_256] : memref<32768x256xf32, #tpu.memory_space<hbm>> -> memref<128x256xf32, #tpu.memory_space<hbm>>
    %dma_start3A_258 = arith.constant 0 : i32
    %dma_start3A_259 = tpu.memref_slice %arg5[%add3A_250, %dma_start3A_258] : memref<32768x256xf32, #tpu.memory_space<hbm>> -> memref<128x256xf32, #tpu.memory_space<hbm>>
    %dma_start3A_260 = arith.constant 0 : i32
    %dma_start3A_261 = arith.constant 0 : i32
    %dma_start3A_262 = tpu.memref_slice %arg8[%dma_start3A_251, %dma_start3A_260, %dma_start3A_261] : memref<2x128x256xf32, #tpu.memory_space<vmem>> -> memref<1x128x256xf32, #tpu.memory_space<vmem>>
    %dma_start3A_263 = tpu.memref_squeeze %dma_start3A_262 : memref<1x128x256xf32, #tpu.memory_space<vmem>> -> memref<128x256xf32, #tpu.memory_space<vmem>>
    tpu.enqueue_dma source(%dma_start3A_263 : memref<128x256xf32, #tpu.memory_space<vmem>>) target(%dma_start3A_259 : memref<128x256xf32, #tpu.memory_space<hbm>>) target_semaphore(%arg11 : memref<!tpu.dma_semaphore, #tpu.memory_space<semaphore_mem>>)
    %dma_start3A_264 = arith.constant 0 : i32
    %dma_start3A_265 = arith.constant 0 : i32
    %dma_start3A_266 = arith.constant 0 : i32
    %dma_start3A_267 = tpu.memref_slice %arg9[%dma_start3A_264, %dma_start3A_265, %dma_start3A_266] : memref<2x128x128xf32, #tpu.memory_space<vmem>> -> memref<1x128x128xf32, #tpu.memory_space<vmem>>
    %dma_start3A_268 = tpu.memref_squeeze %dma_start3A_267 : memref<1x128x128xf32, #tpu.memory_space<vmem>> -> memref<128x128xf32, #tpu.memory_space<vmem>>
    %dma_start3A_269 = arith.constant 0 : i32
    %dma_start3A_270 = tpu.memref_slice %arg6[%add3A_250, %dma_start3A_269] : memref<32768x128xf32, #tpu.memory_space<hbm>> -> memref<128x128xf32, #tpu.memory_space<hbm>>
    %dma_start3A_271 = arith.constant 0 : i32
    %dma_start3A_272 = tpu.memref_slice %arg6[%add3A_250, %dma_start3A_271] : memref<32768x128xf32, #tpu.memory_space<hbm>> -> memref<128x128xf32, #tpu.memory_space<hbm>>
    %dma_start3A_273 = arith.constant 0 : i32
    %dma_start3A_274 = arith.constant 0 : i32
    %dma_start3A_275 = tpu.memref_slice %arg9[%dma_start3A_264, %dma_start3A_273, %dma_start3A_274] : memref<2x128x128xf32, #tpu.memory_space<vmem>> -> memref<1x128x128xf32, #tpu.memory_space<vmem>>
    %dma_start3A_276 = tpu.memref_squeeze %dma_start3A_275 : memref<1x128x128xf32, #tpu.memory_space<vmem>> -> memref<128x128xf32, #tpu.memory_space<vmem>>
    tpu.enqueue_dma source(%dma_start3A_276 : memref<128x128xf32, #tpu.memory_space<vmem>>) target(%dma_start3A_272 : memref<128x128xf32, #tpu.memory_space<hbm>>) target_semaphore(%arg11 : memref<!tpu.dma_semaphore, #tpu.memory_space<semaphore_mem>>)
    %dma_wait3A_277 = arith.constant 1 : i32
    %dma_wait3A_278 = arith.constant 0 : i32
    %dma_wait3A_279 = arith.constant 0 : i32
    %dma_wait3A_280 = tpu.memref_slice %arg8[%dma_wait3A_277, %dma_wait3A_278, %dma_wait3A_279] : memref<2x128x256xf32, #tpu.memory_space<vmem>> -> memref<1x128x256xf32, #tpu.memory_space<vmem>>
    %dma_wait3A_281 = tpu.memref_squeeze %dma_wait3A_280 : memref<1x128x256xf32, #tpu.memory_space<vmem>> -> memref<128x256xf32, #tpu.memory_space<vmem>>
    %dma_wait3A_282 = arith.constant 384 : i32
    %dma_wait3A_283 = tpu.memref_slice %arg7[%dma_wait3A_282] : memref<1024xi32, #tpu.memory_space<vmem>> -> memref<128xi32, #tpu.memory_space<vmem>>
    %dma_wait3A_284 = arith.constant 0 : i32
    %dma_wait3A_285 = arith.constant 0 : i32
    %dma_wait3A_286 = tpu.memref_slice %arg3[%dma_wait3A_284, %dma_wait3A_285] : memref<8192x256xf32, #tpu.memory_space<hbm>> -> memref<8192x256xf32, #tpu.memory_space<hbm>>
    tpu.wait_indirect_dma semaphore(%arg10 : memref<!tpu.dma_semaphore, #tpu.memory_space<semaphore_mem>>) src(%dma_wait3A_286 : memref<8192x256xf32, #tpu.memory_space<hbm>>) dst(%dma_wait3A_281 : memref<128x256xf32, #tpu.memory_space<vmem>>)
    %dma_wait3A_287 = arith.constant 1 : i32
    %dma_wait3A_288 = arith.constant 0 : i32
    %dma_wait3A_289 = arith.constant 0 : i32
    %dma_wait3A_290 = tpu.memref_slice %arg9[%dma_wait3A_287, %dma_wait3A_288, %dma_wait3A_289] : memref<2x128x128xf32, #tpu.memory_space<vmem>> -> memref<1x128x128xf32, #tpu.memory_space<vmem>>
    %dma_wait3A_291 = tpu.memref_squeeze %dma_wait3A_290 : memref<1x128x128xf32, #tpu.memory_space<vmem>> -> memref<128x128xf32, #tpu.memory_space<vmem>>
    %dma_wait3A_292 = arith.constant 384 : i32
    %dma_wait3A_293 = tpu.memref_slice %arg7[%dma_wait3A_292] : memref<1024xi32, #tpu.memory_space<vmem>> -> memref<128xi32, #tpu.memory_space<vmem>>
    %dma_wait3A_294 = arith.constant 0 : i32
    %dma_wait3A_295 = arith.constant 0 : i32
    %dma_wait3A_296 = tpu.memref_slice %arg4[%dma_wait3A_294, %dma_wait3A_295] : memref<8192x128xf32, #tpu.memory_space<hbm>> -> memref<8192x128xf32, #tpu.memory_space<hbm>>
    tpu.wait_indirect_dma semaphore(%arg10 : memref<!tpu.dma_semaphore, #tpu.memory_space<semaphore_mem>>) src(%dma_wait3A_296 : memref<8192x128xf32, #tpu.memory_space<hbm>>) dst(%dma_wait3A_291 : memref<128x128xf32, #tpu.memory_space<vmem>>)
    %dma_wait3A_297 = arith.constant 0 : i32
    %dma_wait3A_298 = arith.constant 0 : i32
    %dma_wait3A_299 = arith.constant 0 : i32
    %dma_wait3A_300 = tpu.memref_slice %arg8[%dma_wait3A_297, %dma_wait3A_298, %dma_wait3A_299] : memref<2x128x256xf32, #tpu.memory_space<vmem>> -> memref<1x128x256xf32, #tpu.memory_space<vmem>>
    %dma_wait3A_301 = tpu.memref_squeeze %dma_wait3A_300 : memref<1x128x256xf32, #tpu.memory_space<vmem>> -> memref<128x256xf32, #tpu.memory_space<vmem>>
    %dma_wait3A_302 = arith.constant 0 : i32
    %dma_wait3A_303 = tpu.memref_slice %arg5[%add3A_250, %dma_wait3A_302] : memref<32768x256xf32, #tpu.memory_space<hbm>> -> memref<128x256xf32, #tpu.memory_space<hbm>>
    %dma_wait3A_304 = arith.constant 0 : i32
    %dma_wait3A_305 = tpu.memref_slice %arg5[%add3A_250, %dma_wait3A_304] : memref<32768x256xf32, #tpu.memory_space<hbm>> -> memref<128x256xf32, #tpu.memory_space<hbm>>
    %dma_wait3A_306 = arith.constant 0 : i32
    %dma_wait3A_307 = arith.constant 0 : i32
    %dma_wait3A_308 = tpu.memref_slice %arg8[%dma_wait3A_297, %dma_wait3A_306, %dma_wait3A_307] : memref<2x128x256xf32, #tpu.memory_space<vmem>> -> memref<1x128x256xf32, #tpu.memory_space<vmem>>
    %dma_wait3A_309 = tpu.memref_squeeze %dma_wait3A_308 : memref<1x128x256xf32, #tpu.memory_space<vmem>> -> memref<128x256xf32, #tpu.memory_space<vmem>>
    tpu.wait_dma2 semaphore(%arg11 : memref<!tpu.dma_semaphore, #tpu.memory_space<semaphore_mem>>) src(%dma_wait3A_309 : memref<128x256xf32, #tpu.memory_space<vmem>>) dst(%dma_wait3A_305 : memref<128x256xf32, #tpu.memory_space<hbm>>)
    %dma_wait3A_310 = arith.constant 0 : i32
    %dma_wait3A_311 = arith.constant 0 : i32
    %dma_wait3A_312 = arith.constant 0 : i32
    %dma_wait3A_313 = tpu.memref_slice %arg9[%dma_wait3A_310, %dma_wait3A_311, %dma_wait3A_312] : memref<2x128x128xf32, #tpu.memory_space<vmem>> -> memref<1x128x128xf32, #tpu.memory_space<vmem>>
    %dma_wait3A_314 = tpu.memref_squeeze %dma_wait3A_313 : memref<1x128x128xf32, #tpu.memory_space<vmem>> -> memref<128x128xf32, #tpu.memory_space<vmem>>
    %dma_wait3A_315 = arith.constant 0 : i32
    %dma_wait3A_316 = tpu.memref_slice %arg6[%add3A_250, %dma_wait3A_315] : memref<32768x128xf32, #tpu.memory_space<hbm>> -> memref<128x128xf32, #tpu.memory_space<hbm>>
    %dma_wait3A_317 = arith.constant 0 : i32
    %dma_wait3A_318 = tpu.memref_slice %arg6[%add3A_250, %dma_wait3A_317] : memref<32768x128xf32, #tpu.memory_space<hbm>> -> memref<128x128xf32, #tpu.memory_space<hbm>>
    %dma_wait3A_319 = arith.constant 0 : i32
    %dma_wait3A_320 = arith.constant 0 : i32
    %dma_wait3A_321 = tpu.memref_slice %arg9[%dma_wait3A_310, %dma_wait3A_319, %dma_wait3A_320] : memref<2x128x128xf32, #tpu.memory_space<vmem>> -> memref<1x128x128xf32, #tpu.memory_space<vmem>>
    %dma_wait3A_322 = tpu.memref_squeeze %dma_wait3A_321 : memref<1x128x128xf32, #tpu.memory_space<vmem>> -> memref<128x128xf32, #tpu.memory_space<vmem>>
    tpu.wait_dma2 semaphore(%arg11 : memref<!tpu.dma_semaphore, #tpu.memory_space<semaphore_mem>>) src(%dma_wait3A_322 : memref<128x128xf32, #tpu.memory_space<vmem>>) dst(%dma_wait3A_318 : memref<128x128xf32, #tpu.memory_space<hbm>>)
    %dma_start3A_323 = arith.constant 0 : i32
    %dma_start3A_324 = arith.constant 0 : i32
    %dma_start3A_325 = arith.constant 0 : i32
    %dma_start3A_326 = tpu.memref_slice %arg8[%dma_start3A_323, %dma_start3A_324, %dma_start3A_325] : memref<2x128x256xf32, #tpu.memory_space<vmem>> -> memref<1x128x256xf32, #tpu.memory_space<vmem>>
    %dma_start3A_327 = tpu.memref_squeeze %dma_start3A_326 : memref<1x128x256xf32, #tpu.memory_space<vmem>> -> memref<128x256xf32, #tpu.memory_space<vmem>>
    %dma_start3A_328 = arith.constant 512 : i32
    %dma_start3A_329 = tpu.memref_slice %arg7[%dma_start3A_328] : memref<1024xi32, #tpu.memory_space<vmem>> -> memref<128xi32, #tpu.memory_space<vmem>>
    %dma_start3A_330 = arith.constant 0 : i32
    %dma_start3A_331 = arith.constant 0 : i32
    %dma_start3A_332 = tpu.memref_slice %arg3[%dma_start3A_330, %dma_start3A_331] : memref<8192x256xf32, #tpu.memory_space<hbm>> -> memref<8192x256xf32, #tpu.memory_space<hbm>>
    tpu.enqueue_indirect_dma source(%dma_start3A_332 : memref<8192x256xf32, #tpu.memory_space<hbm>>) target(%dma_start3A_327 : memref<128x256xf32, #tpu.memory_space<vmem>>) offsets(%dma_start3A_329 : memref<128xi32, #tpu.memory_space<vmem>>) semaphore(%arg10 : memref<!tpu.dma_semaphore, #tpu.memory_space<semaphore_mem>>)
    %dma_start3A_333 = arith.constant 0 : i32
    %dma_start3A_334 = arith.constant 0 : i32
    %dma_start3A_335 = arith.constant 0 : i32
    %dma_start3A_336 = tpu.memref_slice %arg9[%dma_start3A_333, %dma_start3A_334, %dma_start3A_335] : memref<2x128x128xf32, #tpu.memory_space<vmem>> -> memref<1x128x128xf32, #tpu.memory_space<vmem>>
    %dma_start3A_337 = tpu.memref_squeeze %dma_start3A_336 : memref<1x128x128xf32, #tpu.memory_space<vmem>> -> memref<128x128xf32, #tpu.memory_space<vmem>>
    %dma_start3A_338 = arith.constant 512 : i32
    %dma_start3A_339 = tpu.memref_slice %arg7[%dma_start3A_338] : memref<1024xi32, #tpu.memory_space<vmem>> -> memref<128xi32, #tpu.memory_space<vmem>>
    %dma_start3A_340 = arith.constant 0 : i32
    %dma_start3A_341 = arith.constant 0 : i32
    %dma_start3A_342 = tpu.memref_slice %arg4[%dma_start3A_340, %dma_start3A_341] : memref<8192x128xf32, #tpu.memory_space<hbm>> -> memref<8192x128xf32, #tpu.memory_space<hbm>>
    tpu.enqueue_indirect_dma source(%dma_start3A_342 : memref<8192x128xf32, #tpu.memory_space<hbm>>) target(%dma_start3A_337 : memref<128x128xf32, #tpu.memory_space<vmem>>) offsets(%dma_start3A_339 : memref<128xi32, #tpu.memory_space<vmem>>) semaphore(%arg10 : memref<!tpu.dma_semaphore, #tpu.memory_space<semaphore_mem>>)
    %add3A_343 = arith.constant 384 : i32
    %add3A_344 = arith.addi %mul3A_2, %add3A_343 : i32
    %dma_start3A_345 = arith.constant 1 : i32
    %dma_start3A_346 = arith.constant 0 : i32
    %dma_start3A_347 = arith.constant 0 : i32
    %dma_start3A_348 = tpu.memref_slice %arg8[%dma_start3A_345, %dma_start3A_346, %dma_start3A_347] : memref<2x128x256xf32, #tpu.memory_space<vmem>> -> memref<1x128x256xf32, #tpu.memory_space<vmem>>
    %dma_start3A_349 = tpu.memref_squeeze %dma_start3A_348 : memref<1x128x256xf32, #tpu.memory_space<vmem>> -> memref<128x256xf32, #tpu.memory_space<vmem>>
    %dma_start3A_350 = arith.constant 0 : i32
    %dma_start3A_351 = tpu.memref_slice %arg5[%add3A_344, %dma_start3A_350] : memref<32768x256xf32, #tpu.memory_space<hbm>> -> memref<128x256xf32, #tpu.memory_space<hbm>>
    %dma_start3A_352 = arith.constant 0 : i32
    %dma_start3A_353 = tpu.memref_slice %arg5[%add3A_344, %dma_start3A_352] : memref<32768x256xf32, #tpu.memory_space<hbm>> -> memref<128x256xf32, #tpu.memory_space<hbm>>
    %dma_start3A_354 = arith.constant 0 : i32
    %dma_start3A_355 = arith.constant 0 : i32
    %dma_start3A_356 = tpu.memref_slice %arg8[%dma_start3A_345, %dma_start3A_354, %dma_start3A_355] : memref<2x128x256xf32, #tpu.memory_space<vmem>> -> memref<1x128x256xf32, #tpu.memory_space<vmem>>
    %dma_start3A_357 = tpu.memref_squeeze %dma_start3A_356 : memref<1x128x256xf32, #tpu.memory_space<vmem>> -> memref<128x256xf32, #tpu.memory_space<vmem>>
    tpu.enqueue_dma source(%dma_start3A_357 : memref<128x256xf32, #tpu.memory_space<vmem>>) target(%dma_start3A_353 : memref<128x256xf32, #tpu.memory_space<hbm>>) target_semaphore(%arg11 : memref<!tpu.dma_semaphore, #tpu.memory_space<semaphore_mem>>)
    %dma_start3A_358 = arith.constant 1 : i32
    %dma_start3A_359 = arith.constant 0 : i32
    %dma_start3A_360 = arith.constant 0 : i32
    %dma_start3A_361 = tpu.memref_slice %arg9[%dma_start3A_358, %dma_start3A_359, %dma_start3A_360] : memref<2x128x128xf32, #tpu.memory_space<vmem>> -> memref<1x128x128xf32, #tpu.memory_space<vmem>>
    %dma_start3A_362 = tpu.memref_squeeze %dma_start3A_361 : memref<1x128x128xf32, #tpu.memory_space<vmem>> -> memref<128x128xf32, #tpu.memory_space<vmem>>
    %dma_start3A_363 = arith.constant 0 : i32
    %dma_start3A_364 = tpu.memref_slice %arg6[%add3A_344, %dma_start3A_363] : memref<32768x128xf32, #tpu.memory_space<hbm>> -> memref<128x128xf32, #tpu.memory_space<hbm>>
    %dma_start3A_365 = arith.constant 0 : i32
    %dma_start3A_366 = tpu.memref_slice %arg6[%add3A_344, %dma_start3A_365] : memref<32768x128xf32, #tpu.memory_space<hbm>> -> memref<128x128xf32, #tpu.memory_space<hbm>>
    %dma_start3A_367 = arith.constant 0 : i32
    %dma_start3A_368 = arith.constant 0 : i32
    %dma_start3A_369 = tpu.memref_slice %arg9[%dma_start3A_358, %dma_start3A_367, %dma_start3A_368] : memref<2x128x128xf32, #tpu.memory_space<vmem>> -> memref<1x128x128xf32, #tpu.memory_space<vmem>>
    %dma_start3A_370 = tpu.memref_squeeze %dma_start3A_369 : memref<1x128x128xf32, #tpu.memory_space<vmem>> -> memref<128x128xf32, #tpu.memory_space<vmem>>
    tpu.enqueue_dma source(%dma_start3A_370 : memref<128x128xf32, #tpu.memory_space<vmem>>) target(%dma_start3A_366 : memref<128x128xf32, #tpu.memory_space<hbm>>) target_semaphore(%arg11 : memref<!tpu.dma_semaphore, #tpu.memory_space<semaphore_mem>>)
    %dma_wait3A_371 = arith.constant 0 : i32
    %dma_wait3A_372 = arith.constant 0 : i32
    %dma_wait3A_373 = arith.constant 0 : i32
    %dma_wait3A_374 = tpu.memref_slice %arg8[%dma_wait3A_371, %dma_wait3A_372, %dma_wait3A_373] : memref<2x128x256xf32, #tpu.memory_space<vmem>> -> memref<1x128x256xf32, #tpu.memory_space<vmem>>
    %dma_wait3A_375 = tpu.memref_squeeze %dma_wait3A_374 : memref<1x128x256xf32, #tpu.memory_space<vmem>> -> memref<128x256xf32, #tpu.memory_space<vmem>>
    %dma_wait3A_376 = arith.constant 512 : i32
    %dma_wait3A_377 = tpu.memref_slice %arg7[%dma_wait3A_376] : memref<1024xi32, #tpu.memory_space<vmem>> -> memref<128xi32, #tpu.memory_space<vmem>>
    %dma_wait3A_378 = arith.constant 0 : i32
    %dma_wait3A_379 = arith.constant 0 : i32
    %dma_wait3A_380 = tpu.memref_slice %arg3[%dma_wait3A_378, %dma_wait3A_379] : memref<8192x256xf32, #tpu.memory_space<hbm>> -> memref<8192x256xf32, #tpu.memory_space<hbm>>
    tpu.wait_indirect_dma semaphore(%arg10 : memref<!tpu.dma_semaphore, #tpu.memory_space<semaphore_mem>>) src(%dma_wait3A_380 : memref<8192x256xf32, #tpu.memory_space<hbm>>) dst(%dma_wait3A_375 : memref<128x256xf32, #tpu.memory_space<vmem>>)
    %dma_wait3A_381 = arith.constant 0 : i32
    %dma_wait3A_382 = arith.constant 0 : i32
    %dma_wait3A_383 = arith.constant 0 : i32
    %dma_wait3A_384 = tpu.memref_slice %arg9[%dma_wait3A_381, %dma_wait3A_382, %dma_wait3A_383] : memref<2x128x128xf32, #tpu.memory_space<vmem>> -> memref<1x128x128xf32, #tpu.memory_space<vmem>>
    %dma_wait3A_385 = tpu.memref_squeeze %dma_wait3A_384 : memref<1x128x128xf32, #tpu.memory_space<vmem>> -> memref<128x128xf32, #tpu.memory_space<vmem>>
    %dma_wait3A_386 = arith.constant 512 : i32
    %dma_wait3A_387 = tpu.memref_slice %arg7[%dma_wait3A_386] : memref<1024xi32, #tpu.memory_space<vmem>> -> memref<128xi32, #tpu.memory_space<vmem>>
    %dma_wait3A_388 = arith.constant 0 : i32
    %dma_wait3A_389 = arith.constant 0 : i32
    %dma_wait3A_390 = tpu.memref_slice %arg4[%dma_wait3A_388, %dma_wait3A_389] : memref<8192x128xf32, #tpu.memory_space<hbm>> -> memref<8192x128xf32, #tpu.memory_space<hbm>>
    tpu.wait_indirect_dma semaphore(%arg10 : memref<!tpu.dma_semaphore, #tpu.memory_space<semaphore_mem>>) src(%dma_wait3A_390 : memref<8192x128xf32, #tpu.memory_space<hbm>>) dst(%dma_wait3A_385 : memref<128x128xf32, #tpu.memory_space<vmem>>)
    %dma_wait3A_391 = arith.constant 1 : i32
    %dma_wait3A_392 = arith.constant 0 : i32
    %dma_wait3A_393 = arith.constant 0 : i32
    %dma_wait3A_394 = tpu.memref_slice %arg8[%dma_wait3A_391, %dma_wait3A_392, %dma_wait3A_393] : memref<2x128x256xf32, #tpu.memory_space<vmem>> -> memref<1x128x256xf32, #tpu.memory_space<vmem>>
    %dma_wait3A_395 = tpu.memref_squeeze %dma_wait3A_394 : memref<1x128x256xf32, #tpu.memory_space<vmem>> -> memref<128x256xf32, #tpu.memory_space<vmem>>
    %dma_wait3A_396 = arith.constant 0 : i32
    %dma_wait3A_397 = tpu.memref_slice %arg5[%add3A_344, %dma_wait3A_396] : memref<32768x256xf32, #tpu.memory_space<hbm>> -> memref<128x256xf32, #tpu.memory_space<hbm>>
    %dma_wait3A_398 = arith.constant 0 : i32
    %dma_wait3A_399 = tpu.memref_slice %arg5[%add3A_344, %dma_wait3A_398] : memref<32768x256xf32, #tpu.memory_space<hbm>> -> memref<128x256xf32, #tpu.memory_space<hbm>>
    %dma_wait3A_400 = arith.constant 0 : i32
    %dma_wait3A_401 = arith.constant 0 : i32
    %dma_wait3A_402 = tpu.memref_slice %arg8[%dma_wait3A_391, %dma_wait3A_400, %dma_wait3A_401] : memref<2x128x256xf32, #tpu.memory_space<vmem>> -> memref<1x128x256xf32, #tpu.memory_space<vmem>>
    %dma_wait3A_403 = tpu.memref_squeeze %dma_wait3A_402 : memref<1x128x256xf32, #tpu.memory_space<vmem>> -> memref<128x256xf32, #tpu.memory_space<vmem>>
    tpu.wait_dma2 semaphore(%arg11 : memref<!tpu.dma_semaphore, #tpu.memory_space<semaphore_mem>>) src(%dma_wait3A_403 : memref<128x256xf32, #tpu.memory_space<vmem>>) dst(%dma_wait3A_399 : memref<128x256xf32, #tpu.memory_space<hbm>>)
    %dma_wait3A_404 = arith.constant 1 : i32
    %dma_wait3A_405 = arith.constant 0 : i32
    %dma_wait3A_406 = arith.constant 0 : i32
    %dma_wait3A_407 = tpu.memref_slice %arg9[%dma_wait3A_404, %dma_wait3A_405, %dma_wait3A_406] : memref<2x128x128xf32, #tpu.memory_space<vmem>> -> memref<1x128x128xf32, #tpu.memory_space<vmem>>
    %dma_wait3A_408 = tpu.memref_squeeze %dma_wait3A_407 : memref<1x128x128xf32, #tpu.memory_space<vmem>> -> memref<128x128xf32, #tpu.memory_space<vmem>>
    %dma_wait3A_409 = arith.constant 0 : i32
    %dma_wait3A_410 = tpu.memref_slice %arg6[%add3A_344, %dma_wait3A_409] : memref<32768x128xf32, #tpu.memory_space<hbm>> -> memref<128x128xf32, #tpu.memory_space<hbm>>
    %dma_wait3A_411 = arith.constant 0 : i32
    %dma_wait3A_412 = tpu.memref_slice %arg6[%add3A_344, %dma_wait3A_411] : memref<32768x128xf32, #tpu.memory_space<hbm>> -> memref<128x128xf32, #tpu.memory_space<hbm>>
    %dma_wait3A_413 = arith.constant 0 : i32
    %dma_wait3A_414 = arith.constant 0 : i32
    %dma_wait3A_415 = tpu.memref_slice %arg9[%dma_wait3A_404, %dma_wait3A_413, %dma_wait3A_414] : memref<2x128x128xf32, #tpu.memory_space<vmem>> -> memref<1x128x128xf32, #tpu.memory_space<vmem>>
    %dma_wait3A_416 = tpu.memref_squeeze %dma_wait3A_415 : memref<1x128x128xf32, #tpu.memory_space<vmem>> -> memref<128x128xf32, #tpu.memory_space<vmem>>
    tpu.wait_dma2 semaphore(%arg11 : memref<!tpu.dma_semaphore, #tpu.memory_space<semaphore_mem>>) src(%dma_wait3A_416 : memref<128x128xf32, #tpu.memory_space<vmem>>) dst(%dma_wait3A_412 : memref<128x128xf32, #tpu.memory_space<hbm>>)
    %dma_start3A_417 = arith.constant 1 : i32
    %dma_start3A_418 = arith.constant 0 : i32
    %dma_start3A_419 = arith.constant 0 : i32
    %dma_start3A_420 = tpu.memref_slice %arg8[%dma_start3A_417, %dma_start3A_418, %dma_start3A_419] : memref<2x128x256xf32, #tpu.memory_space<vmem>> -> memref<1x128x256xf32, #tpu.memory_space<vmem>>
    %dma_start3A_421 = tpu.memref_squeeze %dma_start3A_420 : memref<1x128x256xf32, #tpu.memory_space<vmem>> -> memref<128x256xf32, #tpu.memory_space<vmem>>
    %dma_start3A_422 = arith.constant 640 : i32
    %dma_start3A_423 = tpu.memref_slice %arg7[%dma_start3A_422] : memref<1024xi32, #tpu.memory_space<vmem>> -> memref<128xi32, #tpu.memory_space<vmem>>
    %dma_start3A_424 = arith.constant 0 : i32
    %dma_start3A_425 = arith.constant 0 : i32
    %dma_start3A_426 = tpu.memref_slice %arg3[%dma_start3A_424, %dma_start3A_425] : memref<8192x256xf32, #tpu.memory_space<hbm>> -> memref<8192x256xf32, #tpu.memory_space<hbm>>
    tpu.enqueue_indirect_dma source(%dma_start3A_426 : memref<8192x256xf32, #tpu.memory_space<hbm>>) target(%dma_start3A_421 : memref<128x256xf32, #tpu.memory_space<vmem>>) offsets(%dma_start3A_423 : memref<128xi32, #tpu.memory_space<vmem>>) semaphore(%arg10 : memref<!tpu.dma_semaphore, #tpu.memory_space<semaphore_mem>>)
    %dma_start3A_427 = arith.constant 1 : i32
    %dma_start3A_428 = arith.constant 0 : i32
    %dma_start3A_429 = arith.constant 0 : i32
    %dma_start3A_430 = tpu.memref_slice %arg9[%dma_start3A_427, %dma_start3A_428, %dma_start3A_429] : memref<2x128x128xf32, #tpu.memory_space<vmem>> -> memref<1x128x128xf32, #tpu.memory_space<vmem>>
    %dma_start3A_431 = tpu.memref_squeeze %dma_start3A_430 : memref<1x128x128xf32, #tpu.memory_space<vmem>> -> memref<128x128xf32, #tpu.memory_space<vmem>>
    %dma_start3A_432 = arith.constant 640 : i32
    %dma_start3A_433 = tpu.memref_slice %arg7[%dma_start3A_432] : memref<1024xi32, #tpu.memory_space<vmem>> -> memref<128xi32, #tpu.memory_space<vmem>>
    %dma_start3A_434 = arith.constant 0 : i32
    %dma_start3A_435 = arith.constant 0 : i32
    %dma_start3A_436 = tpu.memref_slice %arg4[%dma_start3A_434, %dma_start3A_435] : memref<8192x128xf32, #tpu.memory_space<hbm>> -> memref<8192x128xf32, #tpu.memory_space<hbm>>
    tpu.enqueue_indirect_dma source(%dma_start3A_436 : memref<8192x128xf32, #tpu.memory_space<hbm>>) target(%dma_start3A_431 : memref<128x128xf32, #tpu.memory_space<vmem>>) offsets(%dma_start3A_433 : memref<128xi32, #tpu.memory_space<vmem>>) semaphore(%arg10 : memref<!tpu.dma_semaphore, #tpu.memory_space<semaphore_mem>>)
    %add3A_437 = arith.constant 512 : i32
    %add3A_438 = arith.addi %mul3A_2, %add3A_437 : i32
    %dma_start3A_439 = arith.constant 0 : i32
    %dma_start3A_440 = arith.constant 0 : i32
    %dma_start3A_441 = arith.constant 0 : i32
    %dma_start3A_442 = tpu.memref_slice %arg8[%dma_start3A_439, %dma_start3A_440, %dma_start3A_441] : memref<2x128x256xf32, #tpu.memory_space<vmem>> -> memref<1x128x256xf32, #tpu.memory_space<vmem>>
    %dma_start3A_443 = tpu.memref_squeeze %dma_start3A_442 : memref<1x128x256xf32, #tpu.memory_space<vmem>> -> memref<128x256xf32, #tpu.memory_space<vmem>>
    %dma_start3A_444 = arith.constant 0 : i32
    %dma_start3A_445 = tpu.memref_slice %arg5[%add3A_438, %dma_start3A_444] : memref<32768x256xf32, #tpu.memory_space<hbm>> -> memref<128x256xf32, #tpu.memory_space<hbm>>
    %dma_start3A_446 = arith.constant 0 : i32
    %dma_start3A_447 = tpu.memref_slice %arg5[%add3A_438, %dma_start3A_446] : memref<32768x256xf32, #tpu.memory_space<hbm>> -> memref<128x256xf32, #tpu.memory_space<hbm>>
    %dma_start3A_448 = arith.constant 0 : i32
    %dma_start3A_449 = arith.constant 0 : i32
    %dma_start3A_450 = tpu.memref_slice %arg8[%dma_start3A_439, %dma_start3A_448, %dma_start3A_449] : memref<2x128x256xf32, #tpu.memory_space<vmem>> -> memref<1x128x256xf32, #tpu.memory_space<vmem>>
    %dma_start3A_451 = tpu.memref_squeeze %dma_start3A_450 : memref<1x128x256xf32, #tpu.memory_space<vmem>> -> memref<128x256xf32, #tpu.memory_space<vmem>>
    tpu.enqueue_dma source(%dma_start3A_451 : memref<128x256xf32, #tpu.memory_space<vmem>>) target(%dma_start3A_447 : memref<128x256xf32, #tpu.memory_space<hbm>>) target_semaphore(%arg11 : memref<!tpu.dma_semaphore, #tpu.memory_space<semaphore_mem>>)
    %dma_start3A_452 = arith.constant 0 : i32
    %dma_start3A_453 = arith.constant 0 : i32
    %dma_start3A_454 = arith.constant 0 : i32
    %dma_start3A_455 = tpu.memref_slice %arg9[%dma_start3A_452, %dma_start3A_453, %dma_start3A_454] : memref<2x128x128xf32, #tpu.memory_space<vmem>> -> memref<1x128x128xf32, #tpu.memory_space<vmem>>
    %dma_start3A_456 = tpu.memref_squeeze %dma_start3A_455 : memref<1x128x128xf32, #tpu.memory_space<vmem>> -> memref<128x128xf32, #tpu.memory_space<vmem>>
    %dma_start3A_457 = arith.constant 0 : i32
    %dma_start3A_458 = tpu.memref_slice %arg6[%add3A_438, %dma_start3A_457] : memref<32768x128xf32, #tpu.memory_space<hbm>> -> memref<128x128xf32, #tpu.memory_space<hbm>>
    %dma_start3A_459 = arith.constant 0 : i32
    %dma_start3A_460 = tpu.memref_slice %arg6[%add3A_438, %dma_start3A_459] : memref<32768x128xf32, #tpu.memory_space<hbm>> -> memref<128x128xf32, #tpu.memory_space<hbm>>
    %dma_start3A_461 = arith.constant 0 : i32
    %dma_start3A_462 = arith.constant 0 : i32
    %dma_start3A_463 = tpu.memref_slice %arg9[%dma_start3A_452, %dma_start3A_461, %dma_start3A_462] : memref<2x128x128xf32, #tpu.memory_space<vmem>> -> memref<1x128x128xf32, #tpu.memory_space<vmem>>
    %dma_start3A_464 = tpu.memref_squeeze %dma_start3A_463 : memref<1x128x128xf32, #tpu.memory_space<vmem>> -> memref<128x128xf32, #tpu.memory_space<vmem>>
    tpu.enqueue_dma source(%dma_start3A_464 : memref<128x128xf32, #tpu.memory_space<vmem>>) target(%dma_start3A_460 : memref<128x128xf32, #tpu.memory_space<hbm>>) target_semaphore(%arg11 : memref<!tpu.dma_semaphore, #tpu.memory_space<semaphore_mem>>)
    %dma_wait3A_465 = arith.constant 1 : i32
    %dma_wait3A_466 = arith.constant 0 : i32
    %dma_wait3A_467 = arith.constant 0 : i32
    %dma_wait3A_468 = tpu.memref_slice %arg8[%dma_wait3A_465, %dma_wait3A_466, %dma_wait3A_467] : memref<2x128x256xf32, #tpu.memory_space<vmem>> -> memref<1x128x256xf32, #tpu.memory_space<vmem>>
    %dma_wait3A_469 = tpu.memref_squeeze %dma_wait3A_468 : memref<1x128x256xf32, #tpu.memory_space<vmem>> -> memref<128x256xf32, #tpu.memory_space<vmem>>
    %dma_wait3A_470 = arith.constant 640 : i32
    %dma_wait3A_471 = tpu.memref_slice %arg7[%dma_wait3A_470] : memref<1024xi32, #tpu.memory_space<vmem>> -> memref<128xi32, #tpu.memory_space<vmem>>
    %dma_wait3A_472 = arith.constant 0 : i32
    %dma_wait3A_473 = arith.constant 0 : i32
    %dma_wait3A_474 = tpu.memref_slice %arg3[%dma_wait3A_472, %dma_wait3A_473] : memref<8192x256xf32, #tpu.memory_space<hbm>> -> memref<8192x256xf32, #tpu.memory_space<hbm>>
    tpu.wait_indirect_dma semaphore(%arg10 : memref<!tpu.dma_semaphore, #tpu.memory_space<semaphore_mem>>) src(%dma_wait3A_474 : memref<8192x256xf32, #tpu.memory_space<hbm>>) dst(%dma_wait3A_469 : memref<128x256xf32, #tpu.memory_space<vmem>>)
    %dma_wait3A_475 = arith.constant 1 : i32
    %dma_wait3A_476 = arith.constant 0 : i32
    %dma_wait3A_477 = arith.constant 0 : i32
    %dma_wait3A_478 = tpu.memref_slice %arg9[%dma_wait3A_475, %dma_wait3A_476, %dma_wait3A_477] : memref<2x128x128xf32, #tpu.memory_space<vmem>> -> memref<1x128x128xf32, #tpu.memory_space<vmem>>
    %dma_wait3A_479 = tpu.memref_squeeze %dma_wait3A_478 : memref<1x128x128xf32, #tpu.memory_space<vmem>> -> memref<128x128xf32, #tpu.memory_space<vmem>>
    %dma_wait3A_480 = arith.constant 640 : i32
    %dma_wait3A_481 = tpu.memref_slice %arg7[%dma_wait3A_480] : memref<1024xi32, #tpu.memory_space<vmem>> -> memref<128xi32, #tpu.memory_space<vmem>>
    %dma_wait3A_482 = arith.constant 0 : i32
    %dma_wait3A_483 = arith.constant 0 : i32
    %dma_wait3A_484 = tpu.memref_slice %arg4[%dma_wait3A_482, %dma_wait3A_483] : memref<8192x128xf32, #tpu.memory_space<hbm>> -> memref<8192x128xf32, #tpu.memory_space<hbm>>
    tpu.wait_indirect_dma semaphore(%arg10 : memref<!tpu.dma_semaphore, #tpu.memory_space<semaphore_mem>>) src(%dma_wait3A_484 : memref<8192x128xf32, #tpu.memory_space<hbm>>) dst(%dma_wait3A_479 : memref<128x128xf32, #tpu.memory_space<vmem>>)
    %dma_wait3A_485 = arith.constant 0 : i32
    %dma_wait3A_486 = arith.constant 0 : i32
    %dma_wait3A_487 = arith.constant 0 : i32
    %dma_wait3A_488 = tpu.memref_slice %arg8[%dma_wait3A_485, %dma_wait3A_486, %dma_wait3A_487] : memref<2x128x256xf32, #tpu.memory_space<vmem>> -> memref<1x128x256xf32, #tpu.memory_space<vmem>>
    %dma_wait3A_489 = tpu.memref_squeeze %dma_wait3A_488 : memref<1x128x256xf32, #tpu.memory_space<vmem>> -> memref<128x256xf32, #tpu.memory_space<vmem>>
    %dma_wait3A_490 = arith.constant 0 : i32
    %dma_wait3A_491 = tpu.memref_slice %arg5[%add3A_438, %dma_wait3A_490] : memref<32768x256xf32, #tpu.memory_space<hbm>> -> memref<128x256xf32, #tpu.memory_space<hbm>>
    %dma_wait3A_492 = arith.constant 0 : i32
    %dma_wait3A_493 = tpu.memref_slice %arg5[%add3A_438, %dma_wait3A_492] : memref<32768x256xf32, #tpu.memory_space<hbm>> -> memref<128x256xf32, #tpu.memory_space<hbm>>
    %dma_wait3A_494 = arith.constant 0 : i32
    %dma_wait3A_495 = arith.constant 0 : i32
    %dma_wait3A_496 = tpu.memref_slice %arg8[%dma_wait3A_485, %dma_wait3A_494, %dma_wait3A_495] : memref<2x128x256xf32, #tpu.memory_space<vmem>> -> memref<1x128x256xf32, #tpu.memory_space<vmem>>
    %dma_wait3A_497 = tpu.memref_squeeze %dma_wait3A_496 : memref<1x128x256xf32, #tpu.memory_space<vmem>> -> memref<128x256xf32, #tpu.memory_space<vmem>>
    tpu.wait_dma2 semaphore(%arg11 : memref<!tpu.dma_semaphore, #tpu.memory_space<semaphore_mem>>) src(%dma_wait3A_497 : memref<128x256xf32, #tpu.memory_space<vmem>>) dst(%dma_wait3A_493 : memref<128x256xf32, #tpu.memory_space<hbm>>)
    %dma_wait3A_498 = arith.constant 0 : i32
    %dma_wait3A_499 = arith.constant 0 : i32
    %dma_wait3A_500 = arith.constant 0 : i32
    %dma_wait3A_501 = tpu.memref_slice %arg9[%dma_wait3A_498, %dma_wait3A_499, %dma_wait3A_500] : memref<2x128x128xf32, #tpu.memory_space<vmem>> -> memref<1x128x128xf32, #tpu.memory_space<vmem>>
    %dma_wait3A_502 = tpu.memref_squeeze %dma_wait3A_501 : memref<1x128x128xf32, #tpu.memory_space<vmem>> -> memref<128x128xf32, #tpu.memory_space<vmem>>
    %dma_wait3A_503 = arith.constant 0 : i32
    %dma_wait3A_504 = tpu.memref_slice %arg6[%add3A_438, %dma_wait3A_503] : memref<32768x128xf32, #tpu.memory_space<hbm>> -> memref<128x128xf32, #tpu.memory_space<hbm>>
    %dma_wait3A_505 = arith.constant 0 : i32
    %dma_wait3A_506 = tpu.memref_slice %arg6[%add3A_438, %dma_wait3A_505] : memref<32768x128xf32, #tpu.memory_space<hbm>> -> memref<128x128xf32, #tpu.memory_space<hbm>>
    %dma_wait3A_507 = arith.constant 0 : i32
    %dma_wait3A_508 = arith.constant 0 : i32
    %dma_wait3A_509 = tpu.memref_slice %arg9[%dma_wait3A_498, %dma_wait3A_507, %dma_wait3A_508] : memref<2x128x128xf32, #tpu.memory_space<vmem>> -> memref<1x128x128xf32, #tpu.memory_space<vmem>>
    %dma_wait3A_510 = tpu.memref_squeeze %dma_wait3A_509 : memref<1x128x128xf32, #tpu.memory_space<vmem>> -> memref<128x128xf32, #tpu.memory_space<vmem>>
    tpu.wait_dma2 semaphore(%arg11 : memref<!tpu.dma_semaphore, #tpu.memory_space<semaphore_mem>>) src(%dma_wait3A_510 : memref<128x128xf32, #tpu.memory_space<vmem>>) dst(%dma_wait3A_506 : memref<128x128xf32, #tpu.memory_space<hbm>>)
    %dma_start3A_511 = arith.constant 0 : i32
    %dma_start3A_512 = arith.constant 0 : i32
    %dma_start3A_513 = arith.constant 0 : i32
    %dma_start3A_514 = tpu.memref_slice %arg8[%dma_start3A_511, %dma_start3A_512, %dma_start3A_513] : memref<2x128x256xf32, #tpu.memory_space<vmem>> -> memref<1x128x256xf32, #tpu.memory_space<vmem>>
    %dma_start3A_515 = tpu.memref_squeeze %dma_start3A_514 : memref<1x128x256xf32, #tpu.memory_space<vmem>> -> memref<128x256xf32, #tpu.memory_space<vmem>>
    %dma_start3A_516 = arith.constant 768 : i32
    %dma_start3A_517 = tpu.memref_slice %arg7[%dma_start3A_516] : memref<1024xi32, #tpu.memory_space<vmem>> -> memref<128xi32, #tpu.memory_space<vmem>>
    %dma_start3A_518 = arith.constant 0 : i32
    %dma_start3A_519 = arith.constant 0 : i32
    %dma_start3A_520 = tpu.memref_slice %arg3[%dma_start3A_518, %dma_start3A_519] : memref<8192x256xf32, #tpu.memory_space<hbm>> -> memref<8192x256xf32, #tpu.memory_space<hbm>>
    tpu.enqueue_indirect_dma source(%dma_start3A_520 : memref<8192x256xf32, #tpu.memory_space<hbm>>) target(%dma_start3A_515 : memref<128x256xf32, #tpu.memory_space<vmem>>) offsets(%dma_start3A_517 : memref<128xi32, #tpu.memory_space<vmem>>) semaphore(%arg10 : memref<!tpu.dma_semaphore, #tpu.memory_space<semaphore_mem>>)
    %dma_start3A_521 = arith.constant 0 : i32
    %dma_start3A_522 = arith.constant 0 : i32
    %dma_start3A_523 = arith.constant 0 : i32
    %dma_start3A_524 = tpu.memref_slice %arg9[%dma_start3A_521, %dma_start3A_522, %dma_start3A_523] : memref<2x128x128xf32, #tpu.memory_space<vmem>> -> memref<1x128x128xf32, #tpu.memory_space<vmem>>
    %dma_start3A_525 = tpu.memref_squeeze %dma_start3A_524 : memref<1x128x128xf32, #tpu.memory_space<vmem>> -> memref<128x128xf32, #tpu.memory_space<vmem>>
    %dma_start3A_526 = arith.constant 768 : i32
    %dma_start3A_527 = tpu.memref_slice %arg7[%dma_start3A_526] : memref<1024xi32, #tpu.memory_space<vmem>> -> memref<128xi32, #tpu.memory_space<vmem>>
    %dma_start3A_528 = arith.constant 0 : i32
    %dma_start3A_529 = arith.constant 0 : i32
    %dma_start3A_530 = tpu.memref_slice %arg4[%dma_start3A_528, %dma_start3A_529] : memref<8192x128xf32, #tpu.memory_space<hbm>> -> memref<8192x128xf32, #tpu.memory_space<hbm>>
    tpu.enqueue_indirect_dma source(%dma_start3A_530 : memref<8192x128xf32, #tpu.memory_space<hbm>>) target(%dma_start3A_525 : memref<128x128xf32, #tpu.memory_space<vmem>>) offsets(%dma_start3A_527 : memref<128xi32, #tpu.memory_space<vmem>>) semaphore(%arg10 : memref<!tpu.dma_semaphore, #tpu.memory_space<semaphore_mem>>)
    %add3A_531 = arith.constant 640 : i32
    %add3A_532 = arith.addi %mul3A_2, %add3A_531 : i32
    %dma_start3A_533 = arith.constant 1 : i32
    %dma_start3A_534 = arith.constant 0 : i32
    %dma_start3A_535 = arith.constant 0 : i32
    %dma_start3A_536 = tpu.memref_slice %arg8[%dma_start3A_533, %dma_start3A_534, %dma_start3A_535] : memref<2x128x256xf32, #tpu.memory_space<vmem>> -> memref<1x128x256xf32, #tpu.memory_space<vmem>>
    %dma_start3A_537 = tpu.memref_squeeze %dma_start3A_536 : memref<1x128x256xf32, #tpu.memory_space<vmem>> -> memref<128x256xf32, #tpu.memory_space<vmem>>
    %dma_start3A_538 = arith.constant 0 : i32
    %dma_start3A_539 = tpu.memref_slice %arg5[%add3A_532, %dma_start3A_538] : memref<32768x256xf32, #tpu.memory_space<hbm>> -> memref<128x256xf32, #tpu.memory_space<hbm>>
    %dma_start3A_540 = arith.constant 0 : i32
    %dma_start3A_541 = tpu.memref_slice %arg5[%add3A_532, %dma_start3A_540] : memref<32768x256xf32, #tpu.memory_space<hbm>> -> memref<128x256xf32, #tpu.memory_space<hbm>>
    %dma_start3A_542 = arith.constant 0 : i32
    %dma_start3A_543 = arith.constant 0 : i32
    %dma_start3A_544 = tpu.memref_slice %arg8[%dma_start3A_533, %dma_start3A_542, %dma_start3A_543] : memref<2x128x256xf32, #tpu.memory_space<vmem>> -> memref<1x128x256xf32, #tpu.memory_space<vmem>>
    %dma_start3A_545 = tpu.memref_squeeze %dma_start3A_544 : memref<1x128x256xf32, #tpu.memory_space<vmem>> -> memref<128x256xf32, #tpu.memory_space<vmem>>
    tpu.enqueue_dma source(%dma_start3A_545 : memref<128x256xf32, #tpu.memory_space<vmem>>) target(%dma_start3A_541 : memref<128x256xf32, #tpu.memory_space<hbm>>) target_semaphore(%arg11 : memref<!tpu.dma_semaphore, #tpu.memory_space<semaphore_mem>>)
    %dma_start3A_546 = arith.constant 1 : i32
    %dma_start3A_547 = arith.constant 0 : i32
    %dma_start3A_548 = arith.constant 0 : i32
    %dma_start3A_549 = tpu.memref_slice %arg9[%dma_start3A_546, %dma_start3A_547, %dma_start3A_548] : memref<2x128x128xf32, #tpu.memory_space<vmem>> -> memref<1x128x128xf32, #tpu.memory_space<vmem>>
    %dma_start3A_550 = tpu.memref_squeeze %dma_start3A_549 : memref<1x128x128xf32, #tpu.memory_space<vmem>> -> memref<128x128xf32, #tpu.memory_space<vmem>>
    %dma_start3A_551 = arith.constant 0 : i32
    %dma_start3A_552 = tpu.memref_slice %arg6[%add3A_532, %dma_start3A_551] : memref<32768x128xf32, #tpu.memory_space<hbm>> -> memref<128x128xf32, #tpu.memory_space<hbm>>
    %dma_start3A_553 = arith.constant 0 : i32
    %dma_start3A_554 = tpu.memref_slice %arg6[%add3A_532, %dma_start3A_553] : memref<32768x128xf32, #tpu.memory_space<hbm>> -> memref<128x128xf32, #tpu.memory_space<hbm>>
    %dma_start3A_555 = arith.constant 0 : i32
    %dma_start3A_556 = arith.constant 0 : i32
    %dma_start3A_557 = tpu.memref_slice %arg9[%dma_start3A_546, %dma_start3A_555, %dma_start3A_556] : memref<2x128x128xf32, #tpu.memory_space<vmem>> -> memref<1x128x128xf32, #tpu.memory_space<vmem>>
    %dma_start3A_558 = tpu.memref_squeeze %dma_start3A_557 : memref<1x128x128xf32, #tpu.memory_space<vmem>> -> memref<128x128xf32, #tpu.memory_space<vmem>>
    tpu.enqueue_dma source(%dma_start3A_558 : memref<128x128xf32, #tpu.memory_space<vmem>>) target(%dma_start3A_554 : memref<128x128xf32, #tpu.memory_space<hbm>>) target_semaphore(%arg11 : memref<!tpu.dma_semaphore, #tpu.memory_space<semaphore_mem>>)
    %dma_wait3A_559 = arith.constant 0 : i32
    %dma_wait3A_560 = arith.constant 0 : i32
    %dma_wait3A_561 = arith.constant 0 : i32
    %dma_wait3A_562 = tpu.memref_slice %arg8[%dma_wait3A_559, %dma_wait3A_560, %dma_wait3A_561] : memref<2x128x256xf32, #tpu.memory_space<vmem>> -> memref<1x128x256xf32, #tpu.memory_space<vmem>>
    %dma_wait3A_563 = tpu.memref_squeeze %dma_wait3A_562 : memref<1x128x256xf32, #tpu.memory_space<vmem>> -> memref<128x256xf32, #tpu.memory_space<vmem>>
    %dma_wait3A_564 = arith.constant 768 : i32
    %dma_wait3A_565 = tpu.memref_slice %arg7[%dma_wait3A_564] : memref<1024xi32, #tpu.memory_space<vmem>> -> memref<128xi32, #tpu.memory_space<vmem>>
    %dma_wait3A_566 = arith.constant 0 : i32
    %dma_wait3A_567 = arith.constant 0 : i32
    %dma_wait3A_568 = tpu.memref_slice %arg3[%dma_wait3A_566, %dma_wait3A_567] : memref<8192x256xf32, #tpu.memory_space<hbm>> -> memref<8192x256xf32, #tpu.memory_space<hbm>>
    tpu.wait_indirect_dma semaphore(%arg10 : memref<!tpu.dma_semaphore, #tpu.memory_space<semaphore_mem>>) src(%dma_wait3A_568 : memref<8192x256xf32, #tpu.memory_space<hbm>>) dst(%dma_wait3A_563 : memref<128x256xf32, #tpu.memory_space<vmem>>)
    %dma_wait3A_569 = arith.constant 0 : i32
    %dma_wait3A_570 = arith.constant 0 : i32
    %dma_wait3A_571 = arith.constant 0 : i32
    %dma_wait3A_572 = tpu.memref_slice %arg9[%dma_wait3A_569, %dma_wait3A_570, %dma_wait3A_571] : memref<2x128x128xf32, #tpu.memory_space<vmem>> -> memref<1x128x128xf32, #tpu.memory_space<vmem>>
    %dma_wait3A_573 = tpu.memref_squeeze %dma_wait3A_572 : memref<1x128x128xf32, #tpu.memory_space<vmem>> -> memref<128x128xf32, #tpu.memory_space<vmem>>
    %dma_wait3A_574 = arith.constant 768 : i32
    %dma_wait3A_575 = tpu.memref_slice %arg7[%dma_wait3A_574] : memref<1024xi32, #tpu.memory_space<vmem>> -> memref<128xi32, #tpu.memory_space<vmem>>
    %dma_wait3A_576 = arith.constant 0 : i32
    %dma_wait3A_577 = arith.constant 0 : i32
    %dma_wait3A_578 = tpu.memref_slice %arg4[%dma_wait3A_576, %dma_wait3A_577] : memref<8192x128xf32, #tpu.memory_space<hbm>> -> memref<8192x128xf32, #tpu.memory_space<hbm>>
    tpu.wait_indirect_dma semaphore(%arg10 : memref<!tpu.dma_semaphore, #tpu.memory_space<semaphore_mem>>) src(%dma_wait3A_578 : memref<8192x128xf32, #tpu.memory_space<hbm>>) dst(%dma_wait3A_573 : memref<128x128xf32, #tpu.memory_space<vmem>>)
    %dma_wait3A_579 = arith.constant 1 : i32
    %dma_wait3A_580 = arith.constant 0 : i32
    %dma_wait3A_581 = arith.constant 0 : i32
    %dma_wait3A_582 = tpu.memref_slice %arg8[%dma_wait3A_579, %dma_wait3A_580, %dma_wait3A_581] : memref<2x128x256xf32, #tpu.memory_space<vmem>> -> memref<1x128x256xf32, #tpu.memory_space<vmem>>
    %dma_wait3A_583 = tpu.memref_squeeze %dma_wait3A_582 : memref<1x128x256xf32, #tpu.memory_space<vmem>> -> memref<128x256xf32, #tpu.memory_space<vmem>>
    %dma_wait3A_584 = arith.constant 0 : i32
    %dma_wait3A_585 = tpu.memref_slice %arg5[%add3A_532, %dma_wait3A_584] : memref<32768x256xf32, #tpu.memory_space<hbm>> -> memref<128x256xf32, #tpu.memory_space<hbm>>
    %dma_wait3A_586 = arith.constant 0 : i32
    %dma_wait3A_587 = tpu.memref_slice %arg5[%add3A_532, %dma_wait3A_586] : memref<32768x256xf32, #tpu.memory_space<hbm>> -> memref<128x256xf32, #tpu.memory_space<hbm>>
    %dma_wait3A_588 = arith.constant 0 : i32
    %dma_wait3A_589 = arith.constant 0 : i32
    %dma_wait3A_590 = tpu.memref_slice %arg8[%dma_wait3A_579, %dma_wait3A_588, %dma_wait3A_589] : memref<2x128x256xf32, #tpu.memory_space<vmem>> -> memref<1x128x256xf32, #tpu.memory_space<vmem>>
    %dma_wait3A_591 = tpu.memref_squeeze %dma_wait3A_590 : memref<1x128x256xf32, #tpu.memory_space<vmem>> -> memref<128x256xf32, #tpu.memory_space<vmem>>
    tpu.wait_dma2 semaphore(%arg11 : memref<!tpu.dma_semaphore, #tpu.memory_space<semaphore_mem>>) src(%dma_wait3A_591 : memref<128x256xf32, #tpu.memory_space<vmem>>) dst(%dma_wait3A_587 : memref<128x256xf32, #tpu.memory_space<hbm>>)
    %dma_wait3A_592 = arith.constant 1 : i32
    %dma_wait3A_593 = arith.constant 0 : i32
    %dma_wait3A_594 = arith.constant 0 : i32
    %dma_wait3A_595 = tpu.memref_slice %arg9[%dma_wait3A_592, %dma_wait3A_593, %dma_wait3A_594] : memref<2x128x128xf32, #tpu.memory_space<vmem>> -> memref<1x128x128xf32, #tpu.memory_space<vmem>>
    %dma_wait3A_596 = tpu.memref_squeeze %dma_wait3A_595 : memref<1x128x128xf32, #tpu.memory_space<vmem>> -> memref<128x128xf32, #tpu.memory_space<vmem>>
    %dma_wait3A_597 = arith.constant 0 : i32
    %dma_wait3A_598 = tpu.memref_slice %arg6[%add3A_532, %dma_wait3A_597] : memref<32768x128xf32, #tpu.memory_space<hbm>> -> memref<128x128xf32, #tpu.memory_space<hbm>>
    %dma_wait3A_599 = arith.constant 0 : i32
    %dma_wait3A_600 = tpu.memref_slice %arg6[%add3A_532, %dma_wait3A_599] : memref<32768x128xf32, #tpu.memory_space<hbm>> -> memref<128x128xf32, #tpu.memory_space<hbm>>
    %dma_wait3A_601 = arith.constant 0 : i32
    %dma_wait3A_602 = arith.constant 0 : i32
    %dma_wait3A_603 = tpu.memref_slice %arg9[%dma_wait3A_592, %dma_wait3A_601, %dma_wait3A_602] : memref<2x128x128xf32, #tpu.memory_space<vmem>> -> memref<1x128x128xf32, #tpu.memory_space<vmem>>
    %dma_wait3A_604 = tpu.memref_squeeze %dma_wait3A_603 : memref<1x128x128xf32, #tpu.memory_space<vmem>> -> memref<128x128xf32, #tpu.memory_space<vmem>>
    tpu.wait_dma2 semaphore(%arg11 : memref<!tpu.dma_semaphore, #tpu.memory_space<semaphore_mem>>) src(%dma_wait3A_604 : memref<128x128xf32, #tpu.memory_space<vmem>>) dst(%dma_wait3A_600 : memref<128x128xf32, #tpu.memory_space<hbm>>)
    %dma_start3A_605 = arith.constant 1 : i32
    %dma_start3A_606 = arith.constant 0 : i32
    %dma_start3A_607 = arith.constant 0 : i32
    %dma_start3A_608 = tpu.memref_slice %arg8[%dma_start3A_605, %dma_start3A_606, %dma_start3A_607] : memref<2x128x256xf32, #tpu.memory_space<vmem>> -> memref<1x128x256xf32, #tpu.memory_space<vmem>>
    %dma_start3A_609 = tpu.memref_squeeze %dma_start3A_608 : memref<1x128x256xf32, #tpu.memory_space<vmem>> -> memref<128x256xf32, #tpu.memory_space<vmem>>
    %dma_start3A_610 = arith.constant 896 : i32
    %dma_start3A_611 = tpu.memref_slice %arg7[%dma_start3A_610] : memref<1024xi32, #tpu.memory_space<vmem>> -> memref<128xi32, #tpu.memory_space<vmem>>
    %dma_start3A_612 = arith.constant 0 : i32
    %dma_start3A_613 = arith.constant 0 : i32
    %dma_start3A_614 = tpu.memref_slice %arg3[%dma_start3A_612, %dma_start3A_613] : memref<8192x256xf32, #tpu.memory_space<hbm>> -> memref<8192x256xf32, #tpu.memory_space<hbm>>
    tpu.enqueue_indirect_dma source(%dma_start3A_614 : memref<8192x256xf32, #tpu.memory_space<hbm>>) target(%dma_start3A_609 : memref<128x256xf32, #tpu.memory_space<vmem>>) offsets(%dma_start3A_611 : memref<128xi32, #tpu.memory_space<vmem>>) semaphore(%arg10 : memref<!tpu.dma_semaphore, #tpu.memory_space<semaphore_mem>>)
    %dma_start3A_615 = arith.constant 1 : i32
    %dma_start3A_616 = arith.constant 0 : i32
    %dma_start3A_617 = arith.constant 0 : i32
    %dma_start3A_618 = tpu.memref_slice %arg9[%dma_start3A_615, %dma_start3A_616, %dma_start3A_617] : memref<2x128x128xf32, #tpu.memory_space<vmem>> -> memref<1x128x128xf32, #tpu.memory_space<vmem>>
    %dma_start3A_619 = tpu.memref_squeeze %dma_start3A_618 : memref<1x128x128xf32, #tpu.memory_space<vmem>> -> memref<128x128xf32, #tpu.memory_space<vmem>>
    %dma_start3A_620 = arith.constant 896 : i32
    %dma_start3A_621 = tpu.memref_slice %arg7[%dma_start3A_620] : memref<1024xi32, #tpu.memory_space<vmem>> -> memref<128xi32, #tpu.memory_space<vmem>>
    %dma_start3A_622 = arith.constant 0 : i32
    %dma_start3A_623 = arith.constant 0 : i32
    %dma_start3A_624 = tpu.memref_slice %arg4[%dma_start3A_622, %dma_start3A_623] : memref<8192x128xf32, #tpu.memory_space<hbm>> -> memref<8192x128xf32, #tpu.memory_space<hbm>>
    tpu.enqueue_indirect_dma source(%dma_start3A_624 : memref<8192x128xf32, #tpu.memory_space<hbm>>) target(%dma_start3A_619 : memref<128x128xf32, #tpu.memory_space<vmem>>) offsets(%dma_start3A_621 : memref<128xi32, #tpu.memory_space<vmem>>) semaphore(%arg10 : memref<!tpu.dma_semaphore, #tpu.memory_space<semaphore_mem>>)
    %add3A_625 = arith.constant 768 : i32
    %add3A_626 = arith.addi %mul3A_2, %add3A_625 : i32
    %dma_start3A_627 = arith.constant 0 : i32
    %dma_start3A_628 = arith.constant 0 : i32
    %dma_start3A_629 = arith.constant 0 : i32
    %dma_start3A_630 = tpu.memref_slice %arg8[%dma_start3A_627, %dma_start3A_628, %dma_start3A_629] : memref<2x128x256xf32, #tpu.memory_space<vmem>> -> memref<1x128x256xf32, #tpu.memory_space<vmem>>
    %dma_start3A_631 = tpu.memref_squeeze %dma_start3A_630 : memref<1x128x256xf32, #tpu.memory_space<vmem>> -> memref<128x256xf32, #tpu.memory_space<vmem>>
    %dma_start3A_632 = arith.constant 0 : i32
    %dma_start3A_633 = tpu.memref_slice %arg5[%add3A_626, %dma_start3A_632] : memref<32768x256xf32, #tpu.memory_space<hbm>> -> memref<128x256xf32, #tpu.memory_space<hbm>>
    %dma_start3A_634 = arith.constant 0 : i32
    %dma_start3A_635 = tpu.memref_slice %arg5[%add3A_626, %dma_start3A_634] : memref<32768x256xf32, #tpu.memory_space<hbm>> -> memref<128x256xf32, #tpu.memory_space<hbm>>
    %dma_start3A_636 = arith.constant 0 : i32
    %dma_start3A_637 = arith.constant 0 : i32
    %dma_start3A_638 = tpu.memref_slice %arg8[%dma_start3A_627, %dma_start3A_636, %dma_start3A_637] : memref<2x128x256xf32, #tpu.memory_space<vmem>> -> memref<1x128x256xf32, #tpu.memory_space<vmem>>
    %dma_start3A_639 = tpu.memref_squeeze %dma_start3A_638 : memref<1x128x256xf32, #tpu.memory_space<vmem>> -> memref<128x256xf32, #tpu.memory_space<vmem>>
    tpu.enqueue_dma source(%dma_start3A_639 : memref<128x256xf32, #tpu.memory_space<vmem>>) target(%dma_start3A_635 : memref<128x256xf32, #tpu.memory_space<hbm>>) target_semaphore(%arg11 : memref<!tpu.dma_semaphore, #tpu.memory_space<semaphore_mem>>)
    %dma_start3A_640 = arith.constant 0 : i32
    %dma_start3A_641 = arith.constant 0 : i32
    %dma_start3A_642 = arith.constant 0 : i32
    %dma_start3A_643 = tpu.memref_slice %arg9[%dma_start3A_640, %dma_start3A_641, %dma_start3A_642] : memref<2x128x128xf32, #tpu.memory_space<vmem>> -> memref<1x128x128xf32, #tpu.memory_space<vmem>>
    %dma_start3A_644 = tpu.memref_squeeze %dma_start3A_643 : memref<1x128x128xf32, #tpu.memory_space<vmem>> -> memref<128x128xf32, #tpu.memory_space<vmem>>
    %dma_start3A_645 = arith.constant 0 : i32
    %dma_start3A_646 = tpu.memref_slice %arg6[%add3A_626, %dma_start3A_645] : memref<32768x128xf32, #tpu.memory_space<hbm>> -> memref<128x128xf32, #tpu.memory_space<hbm>>
    %dma_start3A_647 = arith.constant 0 : i32
    %dma_start3A_648 = tpu.memref_slice %arg6[%add3A_626, %dma_start3A_647] : memref<32768x128xf32, #tpu.memory_space<hbm>> -> memref<128x128xf32, #tpu.memory_space<hbm>>
    %dma_start3A_649 = arith.constant 0 : i32
    %dma_start3A_650 = arith.constant 0 : i32
    %dma_start3A_651 = tpu.memref_slice %arg9[%dma_start3A_640, %dma_start3A_649, %dma_start3A_650] : memref<2x128x128xf32, #tpu.memory_space<vmem>> -> memref<1x128x128xf32, #tpu.memory_space<vmem>>
    %dma_start3A_652 = tpu.memref_squeeze %dma_start3A_651 : memref<1x128x128xf32, #tpu.memory_space<vmem>> -> memref<128x128xf32, #tpu.memory_space<vmem>>
    tpu.enqueue_dma source(%dma_start3A_652 : memref<128x128xf32, #tpu.memory_space<vmem>>) target(%dma_start3A_648 : memref<128x128xf32, #tpu.memory_space<hbm>>) target_semaphore(%arg11 : memref<!tpu.dma_semaphore, #tpu.memory_space<semaphore_mem>>)
    %dma_wait3A_653 = arith.constant 1 : i32
    %dma_wait3A_654 = arith.constant 0 : i32
    %dma_wait3A_655 = arith.constant 0 : i32
    %dma_wait3A_656 = tpu.memref_slice %arg8[%dma_wait3A_653, %dma_wait3A_654, %dma_wait3A_655] : memref<2x128x256xf32, #tpu.memory_space<vmem>> -> memref<1x128x256xf32, #tpu.memory_space<vmem>>
    %dma_wait3A_657 = tpu.memref_squeeze %dma_wait3A_656 : memref<1x128x256xf32, #tpu.memory_space<vmem>> -> memref<128x256xf32, #tpu.memory_space<vmem>>
    %dma_wait3A_658 = arith.constant 896 : i32
    %dma_wait3A_659 = tpu.memref_slice %arg7[%dma_wait3A_658] : memref<1024xi32, #tpu.memory_space<vmem>> -> memref<128xi32, #tpu.memory_space<vmem>>
    %dma_wait3A_660 = arith.constant 0 : i32
    %dma_wait3A_661 = arith.constant 0 : i32
    %dma_wait3A_662 = tpu.memref_slice %arg3[%dma_wait3A_660, %dma_wait3A_661] : memref<8192x256xf32, #tpu.memory_space<hbm>> -> memref<8192x256xf32, #tpu.memory_space<hbm>>
    tpu.wait_indirect_dma semaphore(%arg10 : memref<!tpu.dma_semaphore, #tpu.memory_space<semaphore_mem>>) src(%dma_wait3A_662 : memref<8192x256xf32, #tpu.memory_space<hbm>>) dst(%dma_wait3A_657 : memref<128x256xf32, #tpu.memory_space<vmem>>)
    %dma_wait3A_663 = arith.constant 1 : i32
    %dma_wait3A_664 = arith.constant 0 : i32
    %dma_wait3A_665 = arith.constant 0 : i32
    %dma_wait3A_666 = tpu.memref_slice %arg9[%dma_wait3A_663, %dma_wait3A_664, %dma_wait3A_665] : memref<2x128x128xf32, #tpu.memory_space<vmem>> -> memref<1x128x128xf32, #tpu.memory_space<vmem>>
    %dma_wait3A_667 = tpu.memref_squeeze %dma_wait3A_666 : memref<1x128x128xf32, #tpu.memory_space<vmem>> -> memref<128x128xf32, #tpu.memory_space<vmem>>
    %dma_wait3A_668 = arith.constant 896 : i32
    %dma_wait3A_669 = tpu.memref_slice %arg7[%dma_wait3A_668] : memref<1024xi32, #tpu.memory_space<vmem>> -> memref<128xi32, #tpu.memory_space<vmem>>
    %dma_wait3A_670 = arith.constant 0 : i32
    %dma_wait3A_671 = arith.constant 0 : i32
    %dma_wait3A_672 = tpu.memref_slice %arg4[%dma_wait3A_670, %dma_wait3A_671] : memref<8192x128xf32, #tpu.memory_space<hbm>> -> memref<8192x128xf32, #tpu.memory_space<hbm>>
    tpu.wait_indirect_dma semaphore(%arg10 : memref<!tpu.dma_semaphore, #tpu.memory_space<semaphore_mem>>) src(%dma_wait3A_672 : memref<8192x128xf32, #tpu.memory_space<hbm>>) dst(%dma_wait3A_667 : memref<128x128xf32, #tpu.memory_space<vmem>>)
    %dma_wait3A_673 = arith.constant 0 : i32
    %dma_wait3A_674 = arith.constant 0 : i32
    %dma_wait3A_675 = arith.constant 0 : i32
    %dma_wait3A_676 = tpu.memref_slice %arg8[%dma_wait3A_673, %dma_wait3A_674, %dma_wait3A_675] : memref<2x128x256xf32, #tpu.memory_space<vmem>> -> memref<1x128x256xf32, #tpu.memory_space<vmem>>
    %dma_wait3A_677 = tpu.memref_squeeze %dma_wait3A_676 : memref<1x128x256xf32, #tpu.memory_space<vmem>> -> memref<128x256xf32, #tpu.memory_space<vmem>>
    %dma_wait3A_678 = arith.constant 0 : i32
    %dma_wait3A_679 = tpu.memref_slice %arg5[%add3A_626, %dma_wait3A_678] : memref<32768x256xf32, #tpu.memory_space<hbm>> -> memref<128x256xf32, #tpu.memory_space<hbm>>
    %dma_wait3A_680 = arith.constant 0 : i32
    %dma_wait3A_681 = tpu.memref_slice %arg5[%add3A_626, %dma_wait3A_680] : memref<32768x256xf32, #tpu.memory_space<hbm>> -> memref<128x256xf32, #tpu.memory_space<hbm>>
    %dma_wait3A_682 = arith.constant 0 : i32
    %dma_wait3A_683 = arith.constant 0 : i32
    %dma_wait3A_684 = tpu.memref_slice %arg8[%dma_wait3A_673, %dma_wait3A_682, %dma_wait3A_683] : memref<2x128x256xf32, #tpu.memory_space<vmem>> -> memref<1x128x256xf32, #tpu.memory_space<vmem>>
    %dma_wait3A_685 = tpu.memref_squeeze %dma_wait3A_684 : memref<1x128x256xf32, #tpu.memory_space<vmem>> -> memref<128x256xf32, #tpu.memory_space<vmem>>
    tpu.wait_dma2 semaphore(%arg11 : memref<!tpu.dma_semaphore, #tpu.memory_space<semaphore_mem>>) src(%dma_wait3A_685 : memref<128x256xf32, #tpu.memory_space<vmem>>) dst(%dma_wait3A_681 : memref<128x256xf32, #tpu.memory_space<hbm>>)
    %dma_wait3A_686 = arith.constant 0 : i32
    %dma_wait3A_687 = arith.constant 0 : i32
    %dma_wait3A_688 = arith.constant 0 : i32
    %dma_wait3A_689 = tpu.memref_slice %arg9[%dma_wait3A_686, %dma_wait3A_687, %dma_wait3A_688] : memref<2x128x128xf32, #tpu.memory_space<vmem>> -> memref<1x128x128xf32, #tpu.memory_space<vmem>>
    %dma_wait3A_690 = tpu.memref_squeeze %dma_wait3A_689 : memref<1x128x128xf32, #tpu.memory_space<vmem>> -> memref<128x128xf32, #tpu.memory_space<vmem>>
    %dma_wait3A_691 = arith.constant 0 : i32
    %dma_wait3A_692 = tpu.memref_slice %arg6[%add3A_626, %dma_wait3A_691] : memref<32768x128xf32, #tpu.memory_space<hbm>> -> memref<128x128xf32, #tpu.memory_space<hbm>>
    %dma_wait3A_693 = arith.constant 0 : i32
    %dma_wait3A_694 = tpu.memref_slice %arg6[%add3A_626, %dma_wait3A_693] : memref<32768x128xf32, #tpu.memory_space<hbm>> -> memref<128x128xf32, #tpu.memory_space<hbm>>
    %dma_wait3A_695 = arith.constant 0 : i32
    %dma_wait3A_696 = arith.constant 0 : i32
    %dma_wait3A_697 = tpu.memref_slice %arg9[%dma_wait3A_686, %dma_wait3A_695, %dma_wait3A_696] : memref<2x128x128xf32, #tpu.memory_space<vmem>> -> memref<1x128x128xf32, #tpu.memory_space<vmem>>
    %dma_wait3A_698 = tpu.memref_squeeze %dma_wait3A_697 : memref<1x128x128xf32, #tpu.memory_space<vmem>> -> memref<128x128xf32, #tpu.memory_space<vmem>>
    tpu.wait_dma2 semaphore(%arg11 : memref<!tpu.dma_semaphore, #tpu.memory_space<semaphore_mem>>) src(%dma_wait3A_698 : memref<128x128xf32, #tpu.memory_space<vmem>>) dst(%dma_wait3A_694 : memref<128x128xf32, #tpu.memory_space<hbm>>)
    %add3A_699 = arith.constant 896 : i32
    %add3A_700 = arith.addi %mul3A_2, %add3A_699 : i32
    %dma_start3A_701 = arith.constant 1 : i32
    %dma_start3A_702 = arith.constant 0 : i32
    %dma_start3A_703 = arith.constant 0 : i32
    %dma_start3A_704 = tpu.memref_slice %arg8[%dma_start3A_701, %dma_start3A_702, %dma_start3A_703] : memref<2x128x256xf32, #tpu.memory_space<vmem>> -> memref<1x128x256xf32, #tpu.memory_space<vmem>>
    %dma_start3A_705 = tpu.memref_squeeze %dma_start3A_704 : memref<1x128x256xf32, #tpu.memory_space<vmem>> -> memref<128x256xf32, #tpu.memory_space<vmem>>
    %dma_start3A_706 = arith.constant 0 : i32
    %dma_start3A_707 = tpu.memref_slice %arg5[%add3A_700, %dma_start3A_706] : memref<32768x256xf32, #tpu.memory_space<hbm>> -> memref<128x256xf32, #tpu.memory_space<hbm>>
    %dma_start3A_708 = arith.constant 0 : i32
    %dma_start3A_709 = tpu.memref_slice %arg5[%add3A_700, %dma_start3A_708] : memref<32768x256xf32, #tpu.memory_space<hbm>> -> memref<128x256xf32, #tpu.memory_space<hbm>>
    %dma_start3A_710 = arith.constant 0 : i32
    %dma_start3A_711 = arith.constant 0 : i32
    %dma_start3A_712 = tpu.memref_slice %arg8[%dma_start3A_701, %dma_start3A_710, %dma_start3A_711] : memref<2x128x256xf32, #tpu.memory_space<vmem>> -> memref<1x128x256xf32, #tpu.memory_space<vmem>>
    %dma_start3A_713 = tpu.memref_squeeze %dma_start3A_712 : memref<1x128x256xf32, #tpu.memory_space<vmem>> -> memref<128x256xf32, #tpu.memory_space<vmem>>
    tpu.enqueue_dma source(%dma_start3A_713 : memref<128x256xf32, #tpu.memory_space<vmem>>) target(%dma_start3A_709 : memref<128x256xf32, #tpu.memory_space<hbm>>) target_semaphore(%arg11 : memref<!tpu.dma_semaphore, #tpu.memory_space<semaphore_mem>>)
    %dma_start3A_714 = arith.constant 1 : i32
    %dma_start3A_715 = arith.constant 0 : i32
    %dma_start3A_716 = arith.constant 0 : i32
    %dma_start3A_717 = tpu.memref_slice %arg9[%dma_start3A_714, %dma_start3A_715, %dma_start3A_716] : memref<2x128x128xf32, #tpu.memory_space<vmem>> -> memref<1x128x128xf32, #tpu.memory_space<vmem>>
    %dma_start3A_718 = tpu.memref_squeeze %dma_start3A_717 : memref<1x128x128xf32, #tpu.memory_space<vmem>> -> memref<128x128xf32, #tpu.memory_space<vmem>>
    %dma_start3A_719 = arith.constant 0 : i32
    %dma_start3A_720 = tpu.memref_slice %arg6[%add3A_700, %dma_start3A_719] : memref<32768x128xf32, #tpu.memory_space<hbm>> -> memref<128x128xf32, #tpu.memory_space<hbm>>
    %dma_start3A_721 = arith.constant 0 : i32
    %dma_start3A_722 = tpu.memref_slice %arg6[%add3A_700, %dma_start3A_721] : memref<32768x128xf32, #tpu.memory_space<hbm>> -> memref<128x128xf32, #tpu.memory_space<hbm>>
    %dma_start3A_723 = arith.constant 0 : i32
    %dma_start3A_724 = arith.constant 0 : i32
    %dma_start3A_725 = tpu.memref_slice %arg9[%dma_start3A_714, %dma_start3A_723, %dma_start3A_724] : memref<2x128x128xf32, #tpu.memory_space<vmem>> -> memref<1x128x128xf32, #tpu.memory_space<vmem>>
    %dma_start3A_726 = tpu.memref_squeeze %dma_start3A_725 : memref<1x128x128xf32, #tpu.memory_space<vmem>> -> memref<128x128xf32, #tpu.memory_space<vmem>>
    tpu.enqueue_dma source(%dma_start3A_726 : memref<128x128xf32, #tpu.memory_space<vmem>>) target(%dma_start3A_722 : memref<128x128xf32, #tpu.memory_space<hbm>>) target_semaphore(%arg11 : memref<!tpu.dma_semaphore, #tpu.memory_space<semaphore_mem>>)
    %dma_wait3A_727 = arith.constant 1 : i32
    %dma_wait3A_728 = arith.constant 0 : i32
    %dma_wait3A_729 = arith.constant 0 : i32
    %dma_wait3A_730 = tpu.memref_slice %arg8[%dma_wait3A_727, %dma_wait3A_728, %dma_wait3A_729] : memref<2x128x256xf32, #tpu.memory_space<vmem>> -> memref<1x128x256xf32, #tpu.memory_space<vmem>>
    %dma_wait3A_731 = tpu.memref_squeeze %dma_wait3A_730 : memref<1x128x256xf32, #tpu.memory_space<vmem>> -> memref<128x256xf32, #tpu.memory_space<vmem>>
    %dma_wait3A_732 = arith.constant 0 : i32
    %dma_wait3A_733 = tpu.memref_slice %arg5[%add3A_700, %dma_wait3A_732] : memref<32768x256xf32, #tpu.memory_space<hbm>> -> memref<128x256xf32, #tpu.memory_space<hbm>>
    %dma_wait3A_734 = arith.constant 0 : i32
    %dma_wait3A_735 = tpu.memref_slice %arg5[%add3A_700, %dma_wait3A_734] : memref<32768x256xf32, #tpu.memory_space<hbm>> -> memref<128x256xf32, #tpu.memory_space<hbm>>
    %dma_wait3A_736 = arith.constant 0 : i32
    %dma_wait3A_737 = arith.constant 0 : i32
    %dma_wait3A_738 = tpu.memref_slice %arg8[%dma_wait3A_727, %dma_wait3A_736, %dma_wait3A_737] : memref<2x128x256xf32, #tpu.memory_space<vmem>> -> memref<1x128x256xf32, #tpu.memory_space<vmem>>
    %dma_wait3A_739 = tpu.memref_squeeze %dma_wait3A_738 : memref<1x128x256xf32, #tpu.memory_space<vmem>> -> memref<128x256xf32, #tpu.memory_space<vmem>>
    tpu.wait_dma2 semaphore(%arg11 : memref<!tpu.dma_semaphore, #tpu.memory_space<semaphore_mem>>) src(%dma_wait3A_739 : memref<128x256xf32, #tpu.memory_space<vmem>>) dst(%dma_wait3A_735 : memref<128x256xf32, #tpu.memory_space<hbm>>)
    %dma_wait3A_740 = arith.constant 1 : i32
    %dma_wait3A_741 = arith.constant 0 : i32
    %dma_wait3A_742 = arith.constant 0 : i32
    %dma_wait3A_743 = tpu.memref_slice %arg9[%dma_wait3A_740, %dma_wait3A_741, %dma_wait3A_742] : memref<2x128x128xf32, #tpu.memory_space<vmem>> -> memref<1x128x128xf32, #tpu.memory_space<vmem>>
    %dma_wait3A_744 = tpu.memref_squeeze %dma_wait3A_743 : memref<1x128x128xf32, #tpu.memory_space<vmem>> -> memref<128x128xf32, #tpu.memory_space<vmem>>
    %dma_wait3A_745 = arith.constant 0 : i32
    %dma_wait3A_746 = tpu.memref_slice %arg6[%add3A_700, %dma_wait3A_745] : memref<32768x128xf32, #tpu.memory_space<hbm>> -> memref<128x128xf32, #tpu.memory_space<hbm>>
    %dma_wait3A_747 = arith.constant 0 : i32
    %dma_wait3A_748 = tpu.memref_slice %arg6[%add3A_700, %dma_wait3A_747] : memref<32768x128xf32, #tpu.memory_space<hbm>> -> memref<128x128xf32, #tpu.memory_space<hbm>>
    %dma_wait3A_749 = arith.constant 0 : i32
    %dma_wait3A_750 = arith.constant 0 : i32
    %dma_wait3A_751 = tpu.memref_slice %arg9[%dma_wait3A_740, %dma_wait3A_749, %dma_wait3A_750] : memref<2x128x128xf32, #tpu.memory_space<vmem>> -> memref<1x128x128xf32, #tpu.memory_space<vmem>>
    %dma_wait3A_752 = tpu.memref_squeeze %dma_wait3A_751 : memref<1x128x128xf32, #tpu.memory_space<vmem>> -> memref<128x128xf32, #tpu.memory_space<vmem>>
    tpu.wait_dma2 semaphore(%arg11 : memref<!tpu.dma_semaphore, #tpu.memory_space<semaphore_mem>>) src(%dma_wait3A_752 : memref<128x128xf32, #tpu.memory_space<vmem>>) dst(%dma_wait3A_748 : memref<128x128xf32, #tpu.memory_space<hbm>>)
    return
  }
}

#map = affine_map<(d0, d1) -> (0)>
#map1 = affine_map<(d0, d1) -> (0, 0)>
module attributes {stable_mosaic.version = 14 : i64} {
  func.func @gather_k(%arg0: i32, %arg1: i32, %arg2: memref<2048xi32, #tpu.memory_space<hbm>>, %arg3: memref<8192x128xf32, #tpu.memory_space<hbm>>, %arg4: memref<2048x128xf32, #tpu.memory_space<hbm>>, %arg5: memref<64xi32, #tpu.memory_space<vmem>>, %arg6: memref<64x128xf32, #tpu.memory_space<vmem>>, %arg7: memref<!tpu.dma_semaphore, #tpu.memory_space<semaphore_mem>>) attributes {dimension_semantics = [#tpu.dimension_semantics<core_parallel>, #tpu.dimension_semantics<subcore_parallel>], iteration_bounds = array<i64: 2, 16>, scalar_prefetch = 0 : i64, scratch_operands = 3 : i64, tpu.core_type = #tpu.core_type<sc_vector_subcore>, window_params = [{transform_indices = #map}, {transform_indices = #map1}, {transform_indices = #map1}]} {
    %mul3A = arith.constant 2 : i32
    %mul3A_0 = arith.muli %arg1, %mul3A : i32
    %add3A = arith.addi %mul3A_0, %arg0 : i32
    %mul3A_1 = arith.constant 1 : i32
    %mul3A_2 = arith.muli %add3A, %mul3A_1 : i32
    %add3A_3 = arith.constant 0 : i32
    %add3A_4 = arith.addi %mul3A_2, %add3A_3 : i32
    %mul3A_5 = arith.constant 64 : i32
    %mul3A_6 = arith.muli %add3A_4, %mul3A_5 : i32
    "tpu.region"() ({
      %run_scoped3A = tpu.sem_alloc : memref<!tpu.dma_semaphore, #tpu.memory_space<semaphore_mem>>
      %dma_start3A_11 = tpu.memref_slice %arg2[%mul3A_6] : memref<2048xi32, #tpu.memory_space<hbm>> -> memref<64xi32, #tpu.memory_space<hbm>>
      %dma_start3A_12 = tpu.memref_slice %arg2[%mul3A_6] : memref<2048xi32, #tpu.memory_space<hbm>> -> memref<64xi32, #tpu.memory_space<hbm>>
      tpu.enqueue_dma source(%dma_start3A_12 : memref<64xi32, #tpu.memory_space<hbm>>) target(%arg5 : memref<64xi32, #tpu.memory_space<vmem>>) target_semaphore(%run_scoped3A : memref<!tpu.dma_semaphore, #tpu.memory_space<semaphore_mem>>)
      %dma_wait3A_13 = tpu.memref_slice %arg2[%mul3A_6] : memref<2048xi32, #tpu.memory_space<hbm>> -> memref<64xi32, #tpu.memory_space<hbm>>
      %dma_wait3A_14 = tpu.memref_slice %arg2[%mul3A_6] : memref<2048xi32, #tpu.memory_space<hbm>> -> memref<64xi32, #tpu.memory_space<hbm>>
      tpu.wait_dma2 semaphore(%run_scoped3A : memref<!tpu.dma_semaphore, #tpu.memory_space<semaphore_mem>>) src(%dma_wait3A_14 : memref<64xi32, #tpu.memory_space<hbm>>) dst(%arg5 : memref<64xi32, #tpu.memory_space<vmem>>)
      tpu.yield
    }) : () -> ()
    %dma_start3A = arith.constant 0 : i32
    %dma_start3A_7 = arith.constant 0 : i32
    %dma_start3A_8 = tpu.memref_slice %arg3[%dma_start3A, %dma_start3A_7] : memref<8192x128xf32, #tpu.memory_space<hbm>> -> memref<8192x128xf32, #tpu.memory_space<hbm>>
    tpu.enqueue_indirect_dma source(%dma_start3A_8 : memref<8192x128xf32, #tpu.memory_space<hbm>>) target(%arg6 : memref<64x128xf32, #tpu.memory_space<vmem>>) offsets(%arg5 : memref<64xi32, #tpu.memory_space<vmem>>) semaphore(%arg7 : memref<!tpu.dma_semaphore, #tpu.memory_space<semaphore_mem>>)
    %dma_wait3A = arith.constant 0 : i32
    %dma_wait3A_9 = arith.constant 0 : i32
    %dma_wait3A_10 = tpu.memref_slice %arg3[%dma_wait3A, %dma_wait3A_9] : memref<8192x128xf32, #tpu.memory_space<hbm>> -> memref<8192x128xf32, #tpu.memory_space<hbm>>
    tpu.wait_indirect_dma semaphore(%arg7 : memref<!tpu.dma_semaphore, #tpu.memory_space<semaphore_mem>>) src(%dma_wait3A_10 : memref<8192x128xf32, #tpu.memory_space<hbm>>) dst(%arg6 : memref<64x128xf32, #tpu.memory_space<vmem>>)
    "tpu.region"() ({
      %run_scoped3A = tpu.sem_alloc : memref<!tpu.dma_semaphore, #tpu.memory_space<semaphore_mem>>
      %dma_start3A_11 = arith.constant 0 : i32
      %dma_start3A_12 = tpu.memref_slice %arg4[%mul3A_6, %dma_start3A_11] : memref<2048x128xf32, #tpu.memory_space<hbm>> -> memref<64x128xf32, #tpu.memory_space<hbm>>
      %dma_start3A_13 = arith.constant 0 : i32
      %dma_start3A_14 = tpu.memref_slice %arg4[%mul3A_6, %dma_start3A_13] : memref<2048x128xf32, #tpu.memory_space<hbm>> -> memref<64x128xf32, #tpu.memory_space<hbm>>
      tpu.enqueue_dma source(%arg6 : memref<64x128xf32, #tpu.memory_space<vmem>>) target(%dma_start3A_14 : memref<64x128xf32, #tpu.memory_space<hbm>>) target_semaphore(%run_scoped3A : memref<!tpu.dma_semaphore, #tpu.memory_space<semaphore_mem>>)
      %dma_wait3A_15 = arith.constant 0 : i32
      %dma_wait3A_16 = tpu.memref_slice %arg4[%mul3A_6, %dma_wait3A_15] : memref<2048x128xf32, #tpu.memory_space<hbm>> -> memref<64x128xf32, #tpu.memory_space<hbm>>
      %dma_wait3A_17 = arith.constant 0 : i32
      %dma_wait3A_18 = tpu.memref_slice %arg4[%mul3A_6, %dma_wait3A_17] : memref<2048x128xf32, #tpu.memory_space<hbm>> -> memref<64x128xf32, #tpu.memory_space<hbm>>
      tpu.wait_dma2 semaphore(%run_scoped3A : memref<!tpu.dma_semaphore, #tpu.memory_space<semaphore_mem>>) src(%arg6 : memref<64x128xf32, #tpu.memory_space<vmem>>) dst(%dma_wait3A_18 : memref<64x128xf32, #tpu.memory_space<hbm>>)
      tpu.yield
    }) : () -> ()
    return
  }
}

module attributes {stable_mosaic.version = 14 : i64} {
  func.func @_knn_body(%arg0: i32, %arg1: i32, %arg2: memref<1x16x4096xf32, #tpu.memory_space<vmem>>, %arg3: memref<1x256x16xf32, #tpu.memory_space<vmem>>, %arg4: memref<1x256x16xi32, #tpu.memory_space<vmem>>) attributes {dimension_semantics = [#tpu.dimension_semantics<arbitrary>, #tpu.dimension_semantics<arbitrary>], iteration_bounds = array<i64: 2, 4>, scalar_prefetch = 0 : i64, scratch_operands = 0 : i64, tpu.core_type = #tpu.core_type<tc>, window_params = [{transform_indices = @transform_0, window_bounds = array<i64: 1, 16, 4096>}, {transform_indices = @transform_1, window_bounds = array<i64: 1, 256, 16>}, {transform_indices = @transform_2, window_bounds = array<i64: 1, 256, 16>}]} {
    %get3A = arith.constant 0 : index
    %get3A_0 = arith.constant 0 : index
    %get3A_1 = arith.constant 0 : index
    %get3A_2 = vector.load %arg2[%get3A, %get3A_0, %get3A_1] : memref<1x16x4096xf32, #tpu.memory_space<vmem>>, vector<1x16x4096xf32>
    %get3A_3 = vector.shape_cast %get3A_2 : vector<1x16x4096xf32> to vector<16x4096xf32>
    %get3A_4 = arith.constant 0 : index
    %get3A_5 = arith.constant 0 : index
    %get3A_6 = arith.constant 0 : index
    %get3A_7 = vector.load %arg3[%get3A_4, %get3A_5, %get3A_6] : memref<1x256x16xf32, #tpu.memory_space<vmem>>, vector<1x256x16xf32>
    %get3A_8 = vector.shape_cast %get3A_7 : vector<1x256x16xf32> to vector<256x16xf32>
    %slice3A = vector.extract_strided_slice %get3A_3 {offsets = [0, 0], sizes = [1, 4096], strides = [1, 1]} : vector<16x4096xf32> to vector<1x4096xf32>
    %slice3A_9 = vector.extract_strided_slice %get3A_3 {offsets = [0, 0], sizes = [1, 4096], strides = [1, 1]} : vector<16x4096xf32> to vector<1x4096xf32>
    %mul3A = arith.mulf %slice3A, %slice3A_9 : vector<1x4096xf32>
    %slice3A_10 = vector.extract_strided_slice %get3A_3 {offsets = [1, 0], sizes = [1, 4096], strides = [1, 1]} : vector<16x4096xf32> to vector<1x4096xf32>
    %slice3A_11 = vector.extract_strided_slice %get3A_3 {offsets = [1, 0], sizes = [1, 4096], strides = [1, 1]} : vector<16x4096xf32> to vector<1x4096xf32>
    %mul3A_12 = arith.mulf %slice3A_10, %slice3A_11 : vector<1x4096xf32>
    %add3A = arith.addf %mul3A, %mul3A_12 : vector<1x4096xf32>
    %slice3A_13 = vector.extract_strided_slice %get3A_3 {offsets = [2, 0], sizes = [1, 4096], strides = [1, 1]} : vector<16x4096xf32> to vector<1x4096xf32>
    %slice3A_14 = vector.extract_strided_slice %get3A_3 {offsets = [2, 0], sizes = [1, 4096], strides = [1, 1]} : vector<16x4096xf32> to vector<1x4096xf32>
    %mul3A_15 = arith.mulf %slice3A_13, %slice3A_14 : vector<1x4096xf32>
    %add3A_16 = arith.addf %add3A, %mul3A_15 : vector<1x4096xf32>
    %slice3A_17 = vector.extract_strided_slice %get3A_8 {offsets = [0, 0], sizes = [256, 1], strides = [1, 1]} : vector<256x16xf32> to vector<256x1xf32>
    %slice3A_18 = vector.extract_strided_slice %get3A_8 {offsets = [0, 0], sizes = [256, 1], strides = [1, 1]} : vector<256x16xf32> to vector<256x1xf32>
    %mul3A_19 = arith.mulf %slice3A_17, %slice3A_18 : vector<256x1xf32>
    %slice3A_20 = vector.extract_strided_slice %get3A_8 {offsets = [0, 1], sizes = [256, 1], strides = [1, 1]} : vector<256x16xf32> to vector<256x1xf32>
    %slice3A_21 = vector.extract_strided_slice %get3A_8 {offsets = [0, 1], sizes = [256, 1], strides = [1, 1]} : vector<256x16xf32> to vector<256x1xf32>
    %mul3A_22 = arith.mulf %slice3A_20, %slice3A_21 : vector<256x1xf32>
    %add3A_23 = arith.addf %mul3A_19, %mul3A_22 : vector<256x1xf32>
    %slice3A_24 = vector.extract_strided_slice %get3A_8 {offsets = [0, 2], sizes = [256, 1], strides = [1, 1]} : vector<256x16xf32> to vector<256x1xf32>
    %slice3A_25 = vector.extract_strided_slice %get3A_8 {offsets = [0, 2], sizes = [256, 1], strides = [1, 1]} : vector<256x16xf32> to vector<256x1xf32>
    %mul3A_26 = arith.mulf %slice3A_24, %slice3A_25 : vector<256x1xf32>
    %add3A_27 = arith.addf %add3A_23, %mul3A_26 : vector<256x1xf32>
    %dot_general3A = arith.constant dense<0.000000e+00> : vector<256x4096xf32>
    %dot_general3A_28 = tpu.matmul %get3A_8, %get3A_3, %dot_general3A {dimension_numbers = #tpu.dot_dimension_numbers<[1], [0], [0], [1], [0, 0, 1, 1], [], []>, transpose_lhs_hint = false} : vector<256x16xf32>, vector<16x4096xf32>, vector<256x4096xf32> -> vector<256x4096xf32>
    %add3A_29 = vector.broadcast %add3A_27 : vector<256x1xf32> to vector<256x4096xf32>
    %add3A_30 = vector.broadcast %add3A_16 : vector<1x4096xf32> to vector<256x4096xf32>
    %add3A_31 = arith.addf %add3A_29, %add3A_30 : vector<256x4096xf32>
    %mul3A_32 = arith.constant 2.000000e+00 : f32
    %mul3A_33 = vector.broadcast %mul3A_32 : f32 to vector<256x4096xf32>
    %mul3A_34 = arith.mulf %mul3A_33, %dot_general3A_28 : vector<256x4096xf32>
    %sub3A = arith.subf %add3A_31, %mul3A_34 : vector<256x4096xf32>
    %max3A = arith.constant 0.000000e+00 : f32
    %max3A_35 = vector.broadcast %max3A : f32 to vector<256x4096xf32>
    %max3A_36 = arith.maximumf %sub3A, %max3A_35 : vector<256x4096xf32>
    %sqrt3A = math.sqrt %max3A_36 : vector<256x4096xf32>
    %iota3A = tpu.iota {dimensions = array<i32: 1>} : vector<256x4096xi32>
    %reduce_min3A = arith.constant dense<0x7F800000> : vector<256xf32>
    %reduce_min3A_37 = vector.multi_reduction <minimumf>, %sqrt3A, %reduce_min3A [1] : vector<256x4096xf32> to vector<256xf32>
    %broadcast_in_dim3A = vector.shape_cast %reduce_min3A_37 : vector<256xf32> to vector<256x1xf32>
    %eq3A = vector.broadcast %broadcast_in_dim3A : vector<256x1xf32> to vector<256x4096xf32>
    %eq3A_38 = arith.cmpf oeq, %sqrt3A, %eq3A : vector<256x4096xf32>
    %jit3A = arith.constant 4096 : i32
    %broadcast_in_dim3A_39 = vector.broadcast %jit3A : i32 to vector<256x4096xi32>
    %select_n3A = arith.select %eq3A_38, %iota3A, %broadcast_in_dim3A_39 : vector<256x4096xi1>, vector<256x4096xi32>
    %reduce_min3A_40 = arith.constant dense<2147483647> : vector<256xi32>
    %reduce_min3A_41 = vector.multi_reduction <minsi>, %select_n3A, %reduce_min3A_40 [1] : vector<256x4096xi32> to vector<256xi32>
    %broadcast_in_dim3A_42 = vector.shape_cast %reduce_min3A_41 : vector<256xi32> to vector<256x1xi32>
    %eq3A_43 = vector.broadcast %broadcast_in_dim3A_42 : vector<256x1xi32> to vector<256x4096xi32>
    %eq3A_44 = arith.cmpi eq, %iota3A, %eq3A_43 : vector<256x4096xi32>
    %jit3A_45 = arith.constant 0x7F800000 : f32
    %broadcast_in_dim3A_46 = vector.broadcast %jit3A_45 : f32 to vector<256x4096xf32>
    %select_n3A_47 = arith.select %eq3A_44, %broadcast_in_dim3A_46, %sqrt3A : vector<256x4096xi1>, vector<256x4096xf32>
    %reduce_min3A_48 = arith.constant dense<0x7F800000> : vector<256xf32>
    %reduce_min3A_49 = vector.multi_reduction <minimumf>, %select_n3A_47, %reduce_min3A_48 [1] : vector<256x4096xf32> to vector<256xf32>
    %broadcast_in_dim3A_50 = vector.shape_cast %reduce_min3A_49 : vector<256xf32> to vector<256x1xf32>
    %eq3A_51 = vector.broadcast %broadcast_in_dim3A_50 : vector<256x1xf32> to vector<256x4096xf32>
    %eq3A_52 = arith.cmpf oeq, %select_n3A_47, %eq3A_51 : vector<256x4096xf32>
    %jit3A_53 = arith.constant 4096 : i32
    %broadcast_in_dim3A_54 = vector.broadcast %jit3A_53 : i32 to vector<256x4096xi32>
    %select_n3A_55 = arith.select %eq3A_52, %iota3A, %broadcast_in_dim3A_54 : vector<256x4096xi1>, vector<256x4096xi32>
    %reduce_min3A_56 = arith.constant dense<2147483647> : vector<256xi32>
    %reduce_min3A_57 = vector.multi_reduction <minsi>, %select_n3A_55, %reduce_min3A_56 [1] : vector<256x4096xi32> to vector<256xi32>
    %broadcast_in_dim3A_58 = vector.shape_cast %reduce_min3A_57 : vector<256xi32> to vector<256x1xi32>
    %eq3A_59 = vector.broadcast %broadcast_in_dim3A_58 : vector<256x1xi32> to vector<256x4096xi32>
    %eq3A_60 = arith.cmpi eq, %iota3A, %eq3A_59 : vector<256x4096xi32>
    %jit3A_61 = arith.constant 0x7F800000 : f32
    %broadcast_in_dim3A_62 = vector.broadcast %jit3A_61 : f32 to vector<256x4096xf32>
    %select_n3A_63 = arith.select %eq3A_60, %broadcast_in_dim3A_62, %select_n3A_47 : vector<256x4096xi1>, vector<256x4096xf32>
    %reduce_min3A_64 = arith.constant dense<0x7F800000> : vector<256xf32>
    %reduce_min3A_65 = vector.multi_reduction <minimumf>, %select_n3A_63, %reduce_min3A_64 [1] : vector<256x4096xf32> to vector<256xf32>
    %broadcast_in_dim3A_66 = vector.shape_cast %reduce_min3A_65 : vector<256xf32> to vector<256x1xf32>
    %eq3A_67 = vector.broadcast %broadcast_in_dim3A_66 : vector<256x1xf32> to vector<256x4096xf32>
    %eq3A_68 = arith.cmpf oeq, %select_n3A_63, %eq3A_67 : vector<256x4096xf32>
    %jit3A_69 = arith.constant 4096 : i32
    %broadcast_in_dim3A_70 = vector.broadcast %jit3A_69 : i32 to vector<256x4096xi32>
    %select_n3A_71 = arith.select %eq3A_68, %iota3A, %broadcast_in_dim3A_70 : vector<256x4096xi1>, vector<256x4096xi32>
    %reduce_min3A_72 = arith.constant dense<2147483647> : vector<256xi32>
    %reduce_min3A_73 = vector.multi_reduction <minsi>, %select_n3A_71, %reduce_min3A_72 [1] : vector<256x4096xi32> to vector<256xi32>
    %broadcast_in_dim3A_74 = vector.shape_cast %reduce_min3A_73 : vector<256xi32> to vector<256x1xi32>
    %eq3A_75 = vector.broadcast %broadcast_in_dim3A_74 : vector<256x1xi32> to vector<256x4096xi32>
    %eq3A_76 = arith.cmpi eq, %iota3A, %eq3A_75 : vector<256x4096xi32>
    %jit3A_77 = arith.constant 0x7F800000 : f32
    %broadcast_in_dim3A_78 = vector.broadcast %jit3A_77 : f32 to vector<256x4096xf32>
    %select_n3A_79 = arith.select %eq3A_76, %broadcast_in_dim3A_78, %select_n3A_63 : vector<256x4096xi1>, vector<256x4096xf32>
    %reduce_min3A_80 = arith.constant dense<0x7F800000> : vector<256xf32>
    %reduce_min3A_81 = vector.multi_reduction <minimumf>, %select_n3A_79, %reduce_min3A_80 [1] : vector<256x4096xf32> to vector<256xf32>
    %broadcast_in_dim3A_82 = vector.shape_cast %reduce_min3A_81 : vector<256xf32> to vector<256x1xf32>
    %eq3A_83 = vector.broadcast %broadcast_in_dim3A_82 : vector<256x1xf32> to vector<256x4096xf32>
    %eq3A_84 = arith.cmpf oeq, %select_n3A_79, %eq3A_83 : vector<256x4096xf32>
    %jit3A_85 = arith.constant 4096 : i32
    %broadcast_in_dim3A_86 = vector.broadcast %jit3A_85 : i32 to vector<256x4096xi32>
    %select_n3A_87 = arith.select %eq3A_84, %iota3A, %broadcast_in_dim3A_86 : vector<256x4096xi1>, vector<256x4096xi32>
    %reduce_min3A_88 = arith.constant dense<2147483647> : vector<256xi32>
    %reduce_min3A_89 = vector.multi_reduction <minsi>, %select_n3A_87, %reduce_min3A_88 [1] : vector<256x4096xi32> to vector<256xi32>
    %broadcast_in_dim3A_90 = vector.shape_cast %reduce_min3A_89 : vector<256xi32> to vector<256x1xi32>
    %eq3A_91 = vector.broadcast %broadcast_in_dim3A_90 : vector<256x1xi32> to vector<256x4096xi32>
    %eq3A_92 = arith.cmpi eq, %iota3A, %eq3A_91 : vector<256x4096xi32>
    %jit3A_93 = arith.constant 0x7F800000 : f32
    %broadcast_in_dim3A_94 = vector.broadcast %jit3A_93 : f32 to vector<256x4096xf32>
    %select_n3A_95 = arith.select %eq3A_92, %broadcast_in_dim3A_94, %select_n3A_79 : vector<256x4096xi1>, vector<256x4096xf32>
    %reduce_min3A_96 = arith.constant dense<0x7F800000> : vector<256xf32>
    %reduce_min3A_97 = vector.multi_reduction <minimumf>, %select_n3A_95, %reduce_min3A_96 [1] : vector<256x4096xf32> to vector<256xf32>
    %broadcast_in_dim3A_98 = vector.shape_cast %reduce_min3A_97 : vector<256xf32> to vector<256x1xf32>
    %eq3A_99 = vector.broadcast %broadcast_in_dim3A_98 : vector<256x1xf32> to vector<256x4096xf32>
    %eq3A_100 = arith.cmpf oeq, %select_n3A_95, %eq3A_99 : vector<256x4096xf32>
    %jit3A_101 = arith.constant 4096 : i32
    %broadcast_in_dim3A_102 = vector.broadcast %jit3A_101 : i32 to vector<256x4096xi32>
    %select_n3A_103 = arith.select %eq3A_100, %iota3A, %broadcast_in_dim3A_102 : vector<256x4096xi1>, vector<256x4096xi32>
    %reduce_min3A_104 = arith.constant dense<2147483647> : vector<256xi32>
    %reduce_min3A_105 = vector.multi_reduction <minsi>, %select_n3A_103, %reduce_min3A_104 [1] : vector<256x4096xi32> to vector<256xi32>
    %broadcast_in_dim3A_106 = vector.shape_cast %reduce_min3A_105 : vector<256xi32> to vector<256x1xi32>
    %eq3A_107 = vector.broadcast %broadcast_in_dim3A_106 : vector<256x1xi32> to vector<256x4096xi32>
    %eq3A_108 = arith.cmpi eq, %iota3A, %eq3A_107 : vector<256x4096xi32>
    %jit3A_109 = arith.constant 0x7F800000 : f32
    %broadcast_in_dim3A_110 = vector.broadcast %jit3A_109 : f32 to vector<256x4096xf32>
    %select_n3A_111 = arith.select %eq3A_108, %broadcast_in_dim3A_110, %select_n3A_95 : vector<256x4096xi1>, vector<256x4096xf32>
    %reduce_min3A_112 = arith.constant dense<0x7F800000> : vector<256xf32>
    %reduce_min3A_113 = vector.multi_reduction <minimumf>, %select_n3A_111, %reduce_min3A_112 [1] : vector<256x4096xf32> to vector<256xf32>
    %broadcast_in_dim3A_114 = vector.shape_cast %reduce_min3A_113 : vector<256xf32> to vector<256x1xf32>
    %eq3A_115 = vector.broadcast %broadcast_in_dim3A_114 : vector<256x1xf32> to vector<256x4096xf32>
    %eq3A_116 = arith.cmpf oeq, %select_n3A_111, %eq3A_115 : vector<256x4096xf32>
    %jit3A_117 = arith.constant 4096 : i32
    %broadcast_in_dim3A_118 = vector.broadcast %jit3A_117 : i32 to vector<256x4096xi32>
    %select_n3A_119 = arith.select %eq3A_116, %iota3A, %broadcast_in_dim3A_118 : vector<256x4096xi1>, vector<256x4096xi32>
    %reduce_min3A_120 = arith.constant dense<2147483647> : vector<256xi32>
    %reduce_min3A_121 = vector.multi_reduction <minsi>, %select_n3A_119, %reduce_min3A_120 [1] : vector<256x4096xi32> to vector<256xi32>
    %broadcast_in_dim3A_122 = vector.shape_cast %reduce_min3A_121 : vector<256xi32> to vector<256x1xi32>
    %eq3A_123 = vector.broadcast %broadcast_in_dim3A_122 : vector<256x1xi32> to vector<256x4096xi32>
    %eq3A_124 = arith.cmpi eq, %iota3A, %eq3A_123 : vector<256x4096xi32>
    %jit3A_125 = arith.constant 0x7F800000 : f32
    %broadcast_in_dim3A_126 = vector.broadcast %jit3A_125 : f32 to vector<256x4096xf32>
    %select_n3A_127 = arith.select %eq3A_124, %broadcast_in_dim3A_126, %select_n3A_111 : vector<256x4096xi1>, vector<256x4096xf32>
    %reduce_min3A_128 = arith.constant dense<0x7F800000> : vector<256xf32>
    %reduce_min3A_129 = vector.multi_reduction <minimumf>, %select_n3A_127, %reduce_min3A_128 [1] : vector<256x4096xf32> to vector<256xf32>
    %broadcast_in_dim3A_130 = vector.shape_cast %reduce_min3A_129 : vector<256xf32> to vector<256x1xf32>
    %eq3A_131 = vector.broadcast %broadcast_in_dim3A_130 : vector<256x1xf32> to vector<256x4096xf32>
    %eq3A_132 = arith.cmpf oeq, %select_n3A_127, %eq3A_131 : vector<256x4096xf32>
    %jit3A_133 = arith.constant 4096 : i32
    %broadcast_in_dim3A_134 = vector.broadcast %jit3A_133 : i32 to vector<256x4096xi32>
    %select_n3A_135 = arith.select %eq3A_132, %iota3A, %broadcast_in_dim3A_134 : vector<256x4096xi1>, vector<256x4096xi32>
    %reduce_min3A_136 = arith.constant dense<2147483647> : vector<256xi32>
    %reduce_min3A_137 = vector.multi_reduction <minsi>, %select_n3A_135, %reduce_min3A_136 [1] : vector<256x4096xi32> to vector<256xi32>
    %broadcast_in_dim3A_138 = vector.shape_cast %reduce_min3A_137 : vector<256xi32> to vector<256x1xi32>
    %eq3A_139 = vector.broadcast %broadcast_in_dim3A_138 : vector<256x1xi32> to vector<256x4096xi32>
    %eq3A_140 = arith.cmpi eq, %iota3A, %eq3A_139 : vector<256x4096xi32>
    %jit3A_141 = arith.constant 0x7F800000 : f32
    %broadcast_in_dim3A_142 = vector.broadcast %jit3A_141 : f32 to vector<256x4096xf32>
    %select_n3A_143 = arith.select %eq3A_140, %broadcast_in_dim3A_142, %select_n3A_127 : vector<256x4096xi1>, vector<256x4096xf32>
    %reduce_min3A_144 = arith.constant dense<0x7F800000> : vector<256xf32>
    %reduce_min3A_145 = vector.multi_reduction <minimumf>, %select_n3A_143, %reduce_min3A_144 [1] : vector<256x4096xf32> to vector<256xf32>
    %broadcast_in_dim3A_146 = vector.shape_cast %reduce_min3A_145 : vector<256xf32> to vector<256x1xf32>
    %eq3A_147 = vector.broadcast %broadcast_in_dim3A_146 : vector<256x1xf32> to vector<256x4096xf32>
    %eq3A_148 = arith.cmpf oeq, %select_n3A_143, %eq3A_147 : vector<256x4096xf32>
    %jit3A_149 = arith.constant 4096 : i32
    %broadcast_in_dim3A_150 = vector.broadcast %jit3A_149 : i32 to vector<256x4096xi32>
    %select_n3A_151 = arith.select %eq3A_148, %iota3A, %broadcast_in_dim3A_150 : vector<256x4096xi1>, vector<256x4096xi32>
    %reduce_min3A_152 = arith.constant dense<2147483647> : vector<256xi32>
    %reduce_min3A_153 = vector.multi_reduction <minsi>, %select_n3A_151, %reduce_min3A_152 [1] : vector<256x4096xi32> to vector<256xi32>
    %broadcast_in_dim3A_154 = vector.shape_cast %reduce_min3A_153 : vector<256xi32> to vector<256x1xi32>
    %eq3A_155 = vector.broadcast %broadcast_in_dim3A_154 : vector<256x1xi32> to vector<256x4096xi32>
    %eq3A_156 = arith.cmpi eq, %iota3A, %eq3A_155 : vector<256x4096xi32>
    %jit3A_157 = arith.constant 0x7F800000 : f32
    %broadcast_in_dim3A_158 = vector.broadcast %jit3A_157 : f32 to vector<256x4096xf32>
    %select_n3A_159 = arith.select %eq3A_156, %broadcast_in_dim3A_158, %select_n3A_143 : vector<256x4096xi1>, vector<256x4096xf32>
    %reduce_min3A_160 = arith.constant dense<0x7F800000> : vector<256xf32>
    %reduce_min3A_161 = vector.multi_reduction <minimumf>, %select_n3A_159, %reduce_min3A_160 [1] : vector<256x4096xf32> to vector<256xf32>
    %broadcast_in_dim3A_162 = vector.shape_cast %reduce_min3A_161 : vector<256xf32> to vector<256x1xf32>
    %eq3A_163 = vector.broadcast %broadcast_in_dim3A_162 : vector<256x1xf32> to vector<256x4096xf32>
    %eq3A_164 = arith.cmpf oeq, %select_n3A_159, %eq3A_163 : vector<256x4096xf32>
    %jit3A_165 = arith.constant 4096 : i32
    %broadcast_in_dim3A_166 = vector.broadcast %jit3A_165 : i32 to vector<256x4096xi32>
    %select_n3A_167 = arith.select %eq3A_164, %iota3A, %broadcast_in_dim3A_166 : vector<256x4096xi1>, vector<256x4096xi32>
    %reduce_min3A_168 = arith.constant dense<2147483647> : vector<256xi32>
    %reduce_min3A_169 = vector.multi_reduction <minsi>, %select_n3A_167, %reduce_min3A_168 [1] : vector<256x4096xi32> to vector<256xi32>
    %broadcast_in_dim3A_170 = vector.shape_cast %reduce_min3A_169 : vector<256xi32> to vector<256x1xi32>
    %eq3A_171 = vector.broadcast %broadcast_in_dim3A_170 : vector<256x1xi32> to vector<256x4096xi32>
    %eq3A_172 = arith.cmpi eq, %iota3A, %eq3A_171 : vector<256x4096xi32>
    %jit3A_173 = arith.constant 0x7F800000 : f32
    %broadcast_in_dim3A_174 = vector.broadcast %jit3A_173 : f32 to vector<256x4096xf32>
    %select_n3A_175 = arith.select %eq3A_172, %broadcast_in_dim3A_174, %select_n3A_159 : vector<256x4096xi1>, vector<256x4096xf32>
    %reduce_min3A_176 = arith.constant dense<0x7F800000> : vector<256xf32>
    %reduce_min3A_177 = vector.multi_reduction <minimumf>, %select_n3A_175, %reduce_min3A_176 [1] : vector<256x4096xf32> to vector<256xf32>
    %broadcast_in_dim3A_178 = vector.shape_cast %reduce_min3A_177 : vector<256xf32> to vector<256x1xf32>
    %eq3A_179 = vector.broadcast %broadcast_in_dim3A_178 : vector<256x1xf32> to vector<256x4096xf32>
    %eq3A_180 = arith.cmpf oeq, %select_n3A_175, %eq3A_179 : vector<256x4096xf32>
    %jit3A_181 = arith.constant 4096 : i32
    %broadcast_in_dim3A_182 = vector.broadcast %jit3A_181 : i32 to vector<256x4096xi32>
    %select_n3A_183 = arith.select %eq3A_180, %iota3A, %broadcast_in_dim3A_182 : vector<256x4096xi1>, vector<256x4096xi32>
    %reduce_min3A_184 = arith.constant dense<2147483647> : vector<256xi32>
    %reduce_min3A_185 = vector.multi_reduction <minsi>, %select_n3A_183, %reduce_min3A_184 [1] : vector<256x4096xi32> to vector<256xi32>
    %broadcast_in_dim3A_186 = vector.shape_cast %reduce_min3A_185 : vector<256xi32> to vector<256x1xi32>
    %eq3A_187 = vector.broadcast %broadcast_in_dim3A_186 : vector<256x1xi32> to vector<256x4096xi32>
    %eq3A_188 = arith.cmpi eq, %iota3A, %eq3A_187 : vector<256x4096xi32>
    %jit3A_189 = arith.constant 0x7F800000 : f32
    %broadcast_in_dim3A_190 = vector.broadcast %jit3A_189 : f32 to vector<256x4096xf32>
    %select_n3A_191 = arith.select %eq3A_188, %broadcast_in_dim3A_190, %select_n3A_175 : vector<256x4096xi1>, vector<256x4096xf32>
    %reduce_min3A_192 = arith.constant dense<0x7F800000> : vector<256xf32>
    %reduce_min3A_193 = vector.multi_reduction <minimumf>, %select_n3A_191, %reduce_min3A_192 [1] : vector<256x4096xf32> to vector<256xf32>
    %broadcast_in_dim3A_194 = vector.shape_cast %reduce_min3A_193 : vector<256xf32> to vector<256x1xf32>
    %eq3A_195 = vector.broadcast %broadcast_in_dim3A_194 : vector<256x1xf32> to vector<256x4096xf32>
    %eq3A_196 = arith.cmpf oeq, %select_n3A_191, %eq3A_195 : vector<256x4096xf32>
    %jit3A_197 = arith.constant 4096 : i32
    %broadcast_in_dim3A_198 = vector.broadcast %jit3A_197 : i32 to vector<256x4096xi32>
    %select_n3A_199 = arith.select %eq3A_196, %iota3A, %broadcast_in_dim3A_198 : vector<256x4096xi1>, vector<256x4096xi32>
    %reduce_min3A_200 = arith.constant dense<2147483647> : vector<256xi32>
    %reduce_min3A_201 = vector.multi_reduction <minsi>, %select_n3A_199, %reduce_min3A_200 [1] : vector<256x4096xi32> to vector<256xi32>
    %broadcast_in_dim3A_202 = vector.shape_cast %reduce_min3A_201 : vector<256xi32> to vector<256x1xi32>
    %eq3A_203 = vector.broadcast %broadcast_in_dim3A_202 : vector<256x1xi32> to vector<256x4096xi32>
    %eq3A_204 = arith.cmpi eq, %iota3A, %eq3A_203 : vector<256x4096xi32>
    %jit3A_205 = arith.constant 0x7F800000 : f32
    %broadcast_in_dim3A_206 = vector.broadcast %jit3A_205 : f32 to vector<256x4096xf32>
    %select_n3A_207 = arith.select %eq3A_204, %broadcast_in_dim3A_206, %select_n3A_191 : vector<256x4096xi1>, vector<256x4096xf32>
    %reduce_min3A_208 = arith.constant dense<0x7F800000> : vector<256xf32>
    %reduce_min3A_209 = vector.multi_reduction <minimumf>, %select_n3A_207, %reduce_min3A_208 [1] : vector<256x4096xf32> to vector<256xf32>
    %broadcast_in_dim3A_210 = vector.shape_cast %reduce_min3A_209 : vector<256xf32> to vector<256x1xf32>
    %eq3A_211 = vector.broadcast %broadcast_in_dim3A_210 : vector<256x1xf32> to vector<256x4096xf32>
    %eq3A_212 = arith.cmpf oeq, %select_n3A_207, %eq3A_211 : vector<256x4096xf32>
    %jit3A_213 = arith.constant 4096 : i32
    %broadcast_in_dim3A_214 = vector.broadcast %jit3A_213 : i32 to vector<256x4096xi32>
    %select_n3A_215 = arith.select %eq3A_212, %iota3A, %broadcast_in_dim3A_214 : vector<256x4096xi1>, vector<256x4096xi32>
    %reduce_min3A_216 = arith.constant dense<2147483647> : vector<256xi32>
    %reduce_min3A_217 = vector.multi_reduction <minsi>, %select_n3A_215, %reduce_min3A_216 [1] : vector<256x4096xi32> to vector<256xi32>
    %broadcast_in_dim3A_218 = vector.shape_cast %reduce_min3A_217 : vector<256xi32> to vector<256x1xi32>
    %eq3A_219 = vector.broadcast %broadcast_in_dim3A_218 : vector<256x1xi32> to vector<256x4096xi32>
    %eq3A_220 = arith.cmpi eq, %iota3A, %eq3A_219 : vector<256x4096xi32>
    %jit3A_221 = arith.constant 0x7F800000 : f32
    %broadcast_in_dim3A_222 = vector.broadcast %jit3A_221 : f32 to vector<256x4096xf32>
    %select_n3A_223 = arith.select %eq3A_220, %broadcast_in_dim3A_222, %select_n3A_207 : vector<256x4096xi1>, vector<256x4096xf32>
    %reduce_min3A_224 = arith.constant dense<0x7F800000> : vector<256xf32>
    %reduce_min3A_225 = vector.multi_reduction <minimumf>, %select_n3A_223, %reduce_min3A_224 [1] : vector<256x4096xf32> to vector<256xf32>
    %broadcast_in_dim3A_226 = vector.shape_cast %reduce_min3A_225 : vector<256xf32> to vector<256x1xf32>
    %eq3A_227 = vector.broadcast %broadcast_in_dim3A_226 : vector<256x1xf32> to vector<256x4096xf32>
    %eq3A_228 = arith.cmpf oeq, %select_n3A_223, %eq3A_227 : vector<256x4096xf32>
    %jit3A_229 = arith.constant 4096 : i32
    %broadcast_in_dim3A_230 = vector.broadcast %jit3A_229 : i32 to vector<256x4096xi32>
    %select_n3A_231 = arith.select %eq3A_228, %iota3A, %broadcast_in_dim3A_230 : vector<256x4096xi1>, vector<256x4096xi32>
    %reduce_min3A_232 = arith.constant dense<2147483647> : vector<256xi32>
    %reduce_min3A_233 = vector.multi_reduction <minsi>, %select_n3A_231, %reduce_min3A_232 [1] : vector<256x4096xi32> to vector<256xi32>
    %broadcast_in_dim3A_234 = vector.shape_cast %reduce_min3A_233 : vector<256xi32> to vector<256x1xi32>
    %eq3A_235 = vector.broadcast %broadcast_in_dim3A_234 : vector<256x1xi32> to vector<256x4096xi32>
    %eq3A_236 = arith.cmpi eq, %iota3A, %eq3A_235 : vector<256x4096xi32>
    %jit3A_237 = arith.constant 0x7F800000 : f32
    %broadcast_in_dim3A_238 = vector.broadcast %jit3A_237 : f32 to vector<256x4096xf32>
    %select_n3A_239 = arith.select %eq3A_236, %broadcast_in_dim3A_238, %select_n3A_223 : vector<256x4096xi1>, vector<256x4096xf32>
    %reduce_min3A_240 = arith.constant dense<0x7F800000> : vector<256xf32>
    %reduce_min3A_241 = vector.multi_reduction <minimumf>, %select_n3A_239, %reduce_min3A_240 [1] : vector<256x4096xf32> to vector<256xf32>
    %broadcast_in_dim3A_242 = vector.shape_cast %reduce_min3A_241 : vector<256xf32> to vector<256x1xf32>
    %eq3A_243 = vector.broadcast %broadcast_in_dim3A_242 : vector<256x1xf32> to vector<256x4096xf32>
    %eq3A_244 = arith.cmpf oeq, %select_n3A_239, %eq3A_243 : vector<256x4096xf32>
    %jit3A_245 = arith.constant 4096 : i32
    %broadcast_in_dim3A_246 = vector.broadcast %jit3A_245 : i32 to vector<256x4096xi32>
    %select_n3A_247 = arith.select %eq3A_244, %iota3A, %broadcast_in_dim3A_246 : vector<256x4096xi1>, vector<256x4096xi32>
    %reduce_min3A_248 = arith.constant dense<2147483647> : vector<256xi32>
    %reduce_min3A_249 = vector.multi_reduction <minsi>, %select_n3A_247, %reduce_min3A_248 [1] : vector<256x4096xi32> to vector<256xi32>
    %broadcast_in_dim3A_250 = vector.shape_cast %reduce_min3A_249 : vector<256xi32> to vector<256x1xi32>
    %eq3A_251 = vector.broadcast %broadcast_in_dim3A_250 : vector<256x1xi32> to vector<256x4096xi32>
    %eq3A_252 = arith.cmpi eq, %iota3A, %eq3A_251 : vector<256x4096xi32>
    %jit3A_253 = arith.constant 0x7F800000 : f32
    %broadcast_in_dim3A_254 = vector.broadcast %jit3A_253 : f32 to vector<256x4096xf32>
    %select_n3A_255 = arith.select %eq3A_252, %broadcast_in_dim3A_254, %select_n3A_239 : vector<256x4096xi1>, vector<256x4096xf32>
    %reduce_min3A_256 = arith.constant dense<0x7F800000> : vector<256xf32>
    %reduce_min3A_257 = vector.multi_reduction <minimumf>, %select_n3A_255, %reduce_min3A_256 [1] : vector<256x4096xf32> to vector<256xf32>
    %broadcast_in_dim3A_258 = vector.shape_cast %reduce_min3A_257 : vector<256xf32> to vector<256x1xf32>
    %eq3A_259 = vector.broadcast %broadcast_in_dim3A_258 : vector<256x1xf32> to vector<256x4096xf32>
    %eq3A_260 = arith.cmpf oeq, %select_n3A_255, %eq3A_259 : vector<256x4096xf32>
    %jit3A_261 = arith.constant 4096 : i32
    %broadcast_in_dim3A_262 = vector.broadcast %jit3A_261 : i32 to vector<256x4096xi32>
    %select_n3A_263 = arith.select %eq3A_260, %iota3A, %broadcast_in_dim3A_262 : vector<256x4096xi1>, vector<256x4096xi32>
    %reduce_min3A_264 = arith.constant dense<2147483647> : vector<256xi32>
    %reduce_min3A_265 = vector.multi_reduction <minsi>, %select_n3A_263, %reduce_min3A_264 [1] : vector<256x4096xi32> to vector<256xi32>
    %broadcast_in_dim3A_266 = vector.shape_cast %reduce_min3A_265 : vector<256xi32> to vector<256x1xi32>
    %eq3A_267 = vector.broadcast %broadcast_in_dim3A_266 : vector<256x1xi32> to vector<256x4096xi32>
    %eq3A_268 = arith.cmpi eq, %iota3A, %eq3A_267 : vector<256x4096xi32>
    %jit3A_269 = arith.constant 0x7F800000 : f32
    %broadcast_in_dim3A_270 = vector.broadcast %jit3A_269 : f32 to vector<256x4096xf32>
    %select_n3A_271 = arith.select %eq3A_268, %broadcast_in_dim3A_270, %select_n3A_255 : vector<256x4096xi1>, vector<256x4096xf32>
    %reduce_min3A_272 = arith.constant dense<0x7F800000> : vector<256xf32>
    %reduce_min3A_273 = vector.multi_reduction <minimumf>, %select_n3A_271, %reduce_min3A_272 [1] : vector<256x4096xf32> to vector<256xf32>
    %broadcast_in_dim3A_274 = vector.shape_cast %reduce_min3A_273 : vector<256xf32> to vector<256x1xf32>
    %eq3A_275 = vector.broadcast %broadcast_in_dim3A_274 : vector<256x1xf32> to vector<256x4096xf32>
    %eq3A_276 = arith.cmpf oeq, %select_n3A_271, %eq3A_275 : vector<256x4096xf32>
    %jit3A_277 = arith.constant 4096 : i32
    %broadcast_in_dim3A_278 = vector.broadcast %jit3A_277 : i32 to vector<256x4096xi32>
    %select_n3A_279 = arith.select %eq3A_276, %iota3A, %broadcast_in_dim3A_278 : vector<256x4096xi1>, vector<256x4096xi32>
    %reduce_min3A_280 = arith.constant dense<2147483647> : vector<256xi32>
    %reduce_min3A_281 = vector.multi_reduction <minsi>, %select_n3A_279, %reduce_min3A_280 [1] : vector<256x4096xi32> to vector<256xi32>
    %broadcast_in_dim3A_282 = vector.shape_cast %reduce_min3A_281 : vector<256xi32> to vector<256x1xi32>
    %eq3A_283 = vector.broadcast %broadcast_in_dim3A_282 : vector<256x1xi32> to vector<256x4096xi32>
    %eq3A_284 = arith.cmpi eq, %iota3A, %eq3A_283 : vector<256x4096xi32>
    %jit3A_285 = arith.constant 0x7F800000 : f32
    %broadcast_in_dim3A_286 = vector.broadcast %jit3A_285 : f32 to vector<256x4096xf32>
    %select_n3A_287 = arith.select %eq3A_284, %broadcast_in_dim3A_286, %select_n3A_271 : vector<256x4096xi1>, vector<256x4096xf32>
    %reduce_min3A_288 = arith.constant dense<0x7F800000> : vector<256xf32>
    %reduce_min3A_289 = vector.multi_reduction <minimumf>, %select_n3A_287, %reduce_min3A_288 [1] : vector<256x4096xf32> to vector<256xf32>
    %broadcast_in_dim3A_290 = vector.shape_cast %reduce_min3A_289 : vector<256xf32> to vector<256x1xf32>
    %eq3A_291 = vector.broadcast %broadcast_in_dim3A_290 : vector<256x1xf32> to vector<256x4096xf32>
    %eq3A_292 = arith.cmpf oeq, %select_n3A_287, %eq3A_291 : vector<256x4096xf32>
    %jit3A_293 = arith.constant 4096 : i32
    %broadcast_in_dim3A_294 = vector.broadcast %jit3A_293 : i32 to vector<256x4096xi32>
    %select_n3A_295 = arith.select %eq3A_292, %iota3A, %broadcast_in_dim3A_294 : vector<256x4096xi1>, vector<256x4096xi32>
    %reduce_min3A_296 = arith.constant dense<2147483647> : vector<256xi32>
    %reduce_min3A_297 = vector.multi_reduction <minsi>, %select_n3A_295, %reduce_min3A_296 [1] : vector<256x4096xi32> to vector<256xi32>
    %broadcast_in_dim3A_298 = vector.shape_cast %reduce_min3A_297 : vector<256xi32> to vector<256x1xi32>
    %concatenate3A = tpu.concatenate %broadcast_in_dim3A_58, %broadcast_in_dim3A_74, %broadcast_in_dim3A_90, %broadcast_in_dim3A_106, %broadcast_in_dim3A_122, %broadcast_in_dim3A_138, %broadcast_in_dim3A_154, %broadcast_in_dim3A_170, %broadcast_in_dim3A_186, %broadcast_in_dim3A_202, %broadcast_in_dim3A_218, %broadcast_in_dim3A_234, %broadcast_in_dim3A_250, %broadcast_in_dim3A_266, %broadcast_in_dim3A_282, %broadcast_in_dim3A_298 in 1 : vector<256x1xi32>, vector<256x1xi32>, vector<256x1xi32>, vector<256x1xi32>, vector<256x1xi32>, vector<256x1xi32>, vector<256x1xi32>, vector<256x1xi32>, vector<256x1xi32>, vector<256x1xi32>, vector<256x1xi32>, vector<256x1xi32>, vector<256x1xi32>, vector<256x1xi32>, vector<256x1xi32>, vector<256x1xi32> -> vector<256x16xi32>
    %mul3A_299 = arith.constant 4096 : i32
    %mul3A_300 = arith.muli %arg0, %mul3A_299 : i32
    %add3A_301 = vector.broadcast %mul3A_300 : i32 to vector<256x16xi32>
    %add3A_302 = arith.addi %concatenate3A, %add3A_301 : vector<256x16xi32>
    %swap3A = arith.constant 0 : index
    %swap3A_303 = arith.constant 0 : index
    %swap3A_304 = arith.constant 0 : index
    %swap3A_305 = vector.load %arg4[%swap3A, %swap3A_303, %swap3A_304] : memref<1x256x16xi32, #tpu.memory_space<vmem>>, vector<1x256x16xi32>
    %swap3A_306 = vector.shape_cast %swap3A_305 : vector<1x256x16xi32> to vector<256x16xi32>
    %swap3A_307 = vector.shape_cast %add3A_302 : vector<256x16xi32> to vector<1x256x16xi32>
    tpu.vector_store %arg4[%swap3A, %swap3A_303, %swap3A_304], %swap3A_307 {strides = array<i32>} : memref<1x256x16xi32, #tpu.memory_space<vmem>>, vector<1x256x16xi32>,
    return
  }
  func.func @transform_0(%arg0: i32, %arg1: i32) -> (i32, i32, i32) {
    %c0_i32 = arith.constant 0 : i32
    %c0_i32_0 = arith.constant 0 : i32
    %c0_i32_1 = arith.constant 0 : i32
    return %arg0, %c0_i32, %c0_i32_0 : i32, i32, i32
  }
  func.func @transform_1(%arg0: i32, %arg1: i32) -> (i32, i32, i32) {
    %c0_i32 = arith.constant 0 : i32
    %c0_i32_0 = arith.constant 0 : i32
    return %arg0, %arg1, %c0_i32 : i32, i32, i32
  }
  func.func @transform_2(%arg0: i32, %arg1: i32) -> (i32, i32, i32) {
    %c0_i32 = arith.constant 0 : i32
    %c0_i32_0 = arith.constant 0 : i32
    return %arg0, %arg1, %c0_i32 : i32, i32, i32
  }
}

module attributes {stable_mosaic.version = 14 : i64} {
  func.func @_xconv_body(%arg0: i32, %arg1: memref<128x16xf32, #tpu.memory_space<vmem>>, %arg2: memref<128x16x16xf32, #tpu.memory_space<vmem>>, %arg3: memref<128x16x256xf32, #tpu.memory_space<vmem>>, %arg4: memref<16x64xf32, #tpu.memory_space<vmem>>, %arg5: memref<1x64xf32, #tpu.memory_space<vmem>>, %arg6: memref<16x16x256xf32, #tpu.memory_space<vmem>>, %arg7: memref<1x256xf32, #tpu.memory_space<vmem>>, %arg8: memref<256x256xf32, #tpu.memory_space<vmem>>, %arg9: memref<1x256xf32, #tpu.memory_space<vmem>>, %arg10: memref<256x256xf32, #tpu.memory_space<vmem>>, %arg11: memref<1x256xf32, #tpu.memory_space<vmem>>, %arg12: memref<16x64x512xf32, #tpu.memory_space<vmem>>, %arg13: memref<16x256x512xf32, #tpu.memory_space<vmem>>, %arg14: memref<1x512xf32, #tpu.memory_space<vmem>>, %arg15: memref<128x512xf32, #tpu.memory_space<vmem>>) attributes {dimension_semantics = [#tpu.dimension_semantics<arbitrary>], iteration_bounds = array<i64: 16>, scalar_prefetch = 0 : i64, scratch_operands = 0 : i64, tpu.core_type = #tpu.core_type<tc>, window_params = [{transform_indices = @transform_0, window_bounds = array<i64: 128, 16>}, {transform_indices = @transform_1, window_bounds = array<i64: 128, 16, 16>}, {transform_indices = @transform_2, window_bounds = array<i64: 128, 16, 256>}, {pipeline_mode = #tpu.pipeline_mode<synchronous>, transform_indices = @transform_3, window_bounds = array<i64: 16, 64>}, {pipeline_mode = #tpu.pipeline_mode<synchronous>, transform_indices = @transform_4, window_bounds = array<i64: 1, 64>}, {pipeline_mode = #tpu.pipeline_mode<synchronous>, transform_indices = @transform_5, window_bounds = array<i64: 16, 16, 256>}, {pipeline_mode = #tpu.pipeline_mode<synchronous>, transform_indices = @transform_6, window_bounds = array<i64: 1, 256>}, {pipeline_mode = #tpu.pipeline_mode<synchronous>, transform_indices = @transform_7, window_bounds = array<i64: 256, 256>}, {pipeline_mode = #tpu.pipeline_mode<synchronous>, transform_indices = @transform_8, window_bounds = array<i64: 1, 256>}, {pipeline_mode = #tpu.pipeline_mode<synchronous>, transform_indices = @transform_9, window_bounds = array<i64: 256, 256>}, {pipeline_mode = #tpu.pipeline_mode<synchronous>, transform_indices = @transform_10, window_bounds = array<i64: 1, 256>}, {pipeline_mode = #tpu.pipeline_mode<synchronous>, transform_indices = @transform_11, window_bounds = array<i64: 16, 64, 512>}, {pipeline_mode = #tpu.pipeline_mode<synchronous>, transform_indices = @transform_12, window_bounds = array<i64: 16, 256, 512>}, {pipeline_mode = #tpu.pipeline_mode<synchronous>, transform_indices = @transform_13, window_bounds = array<i64: 1, 512>}, {transform_indices = @transform_14, window_bounds = array<i64: 128, 512>}]} {
    %get3A = arith.constant 0 : index
    %get3A_0 = arith.constant 0 : index
    %get3A_1 = vector.load %arg1[%get3A, %get3A_0] : memref<128x16xf32, #tpu.memory_space<vmem>>, vector<128x16xf32>
    %get3A_2 = arith.constant 0 : index
    %get3A_3 = arith.constant 0 : index
    %get3A_4 = arith.constant 0 : index
    %get3A_5 = vector.load %arg2[%get3A_2, %get3A_3, %get3A_4] : memref<128x16x16xf32, #tpu.memory_space<vmem>>, vector<128x16x16xf32>
    %broadcast_in_dim3A = vector.shape_cast %get3A_1 : vector<128x16xf32> to vector<128x1x16xf32>
    %sub3A = vector.broadcast %broadcast_in_dim3A : vector<128x1x16xf32> to vector<128x16x16xf32>
    %sub3A_6 = arith.subf %get3A_5, %sub3A : vector<128x16x16xf32>
    %get3A_7 = arith.constant 0 : index
    %get3A_8 = arith.constant 0 : index
    %get3A_9 = arith.constant 0 : index
    %get3A_10 = vector.load %arg3[%get3A_7, %get3A_8, %get3A_9] : memref<128x16x256xf32, #tpu.memory_space<vmem>>, vector<128x16x256xf32>
    %get3A_11 = arith.constant 0 : index
    %get3A_12 = arith.constant 0 : index
    %get3A_13 = vector.load %arg5[%get3A_11, %get3A_12] : memref<1x64xf32, #tpu.memory_space<vmem>>, vector<1x64xf32>
    %reshape3A = vector.shape_cast %get3A_13 : vector<1x64xf32> to vector<1x1x64xf32>
    %get3A_14 = arith.constant 0 : index
    %get3A_15 = arith.constant 0 : index
    %get3A_16 = vector.load %arg4[%get3A_14, %get3A_15] : memref<16x64xf32, #tpu.memory_space<vmem>>, vector<1x64xf32>
    %reshape3A_17 = vector.shape_cast %get3A_16 : vector<1x64xf32> to vector<1x1x64xf32>
    %slice3A = vector.extract_strided_slice %sub3A_6 {offsets = [0, 0, 0], sizes = [128, 16, 1], strides = [1, 1, 1]} : vector<128x16x16xf32> to vector<128x16x1xf32>
    %mul3A = vector.broadcast %slice3A : vector<128x16x1xf32> to vector<128x16x64xf32>
    %mul3A_18 = vector.broadcast %reshape3A_17 : vector<1x1x64xf32> to vector<128x16x64xf32>
    %mul3A_19 = arith.mulf %mul3A, %mul3A_18 : vector<128x16x64xf32>
    %add3A = vector.broadcast %reshape3A : vector<1x1x64xf32> to vector<128x16x64xf32>
    %add3A_20 = arith.addf %add3A, %mul3A_19 : vector<128x16x64xf32>
    %get3A_21 = arith.constant 1 : index
    %get3A_22 = arith.constant 0 : index
    %get3A_23 = vector.load %arg4[%get3A_21, %get3A_22] : memref<16x64xf32, #tpu.memory_space<vmem>>, vector<1x64xf32>
    %reshape3A_24 = vector.shape_cast %get3A_23 : vector<1x64xf32> to vector<1x1x64xf32>
    %slice3A_25 = vector.extract_strided_slice %sub3A_6 {offsets = [0, 0, 1], sizes = [128, 16, 1], strides = [1, 1, 1]} : vector<128x16x16xf32> to vector<128x16x1xf32>
    %mul3A_26 = vector.broadcast %slice3A_25 : vector<128x16x1xf32> to vector<128x16x64xf32>
    %mul3A_27 = vector.broadcast %reshape3A_24 : vector<1x1x64xf32> to vector<128x16x64xf32>
    %mul3A_28 = arith.mulf %mul3A_26, %mul3A_27 : vector<128x16x64xf32>
    %add3A_29 = arith.addf %add3A_20, %mul3A_28 : vector<128x16x64xf32>
    %get3A_30 = arith.constant 2 : index
    %get3A_31 = arith.constant 0 : index
    %get3A_32 = vector.load %arg4[%get3A_30, %get3A_31] : memref<16x64xf32, #tpu.memory_space<vmem>>, vector<1x64xf32>
    %reshape3A_33 = vector.shape_cast %get3A_32 : vector<1x64xf32> to vector<1x1x64xf32>
    %slice3A_34 = vector.extract_strided_slice %sub3A_6 {offsets = [0, 0, 2], sizes = [128, 16, 1], strides = [1, 1, 1]} : vector<128x16x16xf32> to vector<128x16x1xf32>
    %mul3A_35 = vector.broadcast %slice3A_34 : vector<128x16x1xf32> to vector<128x16x64xf32>
    %mul3A_36 = vector.broadcast %reshape3A_33 : vector<1x1x64xf32> to vector<128x16x64xf32>
    %mul3A_37 = arith.mulf %mul3A_35, %mul3A_36 : vector<128x16x64xf32>
    %add3A_38 = arith.addf %add3A_29, %mul3A_37 : vector<128x16x64xf32>
    %max3A = arith.constant 0.000000e+00 : f32
    %max3A_39 = vector.broadcast %max3A : f32 to vector<128x16x64xf32>
    %max3A_40 = arith.maximumf %add3A_38, %max3A_39 : vector<128x16x64xf32>
    %get3A_41 = arith.constant 0 : index
    %get3A_42 = arith.constant 0 : index
    %get3A_43 = vector.load %arg7[%get3A_41, %get3A_42] : memref<1x256xf32, #tpu.memory_space<vmem>>, vector<1x256xf32>
    %slice3A_44 = vector.extract_strided_slice %sub3A_6 {offsets = [0, 0, 0], sizes = [128, 1, 16], strides = [1, 1, 1]} : vector<128x16x16xf32> to vector<128x1x16xf32>
    %squeeze3A = vector.shape_cast %slice3A_44 : vector<128x1x16xf32> to vector<128x16xf32>
    %get3A_45 = arith.constant 0 : index
    %get3A_46 = arith.constant 0 : index
    %get3A_47 = arith.constant 0 : index
    %get3A_48 = vector.load %arg6[%get3A_45, %get3A_46, %get3A_47] : memref<16x16x256xf32, #tpu.memory_space<vmem>>, vector<1x16x256xf32>
    %get3A_49 = vector.shape_cast %get3A_48 : vector<1x16x256xf32> to vector<16x256xf32>
    %dot_general3A = arith.constant dense<0.000000e+00> : vector<128x256xf32>
    %dot_general3A_50 = tpu.matmul %squeeze3A, %get3A_49, %dot_general3A {dimension_numbers = #tpu.dot_dimension_numbers<[1], [0], [0], [1], [0, 0, 1, 1], [], []>, transpose_lhs_hint = false} : vector<128x16xf32>, vector<16x256xf32>, vector<128x256xf32> -> vector<128x256xf32>
    %add3A_51 = vector.broadcast %get3A_43 : vector<1x256xf32> to vector<128x256xf32>
    %add3A_52 = arith.addf %add3A_51, %dot_general3A_50 : vector<128x256xf32>
    %slice3A_53 = vector.extract_strided_slice %sub3A_6 {offsets = [0, 1, 0], sizes = [128, 1, 16], strides = [1, 1, 1]} : vector<128x16x16xf32> to vector<128x1x16xf32>
    %squeeze3A_54 = vector.shape_cast %slice3A_53 : vector<128x1x16xf32> to vector<128x16xf32>
    %get3A_55 = arith.constant 1 : index
    %get3A_56 = arith.constant 0 : index
    %get3A_57 = arith.constant 0 : index
    %get3A_58 = vector.load %arg6[%get3A_55, %get3A_56, %get3A_57] : memref<16x16x256xf32, #tpu.memory_space<vmem>>, vector<1x16x256xf32>
    %get3A_59 = vector.shape_cast %get3A_58 : vector<1x16x256xf32> to vector<16x256xf32>
    %dot_general3A_60 = arith.constant dense<0.000000e+00> : vector<128x256xf32>
    %dot_general3A_61 = tpu.matmul %squeeze3A_54, %get3A_59, %dot_general3A_60 {dimension_numbers = #tpu.dot_dimension_numbers<[1], [0], [0], [1], [0, 0, 1, 1], [], []>, transpose_lhs_hint = false} : vector<128x16xf32>, vector<16x256xf32>, vector<128x256xf32> -> vector<128x256xf32>
    %add3A_62 = arith.addf %add3A_52, %dot_general3A_61 : vector<128x256xf32>
    %slice3A_63 = vector.extract_strided_slice %sub3A_6 {offsets = [0, 2, 0], sizes = [128, 1, 16], strides = [1, 1, 1]} : vector<128x16x16xf32> to vector<128x1x16xf32>
    %squeeze3A_64 = vector.shape_cast %slice3A_63 : vector<128x1x16xf32> to vector<128x16xf32>
    %get3A_65 = arith.constant 2 : index
    %get3A_66 = arith.constant 0 : index
    %get3A_67 = arith.constant 0 : index
    %get3A_68 = vector.load %arg6[%get3A_65, %get3A_66, %get3A_67] : memref<16x16x256xf32, #tpu.memory_space<vmem>>, vector<1x16x256xf32>
    %get3A_69 = vector.shape_cast %get3A_68 : vector<1x16x256xf32> to vector<16x256xf32>
    %dot_general3A_70 = arith.constant dense<0.000000e+00> : vector<128x256xf32>
    %dot_general3A_71 = tpu.matmul %squeeze3A_64, %get3A_69, %dot_general3A_70 {dimension_numbers = #tpu.dot_dimension_numbers<[1], [0], [0], [1], [0, 0, 1, 1], [], []>, transpose_lhs_hint = false} : vector<128x16xf32>, vector<16x256xf32>, vector<128x256xf32> -> vector<128x256xf32>
    %add3A_72 = arith.addf %add3A_62, %dot_general3A_71 : vector<128x256xf32>
    %slice3A_73 = vector.extract_strided_slice %sub3A_6 {offsets = [0, 3, 0], sizes = [128, 1, 16], strides = [1, 1, 1]} : vector<128x16x16xf32> to vector<128x1x16xf32>
    %squeeze3A_74 = vector.shape_cast %slice3A_73 : vector<128x1x16xf32> to vector<128x16xf32>
    %get3A_75 = arith.constant 3 : index
    %get3A_76 = arith.constant 0 : index
    %get3A_77 = arith.constant 0 : index
    %get3A_78 = vector.load %arg6[%get3A_75, %get3A_76, %get3A_77] : memref<16x16x256xf32, #tpu.memory_space<vmem>>, vector<1x16x256xf32>
    %get3A_79 = vector.shape_cast %get3A_78 : vector<1x16x256xf32> to vector<16x256xf32>
    %dot_general3A_80 = arith.constant dense<0.000000e+00> : vector<128x256xf32>
    %dot_general3A_81 = tpu.matmul %squeeze3A_74, %get3A_79, %dot_general3A_80 {dimension_numbers = #tpu.dot_dimension_numbers<[1], [0], [0], [1], [0, 0, 1, 1], [], []>, transpose_lhs_hint = false} : vector<128x16xf32>, vector<16x256xf32>, vector<128x256xf32> -> vector<128x256xf32>
    %add3A_82 = arith.addf %add3A_72, %dot_general3A_81 : vector<128x256xf32>
    %slice3A_83 = vector.extract_strided_slice %sub3A_6 {offsets = [0, 4, 0], sizes = [128, 1, 16], strides = [1, 1, 1]} : vector<128x16x16xf32> to vector<128x1x16xf32>
    %squeeze3A_84 = vector.shape_cast %slice3A_83 : vector<128x1x16xf32> to vector<128x16xf32>
    %get3A_85 = arith.constant 4 : index
    %get3A_86 = arith.constant 0 : index
    %get3A_87 = arith.constant 0 : index
    %get3A_88 = vector.load %arg6[%get3A_85, %get3A_86, %get3A_87] : memref<16x16x256xf32, #tpu.memory_space<vmem>>, vector<1x16x256xf32>
    %get3A_89 = vector.shape_cast %get3A_88 : vector<1x16x256xf32> to vector<16x256xf32>
    %dot_general3A_90 = arith.constant dense<0.000000e+00> : vector<128x256xf32>
    %dot_general3A_91 = tpu.matmul %squeeze3A_84, %get3A_89, %dot_general3A_90 {dimension_numbers = #tpu.dot_dimension_numbers<[1], [0], [0], [1], [0, 0, 1, 1], [], []>, transpose_lhs_hint = false} : vector<128x16xf32>, vector<16x256xf32>, vector<128x256xf32> -> vector<128x256xf32>
    %add3A_92 = arith.addf %add3A_82, %dot_general3A_91 : vector<128x256xf32>
    %slice3A_93 = vector.extract_strided_slice %sub3A_6 {offsets = [0, 5, 0], sizes = [128, 1, 16], strides = [1, 1, 1]} : vector<128x16x16xf32> to vector<128x1x16xf32>
    %squeeze3A_94 = vector.shape_cast %slice3A_93 : vector<128x1x16xf32> to vector<128x16xf32>
    %get3A_95 = arith.constant 5 : index
    %get3A_96 = arith.constant 0 : index
    %get3A_97 = arith.constant 0 : index
    %get3A_98 = vector.load %arg6[%get3A_95, %get3A_96, %get3A_97] : memref<16x16x256xf32, #tpu.memory_space<vmem>>, vector<1x16x256xf32>
    %get3A_99 = vector.shape_cast %get3A_98 : vector<1x16x256xf32> to vector<16x256xf32>
    %dot_general3A_100 = arith.constant dense<0.000000e+00> : vector<128x256xf32>
    %dot_general3A_101 = tpu.matmul %squeeze3A_94, %get3A_99, %dot_general3A_100 {dimension_numbers = #tpu.dot_dimension_numbers<[1], [0], [0], [1], [0, 0, 1, 1], [], []>, transpose_lhs_hint = false} : vector<128x16xf32>, vector<16x256xf32>, vector<128x256xf32> -> vector<128x256xf32>
    %add3A_102 = arith.addf %add3A_92, %dot_general3A_101 : vector<128x256xf32>
    %slice3A_103 = vector.extract_strided_slice %sub3A_6 {offsets = [0, 6, 0], sizes = [128, 1, 16], strides = [1, 1, 1]} : vector<128x16x16xf32> to vector<128x1x16xf32>
    %squeeze3A_104 = vector.shape_cast %slice3A_103 : vector<128x1x16xf32> to vector<128x16xf32>
    %get3A_105 = arith.constant 6 : index
    %get3A_106 = arith.constant 0 : index
    %get3A_107 = arith.constant 0 : index
    %get3A_108 = vector.load %arg6[%get3A_105, %get3A_106, %get3A_107] : memref<16x16x256xf32, #tpu.memory_space<vmem>>, vector<1x16x256xf32>
    %get3A_109 = vector.shape_cast %get3A_108 : vector<1x16x256xf32> to vector<16x256xf32>
    %dot_general3A_110 = arith.constant dense<0.000000e+00> : vector<128x256xf32>
    %dot_general3A_111 = tpu.matmul %squeeze3A_104, %get3A_109, %dot_general3A_110 {dimension_numbers = #tpu.dot_dimension_numbers<[1], [0], [0], [1], [0, 0, 1, 1], [], []>, transpose_lhs_hint = false} : vector<128x16xf32>, vector<16x256xf32>, vector<128x256xf32> -> vector<128x256xf32>
    %add3A_112 = arith.addf %add3A_102, %dot_general3A_111 : vector<128x256xf32>
    %slice3A_113 = vector.extract_strided_slice %sub3A_6 {offsets = [0, 7, 0], sizes = [128, 1, 16], strides = [1, 1, 1]} : vector<128x16x16xf32> to vector<128x1x16xf32>
    %squeeze3A_114 = vector.shape_cast %slice3A_113 : vector<128x1x16xf32> to vector<128x16xf32>
    %get3A_115 = arith.constant 7 : index
    %get3A_116 = arith.constant 0 : index
    %get3A_117 = arith.constant 0 : index
    %get3A_118 = vector.load %arg6[%get3A_115, %get3A_116, %get3A_117] : memref<16x16x256xf32, #tpu.memory_space<vmem>>, vector<1x16x256xf32>
    %get3A_119 = vector.shape_cast %get3A_118 : vector<1x16x256xf32> to vector<16x256xf32>
    %dot_general3A_120 = arith.constant dense<0.000000e+00> : vector<128x256xf32>
    %dot_general3A_121 = tpu.matmul %squeeze3A_114, %get3A_119, %dot_general3A_120 {dimension_numbers = #tpu.dot_dimension_numbers<[1], [0], [0], [1], [0, 0, 1, 1], [], []>, transpose_lhs_hint = false} : vector<128x16xf32>, vector<16x256xf32>, vector<128x256xf32> -> vector<128x256xf32>
    %add3A_122 = arith.addf %add3A_112, %dot_general3A_121 : vector<128x256xf32>
    %slice3A_123 = vector.extract_strided_slice %sub3A_6 {offsets = [0, 8, 0], sizes = [128, 1, 16], strides = [1, 1, 1]} : vector<128x16x16xf32> to vector<128x1x16xf32>
    %squeeze3A_124 = vector.shape_cast %slice3A_123 : vector<128x1x16xf32> to vector<128x16xf32>
    %get3A_125 = arith.constant 8 : index
    %get3A_126 = arith.constant 0 : index
    %get3A_127 = arith.constant 0 : index
    %get3A_128 = vector.load %arg6[%get3A_125, %get3A_126, %get3A_127] : memref<16x16x256xf32, #tpu.memory_space<vmem>>, vector<1x16x256xf32>
    %get3A_129 = vector.shape_cast %get3A_128 : vector<1x16x256xf32> to vector<16x256xf32>
    %dot_general3A_130 = arith.constant dense<0.000000e+00> : vector<128x256xf32>
    %dot_general3A_131 = tpu.matmul %squeeze3A_124, %get3A_129, %dot_general3A_130 {dimension_numbers = #tpu.dot_dimension_numbers<[1], [0], [0], [1], [0, 0, 1, 1], [], []>, transpose_lhs_hint = false} : vector<128x16xf32>, vector<16x256xf32>, vector<128x256xf32> -> vector<128x256xf32>
    %add3A_132 = arith.addf %add3A_122, %dot_general3A_131 : vector<128x256xf32>
    %slice3A_133 = vector.extract_strided_slice %sub3A_6 {offsets = [0, 9, 0], sizes = [128, 1, 16], strides = [1, 1, 1]} : vector<128x16x16xf32> to vector<128x1x16xf32>
    %squeeze3A_134 = vector.shape_cast %slice3A_133 : vector<128x1x16xf32> to vector<128x16xf32>
    %get3A_135 = arith.constant 9 : index
    %get3A_136 = arith.constant 0 : index
    %get3A_137 = arith.constant 0 : index
    %get3A_138 = vector.load %arg6[%get3A_135, %get3A_136, %get3A_137] : memref<16x16x256xf32, #tpu.memory_space<vmem>>, vector<1x16x256xf32>
    %get3A_139 = vector.shape_cast %get3A_138 : vector<1x16x256xf32> to vector<16x256xf32>
    %dot_general3A_140 = arith.constant dense<0.000000e+00> : vector<128x256xf32>
    %dot_general3A_141 = tpu.matmul %squeeze3A_134, %get3A_139, %dot_general3A_140 {dimension_numbers = #tpu.dot_dimension_numbers<[1], [0], [0], [1], [0, 0, 1, 1], [], []>, transpose_lhs_hint = false} : vector<128x16xf32>, vector<16x256xf32>, vector<128x256xf32> -> vector<128x256xf32>
    %add3A_142 = arith.addf %add3A_132, %dot_general3A_141 : vector<128x256xf32>
    %slice3A_143 = vector.extract_strided_slice %sub3A_6 {offsets = [0, 10, 0], sizes = [128, 1, 16], strides = [1, 1, 1]} : vector<128x16x16xf32> to vector<128x1x16xf32>
    %squeeze3A_144 = vector.shape_cast %slice3A_143 : vector<128x1x16xf32> to vector<128x16xf32>
    %get3A_145 = arith.constant 10 : index
    %get3A_146 = arith.constant 0 : index
    %get3A_147 = arith.constant 0 : index
    %get3A_148 = vector.load %arg6[%get3A_145, %get3A_146, %get3A_147] : memref<16x16x256xf32, #tpu.memory_space<vmem>>, vector<1x16x256xf32>
    %get3A_149 = vector.shape_cast %get3A_148 : vector<1x16x256xf32> to vector<16x256xf32>
    %dot_general3A_150 = arith.constant dense<0.000000e+00> : vector<128x256xf32>
    %dot_general3A_151 = tpu.matmul %squeeze3A_144, %get3A_149, %dot_general3A_150 {dimension_numbers = #tpu.dot_dimension_numbers<[1], [0], [0], [1], [0, 0, 1, 1], [], []>, transpose_lhs_hint = false} : vector<128x16xf32>, vector<16x256xf32>, vector<128x256xf32> -> vector<128x256xf32>
    %add3A_152 = arith.addf %add3A_142, %dot_general3A_151 : vector<128x256xf32>
    %slice3A_153 = vector.extract_strided_slice %sub3A_6 {offsets = [0, 11, 0], sizes = [128, 1, 16], strides = [1, 1, 1]} : vector<128x16x16xf32> to vector<128x1x16xf32>
    %squeeze3A_154 = vector.shape_cast %slice3A_153 : vector<128x1x16xf32> to vector<128x16xf32>
    %get3A_155 = arith.constant 11 : index
    %get3A_156 = arith.constant 0 : index
    %get3A_157 = arith.constant 0 : index
    %get3A_158 = vector.load %arg6[%get3A_155, %get3A_156, %get3A_157] : memref<16x16x256xf32, #tpu.memory_space<vmem>>, vector<1x16x256xf32>
    %get3A_159 = vector.shape_cast %get3A_158 : vector<1x16x256xf32> to vector<16x256xf32>
    %dot_general3A_160 = arith.constant dense<0.000000e+00> : vector<128x256xf32>
    %dot_general3A_161 = tpu.matmul %squeeze3A_154, %get3A_159, %dot_general3A_160 {dimension_numbers = #tpu.dot_dimension_numbers<[1], [0], [0], [1], [0, 0, 1, 1], [], []>, transpose_lhs_hint = false} : vector<128x16xf32>, vector<16x256xf32>, vector<128x256xf32> -> vector<128x256xf32>
    %add3A_162 = arith.addf %add3A_152, %dot_general3A_161 : vector<128x256xf32>
    %slice3A_163 = vector.extract_strided_slice %sub3A_6 {offsets = [0, 12, 0], sizes = [128, 1, 16], strides = [1, 1, 1]} : vector<128x16x16xf32> to vector<128x1x16xf32>
    %squeeze3A_164 = vector.shape_cast %slice3A_163 : vector<128x1x16xf32> to vector<128x16xf32>
    %get3A_165 = arith.constant 12 : index
    %get3A_166 = arith.constant 0 : index
    %get3A_167 = arith.constant 0 : index
    %get3A_168 = vector.load %arg6[%get3A_165, %get3A_166, %get3A_167] : memref<16x16x256xf32, #tpu.memory_space<vmem>>, vector<1x16x256xf32>
    %get3A_169 = vector.shape_cast %get3A_168 : vector<1x16x256xf32> to vector<16x256xf32>
    %dot_general3A_170 = arith.constant dense<0.000000e+00> : vector<128x256xf32>
    %dot_general3A_171 = tpu.matmul %squeeze3A_164, %get3A_169, %dot_general3A_170 {dimension_numbers = #tpu.dot_dimension_numbers<[1], [0], [0], [1], [0, 0, 1, 1], [], []>, transpose_lhs_hint = false} : vector<128x16xf32>, vector<16x256xf32>, vector<128x256xf32> -> vector<128x256xf32>
    %add3A_172 = arith.addf %add3A_162, %dot_general3A_171 : vector<128x256xf32>
    %slice3A_173 = vector.extract_strided_slice %sub3A_6 {offsets = [0, 13, 0], sizes = [128, 1, 16], strides = [1, 1, 1]} : vector<128x16x16xf32> to vector<128x1x16xf32>
    %squeeze3A_174 = vector.shape_cast %slice3A_173 : vector<128x1x16xf32> to vector<128x16xf32>
    %get3A_175 = arith.constant 13 : index
    %get3A_176 = arith.constant 0 : index
    %get3A_177 = arith.constant 0 : index
    %get3A_178 = vector.load %arg6[%get3A_175, %get3A_176, %get3A_177] : memref<16x16x256xf32, #tpu.memory_space<vmem>>, vector<1x16x256xf32>
    %get3A_179 = vector.shape_cast %get3A_178 : vector<1x16x256xf32> to vector<16x256xf32>
    %dot_general3A_180 = arith.constant dense<0.000000e+00> : vector<128x256xf32>
    %dot_general3A_181 = tpu.matmul %squeeze3A_174, %get3A_179, %dot_general3A_180 {dimension_numbers = #tpu.dot_dimension_numbers<[1], [0], [0], [1], [0, 0, 1, 1], [], []>, transpose_lhs_hint = false} : vector<128x16xf32>, vector<16x256xf32>, vector<128x256xf32> -> vector<128x256xf32>
    %add3A_182 = arith.addf %add3A_172, %dot_general3A_181 : vector<128x256xf32>
    %slice3A_183 = vector.extract_strided_slice %sub3A_6 {offsets = [0, 14, 0], sizes = [128, 1, 16], strides = [1, 1, 1]} : vector<128x16x16xf32> to vector<128x1x16xf32>
    %squeeze3A_184 = vector.shape_cast %slice3A_183 : vector<128x1x16xf32> to vector<128x16xf32>
    %get3A_185 = arith.constant 14 : index
    %get3A_186 = arith.constant 0 : index
    %get3A_187 = arith.constant 0 : index
    %get3A_188 = vector.load %arg6[%get3A_185, %get3A_186, %get3A_187] : memref<16x16x256xf32, #tpu.memory_space<vmem>>, vector<1x16x256xf32>
    %get3A_189 = vector.shape_cast %get3A_188 : vector<1x16x256xf32> to vector<16x256xf32>
    %dot_general3A_190 = arith.constant dense<0.000000e+00> : vector<128x256xf32>
    %dot_general3A_191 = tpu.matmul %squeeze3A_184, %get3A_189, %dot_general3A_190 {dimension_numbers = #tpu.dot_dimension_numbers<[1], [0], [0], [1], [0, 0, 1, 1], [], []>, transpose_lhs_hint = false} : vector<128x16xf32>, vector<16x256xf32>, vector<128x256xf32> -> vector<128x256xf32>
    %add3A_192 = arith.addf %add3A_182, %dot_general3A_191 : vector<128x256xf32>
    %slice3A_193 = vector.extract_strided_slice %sub3A_6 {offsets = [0, 15, 0], sizes = [128, 1, 16], strides = [1, 1, 1]} : vector<128x16x16xf32> to vector<128x1x16xf32>
    %squeeze3A_194 = vector.shape_cast %slice3A_193 : vector<128x1x16xf32> to vector<128x16xf32>
    %get3A_195 = arith.constant 15 : index
    %get3A_196 = arith.constant 0 : index
    %get3A_197 = arith.constant 0 : index
    %get3A_198 = vector.load %arg6[%get3A_195, %get3A_196, %get3A_197] : memref<16x16x256xf32, #tpu.memory_space<vmem>>, vector<1x16x256xf32>
    %get3A_199 = vector.shape_cast %get3A_198 : vector<1x16x256xf32> to vector<16x256xf32>
    %dot_general3A_200 = arith.constant dense<0.000000e+00> : vector<128x256xf32>
    %dot_general3A_201 = tpu.matmul %squeeze3A_194, %get3A_199, %dot_general3A_200 {dimension_numbers = #tpu.dot_dimension_numbers<[1], [0], [0], [1], [0, 0, 1, 1], [], []>, transpose_lhs_hint = false} : vector<128x16xf32>, vector<16x256xf32>, vector<128x256xf32> -> vector<128x256xf32>
    %add3A_202 = arith.addf %add3A_192, %dot_general3A_201 : vector<128x256xf32>
    %max3A_203 = arith.constant 0.000000e+00 : f32
    %max3A_204 = vector.broadcast %max3A_203 : f32 to vector<128x256xf32>
    %max3A_205 = arith.maximumf %add3A_202, %max3A_204 : vector<128x256xf32>
    %get3A_206 = arith.constant 0 : index
    %get3A_207 = arith.constant 0 : index
    %get3A_208 = vector.load %arg8[%get3A_206, %get3A_207] : memref<256x256xf32, #tpu.memory_space<vmem>>, vector<256x256xf32>
    %dot_general3A_209 = arith.constant dense<0.000000e+00> : vector<128x256xf32>
    %dot_general3A_210 = tpu.matmul %max3A_205, %get3A_208, %dot_general3A_209 {dimension_numbers = #tpu.dot_dimension_numbers<[1], [0], [0], [1], [0, 0, 1, 1], [], []>, transpose_lhs_hint = false} : vector<128x256xf32>, vector<256x256xf32>, vector<128x256xf32> -> vector<128x256xf32>
    %get3A_211 = arith.constant 0 : index
    %get3A_212 = arith.constant 0 : index
    %get3A_213 = vector.load %arg9[%get3A_211, %get3A_212] : memref<1x256xf32, #tpu.memory_space<vmem>>, vector<1x256xf32>
    %add3A_214 = vector.broadcast %get3A_213 : vector<1x256xf32> to vector<128x256xf32>
    %add3A_215 = arith.addf %dot_general3A_210, %add3A_214 : vector<128x256xf32>
    %max3A_216 = arith.constant 0.000000e+00 : f32
    %max3A_217 = vector.broadcast %max3A_216 : f32 to vector<128x256xf32>
    %max3A_218 = arith.maximumf %add3A_215, %max3A_217 : vector<128x256xf32>
    %get3A_219 = arith.constant 0 : index
    %get3A_220 = arith.constant 0 : index
    %get3A_221 = vector.load %arg10[%get3A_219, %get3A_220] : memref<256x256xf32, #tpu.memory_space<vmem>>, vector<256x256xf32>
    %dot_general3A_222 = arith.constant dense<0.000000e+00> : vector<128x256xf32>
    %dot_general3A_223 = tpu.matmul %max3A_218, %get3A_221, %dot_general3A_222 {dimension_numbers = #tpu.dot_dimension_numbers<[1], [0], [0], [1], [0, 0, 1, 1], [], []>, transpose_lhs_hint = false} : vector<128x256xf32>, vector<256x256xf32>, vector<128x256xf32> -> vector<128x256xf32>
    %get3A_224 = arith.constant 0 : index
    %get3A_225 = arith.constant 0 : index
    %get3A_226 = vector.load %arg11[%get3A_224, %get3A_225] : memref<1x256xf32, #tpu.memory_space<vmem>>, vector<1x256xf32>
    %add3A_227 = vector.broadcast %get3A_226 : vector<1x256xf32> to vector<128x256xf32>
    %add3A_228 = arith.addf %dot_general3A_223, %add3A_227 : vector<128x256xf32>
    %iota3A = tpu.iota {dimensions = array<i32: 0>} : vector<128x128xi32>
    %iota3A_229 = tpu.iota {dimensions = array<i32: 1>} : vector<128x128xi32>
    %jit3A = arith.constant 16 : i32
    %div3A = vector.broadcast %jit3A : i32 to vector<128x128xi32>
    %div3A_230 = arith.divsi %iota3A_229, %div3A : vector<128x128xi32>
    %sign3A = arith.constant 0 : i32
    %sign3A_231 = vector.broadcast %sign3A : i32 to vector<128x128xi32>
    %sign3A_232 = arith.cmpi sgt, %iota3A_229, %sign3A_231 : vector<128x128xi32>
    %sign3A_233 = arith.extui %sign3A_232 : vector<128x128xi1> to vector<128x128xi32>
    %sign3A_234 = arith.constant 0 : i32
    %sign3A_235 = vector.broadcast %sign3A_234 : i32 to vector<128x128xi32>
    %sign3A_236 = arith.cmpi slt, %iota3A_229, %sign3A_235 : vector<128x128xi32>
    %sign3A_237 = arith.extui %sign3A_236 : vector<128x128xi1> to vector<128x128xi32>
    %sign3A_238 = arith.subi %sign3A_233, %sign3A_237 : vector<128x128xi32>
    %sign3A_239 = arith.constant 0 : i32
    %sign3A_240 = arith.cmpi sgt, %jit3A, %sign3A_239 : i32
    %sign3A_241 = arith.extui %sign3A_240 : i1 to i32
    %sign3A_242 = arith.constant 0 : i32
    %sign3A_243 = arith.cmpi slt, %jit3A, %sign3A_242 : i32
    %sign3A_244 = arith.extui %sign3A_243 : i1 to i32
    %sign3A_245 = arith.subi %sign3A_241, %sign3A_244 : i32
    %ne3A = vector.broadcast %sign3A_245 : i32 to vector<128x128xi32>
    %ne3A_246 = arith.cmpi ne, %sign3A_238, %ne3A : vector<128x128xi32>
    %rem3A = vector.broadcast %jit3A : i32 to vector<128x128xi32>
    %rem3A_247 = arith.remsi %iota3A_229, %rem3A : vector<128x128xi32>
    %ne3A_248 = arith.constant 0 : i32
    %ne3A_249 = vector.broadcast %ne3A_248 : i32 to vector<128x128xi32>
    %ne3A_250 = arith.cmpi ne, %rem3A_247, %ne3A_249 : vector<128x128xi32>
    %and3A = arith.andi %ne3A_246, %ne3A_250 : vector<128x128xi1>
    %sub3A_251 = arith.constant 1 : i32
    %sub3A_252 = vector.broadcast %sub3A_251 : i32 to vector<128x128xi32>
    %sub3A_253 = arith.subi %div3A_230, %sub3A_252 : vector<128x128xi32>
    %select_n3A = arith.select %and3A, %sub3A_253, %div3A_230 : vector<128x128xi1>, vector<128x128xi32>
    %jit3A_254 = arith.constant 8 : i32
    %eq3A = arith.constant 0 : i32
    %eq3A_255 = arith.cmpi eq, %jit3A_254, %eq3A : i32
    %jit3A_256 = arith.constant 1 : i32
    %select_n3A_257 = arith.select %eq3A_255, %jit3A_256, %jit3A_254 : i32
    %rem3A_258 = vector.broadcast %select_n3A_257 : i32 to vector<128x128xi32>
    %rem3A_259 = arith.remsi %iota3A, %rem3A_258 : vector<128x128xi32>
    %ne3A_260 = arith.constant 0 : i32
    %ne3A_261 = vector.broadcast %ne3A_260 : i32 to vector<128x128xi32>
    %ne3A_262 = arith.cmpi ne, %rem3A_259, %ne3A_261 : vector<128x128xi32>
    %lt3A = arith.constant 0 : i32
    %lt3A_263 = vector.broadcast %lt3A : i32 to vector<128x128xi32>
    %lt3A_264 = arith.cmpi slt, %rem3A_259, %lt3A_263 : vector<128x128xi32>
    %lt3A_265 = arith.constant 0 : i32
    %lt3A_266 = arith.cmpi slt, %select_n3A_257, %lt3A_265 : i32
    %ne3A_267 = vector.broadcast %lt3A_266 : i1 to vector<128x128xi1>
    %ne3A_268 = vector.broadcast %ne3A_267 : vector<128x128xi1> to vector<128x128xi1>
    %ne3A_269 = arith.xori %lt3A_264, %ne3A_268 : vector<128x128xi1>
    %and3A_270 = arith.andi %ne3A_269, %ne3A_262 : vector<128x128xi1>
    %add3A_271 = vector.broadcast %select_n3A_257 : i32 to vector<128x128xi32>
    %add3A_272 = arith.addi %rem3A_259, %add3A_271 : vector<128x128xi32>
    %select_n3A_273 = arith.select %and3A_270, %add3A_272, %rem3A_259 : vector<128x128xi1>, vector<128x128xi32>
    %eq3A_274 = arith.cmpi eq, %select_n3A, %select_n3A_273 : vector<128x128xi32>
    %slice3A_275 = vector.extract_strided_slice %add3A_228 {offsets = [0, 0], sizes = [8, 256], strides = [1, 1]} : vector<128x256xf32> to vector<8x256xf32>
    %slice3A_276 = vector.extract_strided_slice %slice3A_275 {offsets = [0, 0], sizes = [8, 16], strides = [1, 1]} : vector<8x256xf32> to vector<8x16xf32>
    %slice3A_277 = vector.extract_strided_slice %slice3A_275 {offsets = [0, 16], sizes = [8, 16], strides = [1, 1]} : vector<8x256xf32> to vector<8x16xf32>
    %slice3A_278 = vector.extract_strided_slice %slice3A_275 {offsets = [0, 32], sizes = [8, 16], strides = [1, 1]} : vector<8x256xf32> to vector<8x16xf32>
    %slice3A_279 = vector.extract_strided_slice %slice3A_275 {offsets = [0, 48], sizes = [8, 16], strides = [1, 1]} : vector<8x256xf32> to vector<8x16xf32>
    %slice3A_280 = vector.extract_strided_slice %slice3A_275 {offsets = [0, 64], sizes = [8, 16], strides = [1, 1]} : vector<8x256xf32> to vector<8x16xf32>
    %slice3A_281 = vector.extract_strided_slice %slice3A_275 {offsets = [0, 80], sizes = [8, 16], strides = [1, 1]} : vector<8x256xf32> to vector<8x16xf32>
    %slice3A_282 = vector.extract_strided_slice %slice3A_275 {offsets = [0, 96], sizes = [8, 16], strides = [1, 1]} : vector<8x256xf32> to vector<8x16xf32>
    %slice3A_283 = vector.extract_strided_slice %slice3A_275 {offsets = [0, 112], sizes = [8, 16], strides = [1, 1]} : vector<8x256xf32> to vector<8x16xf32>
    %slice3A_284 = vector.extract_strided_slice %slice3A_275 {offsets = [0, 128], sizes = [8, 16], strides = [1, 1]} : vector<8x256xf32> to vector<8x16xf32>
    %slice3A_285 = vector.extract_strided_slice %slice3A_275 {offsets = [0, 144], sizes = [8, 16], strides = [1, 1]} : vector<8x256xf32> to vector<8x16xf32>
    %slice3A_286 = vector.extract_strided_slice %slice3A_275 {offsets = [0, 160], sizes = [8, 16], strides = [1, 1]} : vector<8x256xf32> to vector<8x16xf32>
    %slice3A_287 = vector.extract_strided_slice %slice3A_275 {offsets = [0, 176], sizes = [8, 16], strides = [1, 1]} : vector<8x256xf32> to vector<8x16xf32>
    %slice3A_288 = vector.extract_strided_slice %slice3A_275 {offsets = [0, 192], sizes = [8, 16], strides = [1, 1]} : vector<8x256xf32> to vector<8x16xf32>
    %slice3A_289 = vector.extract_strided_slice %slice3A_275 {offsets = [0, 208], sizes = [8, 16], strides = [1, 1]} : vector<8x256xf32> to vector<8x16xf32>
    %slice3A_290 = vector.extract_strided_slice %slice3A_275 {offsets = [0, 224], sizes = [8, 16], strides = [1, 1]} : vector<8x256xf32> to vector<8x16xf32>
    %slice3A_291 = vector.extract_strided_slice %slice3A_275 {offsets = [0, 240], sizes = [8, 16], strides = [1, 1]} : vector<8x256xf32> to vector<8x16xf32>
    %concatenate3A = tpu.concatenate %slice3A_276, %slice3A_277, %slice3A_278, %slice3A_279, %slice3A_280, %slice3A_281, %slice3A_282, %slice3A_283, %slice3A_284, %slice3A_285, %slice3A_286, %slice3A_287, %slice3A_288, %slice3A_289, %slice3A_290, %slice3A_291 in 0 : vector<8x16xf32>, vector<8x16xf32>, vector<8x16xf32>, vector<8x16xf32>, vector<8x16xf32>, vector<8x16xf32>, vector<8x16xf32>, vector<8x16xf32>, vector<8x16xf32>, vector<8x16xf32>, vector<8x16xf32>, vector<8x16xf32>, vector<8x16xf32>, vector<8x16xf32>, vector<8x16xf32>, vector<8x16xf32> -> vector<128x16xf32>
    %concatenate3A_292 = tpu.concatenate %concatenate3A, %concatenate3A, %concatenate3A, %concatenate3A, %concatenate3A, %concatenate3A, %concatenate3A, %concatenate3A in 1 : vector<128x16xf32>, vector<128x16xf32>, vector<128x16xf32>, vector<128x16xf32>, vector<128x16xf32>, vector<128x16xf32>, vector<128x16xf32>, vector<128x16xf32> -> vector<128x128xf32>
    %jit3A_293 = arith.constant 0.000000e+00 : f32
    %broadcast_in_dim3A_294 = vector.broadcast %jit3A_293 : f32 to vector<128x128xf32>
    %select_n3A_295 = arith.select %eq3A_274, %concatenate3A_292, %broadcast_in_dim3A_294 : vector<128x128xi1>, vector<128x128xf32>
    %slice3A_296 = vector.extract_strided_slice %get3A_10 {offsets = [0, 0, 0], sizes = [8, 16, 256], strides = [1, 1, 1]} : vector<128x16x256xf32> to vector<8x16x256xf32>
    %reshape3A_297 = vector.shape_cast %slice3A_296 : vector<8x16x256xf32> to vector<128x256xf32>
    %slice3A_298 = vector.extract_strided_slice %max3A_40 {offsets = [0, 0, 0], sizes = [8, 16, 64], strides = [1, 1, 1]} : vector<128x16x64xf32> to vector<8x16x64xf32>
    %reshape3A_299 = vector.shape_cast %slice3A_298 : vector<8x16x64xf32> to vector<128x64xf32>
    %dot_general3A_300 = arith.constant dense<0.000000e+00> : vector<128x256xf32>
    %dot_general3A_301 = tpu.matmul %select_n3A_295, %reshape3A_297, %dot_general3A_300 {dimension_numbers = #tpu.dot_dimension_numbers<[1], [0], [0], [1], [0, 0, 1, 1], [], []>, transpose_lhs_hint = false} : vector<128x128xf32>, vector<128x256xf32>, vector<128x256xf32> -> vector<128x256xf32>
    %dot_general3A_302 = arith.constant dense<0.000000e+00> : vector<128x64xf32>
    %dot_general3A_303 = tpu.matmul %select_n3A_295, %reshape3A_299, %dot_general3A_302 {dimension_numbers = #tpu.dot_dimension_numbers<[1], [0], [0], [1], [0, 0, 1, 1], [], []>, transpose_lhs_hint = false} : vector<128x128xf32>, vector<128x64xf32>, vector<128x64xf32> -> vector<128x64xf32>
    %slice3A_304 = vector.extract_strided_slice %add3A_228 {offsets = [8, 0], sizes = [8, 256], strides = [1, 1]} : vector<128x256xf32> to vector<8x256xf32>
    %slice3A_305 = vector.extract_strided_slice %slice3A_304 {offsets = [0, 0], sizes = [8, 16], strides = [1, 1]} : vector<8x256xf32> to vector<8x16xf32>
    %slice3A_306 = vector.extract_strided_slice %slice3A_304 {offsets = [0, 16], sizes = [8, 16], strides = [1, 1]} : vector<8x256xf32> to vector<8x16xf32>
    %slice3A_307 = vector.extract_strided_slice %slice3A_304 {offsets = [0, 32], sizes = [8, 16], strides = [1, 1]} : vector<8x256xf32> to vector<8x16xf32>
    %slice3A_308 = vector.extract_strided_slice %slice3A_304 {offsets = [0, 48], sizes = [8, 16], strides = [1, 1]} : vector<8x256xf32> to vector<8x16xf32>
    %slice3A_309 = vector.extract_strided_slice %slice3A_304 {offsets = [0, 64], sizes = [8, 16], strides = [1, 1]} : vector<8x256xf32> to vector<8x16xf32>
    %slice3A_310 = vector.extract_strided_slice %slice3A_304 {offsets = [0, 80], sizes = [8, 16], strides = [1, 1]} : vector<8x256xf32> to vector<8x16xf32>
    %slice3A_311 = vector.extract_strided_slice %slice3A_304 {offsets = [0, 96], sizes = [8, 16], strides = [1, 1]} : vector<8x256xf32> to vector<8x16xf32>
    %slice3A_312 = vector.extract_strided_slice %slice3A_304 {offsets = [0, 112], sizes = [8, 16], strides = [1, 1]} : vector<8x256xf32> to vector<8x16xf32>
    %slice3A_313 = vector.extract_strided_slice %slice3A_304 {offsets = [0, 128], sizes = [8, 16], strides = [1, 1]} : vector<8x256xf32> to vector<8x16xf32>
    %slice3A_314 = vector.extract_strided_slice %slice3A_304 {offsets = [0, 144], sizes = [8, 16], strides = [1, 1]} : vector<8x256xf32> to vector<8x16xf32>
    %slice3A_315 = vector.extract_strided_slice %slice3A_304 {offsets = [0, 160], sizes = [8, 16], strides = [1, 1]} : vector<8x256xf32> to vector<8x16xf32>
    %slice3A_316 = vector.extract_strided_slice %slice3A_304 {offsets = [0, 176], sizes = [8, 16], strides = [1, 1]} : vector<8x256xf32> to vector<8x16xf32>
    %slice3A_317 = vector.extract_strided_slice %slice3A_304 {offsets = [0, 192], sizes = [8, 16], strides = [1, 1]} : vector<8x256xf32> to vector<8x16xf32>
    %slice3A_318 = vector.extract_strided_slice %slice3A_304 {offsets = [0, 208], sizes = [8, 16], strides = [1, 1]} : vector<8x256xf32> to vector<8x16xf32>
    %slice3A_319 = vector.extract_strided_slice %slice3A_304 {offsets = [0, 224], sizes = [8, 16], strides = [1, 1]} : vector<8x256xf32> to vector<8x16xf32>
    %slice3A_320 = vector.extract_strided_slice %slice3A_304 {offsets = [0, 240], sizes = [8, 16], strides = [1, 1]} : vector<8x256xf32> to vector<8x16xf32>
    %concatenate3A_321 = tpu.concatenate %slice3A_305, %slice3A_306, %slice3A_307, %slice3A_308, %slice3A_309, %slice3A_310, %slice3A_311, %slice3A_312, %slice3A_313, %slice3A_314, %slice3A_315, %slice3A_316, %slice3A_317, %slice3A_318, %slice3A_319, %slice3A_320 in 0 : vector<8x16xf32>, vector<8x16xf32>, vector<8x16xf32>, vector<8x16xf32>, vector<8x16xf32>, vector<8x16xf32>, vector<8x16xf32>, vector<8x16xf32>, vector<8x16xf32>, vector<8x16xf32>, vector<8x16xf32>, vector<8x16xf32>, vector<8x16xf32>, vector<8x16xf32>, vector<8x16xf32>, vector<8x16xf32> -> vector<128x16xf32>
    %concatenate3A_322 = tpu.concatenate %concatenate3A_321, %concatenate3A_321, %concatenate3A_321, %concatenate3A_321, %concatenate3A_321, %concatenate3A_321, %concatenate3A_321, %concatenate3A_321 in 1 : vector<128x16xf32>, vector<128x16xf32>, vector<128x16xf32>, vector<128x16xf32>, vector<128x16xf32>, vector<128x16xf32>, vector<128x16xf32>, vector<128x16xf32> -> vector<128x128xf32>
    %jit3A_323 = arith.constant 0.000000e+00 : f32
    %broadcast_in_dim3A_324 = vector.broadcast %jit3A_323 : f32 to vector<128x128xf32>
    %select_n3A_325 = arith.select %eq3A_274, %concatenate3A_322, %broadcast_in_dim3A_324 : vector<128x128xi1>, vector<128x128xf32>
    %slice3A_326 = vector.extract_strided_slice %get3A_10 {offsets = [8, 0, 0], sizes = [8, 16, 256], strides = [1, 1, 1]} : vector<128x16x256xf32> to vector<8x16x256xf32>
    %reshape3A_327 = vector.shape_cast %slice3A_326 : vector<8x16x256xf32> to vector<128x256xf32>
    %slice3A_328 = vector.extract_strided_slice %max3A_40 {offsets = [8, 0, 0], sizes = [8, 16, 64], strides = [1, 1, 1]} : vector<128x16x64xf32> to vector<8x16x64xf32>
    %reshape3A_329 = vector.shape_cast %slice3A_328 : vector<8x16x64xf32> to vector<128x64xf32>
    %dot_general3A_330 = arith.constant dense<0.000000e+00> : vector<128x256xf32>
    %dot_general3A_331 = tpu.matmul %select_n3A_325, %reshape3A_327, %dot_general3A_330 {dimension_numbers = #tpu.dot_dimension_numbers<[1], [0], [0], [1], [0, 0, 1, 1], [], []>, transpose_lhs_hint = false} : vector<128x128xf32>, vector<128x256xf32>, vector<128x256xf32> -> vector<128x256xf32>
    %dot_general3A_332 = arith.constant dense<0.000000e+00> : vector<128x64xf32>
    %dot_general3A_333 = tpu.matmul %select_n3A_325, %reshape3A_329, %dot_general3A_332 {dimension_numbers = #tpu.dot_dimension_numbers<[1], [0], [0], [1], [0, 0, 1, 1], [], []>, transpose_lhs_hint = false} : vector<128x128xf32>, vector<128x64xf32>, vector<128x64xf32> -> vector<128x64xf32>
    %slice3A_334 = vector.extract_strided_slice %add3A_228 {offsets = [16, 0], sizes = [8, 256], strides = [1, 1]} : vector<128x256xf32> to vector<8x256xf32>
    %slice3A_335 = vector.extract_strided_slice %slice3A_334 {offsets = [0, 0], sizes = [8, 16], strides = [1, 1]} : vector<8x256xf32> to vector<8x16xf32>
    %slice3A_336 = vector.extract_strided_slice %slice3A_334 {offsets = [0, 16], sizes = [8, 16], strides = [1, 1]} : vector<8x256xf32> to vector<8x16xf32>
    %slice3A_337 = vector.extract_strided_slice %slice3A_334 {offsets = [0, 32], sizes = [8, 16], strides = [1, 1]} : vector<8x256xf32> to vector<8x16xf32>
    %slice3A_338 = vector.extract_strided_slice %slice3A_334 {offsets = [0, 48], sizes = [8, 16], strides = [1, 1]} : vector<8x256xf32> to vector<8x16xf32>
    %slice3A_339 = vector.extract_strided_slice %slice3A_334 {offsets = [0, 64], sizes = [8, 16], strides = [1, 1]} : vector<8x256xf32> to vector<8x16xf32>
    %slice3A_340 = vector.extract_strided_slice %slice3A_334 {offsets = [0, 80], sizes = [8, 16], strides = [1, 1]} : vector<8x256xf32> to vector<8x16xf32>
    %slice3A_341 = vector.extract_strided_slice %slice3A_334 {offsets = [0, 96], sizes = [8, 16], strides = [1, 1]} : vector<8x256xf32> to vector<8x16xf32>
    %slice3A_342 = vector.extract_strided_slice %slice3A_334 {offsets = [0, 112], sizes = [8, 16], strides = [1, 1]} : vector<8x256xf32> to vector<8x16xf32>
    %slice3A_343 = vector.extract_strided_slice %slice3A_334 {offsets = [0, 128], sizes = [8, 16], strides = [1, 1]} : vector<8x256xf32> to vector<8x16xf32>
    %slice3A_344 = vector.extract_strided_slice %slice3A_334 {offsets = [0, 144], sizes = [8, 16], strides = [1, 1]} : vector<8x256xf32> to vector<8x16xf32>
    %slice3A_345 = vector.extract_strided_slice %slice3A_334 {offsets = [0, 160], sizes = [8, 16], strides = [1, 1]} : vector<8x256xf32> to vector<8x16xf32>
    %slice3A_346 = vector.extract_strided_slice %slice3A_334 {offsets = [0, 176], sizes = [8, 16], strides = [1, 1]} : vector<8x256xf32> to vector<8x16xf32>
    %slice3A_347 = vector.extract_strided_slice %slice3A_334 {offsets = [0, 192], sizes = [8, 16], strides = [1, 1]} : vector<8x256xf32> to vector<8x16xf32>
    %slice3A_348 = vector.extract_strided_slice %slice3A_334 {offsets = [0, 208], sizes = [8, 16], strides = [1, 1]} : vector<8x256xf32> to vector<8x16xf32>
    %slice3A_349 = vector.extract_strided_slice %slice3A_334 {offsets = [0, 224], sizes = [8, 16], strides = [1, 1]} : vector<8x256xf32> to vector<8x16xf32>
    %slice3A_350 = vector.extract_strided_slice %slice3A_334 {offsets = [0, 240], sizes = [8, 16], strides = [1, 1]} : vector<8x256xf32> to vector<8x16xf32>
    %concatenate3A_351 = tpu.concatenate %slice3A_335, %slice3A_336, %slice3A_337, %slice3A_338, %slice3A_339, %slice3A_340, %slice3A_341, %slice3A_342, %slice3A_343, %slice3A_344, %slice3A_345, %slice3A_346, %slice3A_347, %slice3A_348, %slice3A_349, %slice3A_350 in 0 : vector<8x16xf32>, vector<8x16xf32>, vector<8x16xf32>, vector<8x16xf32>, vector<8x16xf32>, vector<8x16xf32>, vector<8x16xf32>, vector<8x16xf32>, vector<8x16xf32>, vector<8x16xf32>, vector<8x16xf32>, vector<8x16xf32>, vector<8x16xf32>, vector<8x16xf32>, vector<8x16xf32>, vector<8x16xf32> -> vector<128x16xf32>
    %concatenate3A_352 = tpu.concatenate %concatenate3A_351, %concatenate3A_351, %concatenate3A_351, %concatenate3A_351, %concatenate3A_351, %concatenate3A_351, %concatenate3A_351, %concatenate3A_351 in 1 : vector<128x16xf32>, vector<128x16xf32>, vector<128x16xf32>, vector<128x16xf32>, vector<128x16xf32>, vector<128x16xf32>, vector<128x16xf32>, vector<128x16xf32> -> vector<128x128xf32>
    %jit3A_353 = arith.constant 0.000000e+00 : f32
    %broadcast_in_dim3A_354 = vector.broadcast %jit3A_353 : f32 to vector<128x128xf32>
    %select_n3A_355 = arith.select %eq3A_274, %concatenate3A_352, %broadcast_in_dim3A_354 : vector<128x128xi1>, vector<128x128xf32>
    %slice3A_356 = vector.extract_strided_slice %get3A_10 {offsets = [16, 0, 0], sizes = [8, 16, 256], strides = [1, 1, 1]} : vector<128x16x256xf32> to vector<8x16x256xf32>
    %reshape3A_357 = vector.shape_cast %slice3A_356 : vector<8x16x256xf32> to vector<128x256xf32>
    %slice3A_358 = vector.extract_strided_slice %max3A_40 {offsets = [16, 0, 0], sizes = [8, 16, 64], strides = [1, 1, 1]} : vector<128x16x64xf32> to vector<8x16x64xf32>
    %reshape3A_359 = vector.shape_cast %slice3A_358 : vector<8x16x64xf32> to vector<128x64xf32>
    %dot_general3A_360 = arith.constant dense<0.000000e+00> : vector<128x256xf32>
    %dot_general3A_361 = tpu.matmul %select_n3A_355, %reshape3A_357, %dot_general3A_360 {dimension_numbers = #tpu.dot_dimension_numbers<[1], [0], [0], [1], [0, 0, 1, 1], [], []>, transpose_lhs_hint = false} : vector<128x128xf32>, vector<128x256xf32>, vector<128x256xf32> -> vector<128x256xf32>
    %dot_general3A_362 = arith.constant dense<0.000000e+00> : vector<128x64xf32>
    %dot_general3A_363 = tpu.matmul %select_n3A_355, %reshape3A_359, %dot_general3A_362 {dimension_numbers = #tpu.dot_dimension_numbers<[1], [0], [0], [1], [0, 0, 1, 1], [], []>, transpose_lhs_hint = false} : vector<128x128xf32>, vector<128x64xf32>, vector<128x64xf32> -> vector<128x64xf32>
    %slice3A_364 = vector.extract_strided_slice %add3A_228 {offsets = [24, 0], sizes = [8, 256], strides = [1, 1]} : vector<128x256xf32> to vector<8x256xf32>
    %slice3A_365 = vector.extract_strided_slice %slice3A_364 {offsets = [0, 0], sizes = [8, 16], strides = [1, 1]} : vector<8x256xf32> to vector<8x16xf32>
    %slice3A_366 = vector.extract_strided_slice %slice3A_364 {offsets = [0, 16], sizes = [8, 16], strides = [1, 1]} : vector<8x256xf32> to vector<8x16xf32>
    %slice3A_367 = vector.extract_strided_slice %slice3A_364 {offsets = [0, 32], sizes = [8, 16], strides = [1, 1]} : vector<8x256xf32> to vector<8x16xf32>
    %slice3A_368 = vector.extract_strided_slice %slice3A_364 {offsets = [0, 48], sizes = [8, 16], strides = [1, 1]} : vector<8x256xf32> to vector<8x16xf32>
    %slice3A_369 = vector.extract_strided_slice %slice3A_364 {offsets = [0, 64], sizes = [8, 16], strides = [1, 1]} : vector<8x256xf32> to vector<8x16xf32>
    %slice3A_370 = vector.extract_strided_slice %slice3A_364 {offsets = [0, 80], sizes = [8, 16], strides = [1, 1]} : vector<8x256xf32> to vector<8x16xf32>
    %slice3A_371 = vector.extract_strided_slice %slice3A_364 {offsets = [0, 96], sizes = [8, 16], strides = [1, 1]} : vector<8x256xf32> to vector<8x16xf32>
    %slice3A_372 = vector.extract_strided_slice %slice3A_364 {offsets = [0, 112], sizes = [8, 16], strides = [1, 1]} : vector<8x256xf32> to vector<8x16xf32>
    %slice3A_373 = vector.extract_strided_slice %slice3A_364 {offsets = [0, 128], sizes = [8, 16], strides = [1, 1]} : vector<8x256xf32> to vector<8x16xf32>
    %slice3A_374 = vector.extract_strided_slice %slice3A_364 {offsets = [0, 144], sizes = [8, 16], strides = [1, 1]} : vector<8x256xf32> to vector<8x16xf32>
    %slice3A_375 = vector.extract_strided_slice %slice3A_364 {offsets = [0, 160], sizes = [8, 16], strides = [1, 1]} : vector<8x256xf32> to vector<8x16xf32>
    %slice3A_376 = vector.extract_strided_slice %slice3A_364 {offsets = [0, 176], sizes = [8, 16], strides = [1, 1]} : vector<8x256xf32> to vector<8x16xf32>
    %slice3A_377 = vector.extract_strided_slice %slice3A_364 {offsets = [0, 192], sizes = [8, 16], strides = [1, 1]} : vector<8x256xf32> to vector<8x16xf32>
    %slice3A_378 = vector.extract_strided_slice %slice3A_364 {offsets = [0, 208], sizes = [8, 16], strides = [1, 1]} : vector<8x256xf32> to vector<8x16xf32>
    %slice3A_379 = vector.extract_strided_slice %slice3A_364 {offsets = [0, 224], sizes = [8, 16], strides = [1, 1]} : vector<8x256xf32> to vector<8x16xf32>
    %slice3A_380 = vector.extract_strided_slice %slice3A_364 {offsets = [0, 240], sizes = [8, 16], strides = [1, 1]} : vector<8x256xf32> to vector<8x16xf32>
    %concatenate3A_381 = tpu.concatenate %slice3A_365, %slice3A_366, %slice3A_367, %slice3A_368, %slice3A_369, %slice3A_370, %slice3A_371, %slice3A_372, %slice3A_373, %slice3A_374, %slice3A_375, %slice3A_376, %slice3A_377, %slice3A_378, %slice3A_379, %slice3A_380 in 0 : vector<8x16xf32>, vector<8x16xf32>, vector<8x16xf32>, vector<8x16xf32>, vector<8x16xf32>, vector<8x16xf32>, vector<8x16xf32>, vector<8x16xf32>, vector<8x16xf32>, vector<8x16xf32>, vector<8x16xf32>, vector<8x16xf32>, vector<8x16xf32>, vector<8x16xf32>, vector<8x16xf32>, vector<8x16xf32> -> vector<128x16xf32>
    %concatenate3A_382 = tpu.concatenate %concatenate3A_381, %concatenate3A_381, %concatenate3A_381, %concatenate3A_381, %concatenate3A_381, %concatenate3A_381, %concatenate3A_381, %concatenate3A_381 in 1 : vector<128x16xf32>, vector<128x16xf32>, vector<128x16xf32>, vector<128x16xf32>, vector<128x16xf32>, vector<128x16xf32>, vector<128x16xf32>, vector<128x16xf32> -> vector<128x128xf32>
    %jit3A_383 = arith.constant 0.000000e+00 : f32
    %broadcast_in_dim3A_384 = vector.broadcast %jit3A_383 : f32 to vector<128x128xf32>
    %select_n3A_385 = arith.select %eq3A_274, %concatenate3A_382, %broadcast_in_dim3A_384 : vector<128x128xi1>, vector<128x128xf32>
    %slice3A_386 = vector.extract_strided_slice %get3A_10 {offsets = [24, 0, 0], sizes = [8, 16, 256], strides = [1, 1, 1]} : vector<128x16x256xf32> to vector<8x16x256xf32>
    %reshape3A_387 = vector.shape_cast %slice3A_386 : vector<8x16x256xf32> to vector<128x256xf32>
    %slice3A_388 = vector.extract_strided_slice %max3A_40 {offsets = [24, 0, 0], sizes = [8, 16, 64], strides = [1, 1, 1]} : vector<128x16x64xf32> to vector<8x16x64xf32>
    %reshape3A_389 = vector.shape_cast %slice3A_388 : vector<8x16x64xf32> to vector<128x64xf32>
    %dot_general3A_390 = arith.constant dense<0.000000e+00> : vector<128x256xf32>
    %dot_general3A_391 = tpu.matmul %select_n3A_385, %reshape3A_387, %dot_general3A_390 {dimension_numbers = #tpu.dot_dimension_numbers<[1], [0], [0], [1], [0, 0, 1, 1], [], []>, transpose_lhs_hint = false} : vector<128x128xf32>, vector<128x256xf32>, vector<128x256xf32> -> vector<128x256xf32>
    %dot_general3A_392 = arith.constant dense<0.000000e+00> : vector<128x64xf32>
    %dot_general3A_393 = tpu.matmul %select_n3A_385, %reshape3A_389, %dot_general3A_392 {dimension_numbers = #tpu.dot_dimension_numbers<[1], [0], [0], [1], [0, 0, 1, 1], [], []>, transpose_lhs_hint = false} : vector<128x128xf32>, vector<128x64xf32>, vector<128x64xf32> -> vector<128x64xf32>
    %slice3A_394 = vector.extract_strided_slice %add3A_228 {offsets = [32, 0], sizes = [8, 256], strides = [1, 1]} : vector<128x256xf32> to vector<8x256xf32>
    %slice3A_395 = vector.extract_strided_slice %slice3A_394 {offsets = [0, 0], sizes = [8, 16], strides = [1, 1]} : vector<8x256xf32> to vector<8x16xf32>
    %slice3A_396 = vector.extract_strided_slice %slice3A_394 {offsets = [0, 16], sizes = [8, 16], strides = [1, 1]} : vector<8x256xf32> to vector<8x16xf32>
    %slice3A_397 = vector.extract_strided_slice %slice3A_394 {offsets = [0, 32], sizes = [8, 16], strides = [1, 1]} : vector<8x256xf32> to vector<8x16xf32>
    %slice3A_398 = vector.extract_strided_slice %slice3A_394 {offsets = [0, 48], sizes = [8, 16], strides = [1, 1]} : vector<8x256xf32> to vector<8x16xf32>
    %slice3A_399 = vector.extract_strided_slice %slice3A_394 {offsets = [0, 64], sizes = [8, 16], strides = [1, 1]} : vector<8x256xf32> to vector<8x16xf32>
    %slice3A_400 = vector.extract_strided_slice %slice3A_394 {offsets = [0, 80], sizes = [8, 16], strides = [1, 1]} : vector<8x256xf32> to vector<8x16xf32>
    %slice3A_401 = vector.extract_strided_slice %slice3A_394 {offsets = [0, 96], sizes = [8, 16], strides = [1, 1]} : vector<8x256xf32> to vector<8x16xf32>
    %slice3A_402 = vector.extract_strided_slice %slice3A_394 {offsets = [0, 112], sizes = [8, 16], strides = [1, 1]} : vector<8x256xf32> to vector<8x16xf32>
    %slice3A_403 = vector.extract_strided_slice %slice3A_394 {offsets = [0, 128], sizes = [8, 16], strides = [1, 1]} : vector<8x256xf32> to vector<8x16xf32>
    %slice3A_404 = vector.extract_strided_slice %slice3A_394 {offsets = [0, 144], sizes = [8, 16], strides = [1, 1]} : vector<8x256xf32> to vector<8x16xf32>
    %slice3A_405 = vector.extract_strided_slice %slice3A_394 {offsets = [0, 160], sizes = [8, 16], strides = [1, 1]} : vector<8x256xf32> to vector<8x16xf32>
    %slice3A_406 = vector.extract_strided_slice %slice3A_394 {offsets = [0, 176], sizes = [8, 16], strides = [1, 1]} : vector<8x256xf32> to vector<8x16xf32>
    %slice3A_407 = vector.extract_strided_slice %slice3A_394 {offsets = [0, 192], sizes = [8, 16], strides = [1, 1]} : vector<8x256xf32> to vector<8x16xf32>
    %slice3A_408 = vector.extract_strided_slice %slice3A_394 {offsets = [0, 208], sizes = [8, 16], strides = [1, 1]} : vector<8x256xf32> to vector<8x16xf32>
    %slice3A_409 = vector.extract_strided_slice %slice3A_394 {offsets = [0, 224], sizes = [8, 16], strides = [1, 1]} : vector<8x256xf32> to vector<8x16xf32>
    %slice3A_410 = vector.extract_strided_slice %slice3A_394 {offsets = [0, 240], sizes = [8, 16], strides = [1, 1]} : vector<8x256xf32> to vector<8x16xf32>
    %concatenate3A_411 = tpu.concatenate %slice3A_395, %slice3A_396, %slice3A_397, %slice3A_398, %slice3A_399, %slice3A_400, %slice3A_401, %slice3A_402, %slice3A_403, %slice3A_404, %slice3A_405, %slice3A_406, %slice3A_407, %slice3A_408, %slice3A_409, %slice3A_410 in 0 : vector<8x16xf32>, vector<8x16xf32>, vector<8x16xf32>, vector<8x16xf32>, vector<8x16xf32>, vector<8x16xf32>, vector<8x16xf32>, vector<8x16xf32>, vector<8x16xf32>, vector<8x16xf32>, vector<8x16xf32>, vector<8x16xf32>, vector<8x16xf32>, vector<8x16xf32>, vector<8x16xf32>, vector<8x16xf32> -> vector<128x16xf32>
    %concatenate3A_412 = tpu.concatenate %concatenate3A_411, %concatenate3A_411, %concatenate3A_411, %concatenate3A_411, %concatenate3A_411, %concatenate3A_411, %concatenate3A_411, %concatenate3A_411 in 1 : vector<128x16xf32>, vector<128x16xf32>, vector<128x16xf32>, vector<128x16xf32>, vector<128x16xf32>, vector<128x16xf32>, vector<128x16xf32>, vector<128x16xf32> -> vector<128x128xf32>
    %jit3A_413 = arith.constant 0.000000e+00 : f32
    %broadcast_in_dim3A_414 = vector.broadcast %jit3A_413 : f32 to vector<128x128xf32>
    %select_n3A_415 = arith.select %eq3A_274, %concatenate3A_412, %broadcast_in_dim3A_414 : vector<128x128xi1>, vector<128x128xf32>
    %slice3A_416 = vector.extract_strided_slice %get3A_10 {offsets = [32, 0, 0], sizes = [8, 16, 256], strides = [1, 1, 1]} : vector<128x16x256xf32> to vector<8x16x256xf32>
    %reshape3A_417 = vector.shape_cast %slice3A_416 : vector<8x16x256xf32> to vector<128x256xf32>
    %slice3A_418 = vector.extract_strided_slice %max3A_40 {offsets = [32, 0, 0], sizes = [8, 16, 64], strides = [1, 1, 1]} : vector<128x16x64xf32> to vector<8x16x64xf32>
    %reshape3A_419 = vector.shape_cast %slice3A_418 : vector<8x16x64xf32> to vector<128x64xf32>
    %dot_general3A_420 = arith.constant dense<0.000000e+00> : vector<128x256xf32>
    %dot_general3A_421 = tpu.matmul %select_n3A_415, %reshape3A_417, %dot_general3A_420 {dimension_numbers = #tpu.dot_dimension_numbers<[1], [0], [0], [1], [0, 0, 1, 1], [], []>, transpose_lhs_hint = false} : vector<128x128xf32>, vector<128x256xf32>, vector<128x256xf32> -> vector<128x256xf32>
    %dot_general3A_422 = arith.constant dense<0.000000e+00> : vector<128x64xf32>
    %dot_general3A_423 = tpu.matmul %select_n3A_415, %reshape3A_419, %dot_general3A_422 {dimension_numbers = #tpu.dot_dimension_numbers<[1], [0], [0], [1], [0, 0, 1, 1], [], []>, transpose_lhs_hint = false} : vector<128x128xf32>, vector<128x64xf32>, vector<128x64xf32> -> vector<128x64xf32>
    %slice3A_424 = vector.extract_strided_slice %add3A_228 {offsets = [40, 0], sizes = [8, 256], strides = [1, 1]} : vector<128x256xf32> to vector<8x256xf32>
    %slice3A_425 = vector.extract_strided_slice %slice3A_424 {offsets = [0, 0], sizes = [8, 16], strides = [1, 1]} : vector<8x256xf32> to vector<8x16xf32>
    %slice3A_426 = vector.extract_strided_slice %slice3A_424 {offsets = [0, 16], sizes = [8, 16], strides = [1, 1]} : vector<8x256xf32> to vector<8x16xf32>
    %slice3A_427 = vector.extract_strided_slice %slice3A_424 {offsets = [0, 32], sizes = [8, 16], strides = [1, 1]} : vector<8x256xf32> to vector<8x16xf32>
    %slice3A_428 = vector.extract_strided_slice %slice3A_424 {offsets = [0, 48], sizes = [8, 16], strides = [1, 1]} : vector<8x256xf32> to vector<8x16xf32>
    %slice3A_429 = vector.extract_strided_slice %slice3A_424 {offsets = [0, 64], sizes = [8, 16], strides = [1, 1]} : vector<8x256xf32> to vector<8x16xf32>
    %slice3A_430 = vector.extract_strided_slice %slice3A_424 {offsets = [0, 80], sizes = [8, 16], strides = [1, 1]} : vector<8x256xf32> to vector<8x16xf32>
    %slice3A_431 = vector.extract_strided_slice %slice3A_424 {offsets = [0, 96], sizes = [8, 16], strides = [1, 1]} : vector<8x256xf32> to vector<8x16xf32>
    %slice3A_432 = vector.extract_strided_slice %slice3A_424 {offsets = [0, 112], sizes = [8, 16], strides = [1, 1]} : vector<8x256xf32> to vector<8x16xf32>
    %slice3A_433 = vector.extract_strided_slice %slice3A_424 {offsets = [0, 128], sizes = [8, 16], strides = [1, 1]} : vector<8x256xf32> to vector<8x16xf32>
    %slice3A_434 = vector.extract_strided_slice %slice3A_424 {offsets = [0, 144], sizes = [8, 16], strides = [1, 1]} : vector<8x256xf32> to vector<8x16xf32>
    %slice3A_435 = vector.extract_strided_slice %slice3A_424 {offsets = [0, 160], sizes = [8, 16], strides = [1, 1]} : vector<8x256xf32> to vector<8x16xf32>
    %slice3A_436 = vector.extract_strided_slice %slice3A_424 {offsets = [0, 176], sizes = [8, 16], strides = [1, 1]} : vector<8x256xf32> to vector<8x16xf32>
    %slice3A_437 = vector.extract_strided_slice %slice3A_424 {offsets = [0, 192], sizes = [8, 16], strides = [1, 1]} : vector<8x256xf32> to vector<8x16xf32>
    %slice3A_438 = vector.extract_strided_slice %slice3A_424 {offsets = [0, 208], sizes = [8, 16], strides = [1, 1]} : vector<8x256xf32> to vector<8x16xf32>
    %slice3A_439 = vector.extract_strided_slice %slice3A_424 {offsets = [0, 224], sizes = [8, 16], strides = [1, 1]} : vector<8x256xf32> to vector<8x16xf32>
    %slice3A_440 = vector.extract_strided_slice %slice3A_424 {offsets = [0, 240], sizes = [8, 16], strides = [1, 1]} : vector<8x256xf32> to vector<8x16xf32>
    %concatenate3A_441 = tpu.concatenate %slice3A_425, %slice3A_426, %slice3A_427, %slice3A_428, %slice3A_429, %slice3A_430, %slice3A_431, %slice3A_432, %slice3A_433, %slice3A_434, %slice3A_435, %slice3A_436, %slice3A_437, %slice3A_438, %slice3A_439, %slice3A_440 in 0 : vector<8x16xf32>, vector<8x16xf32>, vector<8x16xf32>, vector<8x16xf32>, vector<8x16xf32>, vector<8x16xf32>, vector<8x16xf32>, vector<8x16xf32>, vector<8x16xf32>, vector<8x16xf32>, vector<8x16xf32>, vector<8x16xf32>, vector<8x16xf32>, vector<8x16xf32>, vector<8x16xf32>, vector<8x16xf32> -> vector<128x16xf32>
    %concatenate3A_442 = tpu.concatenate %concatenate3A_441, %concatenate3A_441, %concatenate3A_441, %concatenate3A_441, %concatenate3A_441, %concatenate3A_441, %concatenate3A_441, %concatenate3A_441 in 1 : vector<128x16xf32>, vector<128x16xf32>, vector<128x16xf32>, vector<128x16xf32>, vector<128x16xf32>, vector<128x16xf32>, vector<128x16xf32>, vector<128x16xf32> -> vector<128x128xf32>
    %jit3A_443 = arith.constant 0.000000e+00 : f32
    %broadcast_in_dim3A_444 = vector.broadcast %jit3A_443 : f32 to vector<128x128xf32>
    %select_n3A_445 = arith.select %eq3A_274, %concatenate3A_442, %broadcast_in_dim3A_444 : vector<128x128xi1>, vector<128x128xf32>
    %slice3A_446 = vector.extract_strided_slice %get3A_10 {offsets = [40, 0, 0], sizes = [8, 16, 256], strides = [1, 1, 1]} : vector<128x16x256xf32> to vector<8x16x256xf32>
    %reshape3A_447 = vector.shape_cast %slice3A_446 : vector<8x16x256xf32> to vector<128x256xf32>
    %slice3A_448 = vector.extract_strided_slice %max3A_40 {offsets = [40, 0, 0], sizes = [8, 16, 64], strides = [1, 1, 1]} : vector<128x16x64xf32> to vector<8x16x64xf32>
    %reshape3A_449 = vector.shape_cast %slice3A_448 : vector<8x16x64xf32> to vector<128x64xf32>
    %dot_general3A_450 = arith.constant dense<0.000000e+00> : vector<128x256xf32>
    %dot_general3A_451 = tpu.matmul %select_n3A_445, %reshape3A_447, %dot_general3A_450 {dimension_numbers = #tpu.dot_dimension_numbers<[1], [0], [0], [1], [0, 0, 1, 1], [], []>, transpose_lhs_hint = false} : vector<128x128xf32>, vector<128x256xf32>, vector<128x256xf32> -> vector<128x256xf32>
    %dot_general3A_452 = arith.constant dense<0.000000e+00> : vector<128x64xf32>
    %dot_general3A_453 = tpu.matmul %select_n3A_445, %reshape3A_449, %dot_general3A_452 {dimension_numbers = #tpu.dot_dimension_numbers<[1], [0], [0], [1], [0, 0, 1, 1], [], []>, transpose_lhs_hint = false} : vector<128x128xf32>, vector<128x64xf32>, vector<128x64xf32> -> vector<128x64xf32>
    %slice3A_454 = vector.extract_strided_slice %add3A_228 {offsets = [48, 0], sizes = [8, 256], strides = [1, 1]} : vector<128x256xf32> to vector<8x256xf32>
    %slice3A_455 = vector.extract_strided_slice %slice3A_454 {offsets = [0, 0], sizes = [8, 16], strides = [1, 1]} : vector<8x256xf32> to vector<8x16xf32>
    %slice3A_456 = vector.extract_strided_slice %slice3A_454 {offsets = [0, 16], sizes = [8, 16], strides = [1, 1]} : vector<8x256xf32> to vector<8x16xf32>
    %slice3A_457 = vector.extract_strided_slice %slice3A_454 {offsets = [0, 32], sizes = [8, 16], strides = [1, 1]} : vector<8x256xf32> to vector<8x16xf32>
    %slice3A_458 = vector.extract_strided_slice %slice3A_454 {offsets = [0, 48], sizes = [8, 16], strides = [1, 1]} : vector<8x256xf32> to vector<8x16xf32>
    %slice3A_459 = vector.extract_strided_slice %slice3A_454 {offsets = [0, 64], sizes = [8, 16], strides = [1, 1]} : vector<8x256xf32> to vector<8x16xf32>
    %slice3A_460 = vector.extract_strided_slice %slice3A_454 {offsets = [0, 80], sizes = [8, 16], strides = [1, 1]} : vector<8x256xf32> to vector<8x16xf32>
    %slice3A_461 = vector.extract_strided_slice %slice3A_454 {offsets = [0, 96], sizes = [8, 16], strides = [1, 1]} : vector<8x256xf32> to vector<8x16xf32>
    %slice3A_462 = vector.extract_strided_slice %slice3A_454 {offsets = [0, 112], sizes = [8, 16], strides = [1, 1]} : vector<8x256xf32> to vector<8x16xf32>
    %slice3A_463 = vector.extract_strided_slice %slice3A_454 {offsets = [0, 128], sizes = [8, 16], strides = [1, 1]} : vector<8x256xf32> to vector<8x16xf32>
    %slice3A_464 = vector.extract_strided_slice %slice3A_454 {offsets = [0, 144], sizes = [8, 16], strides = [1, 1]} : vector<8x256xf32> to vector<8x16xf32>
    %slice3A_465 = vector.extract_strided_slice %slice3A_454 {offsets = [0, 160], sizes = [8, 16], strides = [1, 1]} : vector<8x256xf32> to vector<8x16xf32>
    %slice3A_466 = vector.extract_strided_slice %slice3A_454 {offsets = [0, 176], sizes = [8, 16], strides = [1, 1]} : vector<8x256xf32> to vector<8x16xf32>
    %slice3A_467 = vector.extract_strided_slice %slice3A_454 {offsets = [0, 192], sizes = [8, 16], strides = [1, 1]} : vector<8x256xf32> to vector<8x16xf32>
    %slice3A_468 = vector.extract_strided_slice %slice3A_454 {offsets = [0, 208], sizes = [8, 16], strides = [1, 1]} : vector<8x256xf32> to vector<8x16xf32>
    %slice3A_469 = vector.extract_strided_slice %slice3A_454 {offsets = [0, 224], sizes = [8, 16], strides = [1, 1]} : vector<8x256xf32> to vector<8x16xf32>
    %slice3A_470 = vector.extract_strided_slice %slice3A_454 {offsets = [0, 240], sizes = [8, 16], strides = [1, 1]} : vector<8x256xf32> to vector<8x16xf32>
    %concatenate3A_471 = tpu.concatenate %slice3A_455, %slice3A_456, %slice3A_457, %slice3A_458, %slice3A_459, %slice3A_460, %slice3A_461, %slice3A_462, %slice3A_463, %slice3A_464, %slice3A_465, %slice3A_466, %slice3A_467, %slice3A_468, %slice3A_469, %slice3A_470 in 0 : vector<8x16xf32>, vector<8x16xf32>, vector<8x16xf32>, vector<8x16xf32>, vector<8x16xf32>, vector<8x16xf32>, vector<8x16xf32>, vector<8x16xf32>, vector<8x16xf32>, vector<8x16xf32>, vector<8x16xf32>, vector<8x16xf32>, vector<8x16xf32>, vector<8x16xf32>, vector<8x16xf32>, vector<8x16xf32> -> vector<128x16xf32>
    %concatenate3A_472 = tpu.concatenate %concatenate3A_471, %concatenate3A_471, %concatenate3A_471, %concatenate3A_471, %concatenate3A_471, %concatenate3A_471, %concatenate3A_471, %concatenate3A_471 in 1 : vector<128x16xf32>, vector<128x16xf32>, vector<128x16xf32>, vector<128x16xf32>, vector<128x16xf32>, vector<128x16xf32>, vector<128x16xf32>, vector<128x16xf32> -> vector<128x128xf32>
    %jit3A_473 = arith.constant 0.000000e+00 : f32
    %broadcast_in_dim3A_474 = vector.broadcast %jit3A_473 : f32 to vector<128x128xf32>
    %select_n3A_475 = arith.select %eq3A_274, %concatenate3A_472, %broadcast_in_dim3A_474 : vector<128x128xi1>, vector<128x128xf32>
    %slice3A_476 = vector.extract_strided_slice %get3A_10 {offsets = [48, 0, 0], sizes = [8, 16, 256], strides = [1, 1, 1]} : vector<128x16x256xf32> to vector<8x16x256xf32>
    %reshape3A_477 = vector.shape_cast %slice3A_476 : vector<8x16x256xf32> to vector<128x256xf32>
    %slice3A_478 = vector.extract_strided_slice %max3A_40 {offsets = [48, 0, 0], sizes = [8, 16, 64], strides = [1, 1, 1]} : vector<128x16x64xf32> to vector<8x16x64xf32>
    %reshape3A_479 = vector.shape_cast %slice3A_478 : vector<8x16x64xf32> to vector<128x64xf32>
    %dot_general3A_480 = arith.constant dense<0.000000e+00> : vector<128x256xf32>
    %dot_general3A_481 = tpu.matmul %select_n3A_475, %reshape3A_477, %dot_general3A_480 {dimension_numbers = #tpu.dot_dimension_numbers<[1], [0], [0], [1], [0, 0, 1, 1], [], []>, transpose_lhs_hint = false} : vector<128x128xf32>, vector<128x256xf32>, vector<128x256xf32> -> vector<128x256xf32>
    %dot_general3A_482 = arith.constant dense<0.000000e+00> : vector<128x64xf32>
    %dot_general3A_483 = tpu.matmul %select_n3A_475, %reshape3A_479, %dot_general3A_482 {dimension_numbers = #tpu.dot_dimension_numbers<[1], [0], [0], [1], [0, 0, 1, 1], [], []>, transpose_lhs_hint = false} : vector<128x128xf32>, vector<128x64xf32>, vector<128x64xf32> -> vector<128x64xf32>
    %slice3A_484 = vector.extract_strided_slice %add3A_228 {offsets = [56, 0], sizes = [8, 256], strides = [1, 1]} : vector<128x256xf32> to vector<8x256xf32>
    %slice3A_485 = vector.extract_strided_slice %slice3A_484 {offsets = [0, 0], sizes = [8, 16], strides = [1, 1]} : vector<8x256xf32> to vector<8x16xf32>
    %slice3A_486 = vector.extract_strided_slice %slice3A_484 {offsets = [0, 16], sizes = [8, 16], strides = [1, 1]} : vector<8x256xf32> to vector<8x16xf32>
    %slice3A_487 = vector.extract_strided_slice %slice3A_484 {offsets = [0, 32], sizes = [8, 16], strides = [1, 1]} : vector<8x256xf32> to vector<8x16xf32>
    %slice3A_488 = vector.extract_strided_slice %slice3A_484 {offsets = [0, 48], sizes = [8, 16], strides = [1, 1]} : vector<8x256xf32> to vector<8x16xf32>
    %slice3A_489 = vector.extract_strided_slice %slice3A_484 {offsets = [0, 64], sizes = [8, 16], strides = [1, 1]} : vector<8x256xf32> to vector<8x16xf32>
    %slice3A_490 = vector.extract_strided_slice %slice3A_484 {offsets = [0, 80], sizes = [8, 16], strides = [1, 1]} : vector<8x256xf32> to vector<8x16xf32>
    %slice3A_491 = vector.extract_strided_slice %slice3A_484 {offsets = [0, 96], sizes = [8, 16], strides = [1, 1]} : vector<8x256xf32> to vector<8x16xf32>
    %slice3A_492 = vector.extract_strided_slice %slice3A_484 {offsets = [0, 112], sizes = [8, 16], strides = [1, 1]} : vector<8x256xf32> to vector<8x16xf32>
    %slice3A_493 = vector.extract_strided_slice %slice3A_484 {offsets = [0, 128], sizes = [8, 16], strides = [1, 1]} : vector<8x256xf32> to vector<8x16xf32>
    %slice3A_494 = vector.extract_strided_slice %slice3A_484 {offsets = [0, 144], sizes = [8, 16], strides = [1, 1]} : vector<8x256xf32> to vector<8x16xf32>
    %slice3A_495 = vector.extract_strided_slice %slice3A_484 {offsets = [0, 160], sizes = [8, 16], strides = [1, 1]} : vector<8x256xf32> to vector<8x16xf32>
    %slice3A_496 = vector.extract_strided_slice %slice3A_484 {offsets = [0, 176], sizes = [8, 16], strides = [1, 1]} : vector<8x256xf32> to vector<8x16xf32>
    %slice3A_497 = vector.extract_strided_slice %slice3A_484 {offsets = [0, 192], sizes = [8, 16], strides = [1, 1]} : vector<8x256xf32> to vector<8x16xf32>
    %slice3A_498 = vector.extract_strided_slice %slice3A_484 {offsets = [0, 208], sizes = [8, 16], strides = [1, 1]} : vector<8x256xf32> to vector<8x16xf32>
    %slice3A_499 = vector.extract_strided_slice %slice3A_484 {offsets = [0, 224], sizes = [8, 16], strides = [1, 1]} : vector<8x256xf32> to vector<8x16xf32>
    %slice3A_500 = vector.extract_strided_slice %slice3A_484 {offsets = [0, 240], sizes = [8, 16], strides = [1, 1]} : vector<8x256xf32> to vector<8x16xf32>
    %concatenate3A_501 = tpu.concatenate %slice3A_485, %slice3A_486, %slice3A_487, %slice3A_488, %slice3A_489, %slice3A_490, %slice3A_491, %slice3A_492, %slice3A_493, %slice3A_494, %slice3A_495, %slice3A_496, %slice3A_497, %slice3A_498, %slice3A_499, %slice3A_500 in 0 : vector<8x16xf32>, vector<8x16xf32>, vector<8x16xf32>, vector<8x16xf32>, vector<8x16xf32>, vector<8x16xf32>, vector<8x16xf32>, vector<8x16xf32>, vector<8x16xf32>, vector<8x16xf32>, vector<8x16xf32>, vector<8x16xf32>, vector<8x16xf32>, vector<8x16xf32>, vector<8x16xf32>, vector<8x16xf32> -> vector<128x16xf32>
    %concatenate3A_502 = tpu.concatenate %concatenate3A_501, %concatenate3A_501, %concatenate3A_501, %concatenate3A_501, %concatenate3A_501, %concatenate3A_501, %concatenate3A_501, %concatenate3A_501 in 1 : vector<128x16xf32>, vector<128x16xf32>, vector<128x16xf32>, vector<128x16xf32>, vector<128x16xf32>, vector<128x16xf32>, vector<128x16xf32>, vector<128x16xf32> -> vector<128x128xf32>
    %jit3A_503 = arith.constant 0.000000e+00 : f32
    %broadcast_in_dim3A_504 = vector.broadcast %jit3A_503 : f32 to vector<128x128xf32>
    %select_n3A_505 = arith.select %eq3A_274, %concatenate3A_502, %broadcast_in_dim3A_504 : vector<128x128xi1>, vector<128x128xf32>
    %slice3A_506 = vector.extract_strided_slice %get3A_10 {offsets = [56, 0, 0], sizes = [8, 16, 256], strides = [1, 1, 1]} : vector<128x16x256xf32> to vector<8x16x256xf32>
    %reshape3A_507 = vector.shape_cast %slice3A_506 : vector<8x16x256xf32> to vector<128x256xf32>
    %slice3A_508 = vector.extract_strided_slice %max3A_40 {offsets = [56, 0, 0], sizes = [8, 16, 64], strides = [1, 1, 1]} : vector<128x16x64xf32> to vector<8x16x64xf32>
    %reshape3A_509 = vector.shape_cast %slice3A_508 : vector<8x16x64xf32> to vector<128x64xf32>
    %dot_general3A_510 = arith.constant dense<0.000000e+00> : vector<128x256xf32>
    %dot_general3A_511 = tpu.matmul %select_n3A_505, %reshape3A_507, %dot_general3A_510 {dimension_numbers = #tpu.dot_dimension_numbers<[1], [0], [0], [1], [0, 0, 1, 1], [], []>, transpose_lhs_hint = false} : vector<128x128xf32>, vector<128x256xf32>, vector<128x256xf32> -> vector<128x256xf32>
    %dot_general3A_512 = arith.constant dense<0.000000e+00> : vector<128x64xf32>
    %dot_general3A_513 = tpu.matmul %select_n3A_505, %reshape3A_509, %dot_general3A_512 {dimension_numbers = #tpu.dot_dimension_numbers<[1], [0], [0], [1], [0, 0, 1, 1], [], []>, transpose_lhs_hint = false} : vector<128x128xf32>, vector<128x64xf32>, vector<128x64xf32> -> vector<128x64xf32>
    %slice3A_514 = vector.extract_strided_slice %add3A_228 {offsets = [64, 0], sizes = [8, 256], strides = [1, 1]} : vector<128x256xf32> to vector<8x256xf32>
    %slice3A_515 = vector.extract_strided_slice %slice3A_514 {offsets = [0, 0], sizes = [8, 16], strides = [1, 1]} : vector<8x256xf32> to vector<8x16xf32>
    %slice3A_516 = vector.extract_strided_slice %slice3A_514 {offsets = [0, 16], sizes = [8, 16], strides = [1, 1]} : vector<8x256xf32> to vector<8x16xf32>
    %slice3A_517 = vector.extract_strided_slice %slice3A_514 {offsets = [0, 32], sizes = [8, 16], strides = [1, 1]} : vector<8x256xf32> to vector<8x16xf32>
    %slice3A_518 = vector.extract_strided_slice %slice3A_514 {offsets = [0, 48], sizes = [8, 16], strides = [1, 1]} : vector<8x256xf32> to vector<8x16xf32>
    %slice3A_519 = vector.extract_strided_slice %slice3A_514 {offsets = [0, 64], sizes = [8, 16], strides = [1, 1]} : vector<8x256xf32> to vector<8x16xf32>
    %slice3A_520 = vector.extract_strided_slice %slice3A_514 {offsets = [0, 80], sizes = [8, 16], strides = [1, 1]} : vector<8x256xf32> to vector<8x16xf32>
    %slice3A_521 = vector.extract_strided_slice %slice3A_514 {offsets = [0, 96], sizes = [8, 16], strides = [1, 1]} : vector<8x256xf32> to vector<8x16xf32>
    %slice3A_522 = vector.extract_strided_slice %slice3A_514 {offsets = [0, 112], sizes = [8, 16], strides = [1, 1]} : vector<8x256xf32> to vector<8x16xf32>
    %slice3A_523 = vector.extract_strided_slice %slice3A_514 {offsets = [0, 128], sizes = [8, 16], strides = [1, 1]} : vector<8x256xf32> to vector<8x16xf32>
    %slice3A_524 = vector.extract_strided_slice %slice3A_514 {offsets = [0, 144], sizes = [8, 16], strides = [1, 1]} : vector<8x256xf32> to vector<8x16xf32>
    %slice3A_525 = vector.extract_strided_slice %slice3A_514 {offsets = [0, 160], sizes = [8, 16], strides = [1, 1]} : vector<8x256xf32> to vector<8x16xf32>
    %slice3A_526 = vector.extract_strided_slice %slice3A_514 {offsets = [0, 176], sizes = [8, 16], strides = [1, 1]} : vector<8x256xf32> to vector<8x16xf32>
    %slice3A_527 = vector.extract_strided_slice %slice3A_514 {offsets = [0, 192], sizes = [8, 16], strides = [1, 1]} : vector<8x256xf32> to vector<8x16xf32>
    %slice3A_528 = vector.extract_strided_slice %slice3A_514 {offsets = [0, 208], sizes = [8, 16], strides = [1, 1]} : vector<8x256xf32> to vector<8x16xf32>
    %slice3A_529 = vector.extract_strided_slice %slice3A_514 {offsets = [0, 224], sizes = [8, 16], strides = [1, 1]} : vector<8x256xf32> to vector<8x16xf32>
    %slice3A_530 = vector.extract_strided_slice %slice3A_514 {offsets = [0, 240], sizes = [8, 16], strides = [1, 1]} : vector<8x256xf32> to vector<8x16xf32>
    %concatenate3A_531 = tpu.concatenate %slice3A_515, %slice3A_516, %slice3A_517, %slice3A_518, %slice3A_519, %slice3A_520, %slice3A_521, %slice3A_522, %slice3A_523, %slice3A_524, %slice3A_525, %slice3A_526, %slice3A_527, %slice3A_528, %slice3A_529, %slice3A_530 in 0 : vector<8x16xf32>, vector<8x16xf32>, vector<8x16xf32>, vector<8x16xf32>, vector<8x16xf32>, vector<8x16xf32>, vector<8x16xf32>, vector<8x16xf32>, vector<8x16xf32>, vector<8x16xf32>, vector<8x16xf32>, vector<8x16xf32>, vector<8x16xf32>, vector<8x16xf32>, vector<8x16xf32>, vector<8x16xf32> -> vector<128x16xf32>
    %concatenate3A_532 = tpu.concatenate %concatenate3A_531, %concatenate3A_531, %concatenate3A_531, %concatenate3A_531, %concatenate3A_531, %concatenate3A_531, %concatenate3A_531, %concatenate3A_531 in 1 : vector<128x16xf32>, vector<128x16xf32>, vector<128x16xf32>, vector<128x16xf32>, vector<128x16xf32>, vector<128x16xf32>, vector<128x16xf32>, vector<128x16xf32> -> vector<128x128xf32>
    %jit3A_533 = arith.constant 0.000000e+00 : f32
    %broadcast_in_dim3A_534 = vector.broadcast %jit3A_533 : f32 to vector<128x128xf32>
    %select_n3A_535 = arith.select %eq3A_274, %concatenate3A_532, %broadcast_in_dim3A_534 : vector<128x128xi1>, vector<128x128xf32>
    %slice3A_536 = vector.extract_strided_slice %get3A_10 {offsets = [64, 0, 0], sizes = [8, 16, 256], strides = [1, 1, 1]} : vector<128x16x256xf32> to vector<8x16x256xf32>
    %reshape3A_537 = vector.shape_cast %slice3A_536 : vector<8x16x256xf32> to vector<128x256xf32>
    %slice3A_538 = vector.extract_strided_slice %max3A_40 {offsets = [64, 0, 0], sizes = [8, 16, 64], strides = [1, 1, 1]} : vector<128x16x64xf32> to vector<8x16x64xf32>
    %reshape3A_539 = vector.shape_cast %slice3A_538 : vector<8x16x64xf32> to vector<128x64xf32>
    %dot_general3A_540 = arith.constant dense<0.000000e+00> : vector<128x256xf32>
    %dot_general3A_541 = tpu.matmul %select_n3A_535, %reshape3A_537, %dot_general3A_540 {dimension_numbers = #tpu.dot_dimension_numbers<[1], [0], [0], [1], [0, 0, 1, 1], [], []>, transpose_lhs_hint = false} : vector<128x128xf32>, vector<128x256xf32>, vector<128x256xf32> -> vector<128x256xf32>
    %dot_general3A_542 = arith.constant dense<0.000000e+00> : vector<128x64xf32>
    %dot_general3A_543 = tpu.matmul %select_n3A_535, %reshape3A_539, %dot_general3A_542 {dimension_numbers = #tpu.dot_dimension_numbers<[1], [0], [0], [1], [0, 0, 1, 1], [], []>, transpose_lhs_hint = false} : vector<128x128xf32>, vector<128x64xf32>, vector<128x64xf32> -> vector<128x64xf32>
    %slice3A_544 = vector.extract_strided_slice %add3A_228 {offsets = [72, 0], sizes = [8, 256], strides = [1, 1]} : vector<128x256xf32> to vector<8x256xf32>
    %slice3A_545 = vector.extract_strided_slice %slice3A_544 {offsets = [0, 0], sizes = [8, 16], strides = [1, 1]} : vector<8x256xf32> to vector<8x16xf32>
    %slice3A_546 = vector.extract_strided_slice %slice3A_544 {offsets = [0, 16], sizes = [8, 16], strides = [1, 1]} : vector<8x256xf32> to vector<8x16xf32>
    %slice3A_547 = vector.extract_strided_slice %slice3A_544 {offsets = [0, 32], sizes = [8, 16], strides = [1, 1]} : vector<8x256xf32> to vector<8x16xf32>
    %slice3A_548 = vector.extract_strided_slice %slice3A_544 {offsets = [0, 48], sizes = [8, 16], strides = [1, 1]} : vector<8x256xf32> to vector<8x16xf32>
    %slice3A_549 = vector.extract_strided_slice %slice3A_544 {offsets = [0, 64], sizes = [8, 16], strides = [1, 1]} : vector<8x256xf32> to vector<8x16xf32>
    %slice3A_550 = vector.extract_strided_slice %slice3A_544 {offsets = [0, 80], sizes = [8, 16], strides = [1, 1]} : vector<8x256xf32> to vector<8x16xf32>
    %slice3A_551 = vector.extract_strided_slice %slice3A_544 {offsets = [0, 96], sizes = [8, 16], strides = [1, 1]} : vector<8x256xf32> to vector<8x16xf32>
    %slice3A_552 = vector.extract_strided_slice %slice3A_544 {offsets = [0, 112], sizes = [8, 16], strides = [1, 1]} : vector<8x256xf32> to vector<8x16xf32>
    %slice3A_553 = vector.extract_strided_slice %slice3A_544 {offsets = [0, 128], sizes = [8, 16], strides = [1, 1]} : vector<8x256xf32> to vector<8x16xf32>
    %slice3A_554 = vector.extract_strided_slice %slice3A_544 {offsets = [0, 144], sizes = [8, 16], strides = [1, 1]} : vector<8x256xf32> to vector<8x16xf32>
    %slice3A_555 = vector.extract_strided_slice %slice3A_544 {offsets = [0, 160], sizes = [8, 16], strides = [1, 1]} : vector<8x256xf32> to vector<8x16xf32>
    %slice3A_556 = vector.extract_strided_slice %slice3A_544 {offsets = [0, 176], sizes = [8, 16], strides = [1, 1]} : vector<8x256xf32> to vector<8x16xf32>
    %slice3A_557 = vector.extract_strided_slice %slice3A_544 {offsets = [0, 192], sizes = [8, 16], strides = [1, 1]} : vector<8x256xf32> to vector<8x16xf32>
    %slice3A_558 = vector.extract_strided_slice %slice3A_544 {offsets = [0, 208], sizes = [8, 16], strides = [1, 1]} : vector<8x256xf32> to vector<8x16xf32>
    %slice3A_559 = vector.extract_strided_slice %slice3A_544 {offsets = [0, 224], sizes = [8, 16], strides = [1, 1]} : vector<8x256xf32> to vector<8x16xf32>
    %slice3A_560 = vector.extract_strided_slice %slice3A_544 {offsets = [0, 240], sizes = [8, 16], strides = [1, 1]} : vector<8x256xf32> to vector<8x16xf32>
    %concatenate3A_561 = tpu.concatenate %slice3A_545, %slice3A_546, %slice3A_547, %slice3A_548, %slice3A_549, %slice3A_550, %slice3A_551, %slice3A_552, %slice3A_553, %slice3A_554, %slice3A_555, %slice3A_556, %slice3A_557, %slice3A_558, %slice3A_559, %slice3A_560 in 0 : vector<8x16xf32>, vector<8x16xf32>, vector<8x16xf32>, vector<8x16xf32>, vector<8x16xf32>, vector<8x16xf32>, vector<8x16xf32>, vector<8x16xf32>, vector<8x16xf32>, vector<8x16xf32>, vector<8x16xf32>, vector<8x16xf32>, vector<8x16xf32>, vector<8x16xf32>, vector<8x16xf32>, vector<8x16xf32> -> vector<128x16xf32>
    %concatenate3A_562 = tpu.concatenate %concatenate3A_561, %concatenate3A_561, %concatenate3A_561, %concatenate3A_561, %concatenate3A_561, %concatenate3A_561, %concatenate3A_561, %concatenate3A_561 in 1 : vector<128x16xf32>, vector<128x16xf32>, vector<128x16xf32>, vector<128x16xf32>, vector<128x16xf32>, vector<128x16xf32>, vector<128x16xf32>, vector<128x16xf32> -> vector<128x128xf32>
    %jit3A_563 = arith.constant 0.000000e+00 : f32
    %broadcast_in_dim3A_564 = vector.broadcast %jit3A_563 : f32 to vector<128x128xf32>
    %select_n3A_565 = arith.select %eq3A_274, %concatenate3A_562, %broadcast_in_dim3A_564 : vector<128x128xi1>, vector<128x128xf32>
    %slice3A_566 = vector.extract_strided_slice %get3A_10 {offsets = [72, 0, 0], sizes = [8, 16, 256], strides = [1, 1, 1]} : vector<128x16x256xf32> to vector<8x16x256xf32>
    %reshape3A_567 = vector.shape_cast %slice3A_566 : vector<8x16x256xf32> to vector<128x256xf32>
    %slice3A_568 = vector.extract_strided_slice %max3A_40 {offsets = [72, 0, 0], sizes = [8, 16, 64], strides = [1, 1, 1]} : vector<128x16x64xf32> to vector<8x16x64xf32>
    %reshape3A_569 = vector.shape_cast %slice3A_568 : vector<8x16x64xf32> to vector<128x64xf32>
    %dot_general3A_570 = arith.constant dense<0.000000e+00> : vector<128x256xf32>
    %dot_general3A_571 = tpu.matmul %select_n3A_565, %reshape3A_567, %dot_general3A_570 {dimension_numbers = #tpu.dot_dimension_numbers<[1], [0], [0], [1], [0, 0, 1, 1], [], []>, transpose_lhs_hint = false} : vector<128x128xf32>, vector<128x256xf32>, vector<128x256xf32> -> vector<128x256xf32>
    %dot_general3A_572 = arith.constant dense<0.000000e+00> : vector<128x64xf32>
    %dot_general3A_573 = tpu.matmul %select_n3A_565, %reshape3A_569, %dot_general3A_572 {dimension_numbers = #tpu.dot_dimension_numbers<[1], [0], [0], [1], [0, 0, 1, 1], [], []>, transpose_lhs_hint = false} : vector<128x128xf32>, vector<128x64xf32>, vector<128x64xf32> -> vector<128x64xf32>
    %slice3A_574 = vector.extract_strided_slice %add3A_228 {offsets = [80, 0], sizes = [8, 256], strides = [1, 1]} : vector<128x256xf32> to vector<8x256xf32>
    %slice3A_575 = vector.extract_strided_slice %slice3A_574 {offsets = [0, 0], sizes = [8, 16], strides = [1, 1]} : vector<8x256xf32> to vector<8x16xf32>
    %slice3A_576 = vector.extract_strided_slice %slice3A_574 {offsets = [0, 16], sizes = [8, 16], strides = [1, 1]} : vector<8x256xf32> to vector<8x16xf32>
    %slice3A_577 = vector.extract_strided_slice %slice3A_574 {offsets = [0, 32], sizes = [8, 16], strides = [1, 1]} : vector<8x256xf32> to vector<8x16xf32>
    %slice3A_578 = vector.extract_strided_slice %slice3A_574 {offsets = [0, 48], sizes = [8, 16], strides = [1, 1]} : vector<8x256xf32> to vector<8x16xf32>
    %slice3A_579 = vector.extract_strided_slice %slice3A_574 {offsets = [0, 64], sizes = [8, 16], strides = [1, 1]} : vector<8x256xf32> to vector<8x16xf32>
    %slice3A_580 = vector.extract_strided_slice %slice3A_574 {offsets = [0, 80], sizes = [8, 16], strides = [1, 1]} : vector<8x256xf32> to vector<8x16xf32>
    %slice3A_581 = vector.extract_strided_slice %slice3A_574 {offsets = [0, 96], sizes = [8, 16], strides = [1, 1]} : vector<8x256xf32> to vector<8x16xf32>
    %slice3A_582 = vector.extract_strided_slice %slice3A_574 {offsets = [0, 112], sizes = [8, 16], strides = [1, 1]} : vector<8x256xf32> to vector<8x16xf32>
    %slice3A_583 = vector.extract_strided_slice %slice3A_574 {offsets = [0, 128], sizes = [8, 16], strides = [1, 1]} : vector<8x256xf32> to vector<8x16xf32>
    %slice3A_584 = vector.extract_strided_slice %slice3A_574 {offsets = [0, 144], sizes = [8, 16], strides = [1, 1]} : vector<8x256xf32> to vector<8x16xf32>
    %slice3A_585 = vector.extract_strided_slice %slice3A_574 {offsets = [0, 160], sizes = [8, 16], strides = [1, 1]} : vector<8x256xf32> to vector<8x16xf32>
    %slice3A_586 = vector.extract_strided_slice %slice3A_574 {offsets = [0, 176], sizes = [8, 16], strides = [1, 1]} : vector<8x256xf32> to vector<8x16xf32>
    %slice3A_587 = vector.extract_strided_slice %slice3A_574 {offsets = [0, 192], sizes = [8, 16], strides = [1, 1]} : vector<8x256xf32> to vector<8x16xf32>
    %slice3A_588 = vector.extract_strided_slice %slice3A_574 {offsets = [0, 208], sizes = [8, 16], strides = [1, 1]} : vector<8x256xf32> to vector<8x16xf32>
    %slice3A_589 = vector.extract_strided_slice %slice3A_574 {offsets = [0, 224], sizes = [8, 16], strides = [1, 1]} : vector<8x256xf32> to vector<8x16xf32>
    %slice3A_590 = vector.extract_strided_slice %slice3A_574 {offsets = [0, 240], sizes = [8, 16], strides = [1, 1]} : vector<8x256xf32> to vector<8x16xf32>
    %concatenate3A_591 = tpu.concatenate %slice3A_575, %slice3A_576, %slice3A_577, %slice3A_578, %slice3A_579, %slice3A_580, %slice3A_581, %slice3A_582, %slice3A_583, %slice3A_584, %slice3A_585, %slice3A_586, %slice3A_587, %slice3A_588, %slice3A_589, %slice3A_590 in 0 : vector<8x16xf32>, vector<8x16xf32>, vector<8x16xf32>, vector<8x16xf32>, vector<8x16xf32>, vector<8x16xf32>, vector<8x16xf32>, vector<8x16xf32>, vector<8x16xf32>, vector<8x16xf32>, vector<8x16xf32>, vector<8x16xf32>, vector<8x16xf32>, vector<8x16xf32>, vector<8x16xf32>, vector<8x16xf32> -> vector<128x16xf32>
    %concatenate3A_592 = tpu.concatenate %concatenate3A_591, %concatenate3A_591, %concatenate3A_591, %concatenate3A_591, %concatenate3A_591, %concatenate3A_591, %concatenate3A_591, %concatenate3A_591 in 1 : vector<128x16xf32>, vector<128x16xf32>, vector<128x16xf32>, vector<128x16xf32>, vector<128x16xf32>, vector<128x16xf32>, vector<128x16xf32>, vector<128x16xf32> -> vector<128x128xf32>
    %jit3A_593 = arith.constant 0.000000e+00 : f32
    %broadcast_in_dim3A_594 = vector.broadcast %jit3A_593 : f32 to vector<128x128xf32>
    %select_n3A_595 = arith.select %eq3A_274, %concatenate3A_592, %broadcast_in_dim3A_594 : vector<128x128xi1>, vector<128x128xf32>
    %slice3A_596 = vector.extract_strided_slice %get3A_10 {offsets = [80, 0, 0], sizes = [8, 16, 256], strides = [1, 1, 1]} : vector<128x16x256xf32> to vector<8x16x256xf32>
    %reshape3A_597 = vector.shape_cast %slice3A_596 : vector<8x16x256xf32> to vector<128x256xf32>
    %slice3A_598 = vector.extract_strided_slice %max3A_40 {offsets = [80, 0, 0], sizes = [8, 16, 64], strides = [1, 1, 1]} : vector<128x16x64xf32> to vector<8x16x64xf32>
    %reshape3A_599 = vector.shape_cast %slice3A_598 : vector<8x16x64xf32> to vector<128x64xf32>
    %dot_general3A_600 = arith.constant dense<0.000000e+00> : vector<128x256xf32>
    %dot_general3A_601 = tpu.matmul %select_n3A_595, %reshape3A_597, %dot_general3A_600 {dimension_numbers = #tpu.dot_dimension_numbers<[1], [0], [0], [1], [0, 0, 1, 1], [], []>, transpose_lhs_hint = false} : vector<128x128xf32>, vector<128x256xf32>, vector<128x256xf32> -> vector<128x256xf32>
    %dot_general3A_602 = arith.constant dense<0.000000e+00> : vector<128x64xf32>
    %dot_general3A_603 = tpu.matmul %select_n3A_595, %reshape3A_599, %dot_general3A_602 {dimension_numbers = #tpu.dot_dimension_numbers<[1], [0], [0], [1], [0, 0, 1, 1], [], []>, transpose_lhs_hint = false} : vector<128x128xf32>, vector<128x64xf32>, vector<128x64xf32> -> vector<128x64xf32>
    %slice3A_604 = vector.extract_strided_slice %add3A_228 {offsets = [88, 0], sizes = [8, 256], strides = [1, 1]} : vector<128x256xf32> to vector<8x256xf32>
    %slice3A_605 = vector.extract_strided_slice %slice3A_604 {offsets = [0, 0], sizes = [8, 16], strides = [1, 1]} : vector<8x256xf32> to vector<8x16xf32>
    %slice3A_606 = vector.extract_strided_slice %slice3A_604 {offsets = [0, 16], sizes = [8, 16], strides = [1, 1]} : vector<8x256xf32> to vector<8x16xf32>
    %slice3A_607 = vector.extract_strided_slice %slice3A_604 {offsets = [0, 32], sizes = [8, 16], strides = [1, 1]} : vector<8x256xf32> to vector<8x16xf32>
    %slice3A_608 = vector.extract_strided_slice %slice3A_604 {offsets = [0, 48], sizes = [8, 16], strides = [1, 1]} : vector<8x256xf32> to vector<8x16xf32>
    %slice3A_609 = vector.extract_strided_slice %slice3A_604 {offsets = [0, 64], sizes = [8, 16], strides = [1, 1]} : vector<8x256xf32> to vector<8x16xf32>
    %slice3A_610 = vector.extract_strided_slice %slice3A_604 {offsets = [0, 80], sizes = [8, 16], strides = [1, 1]} : vector<8x256xf32> to vector<8x16xf32>
    %slice3A_611 = vector.extract_strided_slice %slice3A_604 {offsets = [0, 96], sizes = [8, 16], strides = [1, 1]} : vector<8x256xf32> to vector<8x16xf32>
    %slice3A_612 = vector.extract_strided_slice %slice3A_604 {offsets = [0, 112], sizes = [8, 16], strides = [1, 1]} : vector<8x256xf32> to vector<8x16xf32>
    %slice3A_613 = vector.extract_strided_slice %slice3A_604 {offsets = [0, 128], sizes = [8, 16], strides = [1, 1]} : vector<8x256xf32> to vector<8x16xf32>
    %slice3A_614 = vector.extract_strided_slice %slice3A_604 {offsets = [0, 144], sizes = [8, 16], strides = [1, 1]} : vector<8x256xf32> to vector<8x16xf32>
    %slice3A_615 = vector.extract_strided_slice %slice3A_604 {offsets = [0, 160], sizes = [8, 16], strides = [1, 1]} : vector<8x256xf32> to vector<8x16xf32>
    %slice3A_616 = vector.extract_strided_slice %slice3A_604 {offsets = [0, 176], sizes = [8, 16], strides = [1, 1]} : vector<8x256xf32> to vector<8x16xf32>
    %slice3A_617 = vector.extract_strided_slice %slice3A_604 {offsets = [0, 192], sizes = [8, 16], strides = [1, 1]} : vector<8x256xf32> to vector<8x16xf32>
    %slice3A_618 = vector.extract_strided_slice %slice3A_604 {offsets = [0, 208], sizes = [8, 16], strides = [1, 1]} : vector<8x256xf32> to vector<8x16xf32>
    %slice3A_619 = vector.extract_strided_slice %slice3A_604 {offsets = [0, 224], sizes = [8, 16], strides = [1, 1]} : vector<8x256xf32> to vector<8x16xf32>
    %slice3A_620 = vector.extract_strided_slice %slice3A_604 {offsets = [0, 240], sizes = [8, 16], strides = [1, 1]} : vector<8x256xf32> to vector<8x16xf32>
    %concatenate3A_621 = tpu.concatenate %slice3A_605, %slice3A_606, %slice3A_607, %slice3A_608, %slice3A_609, %slice3A_610, %slice3A_611, %slice3A_612, %slice3A_613, %slice3A_614, %slice3A_615, %slice3A_616, %slice3A_617, %slice3A_618, %slice3A_619, %slice3A_620 in 0 : vector<8x16xf32>, vector<8x16xf32>, vector<8x16xf32>, vector<8x16xf32>, vector<8x16xf32>, vector<8x16xf32>, vector<8x16xf32>, vector<8x16xf32>, vector<8x16xf32>, vector<8x16xf32>, vector<8x16xf32>, vector<8x16xf32>, vector<8x16xf32>, vector<8x16xf32>, vector<8x16xf32>, vector<8x16xf32> -> vector<128x16xf32>
    %concatenate3A_622 = tpu.concatenate %concatenate3A_621, %concatenate3A_621, %concatenate3A_621, %concatenate3A_621, %concatenate3A_621, %concatenate3A_621, %concatenate3A_621, %concatenate3A_621 in 1 : vector<128x16xf32>, vector<128x16xf32>, vector<128x16xf32>, vector<128x16xf32>, vector<128x16xf32>, vector<128x16xf32>, vector<128x16xf32>, vector<128x16xf32> -> vector<128x128xf32>
    %jit3A_623 = arith.constant 0.000000e+00 : f32
    %broadcast_in_dim3A_624 = vector.broadcast %jit3A_623 : f32 to vector<128x128xf32>
    %select_n3A_625 = arith.select %eq3A_274, %concatenate3A_622, %broadcast_in_dim3A_624 : vector<128x128xi1>, vector<128x128xf32>
    %slice3A_626 = vector.extract_strided_slice %get3A_10 {offsets = [88, 0, 0], sizes = [8, 16, 256], strides = [1, 1, 1]} : vector<128x16x256xf32> to vector<8x16x256xf32>
    %reshape3A_627 = vector.shape_cast %slice3A_626 : vector<8x16x256xf32> to vector<128x256xf32>
    %slice3A_628 = vector.extract_strided_slice %max3A_40 {offsets = [88, 0, 0], sizes = [8, 16, 64], strides = [1, 1, 1]} : vector<128x16x64xf32> to vector<8x16x64xf32>
    %reshape3A_629 = vector.shape_cast %slice3A_628 : vector<8x16x64xf32> to vector<128x64xf32>
    %dot_general3A_630 = arith.constant dense<0.000000e+00> : vector<128x256xf32>
    %dot_general3A_631 = tpu.matmul %select_n3A_625, %reshape3A_627, %dot_general3A_630 {dimension_numbers = #tpu.dot_dimension_numbers<[1], [0], [0], [1], [0, 0, 1, 1], [], []>, transpose_lhs_hint = false} : vector<128x128xf32>, vector<128x256xf32>, vector<128x256xf32> -> vector<128x256xf32>
    %dot_general3A_632 = arith.constant dense<0.000000e+00> : vector<128x64xf32>
    %dot_general3A_633 = tpu.matmul %select_n3A_625, %reshape3A_629, %dot_general3A_632 {dimension_numbers = #tpu.dot_dimension_numbers<[1], [0], [0], [1], [0, 0, 1, 1], [], []>, transpose_lhs_hint = false} : vector<128x128xf32>, vector<128x64xf32>, vector<128x64xf32> -> vector<128x64xf32>
    %slice3A_634 = vector.extract_strided_slice %add3A_228 {offsets = [96, 0], sizes = [8, 256], strides = [1, 1]} : vector<128x256xf32> to vector<8x256xf32>
    %slice3A_635 = vector.extract_strided_slice %slice3A_634 {offsets = [0, 0], sizes = [8, 16], strides = [1, 1]} : vector<8x256xf32> to vector<8x16xf32>
    %slice3A_636 = vector.extract_strided_slice %slice3A_634 {offsets = [0, 16], sizes = [8, 16], strides = [1, 1]} : vector<8x256xf32> to vector<8x16xf32>
    %slice3A_637 = vector.extract_strided_slice %slice3A_634 {offsets = [0, 32], sizes = [8, 16], strides = [1, 1]} : vector<8x256xf32> to vector<8x16xf32>
    %slice3A_638 = vector.extract_strided_slice %slice3A_634 {offsets = [0, 48], sizes = [8, 16], strides = [1, 1]} : vector<8x256xf32> to vector<8x16xf32>
    %slice3A_639 = vector.extract_strided_slice %slice3A_634 {offsets = [0, 64], sizes = [8, 16], strides = [1, 1]} : vector<8x256xf32> to vector<8x16xf32>
    %slice3A_640 = vector.extract_strided_slice %slice3A_634 {offsets = [0, 80], sizes = [8, 16], strides = [1, 1]} : vector<8x256xf32> to vector<8x16xf32>
    %slice3A_641 = vector.extract_strided_slice %slice3A_634 {offsets = [0, 96], sizes = [8, 16], strides = [1, 1]} : vector<8x256xf32> to vector<8x16xf32>
    %slice3A_642 = vector.extract_strided_slice %slice3A_634 {offsets = [0, 112], sizes = [8, 16], strides = [1, 1]} : vector<8x256xf32> to vector<8x16xf32>
    %slice3A_643 = vector.extract_strided_slice %slice3A_634 {offsets = [0, 128], sizes = [8, 16], strides = [1, 1]} : vector<8x256xf32> to vector<8x16xf32>
    %slice3A_644 = vector.extract_strided_slice %slice3A_634 {offsets = [0, 144], sizes = [8, 16], strides = [1, 1]} : vector<8x256xf32> to vector<8x16xf32>
    %slice3A_645 = vector.extract_strided_slice %slice3A_634 {offsets = [0, 160], sizes = [8, 16], strides = [1, 1]} : vector<8x256xf32> to vector<8x16xf32>
    %slice3A_646 = vector.extract_strided_slice %slice3A_634 {offsets = [0, 176], sizes = [8, 16], strides = [1, 1]} : vector<8x256xf32> to vector<8x16xf32>
    %slice3A_647 = vector.extract_strided_slice %slice3A_634 {offsets = [0, 192], sizes = [8, 16], strides = [1, 1]} : vector<8x256xf32> to vector<8x16xf32>
    %slice3A_648 = vector.extract_strided_slice %slice3A_634 {offsets = [0, 208], sizes = [8, 16], strides = [1, 1]} : vector<8x256xf32> to vector<8x16xf32>
    %slice3A_649 = vector.extract_strided_slice %slice3A_634 {offsets = [0, 224], sizes = [8, 16], strides = [1, 1]} : vector<8x256xf32> to vector<8x16xf32>
    %slice3A_650 = vector.extract_strided_slice %slice3A_634 {offsets = [0, 240], sizes = [8, 16], strides = [1, 1]} : vector<8x256xf32> to vector<8x16xf32>
    %concatenate3A_651 = tpu.concatenate %slice3A_635, %slice3A_636, %slice3A_637, %slice3A_638, %slice3A_639, %slice3A_640, %slice3A_641, %slice3A_642, %slice3A_643, %slice3A_644, %slice3A_645, %slice3A_646, %slice3A_647, %slice3A_648, %slice3A_649, %slice3A_650 in 0 : vector<8x16xf32>, vector<8x16xf32>, vector<8x16xf32>, vector<8x16xf32>, vector<8x16xf32>, vector<8x16xf32>, vector<8x16xf32>, vector<8x16xf32>, vector<8x16xf32>, vector<8x16xf32>, vector<8x16xf32>, vector<8x16xf32>, vector<8x16xf32>, vector<8x16xf32>, vector<8x16xf32>, vector<8x16xf32> -> vector<128x16xf32>
    %concatenate3A_652 = tpu.concatenate %concatenate3A_651, %concatenate3A_651, %concatenate3A_651, %concatenate3A_651, %concatenate3A_651, %concatenate3A_651, %concatenate3A_651, %concatenate3A_651 in 1 : vector<128x16xf32>, vector<128x16xf32>, vector<128x16xf32>, vector<128x16xf32>, vector<128x16xf32>, vector<128x16xf32>, vector<128x16xf32>, vector<128x16xf32> -> vector<128x128xf32>
    %jit3A_653 = arith.constant 0.000000e+00 : f32
    %broadcast_in_dim3A_654 = vector.broadcast %jit3A_653 : f32 to vector<128x128xf32>
    %select_n3A_655 = arith.select %eq3A_274, %concatenate3A_652, %broadcast_in_dim3A_654 : vector<128x128xi1>, vector<128x128xf32>
    %slice3A_656 = vector.extract_strided_slice %get3A_10 {offsets = [96, 0, 0], sizes = [8, 16, 256], strides = [1, 1, 1]} : vector<128x16x256xf32> to vector<8x16x256xf32>
    %reshape3A_657 = vector.shape_cast %slice3A_656 : vector<8x16x256xf32> to vector<128x256xf32>
    %slice3A_658 = vector.extract_strided_slice %max3A_40 {offsets = [96, 0, 0], sizes = [8, 16, 64], strides = [1, 1, 1]} : vector<128x16x64xf32> to vector<8x16x64xf32>
    %reshape3A_659 = vector.shape_cast %slice3A_658 : vector<8x16x64xf32> to vector<128x64xf32>
    %dot_general3A_660 = arith.constant dense<0.000000e+00> : vector<128x256xf32>
    %dot_general3A_661 = tpu.matmul %select_n3A_655, %reshape3A_657, %dot_general3A_660 {dimension_numbers = #tpu.dot_dimension_numbers<[1], [0], [0], [1], [0, 0, 1, 1], [], []>, transpose_lhs_hint = false} : vector<128x128xf32>, vector<128x256xf32>, vector<128x256xf32> -> vector<128x256xf32>
    %dot_general3A_662 = arith.constant dense<0.000000e+00> : vector<128x64xf32>
    %dot_general3A_663 = tpu.matmul %select_n3A_655, %reshape3A_659, %dot_general3A_662 {dimension_numbers = #tpu.dot_dimension_numbers<[1], [0], [0], [1], [0, 0, 1, 1], [], []>, transpose_lhs_hint = false} : vector<128x128xf32>, vector<128x64xf32>, vector<128x64xf32> -> vector<128x64xf32>
    %slice3A_664 = vector.extract_strided_slice %add3A_228 {offsets = [104, 0], sizes = [8, 256], strides = [1, 1]} : vector<128x256xf32> to vector<8x256xf32>
    %slice3A_665 = vector.extract_strided_slice %slice3A_664 {offsets = [0, 0], sizes = [8, 16], strides = [1, 1]} : vector<8x256xf32> to vector<8x16xf32>
    %slice3A_666 = vector.extract_strided_slice %slice3A_664 {offsets = [0, 16], sizes = [8, 16], strides = [1, 1]} : vector<8x256xf32> to vector<8x16xf32>
    %slice3A_667 = vector.extract_strided_slice %slice3A_664 {offsets = [0, 32], sizes = [8, 16], strides = [1, 1]} : vector<8x256xf32> to vector<8x16xf32>
    %slice3A_668 = vector.extract_strided_slice %slice3A_664 {offsets = [0, 48], sizes = [8, 16], strides = [1, 1]} : vector<8x256xf32> to vector<8x16xf32>
    %slice3A_669 = vector.extract_strided_slice %slice3A_664 {offsets = [0, 64], sizes = [8, 16], strides = [1, 1]} : vector<8x256xf32> to vector<8x16xf32>
    %slice3A_670 = vector.extract_strided_slice %slice3A_664 {offsets = [0, 80], sizes = [8, 16], strides = [1, 1]} : vector<8x256xf32> to vector<8x16xf32>
    %slice3A_671 = vector.extract_strided_slice %slice3A_664 {offsets = [0, 96], sizes = [8, 16], strides = [1, 1]} : vector<8x256xf32> to vector<8x16xf32>
    %slice3A_672 = vector.extract_strided_slice %slice3A_664 {offsets = [0, 112], sizes = [8, 16], strides = [1, 1]} : vector<8x256xf32> to vector<8x16xf32>
    %slice3A_673 = vector.extract_strided_slice %slice3A_664 {offsets = [0, 128], sizes = [8, 16], strides = [1, 1]} : vector<8x256xf32> to vector<8x16xf32>
    %slice3A_674 = vector.extract_strided_slice %slice3A_664 {offsets = [0, 144], sizes = [8, 16], strides = [1, 1]} : vector<8x256xf32> to vector<8x16xf32>
    %slice3A_675 = vector.extract_strided_slice %slice3A_664 {offsets = [0, 160], sizes = [8, 16], strides = [1, 1]} : vector<8x256xf32> to vector<8x16xf32>
    %slice3A_676 = vector.extract_strided_slice %slice3A_664 {offsets = [0, 176], sizes = [8, 16], strides = [1, 1]} : vector<8x256xf32> to vector<8x16xf32>
    %slice3A_677 = vector.extract_strided_slice %slice3A_664 {offsets = [0, 192], sizes = [8, 16], strides = [1, 1]} : vector<8x256xf32> to vector<8x16xf32>
    %slice3A_678 = vector.extract_strided_slice %slice3A_664 {offsets = [0, 208], sizes = [8, 16], strides = [1, 1]} : vector<8x256xf32> to vector<8x16xf32>
    %slice3A_679 = vector.extract_strided_slice %slice3A_664 {offsets = [0, 224], sizes = [8, 16], strides = [1, 1]} : vector<8x256xf32> to vector<8x16xf32>
    %slice3A_680 = vector.extract_strided_slice %slice3A_664 {offsets = [0, 240], sizes = [8, 16], strides = [1, 1]} : vector<8x256xf32> to vector<8x16xf32>
    %concatenate3A_681 = tpu.concatenate %slice3A_665, %slice3A_666, %slice3A_667, %slice3A_668, %slice3A_669, %slice3A_670, %slice3A_671, %slice3A_672, %slice3A_673, %slice3A_674, %slice3A_675, %slice3A_676, %slice3A_677, %slice3A_678, %slice3A_679, %slice3A_680 in 0 : vector<8x16xf32>, vector<8x16xf32>, vector<8x16xf32>, vector<8x16xf32>, vector<8x16xf32>, vector<8x16xf32>, vector<8x16xf32>, vector<8x16xf32>, vector<8x16xf32>, vector<8x16xf32>, vector<8x16xf32>, vector<8x16xf32>, vector<8x16xf32>, vector<8x16xf32>, vector<8x16xf32>, vector<8x16xf32> -> vector<128x16xf32>
    %concatenate3A_682 = tpu.concatenate %concatenate3A_681, %concatenate3A_681, %concatenate3A_681, %concatenate3A_681, %concatenate3A_681, %concatenate3A_681, %concatenate3A_681, %concatenate3A_681 in 1 : vector<128x16xf32>, vector<128x16xf32>, vector<128x16xf32>, vector<128x16xf32>, vector<128x16xf32>, vector<128x16xf32>, vector<128x16xf32>, vector<128x16xf32> -> vector<128x128xf32>
    %jit3A_683 = arith.constant 0.000000e+00 : f32
    %broadcast_in_dim3A_684 = vector.broadcast %jit3A_683 : f32 to vector<128x128xf32>
    %select_n3A_685 = arith.select %eq3A_274, %concatenate3A_682, %broadcast_in_dim3A_684 : vector<128x128xi1>, vector<128x128xf32>
    %slice3A_686 = vector.extract_strided_slice %get3A_10 {offsets = [104, 0, 0], sizes = [8, 16, 256], strides = [1, 1, 1]} : vector<128x16x256xf32> to vector<8x16x256xf32>
    %reshape3A_687 = vector.shape_cast %slice3A_686 : vector<8x16x256xf32> to vector<128x256xf32>
    %slice3A_688 = vector.extract_strided_slice %max3A_40 {offsets = [104, 0, 0], sizes = [8, 16, 64], strides = [1, 1, 1]} : vector<128x16x64xf32> to vector<8x16x64xf32>
    %reshape3A_689 = vector.shape_cast %slice3A_688 : vector<8x16x64xf32> to vector<128x64xf32>
    %dot_general3A_690 = arith.constant dense<0.000000e+00> : vector<128x256xf32>
    %dot_general3A_691 = tpu.matmul %select_n3A_685, %reshape3A_687, %dot_general3A_690 {dimension_numbers = #tpu.dot_dimension_numbers<[1], [0], [0], [1], [0, 0, 1, 1], [], []>, transpose_lhs_hint = false} : vector<128x128xf32>, vector<128x256xf32>, vector<128x256xf32> -> vector<128x256xf32>
    %dot_general3A_692 = arith.constant dense<0.000000e+00> : vector<128x64xf32>
    %dot_general3A_693 = tpu.matmul %select_n3A_685, %reshape3A_689, %dot_general3A_692 {dimension_numbers = #tpu.dot_dimension_numbers<[1], [0], [0], [1], [0, 0, 1, 1], [], []>, transpose_lhs_hint = false} : vector<128x128xf32>, vector<128x64xf32>, vector<128x64xf32> -> vector<128x64xf32>
    %slice3A_694 = vector.extract_strided_slice %add3A_228 {offsets = [112, 0], sizes = [8, 256], strides = [1, 1]} : vector<128x256xf32> to vector<8x256xf32>
    %slice3A_695 = vector.extract_strided_slice %slice3A_694 {offsets = [0, 0], sizes = [8, 16], strides = [1, 1]} : vector<8x256xf32> to vector<8x16xf32>
    %slice3A_696 = vector.extract_strided_slice %slice3A_694 {offsets = [0, 16], sizes = [8, 16], strides = [1, 1]} : vector<8x256xf32> to vector<8x16xf32>
    %slice3A_697 = vector.extract_strided_slice %slice3A_694 {offsets = [0, 32], sizes = [8, 16], strides = [1, 1]} : vector<8x256xf32> to vector<8x16xf32>
    %slice3A_698 = vector.extract_strided_slice %slice3A_694 {offsets = [0, 48], sizes = [8, 16], strides = [1, 1]} : vector<8x256xf32> to vector<8x16xf32>
    %slice3A_699 = vector.extract_strided_slice %slice3A_694 {offsets = [0, 64], sizes = [8, 16], strides = [1, 1]} : vector<8x256xf32> to vector<8x16xf32>
    %slice3A_700 = vector.extract_strided_slice %slice3A_694 {offsets = [0, 80], sizes = [8, 16], strides = [1, 1]} : vector<8x256xf32> to vector<8x16xf32>
    %slice3A_701 = vector.extract_strided_slice %slice3A_694 {offsets = [0, 96], sizes = [8, 16], strides = [1, 1]} : vector<8x256xf32> to vector<8x16xf32>
    %slice3A_702 = vector.extract_strided_slice %slice3A_694 {offsets = [0, 112], sizes = [8, 16], strides = [1, 1]} : vector<8x256xf32> to vector<8x16xf32>
    %slice3A_703 = vector.extract_strided_slice %slice3A_694 {offsets = [0, 128], sizes = [8, 16], strides = [1, 1]} : vector<8x256xf32> to vector<8x16xf32>
    %slice3A_704 = vector.extract_strided_slice %slice3A_694 {offsets = [0, 144], sizes = [8, 16], strides = [1, 1]} : vector<8x256xf32> to vector<8x16xf32>
    %slice3A_705 = vector.extract_strided_slice %slice3A_694 {offsets = [0, 160], sizes = [8, 16], strides = [1, 1]} : vector<8x256xf32> to vector<8x16xf32>
    %slice3A_706 = vector.extract_strided_slice %slice3A_694 {offsets = [0, 176], sizes = [8, 16], strides = [1, 1]} : vector<8x256xf32> to vector<8x16xf32>
    %slice3A_707 = vector.extract_strided_slice %slice3A_694 {offsets = [0, 192], sizes = [8, 16], strides = [1, 1]} : vector<8x256xf32> to vector<8x16xf32>
    %slice3A_708 = vector.extract_strided_slice %slice3A_694 {offsets = [0, 208], sizes = [8, 16], strides = [1, 1]} : vector<8x256xf32> to vector<8x16xf32>
    %slice3A_709 = vector.extract_strided_slice %slice3A_694 {offsets = [0, 224], sizes = [8, 16], strides = [1, 1]} : vector<8x256xf32> to vector<8x16xf32>
    %slice3A_710 = vector.extract_strided_slice %slice3A_694 {offsets = [0, 240], sizes = [8, 16], strides = [1, 1]} : vector<8x256xf32> to vector<8x16xf32>
    %concatenate3A_711 = tpu.concatenate %slice3A_695, %slice3A_696, %slice3A_697, %slice3A_698, %slice3A_699, %slice3A_700, %slice3A_701, %slice3A_702, %slice3A_703, %slice3A_704, %slice3A_705, %slice3A_706, %slice3A_707, %slice3A_708, %slice3A_709, %slice3A_710 in 0 : vector<8x16xf32>, vector<8x16xf32>, vector<8x16xf32>, vector<8x16xf32>, vector<8x16xf32>, vector<8x16xf32>, vector<8x16xf32>, vector<8x16xf32>, vector<8x16xf32>, vector<8x16xf32>, vector<8x16xf32>, vector<8x16xf32>, vector<8x16xf32>, vector<8x16xf32>, vector<8x16xf32>, vector<8x16xf32> -> vector<128x16xf32>
    %concatenate3A_712 = tpu.concatenate %concatenate3A_711, %concatenate3A_711, %concatenate3A_711, %concatenate3A_711, %concatenate3A_711, %concatenate3A_711, %concatenate3A_711, %concatenate3A_711 in 1 : vector<128x16xf32>, vector<128x16xf32>, vector<128x16xf32>, vector<128x16xf32>, vector<128x16xf32>, vector<128x16xf32>, vector<128x16xf32>, vector<128x16xf32> -> vector<128x128xf32>
    %jit3A_713 = arith.constant 0.000000e+00 : f32
    %broadcast_in_dim3A_714 = vector.broadcast %jit3A_713 : f32 to vector<128x128xf32>
    %select_n3A_715 = arith.select %eq3A_274, %concatenate3A_712, %broadcast_in_dim3A_714 : vector<128x128xi1>, vector<128x128xf32>
    %slice3A_716 = vector.extract_strided_slice %get3A_10 {offsets = [112, 0, 0], sizes = [8, 16, 256], strides = [1, 1, 1]} : vector<128x16x256xf32> to vector<8x16x256xf32>
    %reshape3A_717 = vector.shape_cast %slice3A_716 : vector<8x16x256xf32> to vector<128x256xf32>
    %slice3A_718 = vector.extract_strided_slice %max3A_40 {offsets = [112, 0, 0], sizes = [8, 16, 64], strides = [1, 1, 1]} : vector<128x16x64xf32> to vector<8x16x64xf32>
    %reshape3A_719 = vector.shape_cast %slice3A_718 : vector<8x16x64xf32> to vector<128x64xf32>
    %dot_general3A_720 = arith.constant dense<0.000000e+00> : vector<128x256xf32>
    %dot_general3A_721 = tpu.matmul %select_n3A_715, %reshape3A_717, %dot_general3A_720 {dimension_numbers = #tpu.dot_dimension_numbers<[1], [0], [0], [1], [0, 0, 1, 1], [], []>, transpose_lhs_hint = false} : vector<128x128xf32>, vector<128x256xf32>, vector<128x256xf32> -> vector<128x256xf32>
    %dot_general3A_722 = arith.constant dense<0.000000e+00> : vector<128x64xf32>
    %dot_general3A_723 = tpu.matmul %select_n3A_715, %reshape3A_719, %dot_general3A_722 {dimension_numbers = #tpu.dot_dimension_numbers<[1], [0], [0], [1], [0, 0, 1, 1], [], []>, transpose_lhs_hint = false} : vector<128x128xf32>, vector<128x64xf32>, vector<128x64xf32> -> vector<128x64xf32>
    %slice3A_724 = vector.extract_strided_slice %add3A_228 {offsets = [120, 0], sizes = [8, 256], strides = [1, 1]} : vector<128x256xf32> to vector<8x256xf32>
    %slice3A_725 = vector.extract_strided_slice %slice3A_724 {offsets = [0, 0], sizes = [8, 16], strides = [1, 1]} : vector<8x256xf32> to vector<8x16xf32>
    %slice3A_726 = vector.extract_strided_slice %slice3A_724 {offsets = [0, 16], sizes = [8, 16], strides = [1, 1]} : vector<8x256xf32> to vector<8x16xf32>
    %slice3A_727 = vector.extract_strided_slice %slice3A_724 {offsets = [0, 32], sizes = [8, 16], strides = [1, 1]} : vector<8x256xf32> to vector<8x16xf32>
    %slice3A_728 = vector.extract_strided_slice %slice3A_724 {offsets = [0, 48], sizes = [8, 16], strides = [1, 1]} : vector<8x256xf32> to vector<8x16xf32>
    %slice3A_729 = vector.extract_strided_slice %slice3A_724 {offsets = [0, 64], sizes = [8, 16], strides = [1, 1]} : vector<8x256xf32> to vector<8x16xf32>
    %slice3A_730 = vector.extract_strided_slice %slice3A_724 {offsets = [0, 80], sizes = [8, 16], strides = [1, 1]} : vector<8x256xf32> to vector<8x16xf32>
    %slice3A_731 = vector.extract_strided_slice %slice3A_724 {offsets = [0, 96], sizes = [8, 16], strides = [1, 1]} : vector<8x256xf32> to vector<8x16xf32>
    %slice3A_732 = vector.extract_strided_slice %slice3A_724 {offsets = [0, 112], sizes = [8, 16], strides = [1, 1]} : vector<8x256xf32> to vector<8x16xf32>
    %slice3A_733 = vector.extract_strided_slice %slice3A_724 {offsets = [0, 128], sizes = [8, 16], strides = [1, 1]} : vector<8x256xf32> to vector<8x16xf32>
    %slice3A_734 = vector.extract_strided_slice %slice3A_724 {offsets = [0, 144], sizes = [8, 16], strides = [1, 1]} : vector<8x256xf32> to vector<8x16xf32>
    %slice3A_735 = vector.extract_strided_slice %slice3A_724 {offsets = [0, 160], sizes = [8, 16], strides = [1, 1]} : vector<8x256xf32> to vector<8x16xf32>
    %slice3A_736 = vector.extract_strided_slice %slice3A_724 {offsets = [0, 176], sizes = [8, 16], strides = [1, 1]} : vector<8x256xf32> to vector<8x16xf32>
    %slice3A_737 = vector.extract_strided_slice %slice3A_724 {offsets = [0, 192], sizes = [8, 16], strides = [1, 1]} : vector<8x256xf32> to vector<8x16xf32>
    %slice3A_738 = vector.extract_strided_slice %slice3A_724 {offsets = [0, 208], sizes = [8, 16], strides = [1, 1]} : vector<8x256xf32> to vector<8x16xf32>
    %slice3A_739 = vector.extract_strided_slice %slice3A_724 {offsets = [0, 224], sizes = [8, 16], strides = [1, 1]} : vector<8x256xf32> to vector<8x16xf32>
    %slice3A_740 = vector.extract_strided_slice %slice3A_724 {offsets = [0, 240], sizes = [8, 16], strides = [1, 1]} : vector<8x256xf32> to vector<8x16xf32>
    %concatenate3A_741 = tpu.concatenate %slice3A_725, %slice3A_726, %slice3A_727, %slice3A_728, %slice3A_729, %slice3A_730, %slice3A_731, %slice3A_732, %slice3A_733, %slice3A_734, %slice3A_735, %slice3A_736, %slice3A_737, %slice3A_738, %slice3A_739, %slice3A_740 in 0 : vector<8x16xf32>, vector<8x16xf32>, vector<8x16xf32>, vector<8x16xf32>, vector<8x16xf32>, vector<8x16xf32>, vector<8x16xf32>, vector<8x16xf32>, vector<8x16xf32>, vector<8x16xf32>, vector<8x16xf32>, vector<8x16xf32>, vector<8x16xf32>, vector<8x16xf32>, vector<8x16xf32>, vector<8x16xf32> -> vector<128x16xf32>
    %concatenate3A_742 = tpu.concatenate %concatenate3A_741, %concatenate3A_741, %concatenate3A_741, %concatenate3A_741, %concatenate3A_741, %concatenate3A_741, %concatenate3A_741, %concatenate3A_741 in 1 : vector<128x16xf32>, vector<128x16xf32>, vector<128x16xf32>, vector<128x16xf32>, vector<128x16xf32>, vector<128x16xf32>, vector<128x16xf32>, vector<128x16xf32> -> vector<128x128xf32>
    %jit3A_743 = arith.constant 0.000000e+00 : f32
    %broadcast_in_dim3A_744 = vector.broadcast %jit3A_743 : f32 to vector<128x128xf32>
    %select_n3A_745 = arith.select %eq3A_274, %concatenate3A_742, %broadcast_in_dim3A_744 : vector<128x128xi1>, vector<128x128xf32>
    %slice3A_746 = vector.extract_strided_slice %get3A_10 {offsets = [120, 0, 0], sizes = [8, 16, 256], strides = [1, 1, 1]} : vector<128x16x256xf32> to vector<8x16x256xf32>
    %reshape3A_747 = vector.shape_cast %slice3A_746 : vector<8x16x256xf32> to vector<128x256xf32>
    %slice3A_748 = vector.extract_strided_slice %max3A_40 {offsets = [120, 0, 0], sizes = [8, 16, 64], strides = [1, 1, 1]} : vector<128x16x64xf32> to vector<8x16x64xf32>
    %reshape3A_749 = vector.shape_cast %slice3A_748 : vector<8x16x64xf32> to vector<128x64xf32>
    %dot_general3A_750 = arith.constant dense<0.000000e+00> : vector<128x256xf32>
    %dot_general3A_751 = tpu.matmul %select_n3A_745, %reshape3A_747, %dot_general3A_750 {dimension_numbers = #tpu.dot_dimension_numbers<[1], [0], [0], [1], [0, 0, 1, 1], [], []>, transpose_lhs_hint = false} : vector<128x128xf32>, vector<128x256xf32>, vector<128x256xf32> -> vector<128x256xf32>
    %dot_general3A_752 = arith.constant dense<0.000000e+00> : vector<128x64xf32>
    %dot_general3A_753 = tpu.matmul %select_n3A_745, %reshape3A_749, %dot_general3A_752 {dimension_numbers = #tpu.dot_dimension_numbers<[1], [0], [0], [1], [0, 0, 1, 1], [], []>, transpose_lhs_hint = false} : vector<128x128xf32>, vector<128x64xf32>, vector<128x64xf32> -> vector<128x64xf32>
    %get3A_754 = arith.constant 0 : index
    %get3A_755 = arith.constant 0 : index
    %get3A_756 = vector.load %arg14[%get3A_754, %get3A_755] : memref<1x512xf32, #tpu.memory_space<vmem>>, vector<1x512xf32>
    %slice3A_757 = vector.extract_strided_slice %dot_general3A_301 {offsets = [0, 0], sizes = [8, 256], strides = [1, 1]} : vector<128x256xf32> to vector<8x256xf32>
    %slice3A_758 = vector.extract_strided_slice %dot_general3A_331 {offsets = [0, 0], sizes = [8, 256], strides = [1, 1]} : vector<128x256xf32> to vector<8x256xf32>
    %slice3A_759 = vector.extract_strided_slice %dot_general3A_361 {offsets = [0, 0], sizes = [8, 256], strides = [1, 1]} : vector<128x256xf32> to vector<8x256xf32>
    %slice3A_760 = vector.extract_strided_slice %dot_general3A_391 {offsets = [0, 0], sizes = [8, 256], strides = [1, 1]} : vector<128x256xf32> to vector<8x256xf32>
    %slice3A_761 = vector.extract_strided_slice %dot_general3A_421 {offsets = [0, 0], sizes = [8, 256], strides = [1, 1]} : vector<128x256xf32> to vector<8x256xf32>
    %slice3A_762 = vector.extract_strided_slice %dot_general3A_451 {offsets = [0, 0], sizes = [8, 256], strides = [1, 1]} : vector<128x256xf32> to vector<8x256xf32>
    %slice3A_763 = vector.extract_strided_slice %dot_general3A_481 {offsets = [0, 0], sizes = [8, 256], strides = [1, 1]} : vector<128x256xf32> to vector<8x256xf32>
    %slice3A_764 = vector.extract_strided_slice %dot_general3A_511 {offsets = [0, 0], sizes = [8, 256], strides = [1, 1]} : vector<128x256xf32> to vector<8x256xf32>
    %slice3A_765 = vector.extract_strided_slice %dot_general3A_541 {offsets = [0, 0], sizes = [8, 256], strides = [1, 1]} : vector<128x256xf32> to vector<8x256xf32>
    %slice3A_766 = vector.extract_strided_slice %dot_general3A_571 {offsets = [0, 0], sizes = [8, 256], strides = [1, 1]} : vector<128x256xf32> to vector<8x256xf32>
    %slice3A_767 = vector.extract_strided_slice %dot_general3A_601 {offsets = [0, 0], sizes = [8, 256], strides = [1, 1]} : vector<128x256xf32> to vector<8x256xf32>
    %slice3A_768 = vector.extract_strided_slice %dot_general3A_631 {offsets = [0, 0], sizes = [8, 256], strides = [1, 1]} : vector<128x256xf32> to vector<8x256xf32>
    %slice3A_769 = vector.extract_strided_slice %dot_general3A_661 {offsets = [0, 0], sizes = [8, 256], strides = [1, 1]} : vector<128x256xf32> to vector<8x256xf32>
    %slice3A_770 = vector.extract_strided_slice %dot_general3A_691 {offsets = [0, 0], sizes = [8, 256], strides = [1, 1]} : vector<128x256xf32> to vector<8x256xf32>
    %slice3A_771 = vector.extract_strided_slice %dot_general3A_721 {offsets = [0, 0], sizes = [8, 256], strides = [1, 1]} : vector<128x256xf32> to vector<8x256xf32>
    %slice3A_772 = vector.extract_strided_slice %dot_general3A_751 {offsets = [0, 0], sizes = [8, 256], strides = [1, 1]} : vector<128x256xf32> to vector<8x256xf32>
    %concatenate3A_773 = tpu.concatenate %slice3A_757, %slice3A_758, %slice3A_759, %slice3A_760, %slice3A_761, %slice3A_762, %slice3A_763, %slice3A_764, %slice3A_765, %slice3A_766, %slice3A_767, %slice3A_768, %slice3A_769, %slice3A_770, %slice3A_771, %slice3A_772 in 0 : vector<8x256xf32>, vector<8x256xf32>, vector<8x256xf32>, vector<8x256xf32>, vector<8x256xf32>, vector<8x256xf32>, vector<8x256xf32>, vector<8x256xf32>, vector<8x256xf32>, vector<8x256xf32>, vector<8x256xf32>, vector<8x256xf32>, vector<8x256xf32>, vector<8x256xf32>, vector<8x256xf32>, vector<8x256xf32> -> vector<128x256xf32>
    %slice3A_774 = vector.extract_strided_slice %dot_general3A_303 {offsets = [0, 0], sizes = [8, 64], strides = [1, 1]} : vector<128x64xf32> to vector<8x64xf32>
    %slice3A_775 = vector.extract_strided_slice %dot_general3A_333 {offsets = [0, 0], sizes = [8, 64], strides = [1, 1]} : vector<128x64xf32> to vector<8x64xf32>
    %slice3A_776 = vector.extract_strided_slice %dot_general3A_363 {offsets = [0, 0], sizes = [8, 64], strides = [1, 1]} : vector<128x64xf32> to vector<8x64xf32>
    %slice3A_777 = vector.extract_strided_slice %dot_general3A_393 {offsets = [0, 0], sizes = [8, 64], strides = [1, 1]} : vector<128x64xf32> to vector<8x64xf32>
    %slice3A_778 = vector.extract_strided_slice %dot_general3A_423 {offsets = [0, 0], sizes = [8, 64], strides = [1, 1]} : vector<128x64xf32> to vector<8x64xf32>
    %slice3A_779 = vector.extract_strided_slice %dot_general3A_453 {offsets = [0, 0], sizes = [8, 64], strides = [1, 1]} : vector<128x64xf32> to vector<8x64xf32>
    %slice3A_780 = vector.extract_strided_slice %dot_general3A_483 {offsets = [0, 0], sizes = [8, 64], strides = [1, 1]} : vector<128x64xf32> to vector<8x64xf32>
    %slice3A_781 = vector.extract_strided_slice %dot_general3A_513 {offsets = [0, 0], sizes = [8, 64], strides = [1, 1]} : vector<128x64xf32> to vector<8x64xf32>
    %slice3A_782 = vector.extract_strided_slice %dot_general3A_543 {offsets = [0, 0], sizes = [8, 64], strides = [1, 1]} : vector<128x64xf32> to vector<8x64xf32>
    %slice3A_783 = vector.extract_strided_slice %dot_general3A_573 {offsets = [0, 0], sizes = [8, 64], strides = [1, 1]} : vector<128x64xf32> to vector<8x64xf32>
    %slice3A_784 = vector.extract_strided_slice %dot_general3A_603 {offsets = [0, 0], sizes = [8, 64], strides = [1, 1]} : vector<128x64xf32> to vector<8x64xf32>
    %slice3A_785 = vector.extract_strided_slice %dot_general3A_633 {offsets = [0, 0], sizes = [8, 64], strides = [1, 1]} : vector<128x64xf32> to vector<8x64xf32>
    %slice3A_786 = vector.extract_strided_slice %dot_general3A_663 {offsets = [0, 0], sizes = [8, 64], strides = [1, 1]} : vector<128x64xf32> to vector<8x64xf32>
    %slice3A_787 = vector.extract_strided_slice %dot_general3A_693 {offsets = [0, 0], sizes = [8, 64], strides = [1, 1]} : vector<128x64xf32> to vector<8x64xf32>
    %slice3A_788 = vector.extract_strided_slice %dot_general3A_723 {offsets = [0, 0], sizes = [8, 64], strides = [1, 1]} : vector<128x64xf32> to vector<8x64xf32>
    %slice3A_789 = vector.extract_strided_slice %dot_general3A_753 {offsets = [0, 0], sizes = [8, 64], strides = [1, 1]} : vector<128x64xf32> to vector<8x64xf32>
    %concatenate3A_790 = tpu.concatenate %slice3A_774, %slice3A_775, %slice3A_776, %slice3A_777, %slice3A_778, %slice3A_779, %slice3A_780, %slice3A_781, %slice3A_782, %slice3A_783, %slice3A_784, %slice3A_785, %slice3A_786, %slice3A_787, %slice3A_788, %slice3A_789 in 0 : vector<8x64xf32>, vector<8x64xf32>, vector<8x64xf32>, vector<8x64xf32>, vector<8x64xf32>, vector<8x64xf32>, vector<8x64xf32>, vector<8x64xf32>, vector<8x64xf32>, vector<8x64xf32>, vector<8x64xf32>, vector<8x64xf32>, vector<8x64xf32>, vector<8x64xf32>, vector<8x64xf32>, vector<8x64xf32> -> vector<128x64xf32>
    %get3A_791 = arith.constant 0 : index
    %get3A_792 = arith.constant 0 : index
    %get3A_793 = arith.constant 0 : index
    %get3A_794 = vector.load %arg12[%get3A_791, %get3A_792, %get3A_793] : memref<16x64x512xf32, #tpu.memory_space<vmem>>, vector<1x64x512xf32>
    %get3A_795 = vector.shape_cast %get3A_794 : vector<1x64x512xf32> to vector<64x512xf32>
    %dot_general3A_796 = arith.constant dense<0.000000e+00> : vector<128x512xf32>
    %dot_general3A_797 = tpu.matmul %concatenate3A_790, %get3A_795, %dot_general3A_796 {dimension_numbers = #tpu.dot_dimension_numbers<[1], [0], [0], [1], [0, 0, 1, 1], [], []>, transpose_lhs_hint = false} : vector<128x64xf32>, vector<64x512xf32>, vector<128x512xf32> -> vector<128x512xf32>
    %add3A_798 = vector.broadcast %get3A_756 : vector<1x512xf32> to vector<128x512xf32>
    %add3A_799 = arith.addf %add3A_798, %dot_general3A_797 : vector<128x512xf32>
    %get3A_800 = arith.constant 0 : index
    %get3A_801 = arith.constant 0 : index
    %get3A_802 = arith.constant 0 : index
    %get3A_803 = vector.load %arg13[%get3A_800, %get3A_801, %get3A_802] : memref<16x256x512xf32, #tpu.memory_space<vmem>>, vector<1x256x512xf32>
    %get3A_804 = vector.shape_cast %get3A_803 : vector<1x256x512xf32> to vector<256x512xf32>
    %dot_general3A_805 = arith.constant dense<0.000000e+00> : vector<128x512xf32>
    %dot_general3A_806 = tpu.matmul %concatenate3A_773, %get3A_804, %dot_general3A_805 {dimension_numbers = #tpu.dot_dimension_numbers<[1], [0], [0], [1], [0, 0, 1, 1], [], []>, transpose_lhs_hint = false} : vector<128x256xf32>, vector<256x512xf32>, vector<128x512xf32> -> vector<128x512xf32>
    %add3A_807 = arith.addf %add3A_799, %dot_general3A_806 : vector<128x512xf32>
    %slice3A_808 = vector.extract_strided_slice %dot_general3A_301 {offsets = [8, 0], sizes = [8, 256], strides = [1, 1]} : vector<128x256xf32> to vector<8x256xf32>
    %slice3A_809 = vector.extract_strided_slice %dot_general3A_331 {offsets = [8, 0], sizes = [8, 256], strides = [1, 1]} : vector<128x256xf32> to vector<8x256xf32>
    %slice3A_810 = vector.extract_strided_slice %dot_general3A_361 {offsets = [8, 0], sizes = [8, 256], strides = [1, 1]} : vector<128x256xf32> to vector<8x256xf32>
    %slice3A_811 = vector.extract_strided_slice %dot_general3A_391 {offsets = [8, 0], sizes = [8, 256], strides = [1, 1]} : vector<128x256xf32> to vector<8x256xf32>
    %slice3A_812 = vector.extract_strided_slice %dot_general3A_421 {offsets = [8, 0], sizes = [8, 256], strides = [1, 1]} : vector<128x256xf32> to vector<8x256xf32>
    %slice3A_813 = vector.extract_strided_slice %dot_general3A_451 {offsets = [8, 0], sizes = [8, 256], strides = [1, 1]} : vector<128x256xf32> to vector<8x256xf32>
    %slice3A_814 = vector.extract_strided_slice %dot_general3A_481 {offsets = [8, 0], sizes = [8, 256], strides = [1, 1]} : vector<128x256xf32> to vector<8x256xf32>
    %slice3A_815 = vector.extract_strided_slice %dot_general3A_511 {offsets = [8, 0], sizes = [8, 256], strides = [1, 1]} : vector<128x256xf32> to vector<8x256xf32>
    %slice3A_816 = vector.extract_strided_slice %dot_general3A_541 {offsets = [8, 0], sizes = [8, 256], strides = [1, 1]} : vector<128x256xf32> to vector<8x256xf32>
    %slice3A_817 = vector.extract_strided_slice %dot_general3A_571 {offsets = [8, 0], sizes = [8, 256], strides = [1, 1]} : vector<128x256xf32> to vector<8x256xf32>
    %slice3A_818 = vector.extract_strided_slice %dot_general3A_601 {offsets = [8, 0], sizes = [8, 256], strides = [1, 1]} : vector<128x256xf32> to vector<8x256xf32>
    %slice3A_819 = vector.extract_strided_slice %dot_general3A_631 {offsets = [8, 0], sizes = [8, 256], strides = [1, 1]} : vector<128x256xf32> to vector<8x256xf32>
    %slice3A_820 = vector.extract_strided_slice %dot_general3A_661 {offsets = [8, 0], sizes = [8, 256], strides = [1, 1]} : vector<128x256xf32> to vector<8x256xf32>
    %slice3A_821 = vector.extract_strided_slice %dot_general3A_691 {offsets = [8, 0], sizes = [8, 256], strides = [1, 1]} : vector<128x256xf32> to vector<8x256xf32>
    %slice3A_822 = vector.extract_strided_slice %dot_general3A_721 {offsets = [8, 0], sizes = [8, 256], strides = [1, 1]} : vector<128x256xf32> to vector<8x256xf32>
    %slice3A_823 = vector.extract_strided_slice %dot_general3A_751 {offsets = [8, 0], sizes = [8, 256], strides = [1, 1]} : vector<128x256xf32> to vector<8x256xf32>
    %concatenate3A_824 = tpu.concatenate %slice3A_808, %slice3A_809, %slice3A_810, %slice3A_811, %slice3A_812, %slice3A_813, %slice3A_814, %slice3A_815, %slice3A_816, %slice3A_817, %slice3A_818, %slice3A_819, %slice3A_820, %slice3A_821, %slice3A_822, %slice3A_823 in 0 : vector<8x256xf32>, vector<8x256xf32>, vector<8x256xf32>, vector<8x256xf32>, vector<8x256xf32>, vector<8x256xf32>, vector<8x256xf32>, vector<8x256xf32>, vector<8x256xf32>, vector<8x256xf32>, vector<8x256xf32>, vector<8x256xf32>, vector<8x256xf32>, vector<8x256xf32>, vector<8x256xf32>, vector<8x256xf32> -> vector<128x256xf32>
    %slice3A_825 = vector.extract_strided_slice %dot_general3A_303 {offsets = [8, 0], sizes = [8, 64], strides = [1, 1]} : vector<128x64xf32> to vector<8x64xf32>
    %slice3A_826 = vector.extract_strided_slice %dot_general3A_333 {offsets = [8, 0], sizes = [8, 64], strides = [1, 1]} : vector<128x64xf32> to vector<8x64xf32>
    %slice3A_827 = vector.extract_strided_slice %dot_general3A_363 {offsets = [8, 0], sizes = [8, 64], strides = [1, 1]} : vector<128x64xf32> to vector<8x64xf32>
    %slice3A_828 = vector.extract_strided_slice %dot_general3A_393 {offsets = [8, 0], sizes = [8, 64], strides = [1, 1]} : vector<128x64xf32> to vector<8x64xf32>
    %slice3A_829 = vector.extract_strided_slice %dot_general3A_423 {offsets = [8, 0], sizes = [8, 64], strides = [1, 1]} : vector<128x64xf32> to vector<8x64xf32>
    %slice3A_830 = vector.extract_strided_slice %dot_general3A_453 {offsets = [8, 0], sizes = [8, 64], strides = [1, 1]} : vector<128x64xf32> to vector<8x64xf32>
    %slice3A_831 = vector.extract_strided_slice %dot_general3A_483 {offsets = [8, 0], sizes = [8, 64], strides = [1, 1]} : vector<128x64xf32> to vector<8x64xf32>
    %slice3A_832 = vector.extract_strided_slice %dot_general3A_513 {offsets = [8, 0], sizes = [8, 64], strides = [1, 1]} : vector<128x64xf32> to vector<8x64xf32>
    %slice3A_833 = vector.extract_strided_slice %dot_general3A_543 {offsets = [8, 0], sizes = [8, 64], strides = [1, 1]} : vector<128x64xf32> to vector<8x64xf32>
    %slice3A_834 = vector.extract_strided_slice %dot_general3A_573 {offsets = [8, 0], sizes = [8, 64], strides = [1, 1]} : vector<128x64xf32> to vector<8x64xf32>
    %slice3A_835 = vector.extract_strided_slice %dot_general3A_603 {offsets = [8, 0], sizes = [8, 64], strides = [1, 1]} : vector<128x64xf32> to vector<8x64xf32>
    %slice3A_836 = vector.extract_strided_slice %dot_general3A_633 {offsets = [8, 0], sizes = [8, 64], strides = [1, 1]} : vector<128x64xf32> to vector<8x64xf32>
    %slice3A_837 = vector.extract_strided_slice %dot_general3A_663 {offsets = [8, 0], sizes = [8, 64], strides = [1, 1]} : vector<128x64xf32> to vector<8x64xf32>
    %slice3A_838 = vector.extract_strided_slice %dot_general3A_693 {offsets = [8, 0], sizes = [8, 64], strides = [1, 1]} : vector<128x64xf32> to vector<8x64xf32>
    %slice3A_839 = vector.extract_strided_slice %dot_general3A_723 {offsets = [8, 0], sizes = [8, 64], strides = [1, 1]} : vector<128x64xf32> to vector<8x64xf32>
    %slice3A_840 = vector.extract_strided_slice %dot_general3A_753 {offsets = [8, 0], sizes = [8, 64], strides = [1, 1]} : vector<128x64xf32> to vector<8x64xf32>
    %concatenate3A_841 = tpu.concatenate %slice3A_825, %slice3A_826, %slice3A_827, %slice3A_828, %slice3A_829, %slice3A_830, %slice3A_831, %slice3A_832, %slice3A_833, %slice3A_834, %slice3A_835, %slice3A_836, %slice3A_837, %slice3A_838, %slice3A_839, %slice3A_840 in 0 : vector<8x64xf32>, vector<8x64xf32>, vector<8x64xf32>, vector<8x64xf32>, vector<8x64xf32>, vector<8x64xf32>, vector<8x64xf32>, vector<8x64xf32>, vector<8x64xf32>, vector<8x64xf32>, vector<8x64xf32>, vector<8x64xf32>, vector<8x64xf32>, vector<8x64xf32>, vector<8x64xf32>, vector<8x64xf32> -> vector<128x64xf32>
    %get3A_842 = arith.constant 1 : index
    %get3A_843 = arith.constant 0 : index
    %get3A_844 = arith.constant 0 : index
    %get3A_845 = vector.load %arg12[%get3A_842, %get3A_843, %get3A_844] : memref<16x64x512xf32, #tpu.memory_space<vmem>>, vector<1x64x512xf32>
    %get3A_846 = vector.shape_cast %get3A_845 : vector<1x64x512xf32> to vector<64x512xf32>
    %dot_general3A_847 = arith.constant dense<0.000000e+00> : vector<128x512xf32>
    %dot_general3A_848 = tpu.matmul %concatenate3A_841, %get3A_846, %dot_general3A_847 {dimension_numbers = #tpu.dot_dimension_numbers<[1], [0], [0], [1], [0, 0, 1, 1], [], []>, transpose_lhs_hint = false} : vector<128x64xf32>, vector<64x512xf32>, vector<128x512xf32> -> vector<128x512xf32>
    %add3A_849 = arith.addf %add3A_807, %dot_general3A_848 : vector<128x512xf32>
    %get3A_850 = arith.constant 1 : index
    %get3A_851 = arith.constant 0 : index
    %get3A_852 = arith.constant 0 : index
    %get3A_853 = vector.load %arg13[%get3A_850, %get3A_851, %get3A_852] : memref<16x256x512xf32, #tpu.memory_space<vmem>>, vector<1x256x512xf32>
    %get3A_854 = vector.shape_cast %get3A_853 : vector<1x256x512xf32> to vector<256x512xf32>
    %dot_general3A_855 = arith.constant dense<0.000000e+00> : vector<128x512xf32>
    %dot_general3A_856 = tpu.matmul %concatenate3A_824, %get3A_854, %dot_general3A_855 {dimension_numbers = #tpu.dot_dimension_numbers<[1], [0], [0], [1], [0, 0, 1, 1], [], []>, transpose_lhs_hint = false} : vector<128x256xf32>, vector<256x512xf32>, vector<128x512xf32> -> vector<128x512xf32>
    %add3A_857 = arith.addf %add3A_849, %dot_general3A_856 : vector<128x512xf32>
    %slice3A_858 = vector.extract_strided_slice %dot_general3A_301 {offsets = [16, 0], sizes = [8, 256], strides = [1, 1]} : vector<128x256xf32> to vector<8x256xf32>
    %slice3A_859 = vector.extract_strided_slice %dot_general3A_331 {offsets = [16, 0], sizes = [8, 256], strides = [1, 1]} : vector<128x256xf32> to vector<8x256xf32>
    %slice3A_860 = vector.extract_strided_slice %dot_general3A_361 {offsets = [16, 0], sizes = [8, 256], strides = [1, 1]} : vector<128x256xf32> to vector<8x256xf32>
    %slice3A_861 = vector.extract_strided_slice %dot_general3A_391 {offsets = [16, 0], sizes = [8, 256], strides = [1, 1]} : vector<128x256xf32> to vector<8x256xf32>
    %slice3A_862 = vector.extract_strided_slice %dot_general3A_421 {offsets = [16, 0], sizes = [8, 256], strides = [1, 1]} : vector<128x256xf32> to vector<8x256xf32>
    %slice3A_863 = vector.extract_strided_slice %dot_general3A_451 {offsets = [16, 0], sizes = [8, 256], strides = [1, 1]} : vector<128x256xf32> to vector<8x256xf32>
    %slice3A_864 = vector.extract_strided_slice %dot_general3A_481 {offsets = [16, 0], sizes = [8, 256], strides = [1, 1]} : vector<128x256xf32> to vector<8x256xf32>
    %slice3A_865 = vector.extract_strided_slice %dot_general3A_511 {offsets = [16, 0], sizes = [8, 256], strides = [1, 1]} : vector<128x256xf32> to vector<8x256xf32>
    %slice3A_866 = vector.extract_strided_slice %dot_general3A_541 {offsets = [16, 0], sizes = [8, 256], strides = [1, 1]} : vector<128x256xf32> to vector<8x256xf32>
    %slice3A_867 = vector.extract_strided_slice %dot_general3A_571 {offsets = [16, 0], sizes = [8, 256], strides = [1, 1]} : vector<128x256xf32> to vector<8x256xf32>
    %slice3A_868 = vector.extract_strided_slice %dot_general3A_601 {offsets = [16, 0], sizes = [8, 256], strides = [1, 1]} : vector<128x256xf32> to vector<8x256xf32>
    %slice3A_869 = vector.extract_strided_slice %dot_general3A_631 {offsets = [16, 0], sizes = [8, 256], strides = [1, 1]} : vector<128x256xf32> to vector<8x256xf32>
    %slice3A_870 = vector.extract_strided_slice %dot_general3A_661 {offsets = [16, 0], sizes = [8, 256], strides = [1, 1]} : vector<128x256xf32> to vector<8x256xf32>
    %slice3A_871 = vector.extract_strided_slice %dot_general3A_691 {offsets = [16, 0], sizes = [8, 256], strides = [1, 1]} : vector<128x256xf32> to vector<8x256xf32>
    %slice3A_872 = vector.extract_strided_slice %dot_general3A_721 {offsets = [16, 0], sizes = [8, 256], strides = [1, 1]} : vector<128x256xf32> to vector<8x256xf32>
    %slice3A_873 = vector.extract_strided_slice %dot_general3A_751 {offsets = [16, 0], sizes = [8, 256], strides = [1, 1]} : vector<128x256xf32> to vector<8x256xf32>
    %concatenate3A_874 = tpu.concatenate %slice3A_858, %slice3A_859, %slice3A_860, %slice3A_861, %slice3A_862, %slice3A_863, %slice3A_864, %slice3A_865, %slice3A_866, %slice3A_867, %slice3A_868, %slice3A_869, %slice3A_870, %slice3A_871, %slice3A_872, %slice3A_873 in 0 : vector<8x256xf32>, vector<8x256xf32>, vector<8x256xf32>, vector<8x256xf32>, vector<8x256xf32>, vector<8x256xf32>, vector<8x256xf32>, vector<8x256xf32>, vector<8x256xf32>, vector<8x256xf32>, vector<8x256xf32>, vector<8x256xf32>, vector<8x256xf32>, vector<8x256xf32>, vector<8x256xf32>, vector<8x256xf32> -> vector<128x256xf32>
    %slice3A_875 = vector.extract_strided_slice %dot_general3A_303 {offsets = [16, 0], sizes = [8, 64], strides = [1, 1]} : vector<128x64xf32> to vector<8x64xf32>
    %slice3A_876 = vector.extract_strided_slice %dot_general3A_333 {offsets = [16, 0], sizes = [8, 64], strides = [1, 1]} : vector<128x64xf32> to vector<8x64xf32>
    %slice3A_877 = vector.extract_strided_slice %dot_general3A_363 {offsets = [16, 0], sizes = [8, 64], strides = [1, 1]} : vector<128x64xf32> to vector<8x64xf32>
    %slice3A_878 = vector.extract_strided_slice %dot_general3A_393 {offsets = [16, 0], sizes = [8, 64], strides = [1, 1]} : vector<128x64xf32> to vector<8x64xf32>
    %slice3A_879 = vector.extract_strided_slice %dot_general3A_423 {offsets = [16, 0], sizes = [8, 64], strides = [1, 1]} : vector<128x64xf32> to vector<8x64xf32>
    %slice3A_880 = vector.extract_strided_slice %dot_general3A_453 {offsets = [16, 0], sizes = [8, 64], strides = [1, 1]} : vector<128x64xf32> to vector<8x64xf32>
    %slice3A_881 = vector.extract_strided_slice %dot_general3A_483 {offsets = [16, 0], sizes = [8, 64], strides = [1, 1]} : vector<128x64xf32> to vector<8x64xf32>
    %slice3A_882 = vector.extract_strided_slice %dot_general3A_513 {offsets = [16, 0], sizes = [8, 64], strides = [1, 1]} : vector<128x64xf32> to vector<8x64xf32>
    %slice3A_883 = vector.extract_strided_slice %dot_general3A_543 {offsets = [16, 0], sizes = [8, 64], strides = [1, 1]} : vector<128x64xf32> to vector<8x64xf32>
    %slice3A_884 = vector.extract_strided_slice %dot_general3A_573 {offsets = [16, 0], sizes = [8, 64], strides = [1, 1]} : vector<128x64xf32> to vector<8x64xf32>
    %slice3A_885 = vector.extract_strided_slice %dot_general3A_603 {offsets = [16, 0], sizes = [8, 64], strides = [1, 1]} : vector<128x64xf32> to vector<8x64xf32>
    %slice3A_886 = vector.extract_strided_slice %dot_general3A_633 {offsets = [16, 0], sizes = [8, 64], strides = [1, 1]} : vector<128x64xf32> to vector<8x64xf32>
    %slice3A_887 = vector.extract_strided_slice %dot_general3A_663 {offsets = [16, 0], sizes = [8, 64], strides = [1, 1]} : vector<128x64xf32> to vector<8x64xf32>
    %slice3A_888 = vector.extract_strided_slice %dot_general3A_693 {offsets = [16, 0], sizes = [8, 64], strides = [1, 1]} : vector<128x64xf32> to vector<8x64xf32>
    %slice3A_889 = vector.extract_strided_slice %dot_general3A_723 {offsets = [16, 0], sizes = [8, 64], strides = [1, 1]} : vector<128x64xf32> to vector<8x64xf32>
    %slice3A_890 = vector.extract_strided_slice %dot_general3A_753 {offsets = [16, 0], sizes = [8, 64], strides = [1, 1]} : vector<128x64xf32> to vector<8x64xf32>
    %concatenate3A_891 = tpu.concatenate %slice3A_875, %slice3A_876, %slice3A_877, %slice3A_878, %slice3A_879, %slice3A_880, %slice3A_881, %slice3A_882, %slice3A_883, %slice3A_884, %slice3A_885, %slice3A_886, %slice3A_887, %slice3A_888, %slice3A_889, %slice3A_890 in 0 : vector<8x64xf32>, vector<8x64xf32>, vector<8x64xf32>, vector<8x64xf32>, vector<8x64xf32>, vector<8x64xf32>, vector<8x64xf32>, vector<8x64xf32>, vector<8x64xf32>, vector<8x64xf32>, vector<8x64xf32>, vector<8x64xf32>, vector<8x64xf32>, vector<8x64xf32>, vector<8x64xf32>, vector<8x64xf32> -> vector<128x64xf32>
    %get3A_892 = arith.constant 2 : index
    %get3A_893 = arith.constant 0 : index
    %get3A_894 = arith.constant 0 : index
    %get3A_895 = vector.load %arg12[%get3A_892, %get3A_893, %get3A_894] : memref<16x64x512xf32, #tpu.memory_space<vmem>>, vector<1x64x512xf32>
    %get3A_896 = vector.shape_cast %get3A_895 : vector<1x64x512xf32> to vector<64x512xf32>
    %dot_general3A_897 = arith.constant dense<0.000000e+00> : vector<128x512xf32>
    %dot_general3A_898 = tpu.matmul %concatenate3A_891, %get3A_896, %dot_general3A_897 {dimension_numbers = #tpu.dot_dimension_numbers<[1], [0], [0], [1], [0, 0, 1, 1], [], []>, transpose_lhs_hint = false} : vector<128x64xf32>, vector<64x512xf32>, vector<128x512xf32> -> vector<128x512xf32>
    %add3A_899 = arith.addf %add3A_857, %dot_general3A_898 : vector<128x512xf32>
    %get3A_900 = arith.constant 2 : index
    %get3A_901 = arith.constant 0 : index
    %get3A_902 = arith.constant 0 : index
    %get3A_903 = vector.load %arg13[%get3A_900, %get3A_901, %get3A_902] : memref<16x256x512xf32, #tpu.memory_space<vmem>>, vector<1x256x512xf32>
    %get3A_904 = vector.shape_cast %get3A_903 : vector<1x256x512xf32> to vector<256x512xf32>
    %dot_general3A_905 = arith.constant dense<0.000000e+00> : vector<128x512xf32>
    %dot_general3A_906 = tpu.matmul %concatenate3A_874, %get3A_904, %dot_general3A_905 {dimension_numbers = #tpu.dot_dimension_numbers<[1], [0], [0], [1], [0, 0, 1, 1], [], []>, transpose_lhs_hint = false} : vector<128x256xf32>, vector<256x512xf32>, vector<128x512xf32> -> vector<128x512xf32>
    %add3A_907 = arith.addf %add3A_899, %dot_general3A_906 : vector<128x512xf32>
    %slice3A_908 = vector.extract_strided_slice %dot_general3A_301 {offsets = [24, 0], sizes = [8, 256], strides = [1, 1]} : vector<128x256xf32> to vector<8x256xf32>
    %slice3A_909 = vector.extract_strided_slice %dot_general3A_331 {offsets = [24, 0], sizes = [8, 256], strides = [1, 1]} : vector<128x256xf32> to vector<8x256xf32>
    %slice3A_910 = vector.extract_strided_slice %dot_general3A_361 {offsets = [24, 0], sizes = [8, 256], strides = [1, 1]} : vector<128x256xf32> to vector<8x256xf32>
    %slice3A_911 = vector.extract_strided_slice %dot_general3A_391 {offsets = [24, 0], sizes = [8, 256], strides = [1, 1]} : vector<128x256xf32> to vector<8x256xf32>
    %slice3A_912 = vector.extract_strided_slice %dot_general3A_421 {offsets = [24, 0], sizes = [8, 256], strides = [1, 1]} : vector<128x256xf32> to vector<8x256xf32>
    %slice3A_913 = vector.extract_strided_slice %dot_general3A_451 {offsets = [24, 0], sizes = [8, 256], strides = [1, 1]} : vector<128x256xf32> to vector<8x256xf32>
    %slice3A_914 = vector.extract_strided_slice %dot_general3A_481 {offsets = [24, 0], sizes = [8, 256], strides = [1, 1]} : vector<128x256xf32> to vector<8x256xf32>
    %slice3A_915 = vector.extract_strided_slice %dot_general3A_511 {offsets = [24, 0], sizes = [8, 256], strides = [1, 1]} : vector<128x256xf32> to vector<8x256xf32>
    %slice3A_916 = vector.extract_strided_slice %dot_general3A_541 {offsets = [24, 0], sizes = [8, 256], strides = [1, 1]} : vector<128x256xf32> to vector<8x256xf32>
    %slice3A_917 = vector.extract_strided_slice %dot_general3A_571 {offsets = [24, 0], sizes = [8, 256], strides = [1, 1]} : vector<128x256xf32> to vector<8x256xf32>
    %slice3A_918 = vector.extract_strided_slice %dot_general3A_601 {offsets = [24, 0], sizes = [8, 256], strides = [1, 1]} : vector<128x256xf32> to vector<8x256xf32>
    %slice3A_919 = vector.extract_strided_slice %dot_general3A_631 {offsets = [24, 0], sizes = [8, 256], strides = [1, 1]} : vector<128x256xf32> to vector<8x256xf32>
    %slice3A_920 = vector.extract_strided_slice %dot_general3A_661 {offsets = [24, 0], sizes = [8, 256], strides = [1, 1]} : vector<128x256xf32> to vector<8x256xf32>
    %slice3A_921 = vector.extract_strided_slice %dot_general3A_691 {offsets = [24, 0], sizes = [8, 256], strides = [1, 1]} : vector<128x256xf32> to vector<8x256xf32>
    %slice3A_922 = vector.extract_strided_slice %dot_general3A_721 {offsets = [24, 0], sizes = [8, 256], strides = [1, 1]} : vector<128x256xf32> to vector<8x256xf32>
    %slice3A_923 = vector.extract_strided_slice %dot_general3A_751 {offsets = [24, 0], sizes = [8, 256], strides = [1, 1]} : vector<128x256xf32> to vector<8x256xf32>
    %concatenate3A_924 = tpu.concatenate %slice3A_908, %slice3A_909, %slice3A_910, %slice3A_911, %slice3A_912, %slice3A_913, %slice3A_914, %slice3A_915, %slice3A_916, %slice3A_917, %slice3A_918, %slice3A_919, %slice3A_920, %slice3A_921, %slice3A_922, %slice3A_923 in 0 : vector<8x256xf32>, vector<8x256xf32>, vector<8x256xf32>, vector<8x256xf32>, vector<8x256xf32>, vector<8x256xf32>, vector<8x256xf32>, vector<8x256xf32>, vector<8x256xf32>, vector<8x256xf32>, vector<8x256xf32>, vector<8x256xf32>, vector<8x256xf32>, vector<8x256xf32>, vector<8x256xf32>, vector<8x256xf32> -> vector<128x256xf32>
    %slice3A_925 = vector.extract_strided_slice %dot_general3A_303 {offsets = [24, 0], sizes = [8, 64], strides = [1, 1]} : vector<128x64xf32> to vector<8x64xf32>
    %slice3A_926 = vector.extract_strided_slice %dot_general3A_333 {offsets = [24, 0], sizes = [8, 64], strides = [1, 1]} : vector<128x64xf32> to vector<8x64xf32>
    %slice3A_927 = vector.extract_strided_slice %dot_general3A_363 {offsets = [24, 0], sizes = [8, 64], strides = [1, 1]} : vector<128x64xf32> to vector<8x64xf32>
    %slice3A_928 = vector.extract_strided_slice %dot_general3A_393 {offsets = [24, 0], sizes = [8, 64], strides = [1, 1]} : vector<128x64xf32> to vector<8x64xf32>
    %slice3A_929 = vector.extract_strided_slice %dot_general3A_423 {offsets = [24, 0], sizes = [8, 64], strides = [1, 1]} : vector<128x64xf32> to vector<8x64xf32>
    %slice3A_930 = vector.extract_strided_slice %dot_general3A_453 {offsets = [24, 0], sizes = [8, 64], strides = [1, 1]} : vector<128x64xf32> to vector<8x64xf32>
    %slice3A_931 = vector.extract_strided_slice %dot_general3A_483 {offsets = [24, 0], sizes = [8, 64], strides = [1, 1]} : vector<128x64xf32> to vector<8x64xf32>
    %slice3A_932 = vector.extract_strided_slice %dot_general3A_513 {offsets = [24, 0], sizes = [8, 64], strides = [1, 1]} : vector<128x64xf32> to vector<8x64xf32>
    %slice3A_933 = vector.extract_strided_slice %dot_general3A_543 {offsets = [24, 0], sizes = [8, 64], strides = [1, 1]} : vector<128x64xf32> to vector<8x64xf32>
    %slice3A_934 = vector.extract_strided_slice %dot_general3A_573 {offsets = [24, 0], sizes = [8, 64], strides = [1, 1]} : vector<128x64xf32> to vector<8x64xf32>
    %slice3A_935 = vector.extract_strided_slice %dot_general3A_603 {offsets = [24, 0], sizes = [8, 64], strides = [1, 1]} : vector<128x64xf32> to vector<8x64xf32>
    %slice3A_936 = vector.extract_strided_slice %dot_general3A_633 {offsets = [24, 0], sizes = [8, 64], strides = [1, 1]} : vector<128x64xf32> to vector<8x64xf32>
    %slice3A_937 = vector.extract_strided_slice %dot_general3A_663 {offsets = [24, 0], sizes = [8, 64], strides = [1, 1]} : vector<128x64xf32> to vector<8x64xf32>
    %slice3A_938 = vector.extract_strided_slice %dot_general3A_693 {offsets = [24, 0], sizes = [8, 64], strides = [1, 1]} : vector<128x64xf32> to vector<8x64xf32>
    %slice3A_939 = vector.extract_strided_slice %dot_general3A_723 {offsets = [24, 0], sizes = [8, 64], strides = [1, 1]} : vector<128x64xf32> to vector<8x64xf32>
    %slice3A_940 = vector.extract_strided_slice %dot_general3A_753 {offsets = [24, 0], sizes = [8, 64], strides = [1, 1]} : vector<128x64xf32> to vector<8x64xf32>
    %concatenate3A_941 = tpu.concatenate %slice3A_925, %slice3A_926, %slice3A_927, %slice3A_928, %slice3A_929, %slice3A_930, %slice3A_931, %slice3A_932, %slice3A_933, %slice3A_934, %slice3A_935, %slice3A_936, %slice3A_937, %slice3A_938, %slice3A_939, %slice3A_940 in 0 : vector<8x64xf32>, vector<8x64xf32>, vector<8x64xf32>, vector<8x64xf32>, vector<8x64xf32>, vector<8x64xf32>, vector<8x64xf32>, vector<8x64xf32>, vector<8x64xf32>, vector<8x64xf32>, vector<8x64xf32>, vector<8x64xf32>, vector<8x64xf32>, vector<8x64xf32>, vector<8x64xf32>, vector<8x64xf32> -> vector<128x64xf32>
    %get3A_942 = arith.constant 3 : index
    %get3A_943 = arith.constant 0 : index
    %get3A_944 = arith.constant 0 : index
    %get3A_945 = vector.load %arg12[%get3A_942, %get3A_943, %get3A_944] : memref<16x64x512xf32, #tpu.memory_space<vmem>>, vector<1x64x512xf32>
    %get3A_946 = vector.shape_cast %get3A_945 : vector<1x64x512xf32> to vector<64x512xf32>
    %dot_general3A_947 = arith.constant dense<0.000000e+00> : vector<128x512xf32>
    %dot_general3A_948 = tpu.matmul %concatenate3A_941, %get3A_946, %dot_general3A_947 {dimension_numbers = #tpu.dot_dimension_numbers<[1], [0], [0], [1], [0, 0, 1, 1], [], []>, transpose_lhs_hint = false} : vector<128x64xf32>, vector<64x512xf32>, vector<128x512xf32> -> vector<128x512xf32>
    %add3A_949 = arith.addf %add3A_907, %dot_general3A_948 : vector<128x512xf32>
    %get3A_950 = arith.constant 3 : index
    %get3A_951 = arith.constant 0 : index
    %get3A_952 = arith.constant 0 : index
    %get3A_953 = vector.load %arg13[%get3A_950, %get3A_951, %get3A_952] : memref<16x256x512xf32, #tpu.memory_space<vmem>>, vector<1x256x512xf32>
    %get3A_954 = vector.shape_cast %get3A_953 : vector<1x256x512xf32> to vector<256x512xf32>
    %dot_general3A_955 = arith.constant dense<0.000000e+00> : vector<128x512xf32>
    %dot_general3A_956 = tpu.matmul %concatenate3A_924, %get3A_954, %dot_general3A_955 {dimension_numbers = #tpu.dot_dimension_numbers<[1], [0], [0], [1], [0, 0, 1, 1], [], []>, transpose_lhs_hint = false} : vector<128x256xf32>, vector<256x512xf32>, vector<128x512xf32> -> vector<128x512xf32>
    %add3A_957 = arith.addf %add3A_949, %dot_general3A_956 : vector<128x512xf32>
    %slice3A_958 = vector.extract_strided_slice %dot_general3A_301 {offsets = [32, 0], sizes = [8, 256], strides = [1, 1]} : vector<128x256xf32> to vector<8x256xf32>
    %slice3A_959 = vector.extract_strided_slice %dot_general3A_331 {offsets = [32, 0], sizes = [8, 256], strides = [1, 1]} : vector<128x256xf32> to vector<8x256xf32>
    %slice3A_960 = vector.extract_strided_slice %dot_general3A_361 {offsets = [32, 0], sizes = [8, 256], strides = [1, 1]} : vector<128x256xf32> to vector<8x256xf32>
    %slice3A_961 = vector.extract_strided_slice %dot_general3A_391 {offsets = [32, 0], sizes = [8, 256], strides = [1, 1]} : vector<128x256xf32> to vector<8x256xf32>
    %slice3A_962 = vector.extract_strided_slice %dot_general3A_421 {offsets = [32, 0], sizes = [8, 256], strides = [1, 1]} : vector<128x256xf32> to vector<8x256xf32>
    %slice3A_963 = vector.extract_strided_slice %dot_general3A_451 {offsets = [32, 0], sizes = [8, 256], strides = [1, 1]} : vector<128x256xf32> to vector<8x256xf32>
    %slice3A_964 = vector.extract_strided_slice %dot_general3A_481 {offsets = [32, 0], sizes = [8, 256], strides = [1, 1]} : vector<128x256xf32> to vector<8x256xf32>
    %slice3A_965 = vector.extract_strided_slice %dot_general3A_511 {offsets = [32, 0], sizes = [8, 256], strides = [1, 1]} : vector<128x256xf32> to vector<8x256xf32>
    %slice3A_966 = vector.extract_strided_slice %dot_general3A_541 {offsets = [32, 0], sizes = [8, 256], strides = [1, 1]} : vector<128x256xf32> to vector<8x256xf32>
    %slice3A_967 = vector.extract_strided_slice %dot_general3A_571 {offsets = [32, 0], sizes = [8, 256], strides = [1, 1]} : vector<128x256xf32> to vector<8x256xf32>
    %slice3A_968 = vector.extract_strided_slice %dot_general3A_601 {offsets = [32, 0], sizes = [8, 256], strides = [1, 1]} : vector<128x256xf32> to vector<8x256xf32>
    %slice3A_969 = vector.extract_strided_slice %dot_general3A_631 {offsets = [32, 0], sizes = [8, 256], strides = [1, 1]} : vector<128x256xf32> to vector<8x256xf32>
    %slice3A_970 = vector.extract_strided_slice %dot_general3A_661 {offsets = [32, 0], sizes = [8, 256], strides = [1, 1]} : vector<128x256xf32> to vector<8x256xf32>
    %slice3A_971 = vector.extract_strided_slice %dot_general3A_691 {offsets = [32, 0], sizes = [8, 256], strides = [1, 1]} : vector<128x256xf32> to vector<8x256xf32>
    %slice3A_972 = vector.extract_strided_slice %dot_general3A_721 {offsets = [32, 0], sizes = [8, 256], strides = [1, 1]} : vector<128x256xf32> to vector<8x256xf32>
    %slice3A_973 = vector.extract_strided_slice %dot_general3A_751 {offsets = [32, 0], sizes = [8, 256], strides = [1, 1]} : vector<128x256xf32> to vector<8x256xf32>
    %concatenate3A_974 = tpu.concatenate %slice3A_958, %slice3A_959, %slice3A_960, %slice3A_961, %slice3A_962, %slice3A_963, %slice3A_964, %slice3A_965, %slice3A_966, %slice3A_967, %slice3A_968, %slice3A_969, %slice3A_970, %slice3A_971, %slice3A_972, %slice3A_973 in 0 : vector<8x256xf32>, vector<8x256xf32>, vector<8x256xf32>, vector<8x256xf32>, vector<8x256xf32>, vector<8x256xf32>, vector<8x256xf32>, vector<8x256xf32>, vector<8x256xf32>, vector<8x256xf32>, vector<8x256xf32>, vector<8x256xf32>, vector<8x256xf32>, vector<8x256xf32>, vector<8x256xf32>, vector<8x256xf32> -> vector<128x256xf32>
    %slice3A_975 = vector.extract_strided_slice %dot_general3A_303 {offsets = [32, 0], sizes = [8, 64], strides = [1, 1]} : vector<128x64xf32> to vector<8x64xf32>
    %slice3A_976 = vector.extract_strided_slice %dot_general3A_333 {offsets = [32, 0], sizes = [8, 64], strides = [1, 1]} : vector<128x64xf32> to vector<8x64xf32>
    %slice3A_977 = vector.extract_strided_slice %dot_general3A_363 {offsets = [32, 0], sizes = [8, 64], strides = [1, 1]} : vector<128x64xf32> to vector<8x64xf32>
    %slice3A_978 = vector.extract_strided_slice %dot_general3A_393 {offsets = [32, 0], sizes = [8, 64], strides = [1, 1]} : vector<128x64xf32> to vector<8x64xf32>
    %slice3A_979 = vector.extract_strided_slice %dot_general3A_423 {offsets = [32, 0], sizes = [8, 64], strides = [1, 1]} : vector<128x64xf32> to vector<8x64xf32>
    %slice3A_980 = vector.extract_strided_slice %dot_general3A_453 {offsets = [32, 0], sizes = [8, 64], strides = [1, 1]} : vector<128x64xf32> to vector<8x64xf32>
    %slice3A_981 = vector.extract_strided_slice %dot_general3A_483 {offsets = [32, 0], sizes = [8, 64], strides = [1, 1]} : vector<128x64xf32> to vector<8x64xf32>
    %slice3A_982 = vector.extract_strided_slice %dot_general3A_513 {offsets = [32, 0], sizes = [8, 64], strides = [1, 1]} : vector<128x64xf32> to vector<8x64xf32>
    %slice3A_983 = vector.extract_strided_slice %dot_general3A_543 {offsets = [32, 0], sizes = [8, 64], strides = [1, 1]} : vector<128x64xf32> to vector<8x64xf32>
    %slice3A_984 = vector.extract_strided_slice %dot_general3A_573 {offsets = [32, 0], sizes = [8, 64], strides = [1, 1]} : vector<128x64xf32> to vector<8x64xf32>
    %slice3A_985 = vector.extract_strided_slice %dot_general3A_603 {offsets = [32, 0], sizes = [8, 64], strides = [1, 1]} : vector<128x64xf32> to vector<8x64xf32>
    %slice3A_986 = vector.extract_strided_slice %dot_general3A_633 {offsets = [32, 0], sizes = [8, 64], strides = [1, 1]} : vector<128x64xf32> to vector<8x64xf32>
    %slice3A_987 = vector.extract_strided_slice %dot_general3A_663 {offsets = [32, 0], sizes = [8, 64], strides = [1, 1]} : vector<128x64xf32> to vector<8x64xf32>
    %slice3A_988 = vector.extract_strided_slice %dot_general3A_693 {offsets = [32, 0], sizes = [8, 64], strides = [1, 1]} : vector<128x64xf32> to vector<8x64xf32>
    %slice3A_989 = vector.extract_strided_slice %dot_general3A_723 {offsets = [32, 0], sizes = [8, 64], strides = [1, 1]} : vector<128x64xf32> to vector<8x64xf32>
    %slice3A_990 = vector.extract_strided_slice %dot_general3A_753 {offsets = [32, 0], sizes = [8, 64], strides = [1, 1]} : vector<128x64xf32> to vector<8x64xf32>
    %concatenate3A_991 = tpu.concatenate %slice3A_975, %slice3A_976, %slice3A_977, %slice3A_978, %slice3A_979, %slice3A_980, %slice3A_981, %slice3A_982, %slice3A_983, %slice3A_984, %slice3A_985, %slice3A_986, %slice3A_987, %slice3A_988, %slice3A_989, %slice3A_990 in 0 : vector<8x64xf32>, vector<8x64xf32>, vector<8x64xf32>, vector<8x64xf32>, vector<8x64xf32>, vector<8x64xf32>, vector<8x64xf32>, vector<8x64xf32>, vector<8x64xf32>, vector<8x64xf32>, vector<8x64xf32>, vector<8x64xf32>, vector<8x64xf32>, vector<8x64xf32>, vector<8x64xf32>, vector<8x64xf32> -> vector<128x64xf32>
    %get3A_992 = arith.constant 4 : index
    %get3A_993 = arith.constant 0 : index
    %get3A_994 = arith.constant 0 : index
    %get3A_995 = vector.load %arg12[%get3A_992, %get3A_993, %get3A_994] : memref<16x64x512xf32, #tpu.memory_space<vmem>>, vector<1x64x512xf32>
    %get3A_996 = vector.shape_cast %get3A_995 : vector<1x64x512xf32> to vector<64x512xf32>
    %dot_general3A_997 = arith.constant dense<0.000000e+00> : vector<128x512xf32>
    %dot_general3A_998 = tpu.matmul %concatenate3A_991, %get3A_996, %dot_general3A_997 {dimension_numbers = #tpu.dot_dimension_numbers<[1], [0], [0], [1], [0, 0, 1, 1], [], []>, transpose_lhs_hint = false} : vector<128x64xf32>, vector<64x512xf32>, vector<128x512xf32> -> vector<128x512xf32>
    %add3A_999 = arith.addf %add3A_957, %dot_general3A_998 : vector<128x512xf32>
    %get3A_1000 = arith.constant 4 : index
    %get3A_1001 = arith.constant 0 : index
    %get3A_1002 = arith.constant 0 : index
    %get3A_1003 = vector.load %arg13[%get3A_1000, %get3A_1001, %get3A_1002] : memref<16x256x512xf32, #tpu.memory_space<vmem>>, vector<1x256x512xf32>
    %get3A_1004 = vector.shape_cast %get3A_1003 : vector<1x256x512xf32> to vector<256x512xf32>
    %dot_general3A_1005 = arith.constant dense<0.000000e+00> : vector<128x512xf32>
    %dot_general3A_1006 = tpu.matmul %concatenate3A_974, %get3A_1004, %dot_general3A_1005 {dimension_numbers = #tpu.dot_dimension_numbers<[1], [0], [0], [1], [0, 0, 1, 1], [], []>, transpose_lhs_hint = false} : vector<128x256xf32>, vector<256x512xf32>, vector<128x512xf32> -> vector<128x512xf32>
    %add3A_1007 = arith.addf %add3A_999, %dot_general3A_1006 : vector<128x512xf32>
    %slice3A_1008 = vector.extract_strided_slice %dot_general3A_301 {offsets = [40, 0], sizes = [8, 256], strides = [1, 1]} : vector<128x256xf32> to vector<8x256xf32>
    %slice3A_1009 = vector.extract_strided_slice %dot_general3A_331 {offsets = [40, 0], sizes = [8, 256], strides = [1, 1]} : vector<128x256xf32> to vector<8x256xf32>
    %slice3A_1010 = vector.extract_strided_slice %dot_general3A_361 {offsets = [40, 0], sizes = [8, 256], strides = [1, 1]} : vector<128x256xf32> to vector<8x256xf32>
    %slice3A_1011 = vector.extract_strided_slice %dot_general3A_391 {offsets = [40, 0], sizes = [8, 256], strides = [1, 1]} : vector<128x256xf32> to vector<8x256xf32>
    %slice3A_1012 = vector.extract_strided_slice %dot_general3A_421 {offsets = [40, 0], sizes = [8, 256], strides = [1, 1]} : vector<128x256xf32> to vector<8x256xf32>
    %slice3A_1013 = vector.extract_strided_slice %dot_general3A_451 {offsets = [40, 0], sizes = [8, 256], strides = [1, 1]} : vector<128x256xf32> to vector<8x256xf32>
    %slice3A_1014 = vector.extract_strided_slice %dot_general3A_481 {offsets = [40, 0], sizes = [8, 256], strides = [1, 1]} : vector<128x256xf32> to vector<8x256xf32>
    %slice3A_1015 = vector.extract_strided_slice %dot_general3A_511 {offsets = [40, 0], sizes = [8, 256], strides = [1, 1]} : vector<128x256xf32> to vector<8x256xf32>
    %slice3A_1016 = vector.extract_strided_slice %dot_general3A_541 {offsets = [40, 0], sizes = [8, 256], strides = [1, 1]} : vector<128x256xf32> to vector<8x256xf32>
    %slice3A_1017 = vector.extract_strided_slice %dot_general3A_571 {offsets = [40, 0], sizes = [8, 256], strides = [1, 1]} : vector<128x256xf32> to vector<8x256xf32>
    %slice3A_1018 = vector.extract_strided_slice %dot_general3A_601 {offsets = [40, 0], sizes = [8, 256], strides = [1, 1]} : vector<128x256xf32> to vector<8x256xf32>
    %slice3A_1019 = vector.extract_strided_slice %dot_general3A_631 {offsets = [40, 0], sizes = [8, 256], strides = [1, 1]} : vector<128x256xf32> to vector<8x256xf32>
    %slice3A_1020 = vector.extract_strided_slice %dot_general3A_661 {offsets = [40, 0], sizes = [8, 256], strides = [1, 1]} : vector<128x256xf32> to vector<8x256xf32>
    %slice3A_1021 = vector.extract_strided_slice %dot_general3A_691 {offsets = [40, 0], sizes = [8, 256], strides = [1, 1]} : vector<128x256xf32> to vector<8x256xf32>
    %slice3A_1022 = vector.extract_strided_slice %dot_general3A_721 {offsets = [40, 0], sizes = [8, 256], strides = [1, 1]} : vector<128x256xf32> to vector<8x256xf32>
    %slice3A_1023 = vector.extract_strided_slice %dot_general3A_751 {offsets = [40, 0], sizes = [8, 256], strides = [1, 1]} : vector<128x256xf32> to vector<8x256xf32>
    %concatenate3A_1024 = tpu.concatenate %slice3A_1008, %slice3A_1009, %slice3A_1010, %slice3A_1011, %slice3A_1012, %slice3A_1013, %slice3A_1014, %slice3A_1015, %slice3A_1016, %slice3A_1017, %slice3A_1018, %slice3A_1019, %slice3A_1020, %slice3A_1021, %slice3A_1022, %slice3A_1023 in 0 : vector<8x256xf32>, vector<8x256xf32>, vector<8x256xf32>, vector<8x256xf32>, vector<8x256xf32>, vector<8x256xf32>, vector<8x256xf32>, vector<8x256xf32>, vector<8x256xf32>, vector<8x256xf32>, vector<8x256xf32>, vector<8x256xf32>, vector<8x256xf32>, vector<8x256xf32>, vector<8x256xf32>, vector<8x256xf32> -> vector<128x256xf32>
    %slice3A_1025 = vector.extract_strided_slice %dot_general3A_303 {offsets = [40, 0], sizes = [8, 64], strides = [1, 1]} : vector<128x64xf32> to vector<8x64xf32>
    %slice3A_1026 = vector.extract_strided_slice %dot_general3A_333 {offsets = [40, 0], sizes = [8, 64], strides = [1, 1]} : vector<128x64xf32> to vector<8x64xf32>
    %slice3A_1027 = vector.extract_strided_slice %dot_general3A_363 {offsets = [40, 0], sizes = [8, 64], strides = [1, 1]} : vector<128x64xf32> to vector<8x64xf32>
    %slice3A_1028 = vector.extract_strided_slice %dot_general3A_393 {offsets = [40, 0], sizes = [8, 64], strides = [1, 1]} : vector<128x64xf32> to vector<8x64xf32>
    %slice3A_1029 = vector.extract_strided_slice %dot_general3A_423 {offsets = [40, 0], sizes = [8, 64], strides = [1, 1]} : vector<128x64xf32> to vector<8x64xf32>
    %slice3A_1030 = vector.extract_strided_slice %dot_general3A_453 {offsets = [40, 0], sizes = [8, 64], strides = [1, 1]} : vector<128x64xf32> to vector<8x64xf32>
    %slice3A_1031 = vector.extract_strided_slice %dot_general3A_483 {offsets = [40, 0], sizes = [8, 64], strides = [1, 1]} : vector<128x64xf32> to vector<8x64xf32>
    %slice3A_1032 = vector.extract_strided_slice %dot_general3A_513 {offsets = [40, 0], sizes = [8, 64], strides = [1, 1]} : vector<128x64xf32> to vector<8x64xf32>
    %slice3A_1033 = vector.extract_strided_slice %dot_general3A_543 {offsets = [40, 0], sizes = [8, 64], strides = [1, 1]} : vector<128x64xf32> to vector<8x64xf32>
    %slice3A_1034 = vector.extract_strided_slice %dot_general3A_573 {offsets = [40, 0], sizes = [8, 64], strides = [1, 1]} : vector<128x64xf32> to vector<8x64xf32>
    %slice3A_1035 = vector.extract_strided_slice %dot_general3A_603 {offsets = [40, 0], sizes = [8, 64], strides = [1, 1]} : vector<128x64xf32> to vector<8x64xf32>
    %slice3A_1036 = vector.extract_strided_slice %dot_general3A_633 {offsets = [40, 0], sizes = [8, 64], strides = [1, 1]} : vector<128x64xf32> to vector<8x64xf32>
    %slice3A_1037 = vector.extract_strided_slice %dot_general3A_663 {offsets = [40, 0], sizes = [8, 64], strides = [1, 1]} : vector<128x64xf32> to vector<8x64xf32>
    %slice3A_1038 = vector.extract_strided_slice %dot_general3A_693 {offsets = [40, 0], sizes = [8, 64], strides = [1, 1]} : vector<128x64xf32> to vector<8x64xf32>
    %slice3A_1039 = vector.extract_strided_slice %dot_general3A_723 {offsets = [40, 0], sizes = [8, 64], strides = [1, 1]} : vector<128x64xf32> to vector<8x64xf32>
    %slice3A_1040 = vector.extract_strided_slice %dot_general3A_753 {offsets = [40, 0], sizes = [8, 64], strides = [1, 1]} : vector<128x64xf32> to vector<8x64xf32>
    %concatenate3A_1041 = tpu.concatenate %slice3A_1025, %slice3A_1026, %slice3A_1027, %slice3A_1028, %slice3A_1029, %slice3A_1030, %slice3A_1031, %slice3A_1032, %slice3A_1033, %slice3A_1034, %slice3A_1035, %slice3A_1036, %slice3A_1037, %slice3A_1038, %slice3A_1039, %slice3A_1040 in 0 : vector<8x64xf32>, vector<8x64xf32>, vector<8x64xf32>, vector<8x64xf32>, vector<8x64xf32>, vector<8x64xf32>, vector<8x64xf32>, vector<8x64xf32>, vector<8x64xf32>, vector<8x64xf32>, vector<8x64xf32>, vector<8x64xf32>, vector<8x64xf32>, vector<8x64xf32>, vector<8x64xf32>, vector<8x64xf32> -> vector<128x64xf32>
    %get3A_1042 = arith.constant 5 : index
    %get3A_1043 = arith.constant 0 : index
    %get3A_1044 = arith.constant 0 : index
    %get3A_1045 = vector.load %arg12[%get3A_1042, %get3A_1043, %get3A_1044] : memref<16x64x512xf32, #tpu.memory_space<vmem>>, vector<1x64x512xf32>
    %get3A_1046 = vector.shape_cast %get3A_1045 : vector<1x64x512xf32> to vector<64x512xf32>
    %dot_general3A_1047 = arith.constant dense<0.000000e+00> : vector<128x512xf32>
    %dot_general3A_1048 = tpu.matmul %concatenate3A_1041, %get3A_1046, %dot_general3A_1047 {dimension_numbers = #tpu.dot_dimension_numbers<[1], [0], [0], [1], [0, 0, 1, 1], [], []>, transpose_lhs_hint = false} : vector<128x64xf32>, vector<64x512xf32>, vector<128x512xf32> -> vector<128x512xf32>
    %add3A_1049 = arith.addf %add3A_1007, %dot_general3A_1048 : vector<128x512xf32>
    %get3A_1050 = arith.constant 5 : index
    %get3A_1051 = arith.constant 0 : index
    %get3A_1052 = arith.constant 0 : index
    %get3A_1053 = vector.load %arg13[%get3A_1050, %get3A_1051, %get3A_1052] : memref<16x256x512xf32, #tpu.memory_space<vmem>>, vector<1x256x512xf32>
    %get3A_1054 = vector.shape_cast %get3A_1053 : vector<1x256x512xf32> to vector<256x512xf32>
    %dot_general3A_1055 = arith.constant dense<0.000000e+00> : vector<128x512xf32>
    %dot_general3A_1056 = tpu.matmul %concatenate3A_1024, %get3A_1054, %dot_general3A_1055 {dimension_numbers = #tpu.dot_dimension_numbers<[1], [0], [0], [1], [0, 0, 1, 1], [], []>, transpose_lhs_hint = false} : vector<128x256xf32>, vector<256x512xf32>, vector<128x512xf32> -> vector<128x512xf32>
    %add3A_1057 = arith.addf %add3A_1049, %dot_general3A_1056 : vector<128x512xf32>
    %slice3A_1058 = vector.extract_strided_slice %dot_general3A_301 {offsets = [48, 0], sizes = [8, 256], strides = [1, 1]} : vector<128x256xf32> to vector<8x256xf32>
    %slice3A_1059 = vector.extract_strided_slice %dot_general3A_331 {offsets = [48, 0], sizes = [8, 256], strides = [1, 1]} : vector<128x256xf32> to vector<8x256xf32>
    %slice3A_1060 = vector.extract_strided_slice %dot_general3A_361 {offsets = [48, 0], sizes = [8, 256], strides = [1, 1]} : vector<128x256xf32> to vector<8x256xf32>
    %slice3A_1061 = vector.extract_strided_slice %dot_general3A_391 {offsets = [48, 0], sizes = [8, 256], strides = [1, 1]} : vector<128x256xf32> to vector<8x256xf32>
    %slice3A_1062 = vector.extract_strided_slice %dot_general3A_421 {offsets = [48, 0], sizes = [8, 256], strides = [1, 1]} : vector<128x256xf32> to vector<8x256xf32>
    %slice3A_1063 = vector.extract_strided_slice %dot_general3A_451 {offsets = [48, 0], sizes = [8, 256], strides = [1, 1]} : vector<128x256xf32> to vector<8x256xf32>
    %slice3A_1064 = vector.extract_strided_slice %dot_general3A_481 {offsets = [48, 0], sizes = [8, 256], strides = [1, 1]} : vector<128x256xf32> to vector<8x256xf32>
    %slice3A_1065 = vector.extract_strided_slice %dot_general3A_511 {offsets = [48, 0], sizes = [8, 256], strides = [1, 1]} : vector<128x256xf32> to vector<8x256xf32>
    %slice3A_1066 = vector.extract_strided_slice %dot_general3A_541 {offsets = [48, 0], sizes = [8, 256], strides = [1, 1]} : vector<128x256xf32> to vector<8x256xf32>
    %slice3A_1067 = vector.extract_strided_slice %dot_general3A_571 {offsets = [48, 0], sizes = [8, 256], strides = [1, 1]} : vector<128x256xf32> to vector<8x256xf32>
    %slice3A_1068 = vector.extract_strided_slice %dot_general3A_601 {offsets = [48, 0], sizes = [8, 256], strides = [1, 1]} : vector<128x256xf32> to vector<8x256xf32>
    %slice3A_1069 = vector.extract_strided_slice %dot_general3A_631 {offsets = [48, 0], sizes = [8, 256], strides = [1, 1]} : vector<128x256xf32> to vector<8x256xf32>
    %slice3A_1070 = vector.extract_strided_slice %dot_general3A_661 {offsets = [48, 0], sizes = [8, 256], strides = [1, 1]} : vector<128x256xf32> to vector<8x256xf32>
    %slice3A_1071 = vector.extract_strided_slice %dot_general3A_691 {offsets = [48, 0], sizes = [8, 256], strides = [1, 1]} : vector<128x256xf32> to vector<8x256xf32>
    %slice3A_1072 = vector.extract_strided_slice %dot_general3A_721 {offsets = [48, 0], sizes = [8, 256], strides = [1, 1]} : vector<128x256xf32> to vector<8x256xf32>
    %slice3A_1073 = vector.extract_strided_slice %dot_general3A_751 {offsets = [48, 0], sizes = [8, 256], strides = [1, 1]} : vector<128x256xf32> to vector<8x256xf32>
    %concatenate3A_1074 = tpu.concatenate %slice3A_1058, %slice3A_1059, %slice3A_1060, %slice3A_1061, %slice3A_1062, %slice3A_1063, %slice3A_1064, %slice3A_1065, %slice3A_1066, %slice3A_1067, %slice3A_1068, %slice3A_1069, %slice3A_1070, %slice3A_1071, %slice3A_1072, %slice3A_1073 in 0 : vector<8x256xf32>, vector<8x256xf32>, vector<8x256xf32>, vector<8x256xf32>, vector<8x256xf32>, vector<8x256xf32>, vector<8x256xf32>, vector<8x256xf32>, vector<8x256xf32>, vector<8x256xf32>, vector<8x256xf32>, vector<8x256xf32>, vector<8x256xf32>, vector<8x256xf32>, vector<8x256xf32>, vector<8x256xf32> -> vector<128x256xf32>
    %slice3A_1075 = vector.extract_strided_slice %dot_general3A_303 {offsets = [48, 0], sizes = [8, 64], strides = [1, 1]} : vector<128x64xf32> to vector<8x64xf32>
    %slice3A_1076 = vector.extract_strided_slice %dot_general3A_333 {offsets = [48, 0], sizes = [8, 64], strides = [1, 1]} : vector<128x64xf32> to vector<8x64xf32>
    %slice3A_1077 = vector.extract_strided_slice %dot_general3A_363 {offsets = [48, 0], sizes = [8, 64], strides = [1, 1]} : vector<128x64xf32> to vector<8x64xf32>
    %slice3A_1078 = vector.extract_strided_slice %dot_general3A_393 {offsets = [48, 0], sizes = [8, 64], strides = [1, 1]} : vector<128x64xf32> to vector<8x64xf32>
    %slice3A_1079 = vector.extract_strided_slice %dot_general3A_423 {offsets = [48, 0], sizes = [8, 64], strides = [1, 1]} : vector<128x64xf32> to vector<8x64xf32>
    %slice3A_1080 = vector.extract_strided_slice %dot_general3A_453 {offsets = [48, 0], sizes = [8, 64], strides = [1, 1]} : vector<128x64xf32> to vector<8x64xf32>
    %slice3A_1081 = vector.extract_strided_slice %dot_general3A_483 {offsets = [48, 0], sizes = [8, 64], strides = [1, 1]} : vector<128x64xf32> to vector<8x64xf32>
    %slice3A_1082 = vector.extract_strided_slice %dot_general3A_513 {offsets = [48, 0], sizes = [8, 64], strides = [1, 1]} : vector<128x64xf32> to vector<8x64xf32>
    %slice3A_1083 = vector.extract_strided_slice %dot_general3A_543 {offsets = [48, 0], sizes = [8, 64], strides = [1, 1]} : vector<128x64xf32> to vector<8x64xf32>
    %slice3A_1084 = vector.extract_strided_slice %dot_general3A_573 {offsets = [48, 0], sizes = [8, 64], strides = [1, 1]} : vector<128x64xf32> to vector<8x64xf32>
    %slice3A_1085 = vector.extract_strided_slice %dot_general3A_603 {offsets = [48, 0], sizes = [8, 64], strides = [1, 1]} : vector<128x64xf32> to vector<8x64xf32>
    %slice3A_1086 = vector.extract_strided_slice %dot_general3A_633 {offsets = [48, 0], sizes = [8, 64], strides = [1, 1]} : vector<128x64xf32> to vector<8x64xf32>
    %slice3A_1087 = vector.extract_strided_slice %dot_general3A_663 {offsets = [48, 0], sizes = [8, 64], strides = [1, 1]} : vector<128x64xf32> to vector<8x64xf32>
    %slice3A_1088 = vector.extract_strided_slice %dot_general3A_693 {offsets = [48, 0], sizes = [8, 64], strides = [1, 1]} : vector<128x64xf32> to vector<8x64xf32>
    %slice3A_1089 = vector.extract_strided_slice %dot_general3A_723 {offsets = [48, 0], sizes = [8, 64], strides = [1, 1]} : vector<128x64xf32> to vector<8x64xf32>
    %slice3A_1090 = vector.extract_strided_slice %dot_general3A_753 {offsets = [48, 0], sizes = [8, 64], strides = [1, 1]} : vector<128x64xf32> to vector<8x64xf32>
    %concatenate3A_1091 = tpu.concatenate %slice3A_1075, %slice3A_1076, %slice3A_1077, %slice3A_1078, %slice3A_1079, %slice3A_1080, %slice3A_1081, %slice3A_1082, %slice3A_1083, %slice3A_1084, %slice3A_1085, %slice3A_1086, %slice3A_1087, %slice3A_1088, %slice3A_1089, %slice3A_1090 in 0 : vector<8x64xf32>, vector<8x64xf32>, vector<8x64xf32>, vector<8x64xf32>, vector<8x64xf32>, vector<8x64xf32>, vector<8x64xf32>, vector<8x64xf32>, vector<8x64xf32>, vector<8x64xf32>, vector<8x64xf32>, vector<8x64xf32>, vector<8x64xf32>, vector<8x64xf32>, vector<8x64xf32>, vector<8x64xf32> -> vector<128x64xf32>
    %get3A_1092 = arith.constant 6 : index
    %get3A_1093 = arith.constant 0 : index
    %get3A_1094 = arith.constant 0 : index
    %get3A_1095 = vector.load %arg12[%get3A_1092, %get3A_1093, %get3A_1094] : memref<16x64x512xf32, #tpu.memory_space<vmem>>, vector<1x64x512xf32>
    %get3A_1096 = vector.shape_cast %get3A_1095 : vector<1x64x512xf32> to vector<64x512xf32>
    %dot_general3A_1097 = arith.constant dense<0.000000e+00> : vector<128x512xf32>
    %dot_general3A_1098 = tpu.matmul %concatenate3A_1091, %get3A_1096, %dot_general3A_1097 {dimension_numbers = #tpu.dot_dimension_numbers<[1], [0], [0], [1], [0, 0, 1, 1], [], []>, transpose_lhs_hint = false} : vector<128x64xf32>, vector<64x512xf32>, vector<128x512xf32> -> vector<128x512xf32>
    %add3A_1099 = arith.addf %add3A_1057, %dot_general3A_1098 : vector<128x512xf32>
    %get3A_1100 = arith.constant 6 : index
    %get3A_1101 = arith.constant 0 : index
    %get3A_1102 = arith.constant 0 : index
    %get3A_1103 = vector.load %arg13[%get3A_1100, %get3A_1101, %get3A_1102] : memref<16x256x512xf32, #tpu.memory_space<vmem>>, vector<1x256x512xf32>
    %get3A_1104 = vector.shape_cast %get3A_1103 : vector<1x256x512xf32> to vector<256x512xf32>
    %dot_general3A_1105 = arith.constant dense<0.000000e+00> : vector<128x512xf32>
    %dot_general3A_1106 = tpu.matmul %concatenate3A_1074, %get3A_1104, %dot_general3A_1105 {dimension_numbers = #tpu.dot_dimension_numbers<[1], [0], [0], [1], [0, 0, 1, 1], [], []>, transpose_lhs_hint = false} : vector<128x256xf32>, vector<256x512xf32>, vector<128x512xf32> -> vector<128x512xf32>
    %add3A_1107 = arith.addf %add3A_1099, %dot_general3A_1106 : vector<128x512xf32>
    %slice3A_1108 = vector.extract_strided_slice %dot_general3A_301 {offsets = [56, 0], sizes = [8, 256], strides = [1, 1]} : vector<128x256xf32> to vector<8x256xf32>
    %slice3A_1109 = vector.extract_strided_slice %dot_general3A_331 {offsets = [56, 0], sizes = [8, 256], strides = [1, 1]} : vector<128x256xf32> to vector<8x256xf32>
    %slice3A_1110 = vector.extract_strided_slice %dot_general3A_361 {offsets = [56, 0], sizes = [8, 256], strides = [1, 1]} : vector<128x256xf32> to vector<8x256xf32>
    %slice3A_1111 = vector.extract_strided_slice %dot_general3A_391 {offsets = [56, 0], sizes = [8, 256], strides = [1, 1]} : vector<128x256xf32> to vector<8x256xf32>
    %slice3A_1112 = vector.extract_strided_slice %dot_general3A_421 {offsets = [56, 0], sizes = [8, 256], strides = [1, 1]} : vector<128x256xf32> to vector<8x256xf32>
    %slice3A_1113 = vector.extract_strided_slice %dot_general3A_451 {offsets = [56, 0], sizes = [8, 256], strides = [1, 1]} : vector<128x256xf32> to vector<8x256xf32>
    %slice3A_1114 = vector.extract_strided_slice %dot_general3A_481 {offsets = [56, 0], sizes = [8, 256], strides = [1, 1]} : vector<128x256xf32> to vector<8x256xf32>
    %slice3A_1115 = vector.extract_strided_slice %dot_general3A_511 {offsets = [56, 0], sizes = [8, 256], strides = [1, 1]} : vector<128x256xf32> to vector<8x256xf32>
    %slice3A_1116 = vector.extract_strided_slice %dot_general3A_541 {offsets = [56, 0], sizes = [8, 256], strides = [1, 1]} : vector<128x256xf32> to vector<8x256xf32>
    %slice3A_1117 = vector.extract_strided_slice %dot_general3A_571 {offsets = [56, 0], sizes = [8, 256], strides = [1, 1]} : vector<128x256xf32> to vector<8x256xf32>
    %slice3A_1118 = vector.extract_strided_slice %dot_general3A_601 {offsets = [56, 0], sizes = [8, 256], strides = [1, 1]} : vector<128x256xf32> to vector<8x256xf32>
    %slice3A_1119 = vector.extract_strided_slice %dot_general3A_631 {offsets = [56, 0], sizes = [8, 256], strides = [1, 1]} : vector<128x256xf32> to vector<8x256xf32>
    %slice3A_1120 = vector.extract_strided_slice %dot_general3A_661 {offsets = [56, 0], sizes = [8, 256], strides = [1, 1]} : vector<128x256xf32> to vector<8x256xf32>
    %slice3A_1121 = vector.extract_strided_slice %dot_general3A_691 {offsets = [56, 0], sizes = [8, 256], strides = [1, 1]} : vector<128x256xf32> to vector<8x256xf32>
    %slice3A_1122 = vector.extract_strided_slice %dot_general3A_721 {offsets = [56, 0], sizes = [8, 256], strides = [1, 1]} : vector<128x256xf32> to vector<8x256xf32>
    %slice3A_1123 = vector.extract_strided_slice %dot_general3A_751 {offsets = [56, 0], sizes = [8, 256], strides = [1, 1]} : vector<128x256xf32> to vector<8x256xf32>
    %concatenate3A_1124 = tpu.concatenate %slice3A_1108, %slice3A_1109, %slice3A_1110, %slice3A_1111, %slice3A_1112, %slice3A_1113, %slice3A_1114, %slice3A_1115, %slice3A_1116, %slice3A_1117, %slice3A_1118, %slice3A_1119, %slice3A_1120, %slice3A_1121, %slice3A_1122, %slice3A_1123 in 0 : vector<8x256xf32>, vector<8x256xf32>, vector<8x256xf32>, vector<8x256xf32>, vector<8x256xf32>, vector<8x256xf32>, vector<8x256xf32>, vector<8x256xf32>, vector<8x256xf32>, vector<8x256xf32>, vector<8x256xf32>, vector<8x256xf32>, vector<8x256xf32>, vector<8x256xf32>, vector<8x256xf32>, vector<8x256xf32> -> vector<128x256xf32>
    %slice3A_1125 = vector.extract_strided_slice %dot_general3A_303 {offsets = [56, 0], sizes = [8, 64], strides = [1, 1]} : vector<128x64xf32> to vector<8x64xf32>
    %slice3A_1126 = vector.extract_strided_slice %dot_general3A_333 {offsets = [56, 0], sizes = [8, 64], strides = [1, 1]} : vector<128x64xf32> to vector<8x64xf32>
    %slice3A_1127 = vector.extract_strided_slice %dot_general3A_363 {offsets = [56, 0], sizes = [8, 64], strides = [1, 1]} : vector<128x64xf32> to vector<8x64xf32>
    %slice3A_1128 = vector.extract_strided_slice %dot_general3A_393 {offsets = [56, 0], sizes = [8, 64], strides = [1, 1]} : vector<128x64xf32> to vector<8x64xf32>
    %slice3A_1129 = vector.extract_strided_slice %dot_general3A_423 {offsets = [56, 0], sizes = [8, 64], strides = [1, 1]} : vector<128x64xf32> to vector<8x64xf32>
    %slice3A_1130 = vector.extract_strided_slice %dot_general3A_453 {offsets = [56, 0], sizes = [8, 64], strides = [1, 1]} : vector<128x64xf32> to vector<8x64xf32>
    %slice3A_1131 = vector.extract_strided_slice %dot_general3A_483 {offsets = [56, 0], sizes = [8, 64], strides = [1, 1]} : vector<128x64xf32> to vector<8x64xf32>
    %slice3A_1132 = vector.extract_strided_slice %dot_general3A_513 {offsets = [56, 0], sizes = [8, 64], strides = [1, 1]} : vector<128x64xf32> to vector<8x64xf32>
    %slice3A_1133 = vector.extract_strided_slice %dot_general3A_543 {offsets = [56, 0], sizes = [8, 64], strides = [1, 1]} : vector<128x64xf32> to vector<8x64xf32>
    %slice3A_1134 = vector.extract_strided_slice %dot_general3A_573 {offsets = [56, 0], sizes = [8, 64], strides = [1, 1]} : vector<128x64xf32> to vector<8x64xf32>
    %slice3A_1135 = vector.extract_strided_slice %dot_general3A_603 {offsets = [56, 0], sizes = [8, 64], strides = [1, 1]} : vector<128x64xf32> to vector<8x64xf32>
    %slice3A_1136 = vector.extract_strided_slice %dot_general3A_633 {offsets = [56, 0], sizes = [8, 64], strides = [1, 1]} : vector<128x64xf32> to vector<8x64xf32>
    %slice3A_1137 = vector.extract_strided_slice %dot_general3A_663 {offsets = [56, 0], sizes = [8, 64], strides = [1, 1]} : vector<128x64xf32> to vector<8x64xf32>
    %slice3A_1138 = vector.extract_strided_slice %dot_general3A_693 {offsets = [56, 0], sizes = [8, 64], strides = [1, 1]} : vector<128x64xf32> to vector<8x64xf32>
    %slice3A_1139 = vector.extract_strided_slice %dot_general3A_723 {offsets = [56, 0], sizes = [8, 64], strides = [1, 1]} : vector<128x64xf32> to vector<8x64xf32>
    %slice3A_1140 = vector.extract_strided_slice %dot_general3A_753 {offsets = [56, 0], sizes = [8, 64], strides = [1, 1]} : vector<128x64xf32> to vector<8x64xf32>
    %concatenate3A_1141 = tpu.concatenate %slice3A_1125, %slice3A_1126, %slice3A_1127, %slice3A_1128, %slice3A_1129, %slice3A_1130, %slice3A_1131, %slice3A_1132, %slice3A_1133, %slice3A_1134, %slice3A_1135, %slice3A_1136, %slice3A_1137, %slice3A_1138, %slice3A_1139, %slice3A_1140 in 0 : vector<8x64xf32>, vector<8x64xf32>, vector<8x64xf32>, vector<8x64xf32>, vector<8x64xf32>, vector<8x64xf32>, vector<8x64xf32>, vector<8x64xf32>, vector<8x64xf32>, vector<8x64xf32>, vector<8x64xf32>, vector<8x64xf32>, vector<8x64xf32>, vector<8x64xf32>, vector<8x64xf32>, vector<8x64xf32> -> vector<128x64xf32>
    %get3A_1142 = arith.constant 7 : index
    %get3A_1143 = arith.constant 0 : index
    %get3A_1144 = arith.constant 0 : index
    %get3A_1145 = vector.load %arg12[%get3A_1142, %get3A_1143, %get3A_1144] : memref<16x64x512xf32, #tpu.memory_space<vmem>>, vector<1x64x512xf32>
    %get3A_1146 = vector.shape_cast %get3A_1145 : vector<1x64x512xf32> to vector<64x512xf32>
    %dot_general3A_1147 = arith.constant dense<0.000000e+00> : vector<128x512xf32>
    %dot_general3A_1148 = tpu.matmul %concatenate3A_1141, %get3A_1146, %dot_general3A_1147 {dimension_numbers = #tpu.dot_dimension_numbers<[1], [0], [0], [1], [0, 0, 1, 1], [], []>, transpose_lhs_hint = false} : vector<128x64xf32>, vector<64x512xf32>, vector<128x512xf32> -> vector<128x512xf32>
    %add3A_1149 = arith.addf %add3A_1107, %dot_general3A_1148 : vector<128x512xf32>
    %get3A_1150 = arith.constant 7 : index
    %get3A_1151 = arith.constant 0 : index
    %get3A_1152 = arith.constant 0 : index
    %get3A_1153 = vector.load %arg13[%get3A_1150, %get3A_1151, %get3A_1152] : memref<16x256x512xf32, #tpu.memory_space<vmem>>, vector<1x256x512xf32>
    %get3A_1154 = vector.shape_cast %get3A_1153 : vector<1x256x512xf32> to vector<256x512xf32>
    %dot_general3A_1155 = arith.constant dense<0.000000e+00> : vector<128x512xf32>
    %dot_general3A_1156 = tpu.matmul %concatenate3A_1124, %get3A_1154, %dot_general3A_1155 {dimension_numbers = #tpu.dot_dimension_numbers<[1], [0], [0], [1], [0, 0, 1, 1], [], []>, transpose_lhs_hint = false} : vector<128x256xf32>, vector<256x512xf32>, vector<128x512xf32> -> vector<128x512xf32>
    %add3A_1157 = arith.addf %add3A_1149, %dot_general3A_1156 : vector<128x512xf32>
    %slice3A_1158 = vector.extract_strided_slice %dot_general3A_301 {offsets = [64, 0], sizes = [8, 256], strides = [1, 1]} : vector<128x256xf32> to vector<8x256xf32>
    %slice3A_1159 = vector.extract_strided_slice %dot_general3A_331 {offsets = [64, 0], sizes = [8, 256], strides = [1, 1]} : vector<128x256xf32> to vector<8x256xf32>
    %slice3A_1160 = vector.extract_strided_slice %dot_general3A_361 {offsets = [64, 0], sizes = [8, 256], strides = [1, 1]} : vector<128x256xf32> to vector<8x256xf32>
    %slice3A_1161 = vector.extract_strided_slice %dot_general3A_391 {offsets = [64, 0], sizes = [8, 256], strides = [1, 1]} : vector<128x256xf32> to vector<8x256xf32>
    %slice3A_1162 = vector.extract_strided_slice %dot_general3A_421 {offsets = [64, 0], sizes = [8, 256], strides = [1, 1]} : vector<128x256xf32> to vector<8x256xf32>
    %slice3A_1163 = vector.extract_strided_slice %dot_general3A_451 {offsets = [64, 0], sizes = [8, 256], strides = [1, 1]} : vector<128x256xf32> to vector<8x256xf32>
    %slice3A_1164 = vector.extract_strided_slice %dot_general3A_481 {offsets = [64, 0], sizes = [8, 256], strides = [1, 1]} : vector<128x256xf32> to vector<8x256xf32>
    %slice3A_1165 = vector.extract_strided_slice %dot_general3A_511 {offsets = [64, 0], sizes = [8, 256], strides = [1, 1]} : vector<128x256xf32> to vector<8x256xf32>
    %slice3A_1166 = vector.extract_strided_slice %dot_general3A_541 {offsets = [64, 0], sizes = [8, 256], strides = [1, 1]} : vector<128x256xf32> to vector<8x256xf32>
    %slice3A_1167 = vector.extract_strided_slice %dot_general3A_571 {offsets = [64, 0], sizes = [8, 256], strides = [1, 1]} : vector<128x256xf32> to vector<8x256xf32>
    %slice3A_1168 = vector.extract_strided_slice %dot_general3A_601 {offsets = [64, 0], sizes = [8, 256], strides = [1, 1]} : vector<128x256xf32> to vector<8x256xf32>
    %slice3A_1169 = vector.extract_strided_slice %dot_general3A_631 {offsets = [64, 0], sizes = [8, 256], strides = [1, 1]} : vector<128x256xf32> to vector<8x256xf32>
    %slice3A_1170 = vector.extract_strided_slice %dot_general3A_661 {offsets = [64, 0], sizes = [8, 256], strides = [1, 1]} : vector<128x256xf32> to vector<8x256xf32>
    %slice3A_1171 = vector.extract_strided_slice %dot_general3A_691 {offsets = [64, 0], sizes = [8, 256], strides = [1, 1]} : vector<128x256xf32> to vector<8x256xf32>
    %slice3A_1172 = vector.extract_strided_slice %dot_general3A_721 {offsets = [64, 0], sizes = [8, 256], strides = [1, 1]} : vector<128x256xf32> to vector<8x256xf32>
    %slice3A_1173 = vector.extract_strided_slice %dot_general3A_751 {offsets = [64, 0], sizes = [8, 256], strides = [1, 1]} : vector<128x256xf32> to vector<8x256xf32>
    %concatenate3A_1174 = tpu.concatenate %slice3A_1158, %slice3A_1159, %slice3A_1160, %slice3A_1161, %slice3A_1162, %slice3A_1163, %slice3A_1164, %slice3A_1165, %slice3A_1166, %slice3A_1167, %slice3A_1168, %slice3A_1169, %slice3A_1170, %slice3A_1171, %slice3A_1172, %slice3A_1173 in 0 : vector<8x256xf32>, vector<8x256xf32>, vector<8x256xf32>, vector<8x256xf32>, vector<8x256xf32>, vector<8x256xf32>, vector<8x256xf32>, vector<8x256xf32>, vector<8x256xf32>, vector<8x256xf32>, vector<8x256xf32>, vector<8x256xf32>, vector<8x256xf32>, vector<8x256xf32>, vector<8x256xf32>, vector<8x256xf32> -> vector<128x256xf32>
    %slice3A_1175 = vector.extract_strided_slice %dot_general3A_303 {offsets = [64, 0], sizes = [8, 64], strides = [1, 1]} : vector<128x64xf32> to vector<8x64xf32>
    %slice3A_1176 = vector.extract_strided_slice %dot_general3A_333 {offsets = [64, 0], sizes = [8, 64], strides = [1, 1]} : vector<128x64xf32> to vector<8x64xf32>
    %slice3A_1177 = vector.extract_strided_slice %dot_general3A_363 {offsets = [64, 0], sizes = [8, 64], strides = [1, 1]} : vector<128x64xf32> to vector<8x64xf32>
    %slice3A_1178 = vector.extract_strided_slice %dot_general3A_393 {offsets = [64, 0], sizes = [8, 64], strides = [1, 1]} : vector<128x64xf32> to vector<8x64xf32>
    %slice3A_1179 = vector.extract_strided_slice %dot_general3A_423 {offsets = [64, 0], sizes = [8, 64], strides = [1, 1]} : vector<128x64xf32> to vector<8x64xf32>
    %slice3A_1180 = vector.extract_strided_slice %dot_general3A_453 {offsets = [64, 0], sizes = [8, 64], strides = [1, 1]} : vector<128x64xf32> to vector<8x64xf32>
    %slice3A_1181 = vector.extract_strided_slice %dot_general3A_483 {offsets = [64, 0], sizes = [8, 64], strides = [1, 1]} : vector<128x64xf32> to vector<8x64xf32>
    %slice3A_1182 = vector.extract_strided_slice %dot_general3A_513 {offsets = [64, 0], sizes = [8, 64], strides = [1, 1]} : vector<128x64xf32> to vector<8x64xf32>
    %slice3A_1183 = vector.extract_strided_slice %dot_general3A_543 {offsets = [64, 0], sizes = [8, 64], strides = [1, 1]} : vector<128x64xf32> to vector<8x64xf32>
    %slice3A_1184 = vector.extract_strided_slice %dot_general3A_573 {offsets = [64, 0], sizes = [8, 64], strides = [1, 1]} : vector<128x64xf32> to vector<8x64xf32>
    %slice3A_1185 = vector.extract_strided_slice %dot_general3A_603 {offsets = [64, 0], sizes = [8, 64], strides = [1, 1]} : vector<128x64xf32> to vector<8x64xf32>
    %slice3A_1186 = vector.extract_strided_slice %dot_general3A_633 {offsets = [64, 0], sizes = [8, 64], strides = [1, 1]} : vector<128x64xf32> to vector<8x64xf32>
    %slice3A_1187 = vector.extract_strided_slice %dot_general3A_663 {offsets = [64, 0], sizes = [8, 64], strides = [1, 1]} : vector<128x64xf32> to vector<8x64xf32>
    %slice3A_1188 = vector.extract_strided_slice %dot_general3A_693 {offsets = [64, 0], sizes = [8, 64], strides = [1, 1]} : vector<128x64xf32> to vector<8x64xf32>
    %slice3A_1189 = vector.extract_strided_slice %dot_general3A_723 {offsets = [64, 0], sizes = [8, 64], strides = [1, 1]} : vector<128x64xf32> to vector<8x64xf32>
    %slice3A_1190 = vector.extract_strided_slice %dot_general3A_753 {offsets = [64, 0], sizes = [8, 64], strides = [1, 1]} : vector<128x64xf32> to vector<8x64xf32>
    %concatenate3A_1191 = tpu.concatenate %slice3A_1175, %slice3A_1176, %slice3A_1177, %slice3A_1178, %slice3A_1179, %slice3A_1180, %slice3A_1181, %slice3A_1182, %slice3A_1183, %slice3A_1184, %slice3A_1185, %slice3A_1186, %slice3A_1187, %slice3A_1188, %slice3A_1189, %slice3A_1190 in 0 : vector<8x64xf32>, vector<8x64xf32>, vector<8x64xf32>, vector<8x64xf32>, vector<8x64xf32>, vector<8x64xf32>, vector<8x64xf32>, vector<8x64xf32>, vector<8x64xf32>, vector<8x64xf32>, vector<8x64xf32>, vector<8x64xf32>, vector<8x64xf32>, vector<8x64xf32>, vector<8x64xf32>, vector<8x64xf32> -> vector<128x64xf32>
    %get3A_1192 = arith.constant 8 : index
    %get3A_1193 = arith.constant 0 : index
    %get3A_1194 = arith.constant 0 : index
    %get3A_1195 = vector.load %arg12[%get3A_1192, %get3A_1193, %get3A_1194] : memref<16x64x512xf32, #tpu.memory_space<vmem>>, vector<1x64x512xf32>
    %get3A_1196 = vector.shape_cast %get3A_1195 : vector<1x64x512xf32> to vector<64x512xf32>
    %dot_general3A_1197 = arith.constant dense<0.000000e+00> : vector<128x512xf32>
    %dot_general3A_1198 = tpu.matmul %concatenate3A_1191, %get3A_1196, %dot_general3A_1197 {dimension_numbers = #tpu.dot_dimension_numbers<[1], [0], [0], [1], [0, 0, 1, 1], [], []>, transpose_lhs_hint = false} : vector<128x64xf32>, vector<64x512xf32>, vector<128x512xf32> -> vector<128x512xf32>
    %add3A_1199 = arith.addf %add3A_1157, %dot_general3A_1198 : vector<128x512xf32>
    %get3A_1200 = arith.constant 8 : index
    %get3A_1201 = arith.constant 0 : index
    %get3A_1202 = arith.constant 0 : index
    %get3A_1203 = vector.load %arg13[%get3A_1200, %get3A_1201, %get3A_1202] : memref<16x256x512xf32, #tpu.memory_space<vmem>>, vector<1x256x512xf32>
    %get3A_1204 = vector.shape_cast %get3A_1203 : vector<1x256x512xf32> to vector<256x512xf32>
    %dot_general3A_1205 = arith.constant dense<0.000000e+00> : vector<128x512xf32>
    %dot_general3A_1206 = tpu.matmul %concatenate3A_1174, %get3A_1204, %dot_general3A_1205 {dimension_numbers = #tpu.dot_dimension_numbers<[1], [0], [0], [1], [0, 0, 1, 1], [], []>, transpose_lhs_hint = false} : vector<128x256xf32>, vector<256x512xf32>, vector<128x512xf32> -> vector<128x512xf32>
    %add3A_1207 = arith.addf %add3A_1199, %dot_general3A_1206 : vector<128x512xf32>
    %slice3A_1208 = vector.extract_strided_slice %dot_general3A_301 {offsets = [72, 0], sizes = [8, 256], strides = [1, 1]} : vector<128x256xf32> to vector<8x256xf32>
    %slice3A_1209 = vector.extract_strided_slice %dot_general3A_331 {offsets = [72, 0], sizes = [8, 256], strides = [1, 1]} : vector<128x256xf32> to vector<8x256xf32>
    %slice3A_1210 = vector.extract_strided_slice %dot_general3A_361 {offsets = [72, 0], sizes = [8, 256], strides = [1, 1]} : vector<128x256xf32> to vector<8x256xf32>
    %slice3A_1211 = vector.extract_strided_slice %dot_general3A_391 {offsets = [72, 0], sizes = [8, 256], strides = [1, 1]} : vector<128x256xf32> to vector<8x256xf32>
    %slice3A_1212 = vector.extract_strided_slice %dot_general3A_421 {offsets = [72, 0], sizes = [8, 256], strides = [1, 1]} : vector<128x256xf32> to vector<8x256xf32>
    %slice3A_1213 = vector.extract_strided_slice %dot_general3A_451 {offsets = [72, 0], sizes = [8, 256], strides = [1, 1]} : vector<128x256xf32> to vector<8x256xf32>
    %slice3A_1214 = vector.extract_strided_slice %dot_general3A_481 {offsets = [72, 0], sizes = [8, 256], strides = [1, 1]} : vector<128x256xf32> to vector<8x256xf32>
    %slice3A_1215 = vector.extract_strided_slice %dot_general3A_511 {offsets = [72, 0], sizes = [8, 256], strides = [1, 1]} : vector<128x256xf32> to vector<8x256xf32>
    %slice3A_1216 = vector.extract_strided_slice %dot_general3A_541 {offsets = [72, 0], sizes = [8, 256], strides = [1, 1]} : vector<128x256xf32> to vector<8x256xf32>
    %slice3A_1217 = vector.extract_strided_slice %dot_general3A_571 {offsets = [72, 0], sizes = [8, 256], strides = [1, 1]} : vector<128x256xf32> to vector<8x256xf32>
    %slice3A_1218 = vector.extract_strided_slice %dot_general3A_601 {offsets = [72, 0], sizes = [8, 256], strides = [1, 1]} : vector<128x256xf32> to vector<8x256xf32>
    %slice3A_1219 = vector.extract_strided_slice %dot_general3A_631 {offsets = [72, 0], sizes = [8, 256], strides = [1, 1]} : vector<128x256xf32> to vector<8x256xf32>
    %slice3A_1220 = vector.extract_strided_slice %dot_general3A_661 {offsets = [72, 0], sizes = [8, 256], strides = [1, 1]} : vector<128x256xf32> to vector<8x256xf32>
    %slice3A_1221 = vector.extract_strided_slice %dot_general3A_691 {offsets = [72, 0], sizes = [8, 256], strides = [1, 1]} : vector<128x256xf32> to vector<8x256xf32>
    %slice3A_1222 = vector.extract_strided_slice %dot_general3A_721 {offsets = [72, 0], sizes = [8, 256], strides = [1, 1]} : vector<128x256xf32> to vector<8x256xf32>
    %slice3A_1223 = vector.extract_strided_slice %dot_general3A_751 {offsets = [72, 0], sizes = [8, 256], strides = [1, 1]} : vector<128x256xf32> to vector<8x256xf32>
    %concatenate3A_1224 = tpu.concatenate %slice3A_1208, %slice3A_1209, %slice3A_1210, %slice3A_1211, %slice3A_1212, %slice3A_1213, %slice3A_1214, %slice3A_1215, %slice3A_1216, %slice3A_1217, %slice3A_1218, %slice3A_1219, %slice3A_1220, %slice3A_1221, %slice3A_1222, %slice3A_1223 in 0 : vector<8x256xf32>, vector<8x256xf32>, vector<8x256xf32>, vector<8x256xf32>, vector<8x256xf32>, vector<8x256xf32>, vector<8x256xf32>, vector<8x256xf32>, vector<8x256xf32>, vector<8x256xf32>, vector<8x256xf32>, vector<8x256xf32>, vector<8x256xf32>, vector<8x256xf32>, vector<8x256xf32>, vector<8x256xf32> -> vector<128x256xf32>
    %slice3A_1225 = vector.extract_strided_slice %dot_general3A_303 {offsets = [72, 0], sizes = [8, 64], strides = [1, 1]} : vector<128x64xf32> to vector<8x64xf32>
    %slice3A_1226 = vector.extract_strided_slice %dot_general3A_333 {offsets = [72, 0], sizes = [8, 64], strides = [1, 1]} : vector<128x64xf32> to vector<8x64xf32>
    %slice3A_1227 = vector.extract_strided_slice %dot_general3A_363 {offsets = [72, 0], sizes = [8, 64], strides = [1, 1]} : vector<128x64xf32> to vector<8x64xf32>
    %slice3A_1228 = vector.extract_strided_slice %dot_general3A_393 {offsets = [72, 0], sizes = [8, 64], strides = [1, 1]} : vector<128x64xf32> to vector<8x64xf32>
    %slice3A_1229 = vector.extract_strided_slice %dot_general3A_423 {offsets = [72, 0], sizes = [8, 64], strides = [1, 1]} : vector<128x64xf32> to vector<8x64xf32>
    %slice3A_1230 = vector.extract_strided_slice %dot_general3A_453 {offsets = [72, 0], sizes = [8, 64], strides = [1, 1]} : vector<128x64xf32> to vector<8x64xf32>
    %slice3A_1231 = vector.extract_strided_slice %dot_general3A_483 {offsets = [72, 0], sizes = [8, 64], strides = [1, 1]} : vector<128x64xf32> to vector<8x64xf32>
    %slice3A_1232 = vector.extract_strided_slice %dot_general3A_513 {offsets = [72, 0], sizes = [8, 64], strides = [1, 1]} : vector<128x64xf32> to vector<8x64xf32>
    %slice3A_1233 = vector.extract_strided_slice %dot_general3A_543 {offsets = [72, 0], sizes = [8, 64], strides = [1, 1]} : vector<128x64xf32> to vector<8x64xf32>
    %slice3A_1234 = vector.extract_strided_slice %dot_general3A_573 {offsets = [72, 0], sizes = [8, 64], strides = [1, 1]} : vector<128x64xf32> to vector<8x64xf32>
    %slice3A_1235 = vector.extract_strided_slice %dot_general3A_603 {offsets = [72, 0], sizes = [8, 64], strides = [1, 1]} : vector<128x64xf32> to vector<8x64xf32>
    %slice3A_1236 = vector.extract_strided_slice %dot_general3A_633 {offsets = [72, 0], sizes = [8, 64], strides = [1, 1]} : vector<128x64xf32> to vector<8x64xf32>
    %slice3A_1237 = vector.extract_strided_slice %dot_general3A_663 {offsets = [72, 0], sizes = [8, 64], strides = [1, 1]} : vector<128x64xf32> to vector<8x64xf32>
    %slice3A_1238 = vector.extract_strided_slice %dot_general3A_693 {offsets = [72, 0], sizes = [8, 64], strides = [1, 1]} : vector<128x64xf32> to vector<8x64xf32>
    %slice3A_1239 = vector.extract_strided_slice %dot_general3A_723 {offsets = [72, 0], sizes = [8, 64], strides = [1, 1]} : vector<128x64xf32> to vector<8x64xf32>
    %slice3A_1240 = vector.extract_strided_slice %dot_general3A_753 {offsets = [72, 0], sizes = [8, 64], strides = [1, 1]} : vector<128x64xf32> to vector<8x64xf32>
    %concatenate3A_1241 = tpu.concatenate %slice3A_1225, %slice3A_1226, %slice3A_1227, %slice3A_1228, %slice3A_1229, %slice3A_1230, %slice3A_1231, %slice3A_1232, %slice3A_1233, %slice3A_1234, %slice3A_1235, %slice3A_1236, %slice3A_1237, %slice3A_1238, %slice3A_1239, %slice3A_1240 in 0 : vector<8x64xf32>, vector<8x64xf32>, vector<8x64xf32>, vector<8x64xf32>, vector<8x64xf32>, vector<8x64xf32>, vector<8x64xf32>, vector<8x64xf32>, vector<8x64xf32>, vector<8x64xf32>, vector<8x64xf32>, vector<8x64xf32>, vector<8x64xf32>, vector<8x64xf32>, vector<8x64xf32>, vector<8x64xf32> -> vector<128x64xf32>
    %get3A_1242 = arith.constant 9 : index
    %get3A_1243 = arith.constant 0 : index
    %get3A_1244 = arith.constant 0 : index
    %get3A_1245 = vector.load %arg12[%get3A_1242, %get3A_1243, %get3A_1244] : memref<16x64x512xf32, #tpu.memory_space<vmem>>, vector<1x64x512xf32>
    %get3A_1246 = vector.shape_cast %get3A_1245 : vector<1x64x512xf32> to vector<64x512xf32>
    %dot_general3A_1247 = arith.constant dense<0.000000e+00> : vector<128x512xf32>
    %dot_general3A_1248 = tpu.matmul %concatenate3A_1241, %get3A_1246, %dot_general3A_1247 {dimension_numbers = #tpu.dot_dimension_numbers<[1], [0], [0], [1], [0, 0, 1, 1], [], []>, transpose_lhs_hint = false} : vector<128x64xf32>, vector<64x512xf32>, vector<128x512xf32> -> vector<128x512xf32>
    %add3A_1249 = arith.addf %add3A_1207, %dot_general3A_1248 : vector<128x512xf32>
    %get3A_1250 = arith.constant 9 : index
    %get3A_1251 = arith.constant 0 : index
    %get3A_1252 = arith.constant 0 : index
    %get3A_1253 = vector.load %arg13[%get3A_1250, %get3A_1251, %get3A_1252] : memref<16x256x512xf32, #tpu.memory_space<vmem>>, vector<1x256x512xf32>
    %get3A_1254 = vector.shape_cast %get3A_1253 : vector<1x256x512xf32> to vector<256x512xf32>
    %dot_general3A_1255 = arith.constant dense<0.000000e+00> : vector<128x512xf32>
    %dot_general3A_1256 = tpu.matmul %concatenate3A_1224, %get3A_1254, %dot_general3A_1255 {dimension_numbers = #tpu.dot_dimension_numbers<[1], [0], [0], [1], [0, 0, 1, 1], [], []>, transpose_lhs_hint = false} : vector<128x256xf32>, vector<256x512xf32>, vector<128x512xf32> -> vector<128x512xf32>
    %add3A_1257 = arith.addf %add3A_1249, %dot_general3A_1256 : vector<128x512xf32>
    %slice3A_1258 = vector.extract_strided_slice %dot_general3A_301 {offsets = [80, 0], sizes = [8, 256], strides = [1, 1]} : vector<128x256xf32> to vector<8x256xf32>
    %slice3A_1259 = vector.extract_strided_slice %dot_general3A_331 {offsets = [80, 0], sizes = [8, 256], strides = [1, 1]} : vector<128x256xf32> to vector<8x256xf32>
    %slice3A_1260 = vector.extract_strided_slice %dot_general3A_361 {offsets = [80, 0], sizes = [8, 256], strides = [1, 1]} : vector<128x256xf32> to vector<8x256xf32>
    %slice3A_1261 = vector.extract_strided_slice %dot_general3A_391 {offsets = [80, 0], sizes = [8, 256], strides = [1, 1]} : vector<128x256xf32> to vector<8x256xf32>
    %slice3A_1262 = vector.extract_strided_slice %dot_general3A_421 {offsets = [80, 0], sizes = [8, 256], strides = [1, 1]} : vector<128x256xf32> to vector<8x256xf32>
    %slice3A_1263 = vector.extract_strided_slice %dot_general3A_451 {offsets = [80, 0], sizes = [8, 256], strides = [1, 1]} : vector<128x256xf32> to vector<8x256xf32>
    %slice3A_1264 = vector.extract_strided_slice %dot_general3A_481 {offsets = [80, 0], sizes = [8, 256], strides = [1, 1]} : vector<128x256xf32> to vector<8x256xf32>
    %slice3A_1265 = vector.extract_strided_slice %dot_general3A_511 {offsets = [80, 0], sizes = [8, 256], strides = [1, 1]} : vector<128x256xf32> to vector<8x256xf32>
    %slice3A_1266 = vector.extract_strided_slice %dot_general3A_541 {offsets = [80, 0], sizes = [8, 256], strides = [1, 1]} : vector<128x256xf32> to vector<8x256xf32>
    %slice3A_1267 = vector.extract_strided_slice %dot_general3A_571 {offsets = [80, 0], sizes = [8, 256], strides = [1, 1]} : vector<128x256xf32> to vector<8x256xf32>
    %slice3A_1268 = vector.extract_strided_slice %dot_general3A_601 {offsets = [80, 0], sizes = [8, 256], strides = [1, 1]} : vector<128x256xf32> to vector<8x256xf32>
    %slice3A_1269 = vector.extract_strided_slice %dot_general3A_631 {offsets = [80, 0], sizes = [8, 256], strides = [1, 1]} : vector<128x256xf32> to vector<8x256xf32>
    %slice3A_1270 = vector.extract_strided_slice %dot_general3A_661 {offsets = [80, 0], sizes = [8, 256], strides = [1, 1]} : vector<128x256xf32> to vector<8x256xf32>
    %slice3A_1271 = vector.extract_strided_slice %dot_general3A_691 {offsets = [80, 0], sizes = [8, 256], strides = [1, 1]} : vector<128x256xf32> to vector<8x256xf32>
    %slice3A_1272 = vector.extract_strided_slice %dot_general3A_721 {offsets = [80, 0], sizes = [8, 256], strides = [1, 1]} : vector<128x256xf32> to vector<8x256xf32>
    %slice3A_1273 = vector.extract_strided_slice %dot_general3A_751 {offsets = [80, 0], sizes = [8, 256], strides = [1, 1]} : vector<128x256xf32> to vector<8x256xf32>
    %concatenate3A_1274 = tpu.concatenate %slice3A_1258, %slice3A_1259, %slice3A_1260, %slice3A_1261, %slice3A_1262, %slice3A_1263, %slice3A_1264, %slice3A_1265, %slice3A_1266, %slice3A_1267, %slice3A_1268, %slice3A_1269, %slice3A_1270, %slice3A_1271, %slice3A_1272, %slice3A_1273 in 0 : vector<8x256xf32>, vector<8x256xf32>, vector<8x256xf32>, vector<8x256xf32>, vector<8x256xf32>, vector<8x256xf32>, vector<8x256xf32>, vector<8x256xf32>, vector<8x256xf32>, vector<8x256xf32>, vector<8x256xf32>, vector<8x256xf32>, vector<8x256xf32>, vector<8x256xf32>, vector<8x256xf32>, vector<8x256xf32> -> vector<128x256xf32>
    %slice3A_1275 = vector.extract_strided_slice %dot_general3A_303 {offsets = [80, 0], sizes = [8, 64], strides = [1, 1]} : vector<128x64xf32> to vector<8x64xf32>
    %slice3A_1276 = vector.extract_strided_slice %dot_general3A_333 {offsets = [80, 0], sizes = [8, 64], strides = [1, 1]} : vector<128x64xf32> to vector<8x64xf32>
    %slice3A_1277 = vector.extract_strided_slice %dot_general3A_363 {offsets = [80, 0], sizes = [8, 64], strides = [1, 1]} : vector<128x64xf32> to vector<8x64xf32>
    %slice3A_1278 = vector.extract_strided_slice %dot_general3A_393 {offsets = [80, 0], sizes = [8, 64], strides = [1, 1]} : vector<128x64xf32> to vector<8x64xf32>
    %slice3A_1279 = vector.extract_strided_slice %dot_general3A_423 {offsets = [80, 0], sizes = [8, 64], strides = [1, 1]} : vector<128x64xf32> to vector<8x64xf32>
    %slice3A_1280 = vector.extract_strided_slice %dot_general3A_453 {offsets = [80, 0], sizes = [8, 64], strides = [1, 1]} : vector<128x64xf32> to vector<8x64xf32>
    %slice3A_1281 = vector.extract_strided_slice %dot_general3A_483 {offsets = [80, 0], sizes = [8, 64], strides = [1, 1]} : vector<128x64xf32> to vector<8x64xf32>
    %slice3A_1282 = vector.extract_strided_slice %dot_general3A_513 {offsets = [80, 0], sizes = [8, 64], strides = [1, 1]} : vector<128x64xf32> to vector<8x64xf32>
    %slice3A_1283 = vector.extract_strided_slice %dot_general3A_543 {offsets = [80, 0], sizes = [8, 64], strides = [1, 1]} : vector<128x64xf32> to vector<8x64xf32>
    %slice3A_1284 = vector.extract_strided_slice %dot_general3A_573 {offsets = [80, 0], sizes = [8, 64], strides = [1, 1]} : vector<128x64xf32> to vector<8x64xf32>
    %slice3A_1285 = vector.extract_strided_slice %dot_general3A_603 {offsets = [80, 0], sizes = [8, 64], strides = [1, 1]} : vector<128x64xf32> to vector<8x64xf32>
    %slice3A_1286 = vector.extract_strided_slice %dot_general3A_633 {offsets = [80, 0], sizes = [8, 64], strides = [1, 1]} : vector<128x64xf32> to vector<8x64xf32>
    %slice3A_1287 = vector.extract_strided_slice %dot_general3A_663 {offsets = [80, 0], sizes = [8, 64], strides = [1, 1]} : vector<128x64xf32> to vector<8x64xf32>
    %slice3A_1288 = vector.extract_strided_slice %dot_general3A_693 {offsets = [80, 0], sizes = [8, 64], strides = [1, 1]} : vector<128x64xf32> to vector<8x64xf32>
    %slice3A_1289 = vector.extract_strided_slice %dot_general3A_723 {offsets = [80, 0], sizes = [8, 64], strides = [1, 1]} : vector<128x64xf32> to vector<8x64xf32>
    %slice3A_1290 = vector.extract_strided_slice %dot_general3A_753 {offsets = [80, 0], sizes = [8, 64], strides = [1, 1]} : vector<128x64xf32> to vector<8x64xf32>
    %concatenate3A_1291 = tpu.concatenate %slice3A_1275, %slice3A_1276, %slice3A_1277, %slice3A_1278, %slice3A_1279, %slice3A_1280, %slice3A_1281, %slice3A_1282, %slice3A_1283, %slice3A_1284, %slice3A_1285, %slice3A_1286, %slice3A_1287, %slice3A_1288, %slice3A_1289, %slice3A_1290 in 0 : vector<8x64xf32>, vector<8x64xf32>, vector<8x64xf32>, vector<8x64xf32>, vector<8x64xf32>, vector<8x64xf32>, vector<8x64xf32>, vector<8x64xf32>, vector<8x64xf32>, vector<8x64xf32>, vector<8x64xf32>, vector<8x64xf32>, vector<8x64xf32>, vector<8x64xf32>, vector<8x64xf32>, vector<8x64xf32> -> vector<128x64xf32>
    %get3A_1292 = arith.constant 10 : index
    %get3A_1293 = arith.constant 0 : index
    %get3A_1294 = arith.constant 0 : index
    %get3A_1295 = vector.load %arg12[%get3A_1292, %get3A_1293, %get3A_1294] : memref<16x64x512xf32, #tpu.memory_space<vmem>>, vector<1x64x512xf32>
    %get3A_1296 = vector.shape_cast %get3A_1295 : vector<1x64x512xf32> to vector<64x512xf32>
    %dot_general3A_1297 = arith.constant dense<0.000000e+00> : vector<128x512xf32>
    %dot_general3A_1298 = tpu.matmul %concatenate3A_1291, %get3A_1296, %dot_general3A_1297 {dimension_numbers = #tpu.dot_dimension_numbers<[1], [0], [0], [1], [0, 0, 1, 1], [], []>, transpose_lhs_hint = false} : vector<128x64xf32>, vector<64x512xf32>, vector<128x512xf32> -> vector<128x512xf32>
    %add3A_1299 = arith.addf %add3A_1257, %dot_general3A_1298 : vector<128x512xf32>
    %get3A_1300 = arith.constant 10 : index
    %get3A_1301 = arith.constant 0 : index
    %get3A_1302 = arith.constant 0 : index
    %get3A_1303 = vector.load %arg13[%get3A_1300, %get3A_1301, %get3A_1302] : memref<16x256x512xf32, #tpu.memory_space<vmem>>, vector<1x256x512xf32>
    %get3A_1304 = vector.shape_cast %get3A_1303 : vector<1x256x512xf32> to vector<256x512xf32>
    %dot_general3A_1305 = arith.constant dense<0.000000e+00> : vector<128x512xf32>
    %dot_general3A_1306 = tpu.matmul %concatenate3A_1274, %get3A_1304, %dot_general3A_1305 {dimension_numbers = #tpu.dot_dimension_numbers<[1], [0], [0], [1], [0, 0, 1, 1], [], []>, transpose_lhs_hint = false} : vector<128x256xf32>, vector<256x512xf32>, vector<128x512xf32> -> vector<128x512xf32>
    %add3A_1307 = arith.addf %add3A_1299, %dot_general3A_1306 : vector<128x512xf32>
    %slice3A_1308 = vector.extract_strided_slice %dot_general3A_301 {offsets = [88, 0], sizes = [8, 256], strides = [1, 1]} : vector<128x256xf32> to vector<8x256xf32>
    %slice3A_1309 = vector.extract_strided_slice %dot_general3A_331 {offsets = [88, 0], sizes = [8, 256], strides = [1, 1]} : vector<128x256xf32> to vector<8x256xf32>
    %slice3A_1310 = vector.extract_strided_slice %dot_general3A_361 {offsets = [88, 0], sizes = [8, 256], strides = [1, 1]} : vector<128x256xf32> to vector<8x256xf32>
    %slice3A_1311 = vector.extract_strided_slice %dot_general3A_391 {offsets = [88, 0], sizes = [8, 256], strides = [1, 1]} : vector<128x256xf32> to vector<8x256xf32>
    %slice3A_1312 = vector.extract_strided_slice %dot_general3A_421 {offsets = [88, 0], sizes = [8, 256], strides = [1, 1]} : vector<128x256xf32> to vector<8x256xf32>
    %slice3A_1313 = vector.extract_strided_slice %dot_general3A_451 {offsets = [88, 0], sizes = [8, 256], strides = [1, 1]} : vector<128x256xf32> to vector<8x256xf32>
    %slice3A_1314 = vector.extract_strided_slice %dot_general3A_481 {offsets = [88, 0], sizes = [8, 256], strides = [1, 1]} : vector<128x256xf32> to vector<8x256xf32>
    %slice3A_1315 = vector.extract_strided_slice %dot_general3A_511 {offsets = [88, 0], sizes = [8, 256], strides = [1, 1]} : vector<128x256xf32> to vector<8x256xf32>
    %slice3A_1316 = vector.extract_strided_slice %dot_general3A_541 {offsets = [88, 0], sizes = [8, 256], strides = [1, 1]} : vector<128x256xf32> to vector<8x256xf32>
    %slice3A_1317 = vector.extract_strided_slice %dot_general3A_571 {offsets = [88, 0], sizes = [8, 256], strides = [1, 1]} : vector<128x256xf32> to vector<8x256xf32>
    %slice3A_1318 = vector.extract_strided_slice %dot_general3A_601 {offsets = [88, 0], sizes = [8, 256], strides = [1, 1]} : vector<128x256xf32> to vector<8x256xf32>
    %slice3A_1319 = vector.extract_strided_slice %dot_general3A_631 {offsets = [88, 0], sizes = [8, 256], strides = [1, 1]} : vector<128x256xf32> to vector<8x256xf32>
    %slice3A_1320 = vector.extract_strided_slice %dot_general3A_661 {offsets = [88, 0], sizes = [8, 256], strides = [1, 1]} : vector<128x256xf32> to vector<8x256xf32>
    %slice3A_1321 = vector.extract_strided_slice %dot_general3A_691 {offsets = [88, 0], sizes = [8, 256], strides = [1, 1]} : vector<128x256xf32> to vector<8x256xf32>
    %slice3A_1322 = vector.extract_strided_slice %dot_general3A_721 {offsets = [88, 0], sizes = [8, 256], strides = [1, 1]} : vector<128x256xf32> to vector<8x256xf32>
    %slice3A_1323 = vector.extract_strided_slice %dot_general3A_751 {offsets = [88, 0], sizes = [8, 256], strides = [1, 1]} : vector<128x256xf32> to vector<8x256xf32>
    %concatenate3A_1324 = tpu.concatenate %slice3A_1308, %slice3A_1309, %slice3A_1310, %slice3A_1311, %slice3A_1312, %slice3A_1313, %slice3A_1314, %slice3A_1315, %slice3A_1316, %slice3A_1317, %slice3A_1318, %slice3A_1319, %slice3A_1320, %slice3A_1321, %slice3A_1322, %slice3A_1323 in 0 : vector<8x256xf32>, vector<8x256xf32>, vector<8x256xf32>, vector<8x256xf32>, vector<8x256xf32>, vector<8x256xf32>, vector<8x256xf32>, vector<8x256xf32>, vector<8x256xf32>, vector<8x256xf32>, vector<8x256xf32>, vector<8x256xf32>, vector<8x256xf32>, vector<8x256xf32>, vector<8x256xf32>, vector<8x256xf32> -> vector<128x256xf32>
    %slice3A_1325 = vector.extract_strided_slice %dot_general3A_303 {offsets = [88, 0], sizes = [8, 64], strides = [1, 1]} : vector<128x64xf32> to vector<8x64xf32>
    %slice3A_1326 = vector.extract_strided_slice %dot_general3A_333 {offsets = [88, 0], sizes = [8, 64], strides = [1, 1]} : vector<128x64xf32> to vector<8x64xf32>
    %slice3A_1327 = vector.extract_strided_slice %dot_general3A_363 {offsets = [88, 0], sizes = [8, 64], strides = [1, 1]} : vector<128x64xf32> to vector<8x64xf32>
    %slice3A_1328 = vector.extract_strided_slice %dot_general3A_393 {offsets = [88, 0], sizes = [8, 64], strides = [1, 1]} : vector<128x64xf32> to vector<8x64xf32>
    %slice3A_1329 = vector.extract_strided_slice %dot_general3A_423 {offsets = [88, 0], sizes = [8, 64], strides = [1, 1]} : vector<128x64xf32> to vector<8x64xf32>
    %slice3A_1330 = vector.extract_strided_slice %dot_general3A_453 {offsets = [88, 0], sizes = [8, 64], strides = [1, 1]} : vector<128x64xf32> to vector<8x64xf32>
    %slice3A_1331 = vector.extract_strided_slice %dot_general3A_483 {offsets = [88, 0], sizes = [8, 64], strides = [1, 1]} : vector<128x64xf32> to vector<8x64xf32>
    %slice3A_1332 = vector.extract_strided_slice %dot_general3A_513 {offsets = [88, 0], sizes = [8, 64], strides = [1, 1]} : vector<128x64xf32> to vector<8x64xf32>
    %slice3A_1333 = vector.extract_strided_slice %dot_general3A_543 {offsets = [88, 0], sizes = [8, 64], strides = [1, 1]} : vector<128x64xf32> to vector<8x64xf32>
    %slice3A_1334 = vector.extract_strided_slice %dot_general3A_573 {offsets = [88, 0], sizes = [8, 64], strides = [1, 1]} : vector<128x64xf32> to vector<8x64xf32>
    %slice3A_1335 = vector.extract_strided_slice %dot_general3A_603 {offsets = [88, 0], sizes = [8, 64], strides = [1, 1]} : vector<128x64xf32> to vector<8x64xf32>
    %slice3A_1336 = vector.extract_strided_slice %dot_general3A_633 {offsets = [88, 0], sizes = [8, 64], strides = [1, 1]} : vector<128x64xf32> to vector<8x64xf32>
    %slice3A_1337 = vector.extract_strided_slice %dot_general3A_663 {offsets = [88, 0], sizes = [8, 64], strides = [1, 1]} : vector<128x64xf32> to vector<8x64xf32>
    %slice3A_1338 = vector.extract_strided_slice %dot_general3A_693 {offsets = [88, 0], sizes = [8, 64], strides = [1, 1]} : vector<128x64xf32> to vector<8x64xf32>
    %slice3A_1339 = vector.extract_strided_slice %dot_general3A_723 {offsets = [88, 0], sizes = [8, 64], strides = [1, 1]} : vector<128x64xf32> to vector<8x64xf32>
    %slice3A_1340 = vector.extract_strided_slice %dot_general3A_753 {offsets = [88, 0], sizes = [8, 64], strides = [1, 1]} : vector<128x64xf32> to vector<8x64xf32>
    %concatenate3A_1341 = tpu.concatenate %slice3A_1325, %slice3A_1326, %slice3A_1327, %slice3A_1328, %slice3A_1329, %slice3A_1330, %slice3A_1331, %slice3A_1332, %slice3A_1333, %slice3A_1334, %slice3A_1335, %slice3A_1336, %slice3A_1337, %slice3A_1338, %slice3A_1339, %slice3A_1340 in 0 : vector<8x64xf32>, vector<8x64xf32>, vector<8x64xf32>, vector<8x64xf32>, vector<8x64xf32>, vector<8x64xf32>, vector<8x64xf32>, vector<8x64xf32>, vector<8x64xf32>, vector<8x64xf32>, vector<8x64xf32>, vector<8x64xf32>, vector<8x64xf32>, vector<8x64xf32>, vector<8x64xf32>, vector<8x64xf32> -> vector<128x64xf32>
    %get3A_1342 = arith.constant 11 : index
    %get3A_1343 = arith.constant 0 : index
    %get3A_1344 = arith.constant 0 : index
    %get3A_1345 = vector.load %arg12[%get3A_1342, %get3A_1343, %get3A_1344] : memref<16x64x512xf32, #tpu.memory_space<vmem>>, vector<1x64x512xf32>
    %get3A_1346 = vector.shape_cast %get3A_1345 : vector<1x64x512xf32> to vector<64x512xf32>
    %dot_general3A_1347 = arith.constant dense<0.000000e+00> : vector<128x512xf32>
    %dot_general3A_1348 = tpu.matmul %concatenate3A_1341, %get3A_1346, %dot_general3A_1347 {dimension_numbers = #tpu.dot_dimension_numbers<[1], [0], [0], [1], [0, 0, 1, 1], [], []>, transpose_lhs_hint = false} : vector<128x64xf32>, vector<64x512xf32>, vector<128x512xf32> -> vector<128x512xf32>
    %add3A_1349 = arith.addf %add3A_1307, %dot_general3A_1348 : vector<128x512xf32>
    %get3A_1350 = arith.constant 11 : index
    %get3A_1351 = arith.constant 0 : index
    %get3A_1352 = arith.constant 0 : index
    %get3A_1353 = vector.load %arg13[%get3A_1350, %get3A_1351, %get3A_1352] : memref<16x256x512xf32, #tpu.memory_space<vmem>>, vector<1x256x512xf32>
    %get3A_1354 = vector.shape_cast %get3A_1353 : vector<1x256x512xf32> to vector<256x512xf32>
    %dot_general3A_1355 = arith.constant dense<0.000000e+00> : vector<128x512xf32>
    %dot_general3A_1356 = tpu.matmul %concatenate3A_1324, %get3A_1354, %dot_general3A_1355 {dimension_numbers = #tpu.dot_dimension_numbers<[1], [0], [0], [1], [0, 0, 1, 1], [], []>, transpose_lhs_hint = false} : vector<128x256xf32>, vector<256x512xf32>, vector<128x512xf32> -> vector<128x512xf32>
    %add3A_1357 = arith.addf %add3A_1349, %dot_general3A_1356 : vector<128x512xf32>
    %slice3A_1358 = vector.extract_strided_slice %dot_general3A_301 {offsets = [96, 0], sizes = [8, 256], strides = [1, 1]} : vector<128x256xf32> to vector<8x256xf32>
    %slice3A_1359 = vector.extract_strided_slice %dot_general3A_331 {offsets = [96, 0], sizes = [8, 256], strides = [1, 1]} : vector<128x256xf32> to vector<8x256xf32>
    %slice3A_1360 = vector.extract_strided_slice %dot_general3A_361 {offsets = [96, 0], sizes = [8, 256], strides = [1, 1]} : vector<128x256xf32> to vector<8x256xf32>
    %slice3A_1361 = vector.extract_strided_slice %dot_general3A_391 {offsets = [96, 0], sizes = [8, 256], strides = [1, 1]} : vector<128x256xf32> to vector<8x256xf32>
    %slice3A_1362 = vector.extract_strided_slice %dot_general3A_421 {offsets = [96, 0], sizes = [8, 256], strides = [1, 1]} : vector<128x256xf32> to vector<8x256xf32>
    %slice3A_1363 = vector.extract_strided_slice %dot_general3A_451 {offsets = [96, 0], sizes = [8, 256], strides = [1, 1]} : vector<128x256xf32> to vector<8x256xf32>
    %slice3A_1364 = vector.extract_strided_slice %dot_general3A_481 {offsets = [96, 0], sizes = [8, 256], strides = [1, 1]} : vector<128x256xf32> to vector<8x256xf32>
    %slice3A_1365 = vector.extract_strided_slice %dot_general3A_511 {offsets = [96, 0], sizes = [8, 256], strides = [1, 1]} : vector<128x256xf32> to vector<8x256xf32>
    %slice3A_1366 = vector.extract_strided_slice %dot_general3A_541 {offsets = [96, 0], sizes = [8, 256], strides = [1, 1]} : vector<128x256xf32> to vector<8x256xf32>
    %slice3A_1367 = vector.extract_strided_slice %dot_general3A_571 {offsets = [96, 0], sizes = [8, 256], strides = [1, 1]} : vector<128x256xf32> to vector<8x256xf32>
    %slice3A_1368 = vector.extract_strided_slice %dot_general3A_601 {offsets = [96, 0], sizes = [8, 256], strides = [1, 1]} : vector<128x256xf32> to vector<8x256xf32>
    %slice3A_1369 = vector.extract_strided_slice %dot_general3A_631 {offsets = [96, 0], sizes = [8, 256], strides = [1, 1]} : vector<128x256xf32> to vector<8x256xf32>
    %slice3A_1370 = vector.extract_strided_slice %dot_general3A_661 {offsets = [96, 0], sizes = [8, 256], strides = [1, 1]} : vector<128x256xf32> to vector<8x256xf32>
    %slice3A_1371 = vector.extract_strided_slice %dot_general3A_691 {offsets = [96, 0], sizes = [8, 256], strides = [1, 1]} : vector<128x256xf32> to vector<8x256xf32>
    %slice3A_1372 = vector.extract_strided_slice %dot_general3A_721 {offsets = [96, 0], sizes = [8, 256], strides = [1, 1]} : vector<128x256xf32> to vector<8x256xf32>
    %slice3A_1373 = vector.extract_strided_slice %dot_general3A_751 {offsets = [96, 0], sizes = [8, 256], strides = [1, 1]} : vector<128x256xf32> to vector<8x256xf32>
    %concatenate3A_1374 = tpu.concatenate %slice3A_1358, %slice3A_1359, %slice3A_1360, %slice3A_1361, %slice3A_1362, %slice3A_1363, %slice3A_1364, %slice3A_1365, %slice3A_1366, %slice3A_1367, %slice3A_1368, %slice3A_1369, %slice3A_1370, %slice3A_1371, %slice3A_1372, %slice3A_1373 in 0 : vector<8x256xf32>, vector<8x256xf32>, vector<8x256xf32>, vector<8x256xf32>, vector<8x256xf32>, vector<8x256xf32>, vector<8x256xf32>, vector<8x256xf32>, vector<8x256xf32>, vector<8x256xf32>, vector<8x256xf32>, vector<8x256xf32>, vector<8x256xf32>, vector<8x256xf32>, vector<8x256xf32>, vector<8x256xf32> -> vector<128x256xf32>
    %slice3A_1375 = vector.extract_strided_slice %dot_general3A_303 {offsets = [96, 0], sizes = [8, 64], strides = [1, 1]} : vector<128x64xf32> to vector<8x64xf32>
    %slice3A_1376 = vector.extract_strided_slice %dot_general3A_333 {offsets = [96, 0], sizes = [8, 64], strides = [1, 1]} : vector<128x64xf32> to vector<8x64xf32>
    %slice3A_1377 = vector.extract_strided_slice %dot_general3A_363 {offsets = [96, 0], sizes = [8, 64], strides = [1, 1]} : vector<128x64xf32> to vector<8x64xf32>
    %slice3A_1378 = vector.extract_strided_slice %dot_general3A_393 {offsets = [96, 0], sizes = [8, 64], strides = [1, 1]} : vector<128x64xf32> to vector<8x64xf32>
    %slice3A_1379 = vector.extract_strided_slice %dot_general3A_423 {offsets = [96, 0], sizes = [8, 64], strides = [1, 1]} : vector<128x64xf32> to vector<8x64xf32>
    %slice3A_1380 = vector.extract_strided_slice %dot_general3A_453 {offsets = [96, 0], sizes = [8, 64], strides = [1, 1]} : vector<128x64xf32> to vector<8x64xf32>
    %slice3A_1381 = vector.extract_strided_slice %dot_general3A_483 {offsets = [96, 0], sizes = [8, 64], strides = [1, 1]} : vector<128x64xf32> to vector<8x64xf32>
    %slice3A_1382 = vector.extract_strided_slice %dot_general3A_513 {offsets = [96, 0], sizes = [8, 64], strides = [1, 1]} : vector<128x64xf32> to vector<8x64xf32>
    %slice3A_1383 = vector.extract_strided_slice %dot_general3A_543 {offsets = [96, 0], sizes = [8, 64], strides = [1, 1]} : vector<128x64xf32> to vector<8x64xf32>
    %slice3A_1384 = vector.extract_strided_slice %dot_general3A_573 {offsets = [96, 0], sizes = [8, 64], strides = [1, 1]} : vector<128x64xf32> to vector<8x64xf32>
    %slice3A_1385 = vector.extract_strided_slice %dot_general3A_603 {offsets = [96, 0], sizes = [8, 64], strides = [1, 1]} : vector<128x64xf32> to vector<8x64xf32>
    %slice3A_1386 = vector.extract_strided_slice %dot_general3A_633 {offsets = [96, 0], sizes = [8, 64], strides = [1, 1]} : vector<128x64xf32> to vector<8x64xf32>
    %slice3A_1387 = vector.extract_strided_slice %dot_general3A_663 {offsets = [96, 0], sizes = [8, 64], strides = [1, 1]} : vector<128x64xf32> to vector<8x64xf32>
    %slice3A_1388 = vector.extract_strided_slice %dot_general3A_693 {offsets = [96, 0], sizes = [8, 64], strides = [1, 1]} : vector<128x64xf32> to vector<8x64xf32>
    %slice3A_1389 = vector.extract_strided_slice %dot_general3A_723 {offsets = [96, 0], sizes = [8, 64], strides = [1, 1]} : vector<128x64xf32> to vector<8x64xf32>
    %slice3A_1390 = vector.extract_strided_slice %dot_general3A_753 {offsets = [96, 0], sizes = [8, 64], strides = [1, 1]} : vector<128x64xf32> to vector<8x64xf32>
    %concatenate3A_1391 = tpu.concatenate %slice3A_1375, %slice3A_1376, %slice3A_1377, %slice3A_1378, %slice3A_1379, %slice3A_1380, %slice3A_1381, %slice3A_1382, %slice3A_1383, %slice3A_1384, %slice3A_1385, %slice3A_1386, %slice3A_1387, %slice3A_1388, %slice3A_1389, %slice3A_1390 in 0 : vector<8x64xf32>, vector<8x64xf32>, vector<8x64xf32>, vector<8x64xf32>, vector<8x64xf32>, vector<8x64xf32>, vector<8x64xf32>, vector<8x64xf32>, vector<8x64xf32>, vector<8x64xf32>, vector<8x64xf32>, vector<8x64xf32>, vector<8x64xf32>, vector<8x64xf32>, vector<8x64xf32>, vector<8x64xf32> -> vector<128x64xf32>
    %get3A_1392 = arith.constant 12 : index
    %get3A_1393 = arith.constant 0 : index
    %get3A_1394 = arith.constant 0 : index
    %get3A_1395 = vector.load %arg12[%get3A_1392, %get3A_1393, %get3A_1394] : memref<16x64x512xf32, #tpu.memory_space<vmem>>, vector<1x64x512xf32>
    %get3A_1396 = vector.shape_cast %get3A_1395 : vector<1x64x512xf32> to vector<64x512xf32>
    %dot_general3A_1397 = arith.constant dense<0.000000e+00> : vector<128x512xf32>
    %dot_general3A_1398 = tpu.matmul %concatenate3A_1391, %get3A_1396, %dot_general3A_1397 {dimension_numbers = #tpu.dot_dimension_numbers<[1], [0], [0], [1], [0, 0, 1, 1], [], []>, transpose_lhs_hint = false} : vector<128x64xf32>, vector<64x512xf32>, vector<128x512xf32> -> vector<128x512xf32>
    %add3A_1399 = arith.addf %add3A_1357, %dot_general3A_1398 : vector<128x512xf32>
    %get3A_1400 = arith.constant 12 : index
    %get3A_1401 = arith.constant 0 : index
    %get3A_1402 = arith.constant 0 : index
    %get3A_1403 = vector.load %arg13[%get3A_1400, %get3A_1401, %get3A_1402] : memref<16x256x512xf32, #tpu.memory_space<vmem>>, vector<1x256x512xf32>
    %get3A_1404 = vector.shape_cast %get3A_1403 : vector<1x256x512xf32> to vector<256x512xf32>
    %dot_general3A_1405 = arith.constant dense<0.000000e+00> : vector<128x512xf32>
    %dot_general3A_1406 = tpu.matmul %concatenate3A_1374, %get3A_1404, %dot_general3A_1405 {dimension_numbers = #tpu.dot_dimension_numbers<[1], [0], [0], [1], [0, 0, 1, 1], [], []>, transpose_lhs_hint = false} : vector<128x256xf32>, vector<256x512xf32>, vector<128x512xf32> -> vector<128x512xf32>
    %add3A_1407 = arith.addf %add3A_1399, %dot_general3A_1406 : vector<128x512xf32>
    %slice3A_1408 = vector.extract_strided_slice %dot_general3A_301 {offsets = [104, 0], sizes = [8, 256], strides = [1, 1]} : vector<128x256xf32> to vector<8x256xf32>
    %slice3A_1409 = vector.extract_strided_slice %dot_general3A_331 {offsets = [104, 0], sizes = [8, 256], strides = [1, 1]} : vector<128x256xf32> to vector<8x256xf32>
    %slice3A_1410 = vector.extract_strided_slice %dot_general3A_361 {offsets = [104, 0], sizes = [8, 256], strides = [1, 1]} : vector<128x256xf32> to vector<8x256xf32>
    %slice3A_1411 = vector.extract_strided_slice %dot_general3A_391 {offsets = [104, 0], sizes = [8, 256], strides = [1, 1]} : vector<128x256xf32> to vector<8x256xf32>
    %slice3A_1412 = vector.extract_strided_slice %dot_general3A_421 {offsets = [104, 0], sizes = [8, 256], strides = [1, 1]} : vector<128x256xf32> to vector<8x256xf32>
    %slice3A_1413 = vector.extract_strided_slice %dot_general3A_451 {offsets = [104, 0], sizes = [8, 256], strides = [1, 1]} : vector<128x256xf32> to vector<8x256xf32>
    %slice3A_1414 = vector.extract_strided_slice %dot_general3A_481 {offsets = [104, 0], sizes = [8, 256], strides = [1, 1]} : vector<128x256xf32> to vector<8x256xf32>
    %slice3A_1415 = vector.extract_strided_slice %dot_general3A_511 {offsets = [104, 0], sizes = [8, 256], strides = [1, 1]} : vector<128x256xf32> to vector<8x256xf32>
    %slice3A_1416 = vector.extract_strided_slice %dot_general3A_541 {offsets = [104, 0], sizes = [8, 256], strides = [1, 1]} : vector<128x256xf32> to vector<8x256xf32>
    %slice3A_1417 = vector.extract_strided_slice %dot_general3A_571 {offsets = [104, 0], sizes = [8, 256], strides = [1, 1]} : vector<128x256xf32> to vector<8x256xf32>
    %slice3A_1418 = vector.extract_strided_slice %dot_general3A_601 {offsets = [104, 0], sizes = [8, 256], strides = [1, 1]} : vector<128x256xf32> to vector<8x256xf32>
    %slice3A_1419 = vector.extract_strided_slice %dot_general3A_631 {offsets = [104, 0], sizes = [8, 256], strides = [1, 1]} : vector<128x256xf32> to vector<8x256xf32>
    %slice3A_1420 = vector.extract_strided_slice %dot_general3A_661 {offsets = [104, 0], sizes = [8, 256], strides = [1, 1]} : vector<128x256xf32> to vector<8x256xf32>
    %slice3A_1421 = vector.extract_strided_slice %dot_general3A_691 {offsets = [104, 0], sizes = [8, 256], strides = [1, 1]} : vector<128x256xf32> to vector<8x256xf32>
    %slice3A_1422 = vector.extract_strided_slice %dot_general3A_721 {offsets = [104, 0], sizes = [8, 256], strides = [1, 1]} : vector<128x256xf32> to vector<8x256xf32>
    %slice3A_1423 = vector.extract_strided_slice %dot_general3A_751 {offsets = [104, 0], sizes = [8, 256], strides = [1, 1]} : vector<128x256xf32> to vector<8x256xf32>
    %concatenate3A_1424 = tpu.concatenate %slice3A_1408, %slice3A_1409, %slice3A_1410, %slice3A_1411, %slice3A_1412, %slice3A_1413, %slice3A_1414, %slice3A_1415, %slice3A_1416, %slice3A_1417, %slice3A_1418, %slice3A_1419, %slice3A_1420, %slice3A_1421, %slice3A_1422, %slice3A_1423 in 0 : vector<8x256xf32>, vector<8x256xf32>, vector<8x256xf32>, vector<8x256xf32>, vector<8x256xf32>, vector<8x256xf32>, vector<8x256xf32>, vector<8x256xf32>, vector<8x256xf32>, vector<8x256xf32>, vector<8x256xf32>, vector<8x256xf32>, vector<8x256xf32>, vector<8x256xf32>, vector<8x256xf32>, vector<8x256xf32> -> vector<128x256xf32>
    %slice3A_1425 = vector.extract_strided_slice %dot_general3A_303 {offsets = [104, 0], sizes = [8, 64], strides = [1, 1]} : vector<128x64xf32> to vector<8x64xf32>
    %slice3A_1426 = vector.extract_strided_slice %dot_general3A_333 {offsets = [104, 0], sizes = [8, 64], strides = [1, 1]} : vector<128x64xf32> to vector<8x64xf32>
    %slice3A_1427 = vector.extract_strided_slice %dot_general3A_363 {offsets = [104, 0], sizes = [8, 64], strides = [1, 1]} : vector<128x64xf32> to vector<8x64xf32>
    %slice3A_1428 = vector.extract_strided_slice %dot_general3A_393 {offsets = [104, 0], sizes = [8, 64], strides = [1, 1]} : vector<128x64xf32> to vector<8x64xf32>
    %slice3A_1429 = vector.extract_strided_slice %dot_general3A_423 {offsets = [104, 0], sizes = [8, 64], strides = [1, 1]} : vector<128x64xf32> to vector<8x64xf32>
    %slice3A_1430 = vector.extract_strided_slice %dot_general3A_453 {offsets = [104, 0], sizes = [8, 64], strides = [1, 1]} : vector<128x64xf32> to vector<8x64xf32>
    %slice3A_1431 = vector.extract_strided_slice %dot_general3A_483 {offsets = [104, 0], sizes = [8, 64], strides = [1, 1]} : vector<128x64xf32> to vector<8x64xf32>
    %slice3A_1432 = vector.extract_strided_slice %dot_general3A_513 {offsets = [104, 0], sizes = [8, 64], strides = [1, 1]} : vector<128x64xf32> to vector<8x64xf32>
    %slice3A_1433 = vector.extract_strided_slice %dot_general3A_543 {offsets = [104, 0], sizes = [8, 64], strides = [1, 1]} : vector<128x64xf32> to vector<8x64xf32>
    %slice3A_1434 = vector.extract_strided_slice %dot_general3A_573 {offsets = [104, 0], sizes = [8, 64], strides = [1, 1]} : vector<128x64xf32> to vector<8x64xf32>
    %slice3A_1435 = vector.extract_strided_slice %dot_general3A_603 {offsets = [104, 0], sizes = [8, 64], strides = [1, 1]} : vector<128x64xf32> to vector<8x64xf32>
    %slice3A_1436 = vector.extract_strided_slice %dot_general3A_633 {offsets = [104, 0], sizes = [8, 64], strides = [1, 1]} : vector<128x64xf32> to vector<8x64xf32>
    %slice3A_1437 = vector.extract_strided_slice %dot_general3A_663 {offsets = [104, 0], sizes = [8, 64], strides = [1, 1]} : vector<128x64xf32> to vector<8x64xf32>
    %slice3A_1438 = vector.extract_strided_slice %dot_general3A_693 {offsets = [104, 0], sizes = [8, 64], strides = [1, 1]} : vector<128x64xf32> to vector<8x64xf32>
    %slice3A_1439 = vector.extract_strided_slice %dot_general3A_723 {offsets = [104, 0], sizes = [8, 64], strides = [1, 1]} : vector<128x64xf32> to vector<8x64xf32>
    %slice3A_1440 = vector.extract_strided_slice %dot_general3A_753 {offsets = [104, 0], sizes = [8, 64], strides = [1, 1]} : vector<128x64xf32> to vector<8x64xf32>
    %concatenate3A_1441 = tpu.concatenate %slice3A_1425, %slice3A_1426, %slice3A_1427, %slice3A_1428, %slice3A_1429, %slice3A_1430, %slice3A_1431, %slice3A_1432, %slice3A_1433, %slice3A_1434, %slice3A_1435, %slice3A_1436, %slice3A_1437, %slice3A_1438, %slice3A_1439, %slice3A_1440 in 0 : vector<8x64xf32>, vector<8x64xf32>, vector<8x64xf32>, vector<8x64xf32>, vector<8x64xf32>, vector<8x64xf32>, vector<8x64xf32>, vector<8x64xf32>, vector<8x64xf32>, vector<8x64xf32>, vector<8x64xf32>, vector<8x64xf32>, vector<8x64xf32>, vector<8x64xf32>, vector<8x64xf32>, vector<8x64xf32> -> vector<128x64xf32>
    %get3A_1442 = arith.constant 13 : index
    %get3A_1443 = arith.constant 0 : index
    %get3A_1444 = arith.constant 0 : index
    %get3A_1445 = vector.load %arg12[%get3A_1442, %get3A_1443, %get3A_1444] : memref<16x64x512xf32, #tpu.memory_space<vmem>>, vector<1x64x512xf32>
    %get3A_1446 = vector.shape_cast %get3A_1445 : vector<1x64x512xf32> to vector<64x512xf32>
    %dot_general3A_1447 = arith.constant dense<0.000000e+00> : vector<128x512xf32>
    %dot_general3A_1448 = tpu.matmul %concatenate3A_1441, %get3A_1446, %dot_general3A_1447 {dimension_numbers = #tpu.dot_dimension_numbers<[1], [0], [0], [1], [0, 0, 1, 1], [], []>, transpose_lhs_hint = false} : vector<128x64xf32>, vector<64x512xf32>, vector<128x512xf32> -> vector<128x512xf32>
    %add3A_1449 = arith.addf %add3A_1407, %dot_general3A_1448 : vector<128x512xf32>
    %get3A_1450 = arith.constant 13 : index
    %get3A_1451 = arith.constant 0 : index
    %get3A_1452 = arith.constant 0 : index
    %get3A_1453 = vector.load %arg13[%get3A_1450, %get3A_1451, %get3A_1452] : memref<16x256x512xf32, #tpu.memory_space<vmem>>, vector<1x256x512xf32>
    %get3A_1454 = vector.shape_cast %get3A_1453 : vector<1x256x512xf32> to vector<256x512xf32>
    %dot_general3A_1455 = arith.constant dense<0.000000e+00> : vector<128x512xf32>
    %dot_general3A_1456 = tpu.matmul %concatenate3A_1424, %get3A_1454, %dot_general3A_1455 {dimension_numbers = #tpu.dot_dimension_numbers<[1], [0], [0], [1], [0, 0, 1, 1], [], []>, transpose_lhs_hint = false} : vector<128x256xf32>, vector<256x512xf32>, vector<128x512xf32> -> vector<128x512xf32>
    %add3A_1457 = arith.addf %add3A_1449, %dot_general3A_1456 : vector<128x512xf32>
    %slice3A_1458 = vector.extract_strided_slice %dot_general3A_301 {offsets = [112, 0], sizes = [8, 256], strides = [1, 1]} : vector<128x256xf32> to vector<8x256xf32>
    %slice3A_1459 = vector.extract_strided_slice %dot_general3A_331 {offsets = [112, 0], sizes = [8, 256], strides = [1, 1]} : vector<128x256xf32> to vector<8x256xf32>
    %slice3A_1460 = vector.extract_strided_slice %dot_general3A_361 {offsets = [112, 0], sizes = [8, 256], strides = [1, 1]} : vector<128x256xf32> to vector<8x256xf32>
    %slice3A_1461 = vector.extract_strided_slice %dot_general3A_391 {offsets = [112, 0], sizes = [8, 256], strides = [1, 1]} : vector<128x256xf32> to vector<8x256xf32>
    %slice3A_1462 = vector.extract_strided_slice %dot_general3A_421 {offsets = [112, 0], sizes = [8, 256], strides = [1, 1]} : vector<128x256xf32> to vector<8x256xf32>
    %slice3A_1463 = vector.extract_strided_slice %dot_general3A_451 {offsets = [112, 0], sizes = [8, 256], strides = [1, 1]} : vector<128x256xf32> to vector<8x256xf32>
    %slice3A_1464 = vector.extract_strided_slice %dot_general3A_481 {offsets = [112, 0], sizes = [8, 256], strides = [1, 1]} : vector<128x256xf32> to vector<8x256xf32>
    %slice3A_1465 = vector.extract_strided_slice %dot_general3A_511 {offsets = [112, 0], sizes = [8, 256], strides = [1, 1]} : vector<128x256xf32> to vector<8x256xf32>
    %slice3A_1466 = vector.extract_strided_slice %dot_general3A_541 {offsets = [112, 0], sizes = [8, 256], strides = [1, 1]} : vector<128x256xf32> to vector<8x256xf32>
    %slice3A_1467 = vector.extract_strided_slice %dot_general3A_571 {offsets = [112, 0], sizes = [8, 256], strides = [1, 1]} : vector<128x256xf32> to vector<8x256xf32>
    %slice3A_1468 = vector.extract_strided_slice %dot_general3A_601 {offsets = [112, 0], sizes = [8, 256], strides = [1, 1]} : vector<128x256xf32> to vector<8x256xf32>
    %slice3A_1469 = vector.extract_strided_slice %dot_general3A_631 {offsets = [112, 0], sizes = [8, 256], strides = [1, 1]} : vector<128x256xf32> to vector<8x256xf32>
    %slice3A_1470 = vector.extract_strided_slice %dot_general3A_661 {offsets = [112, 0], sizes = [8, 256], strides = [1, 1]} : vector<128x256xf32> to vector<8x256xf32>
    %slice3A_1471 = vector.extract_strided_slice %dot_general3A_691 {offsets = [112, 0], sizes = [8, 256], strides = [1, 1]} : vector<128x256xf32> to vector<8x256xf32>
    %slice3A_1472 = vector.extract_strided_slice %dot_general3A_721 {offsets = [112, 0], sizes = [8, 256], strides = [1, 1]} : vector<128x256xf32> to vector<8x256xf32>
    %slice3A_1473 = vector.extract_strided_slice %dot_general3A_751 {offsets = [112, 0], sizes = [8, 256], strides = [1, 1]} : vector<128x256xf32> to vector<8x256xf32>
    %concatenate3A_1474 = tpu.concatenate %slice3A_1458, %slice3A_1459, %slice3A_1460, %slice3A_1461, %slice3A_1462, %slice3A_1463, %slice3A_1464, %slice3A_1465, %slice3A_1466, %slice3A_1467, %slice3A_1468, %slice3A_1469, %slice3A_1470, %slice3A_1471, %slice3A_1472, %slice3A_1473 in 0 : vector<8x256xf32>, vector<8x256xf32>, vector<8x256xf32>, vector<8x256xf32>, vector<8x256xf32>, vector<8x256xf32>, vector<8x256xf32>, vector<8x256xf32>, vector<8x256xf32>, vector<8x256xf32>, vector<8x256xf32>, vector<8x256xf32>, vector<8x256xf32>, vector<8x256xf32>, vector<8x256xf32>, vector<8x256xf32> -> vector<128x256xf32>
    %slice3A_1475 = vector.extract_strided_slice %dot_general3A_303 {offsets = [112, 0], sizes = [8, 64], strides = [1, 1]} : vector<128x64xf32> to vector<8x64xf32>
    %slice3A_1476 = vector.extract_strided_slice %dot_general3A_333 {offsets = [112, 0], sizes = [8, 64], strides = [1, 1]} : vector<128x64xf32> to vector<8x64xf32>
    %slice3A_1477 = vector.extract_strided_slice %dot_general3A_363 {offsets = [112, 0], sizes = [8, 64], strides = [1, 1]} : vector<128x64xf32> to vector<8x64xf32>
    %slice3A_1478 = vector.extract_strided_slice %dot_general3A_393 {offsets = [112, 0], sizes = [8, 64], strides = [1, 1]} : vector<128x64xf32> to vector<8x64xf32>
    %slice3A_1479 = vector.extract_strided_slice %dot_general3A_423 {offsets = [112, 0], sizes = [8, 64], strides = [1, 1]} : vector<128x64xf32> to vector<8x64xf32>
    %slice3A_1480 = vector.extract_strided_slice %dot_general3A_453 {offsets = [112, 0], sizes = [8, 64], strides = [1, 1]} : vector<128x64xf32> to vector<8x64xf32>
    %slice3A_1481 = vector.extract_strided_slice %dot_general3A_483 {offsets = [112, 0], sizes = [8, 64], strides = [1, 1]} : vector<128x64xf32> to vector<8x64xf32>
    %slice3A_1482 = vector.extract_strided_slice %dot_general3A_513 {offsets = [112, 0], sizes = [8, 64], strides = [1, 1]} : vector<128x64xf32> to vector<8x64xf32>
    %slice3A_1483 = vector.extract_strided_slice %dot_general3A_543 {offsets = [112, 0], sizes = [8, 64], strides = [1, 1]} : vector<128x64xf32> to vector<8x64xf32>
    %slice3A_1484 = vector.extract_strided_slice %dot_general3A_573 {offsets = [112, 0], sizes = [8, 64], strides = [1, 1]} : vector<128x64xf32> to vector<8x64xf32>
    %slice3A_1485 = vector.extract_strided_slice %dot_general3A_603 {offsets = [112, 0], sizes = [8, 64], strides = [1, 1]} : vector<128x64xf32> to vector<8x64xf32>
    %slice3A_1486 = vector.extract_strided_slice %dot_general3A_633 {offsets = [112, 0], sizes = [8, 64], strides = [1, 1]} : vector<128x64xf32> to vector<8x64xf32>
    %slice3A_1487 = vector.extract_strided_slice %dot_general3A_663 {offsets = [112, 0], sizes = [8, 64], strides = [1, 1]} : vector<128x64xf32> to vector<8x64xf32>
    %slice3A_1488 = vector.extract_strided_slice %dot_general3A_693 {offsets = [112, 0], sizes = [8, 64], strides = [1, 1]} : vector<128x64xf32> to vector<8x64xf32>
    %slice3A_1489 = vector.extract_strided_slice %dot_general3A_723 {offsets = [112, 0], sizes = [8, 64], strides = [1, 1]} : vector<128x64xf32> to vector<8x64xf32>
    %slice3A_1490 = vector.extract_strided_slice %dot_general3A_753 {offsets = [112, 0], sizes = [8, 64], strides = [1, 1]} : vector<128x64xf32> to vector<8x64xf32>
    %concatenate3A_1491 = tpu.concatenate %slice3A_1475, %slice3A_1476, %slice3A_1477, %slice3A_1478, %slice3A_1479, %slice3A_1480, %slice3A_1481, %slice3A_1482, %slice3A_1483, %slice3A_1484, %slice3A_1485, %slice3A_1486, %slice3A_1487, %slice3A_1488, %slice3A_1489, %slice3A_1490 in 0 : vector<8x64xf32>, vector<8x64xf32>, vector<8x64xf32>, vector<8x64xf32>, vector<8x64xf32>, vector<8x64xf32>, vector<8x64xf32>, vector<8x64xf32>, vector<8x64xf32>, vector<8x64xf32>, vector<8x64xf32>, vector<8x64xf32>, vector<8x64xf32>, vector<8x64xf32>, vector<8x64xf32>, vector<8x64xf32> -> vector<128x64xf32>
    %get3A_1492 = arith.constant 14 : index
    %get3A_1493 = arith.constant 0 : index
    %get3A_1494 = arith.constant 0 : index
    %get3A_1495 = vector.load %arg12[%get3A_1492, %get3A_1493, %get3A_1494] : memref<16x64x512xf32, #tpu.memory_space<vmem>>, vector<1x64x512xf32>
    %get3A_1496 = vector.shape_cast %get3A_1495 : vector<1x64x512xf32> to vector<64x512xf32>
    %dot_general3A_1497 = arith.constant dense<0.000000e+00> : vector<128x512xf32>
    %dot_general3A_1498 = tpu.matmul %concatenate3A_1491, %get3A_1496, %dot_general3A_1497 {dimension_numbers = #tpu.dot_dimension_numbers<[1], [0], [0], [1], [0, 0, 1, 1], [], []>, transpose_lhs_hint = false} : vector<128x64xf32>, vector<64x512xf32>, vector<128x512xf32> -> vector<128x512xf32>
    %add3A_1499 = arith.addf %add3A_1457, %dot_general3A_1498 : vector<128x512xf32>
    %get3A_1500 = arith.constant 14 : index
    %get3A_1501 = arith.constant 0 : index
    %get3A_1502 = arith.constant 0 : index
    %get3A_1503 = vector.load %arg13[%get3A_1500, %get3A_1501, %get3A_1502] : memref<16x256x512xf32, #tpu.memory_space<vmem>>, vector<1x256x512xf32>
    %get3A_1504 = vector.shape_cast %get3A_1503 : vector<1x256x512xf32> to vector<256x512xf32>
    %dot_general3A_1505 = arith.constant dense<0.000000e+00> : vector<128x512xf32>
    %dot_general3A_1506 = tpu.matmul %concatenate3A_1474, %get3A_1504, %dot_general3A_1505 {dimension_numbers = #tpu.dot_dimension_numbers<[1], [0], [0], [1], [0, 0, 1, 1], [], []>, transpose_lhs_hint = false} : vector<128x256xf32>, vector<256x512xf32>, vector<128x512xf32> -> vector<128x512xf32>
    %add3A_1507 = arith.addf %add3A_1499, %dot_general3A_1506 : vector<128x512xf32>
    %slice3A_1508 = vector.extract_strided_slice %dot_general3A_301 {offsets = [120, 0], sizes = [8, 256], strides = [1, 1]} : vector<128x256xf32> to vector<8x256xf32>
    %slice3A_1509 = vector.extract_strided_slice %dot_general3A_331 {offsets = [120, 0], sizes = [8, 256], strides = [1, 1]} : vector<128x256xf32> to vector<8x256xf32>
    %slice3A_1510 = vector.extract_strided_slice %dot_general3A_361 {offsets = [120, 0], sizes = [8, 256], strides = [1, 1]} : vector<128x256xf32> to vector<8x256xf32>
    %slice3A_1511 = vector.extract_strided_slice %dot_general3A_391 {offsets = [120, 0], sizes = [8, 256], strides = [1, 1]} : vector<128x256xf32> to vector<8x256xf32>
    %slice3A_1512 = vector.extract_strided_slice %dot_general3A_421 {offsets = [120, 0], sizes = [8, 256], strides = [1, 1]} : vector<128x256xf32> to vector<8x256xf32>
    %slice3A_1513 = vector.extract_strided_slice %dot_general3A_451 {offsets = [120, 0], sizes = [8, 256], strides = [1, 1]} : vector<128x256xf32> to vector<8x256xf32>
    %slice3A_1514 = vector.extract_strided_slice %dot_general3A_481 {offsets = [120, 0], sizes = [8, 256], strides = [1, 1]} : vector<128x256xf32> to vector<8x256xf32>
    %slice3A_1515 = vector.extract_strided_slice %dot_general3A_511 {offsets = [120, 0], sizes = [8, 256], strides = [1, 1]} : vector<128x256xf32> to vector<8x256xf32>
    %slice3A_1516 = vector.extract_strided_slice %dot_general3A_541 {offsets = [120, 0], sizes = [8, 256], strides = [1, 1]} : vector<128x256xf32> to vector<8x256xf32>
    %slice3A_1517 = vector.extract_strided_slice %dot_general3A_571 {offsets = [120, 0], sizes = [8, 256], strides = [1, 1]} : vector<128x256xf32> to vector<8x256xf32>
    %slice3A_1518 = vector.extract_strided_slice %dot_general3A_601 {offsets = [120, 0], sizes = [8, 256], strides = [1, 1]} : vector<128x256xf32> to vector<8x256xf32>
    %slice3A_1519 = vector.extract_strided_slice %dot_general3A_631 {offsets = [120, 0], sizes = [8, 256], strides = [1, 1]} : vector<128x256xf32> to vector<8x256xf32>
    %slice3A_1520 = vector.extract_strided_slice %dot_general3A_661 {offsets = [120, 0], sizes = [8, 256], strides = [1, 1]} : vector<128x256xf32> to vector<8x256xf32>
    %slice3A_1521 = vector.extract_strided_slice %dot_general3A_691 {offsets = [120, 0], sizes = [8, 256], strides = [1, 1]} : vector<128x256xf32> to vector<8x256xf32>
    %slice3A_1522 = vector.extract_strided_slice %dot_general3A_721 {offsets = [120, 0], sizes = [8, 256], strides = [1, 1]} : vector<128x256xf32> to vector<8x256xf32>
    %slice3A_1523 = vector.extract_strided_slice %dot_general3A_751 {offsets = [120, 0], sizes = [8, 256], strides = [1, 1]} : vector<128x256xf32> to vector<8x256xf32>
    %concatenate3A_1524 = tpu.concatenate %slice3A_1508, %slice3A_1509, %slice3A_1510, %slice3A_1511, %slice3A_1512, %slice3A_1513, %slice3A_1514, %slice3A_1515, %slice3A_1516, %slice3A_1517, %slice3A_1518, %slice3A_1519, %slice3A_1520, %slice3A_1521, %slice3A_1522, %slice3A_1523 in 0 : vector<8x256xf32>, vector<8x256xf32>, vector<8x256xf32>, vector<8x256xf32>, vector<8x256xf32>, vector<8x256xf32>, vector<8x256xf32>, vector<8x256xf32>, vector<8x256xf32>, vector<8x256xf32>, vector<8x256xf32>, vector<8x256xf32>, vector<8x256xf32>, vector<8x256xf32>, vector<8x256xf32>, vector<8x256xf32> -> vector<128x256xf32>
    %slice3A_1525 = vector.extract_strided_slice %dot_general3A_303 {offsets = [120, 0], sizes = [8, 64], strides = [1, 1]} : vector<128x64xf32> to vector<8x64xf32>
    %slice3A_1526 = vector.extract_strided_slice %dot_general3A_333 {offsets = [120, 0], sizes = [8, 64], strides = [1, 1]} : vector<128x64xf32> to vector<8x64xf32>
    %slice3A_1527 = vector.extract_strided_slice %dot_general3A_363 {offsets = [120, 0], sizes = [8, 64], strides = [1, 1]} : vector<128x64xf32> to vector<8x64xf32>
    %slice3A_1528 = vector.extract_strided_slice %dot_general3A_393 {offsets = [120, 0], sizes = [8, 64], strides = [1, 1]} : vector<128x64xf32> to vector<8x64xf32>
    %slice3A_1529 = vector.extract_strided_slice %dot_general3A_423 {offsets = [120, 0], sizes = [8, 64], strides = [1, 1]} : vector<128x64xf32> to vector<8x64xf32>
    %slice3A_1530 = vector.extract_strided_slice %dot_general3A_453 {offsets = [120, 0], sizes = [8, 64], strides = [1, 1]} : vector<128x64xf32> to vector<8x64xf32>
    %slice3A_1531 = vector.extract_strided_slice %dot_general3A_483 {offsets = [120, 0], sizes = [8, 64], strides = [1, 1]} : vector<128x64xf32> to vector<8x64xf32>
    %slice3A_1532 = vector.extract_strided_slice %dot_general3A_513 {offsets = [120, 0], sizes = [8, 64], strides = [1, 1]} : vector<128x64xf32> to vector<8x64xf32>
    %slice3A_1533 = vector.extract_strided_slice %dot_general3A_543 {offsets = [120, 0], sizes = [8, 64], strides = [1, 1]} : vector<128x64xf32> to vector<8x64xf32>
    %slice3A_1534 = vector.extract_strided_slice %dot_general3A_573 {offsets = [120, 0], sizes = [8, 64], strides = [1, 1]} : vector<128x64xf32> to vector<8x64xf32>
    %slice3A_1535 = vector.extract_strided_slice %dot_general3A_603 {offsets = [120, 0], sizes = [8, 64], strides = [1, 1]} : vector<128x64xf32> to vector<8x64xf32>
    %slice3A_1536 = vector.extract_strided_slice %dot_general3A_633 {offsets = [120, 0], sizes = [8, 64], strides = [1, 1]} : vector<128x64xf32> to vector<8x64xf32>
    %slice3A_1537 = vector.extract_strided_slice %dot_general3A_663 {offsets = [120, 0], sizes = [8, 64], strides = [1, 1]} : vector<128x64xf32> to vector<8x64xf32>
    %slice3A_1538 = vector.extract_strided_slice %dot_general3A_693 {offsets = [120, 0], sizes = [8, 64], strides = [1, 1]} : vector<128x64xf32> to vector<8x64xf32>
    %slice3A_1539 = vector.extract_strided_slice %dot_general3A_723 {offsets = [120, 0], sizes = [8, 64], strides = [1, 1]} : vector<128x64xf32> to vector<8x64xf32>
    %slice3A_1540 = vector.extract_strided_slice %dot_general3A_753 {offsets = [120, 0], sizes = [8, 64], strides = [1, 1]} : vector<128x64xf32> to vector<8x64xf32>
    %concatenate3A_1541 = tpu.concatenate %slice3A_1525, %slice3A_1526, %slice3A_1527, %slice3A_1528, %slice3A_1529, %slice3A_1530, %slice3A_1531, %slice3A_1532, %slice3A_1533, %slice3A_1534, %slice3A_1535, %slice3A_1536, %slice3A_1537, %slice3A_1538, %slice3A_1539, %slice3A_1540 in 0 : vector<8x64xf32>, vector<8x64xf32>, vector<8x64xf32>, vector<8x64xf32>, vector<8x64xf32>, vector<8x64xf32>, vector<8x64xf32>, vector<8x64xf32>, vector<8x64xf32>, vector<8x64xf32>, vector<8x64xf32>, vector<8x64xf32>, vector<8x64xf32>, vector<8x64xf32>, vector<8x64xf32>, vector<8x64xf32> -> vector<128x64xf32>
    %get3A_1542 = arith.constant 15 : index
    %get3A_1543 = arith.constant 0 : index
    %get3A_1544 = arith.constant 0 : index
    %get3A_1545 = vector.load %arg12[%get3A_1542, %get3A_1543, %get3A_1544] : memref<16x64x512xf32, #tpu.memory_space<vmem>>, vector<1x64x512xf32>
    %get3A_1546 = vector.shape_cast %get3A_1545 : vector<1x64x512xf32> to vector<64x512xf32>
    %dot_general3A_1547 = arith.constant dense<0.000000e+00> : vector<128x512xf32>
    %dot_general3A_1548 = tpu.matmul %concatenate3A_1541, %get3A_1546, %dot_general3A_1547 {dimension_numbers = #tpu.dot_dimension_numbers<[1], [0], [0], [1], [0, 0, 1, 1], [], []>, transpose_lhs_hint = false} : vector<128x64xf32>, vector<64x512xf32>, vector<128x512xf32> -> vector<128x512xf32>
    %add3A_1549 = arith.addf %add3A_1507, %dot_general3A_1548 : vector<128x512xf32>
    %get3A_1550 = arith.constant 15 : index
    %get3A_1551 = arith.constant 0 : index
    %get3A_1552 = arith.constant 0 : index
    %get3A_1553 = vector.load %arg13[%get3A_1550, %get3A_1551, %get3A_1552] : memref<16x256x512xf32, #tpu.memory_space<vmem>>, vector<1x256x512xf32>
    %get3A_1554 = vector.shape_cast %get3A_1553 : vector<1x256x512xf32> to vector<256x512xf32>
    %dot_general3A_1555 = arith.constant dense<0.000000e+00> : vector<128x512xf32>
    %dot_general3A_1556 = tpu.matmul %concatenate3A_1524, %get3A_1554, %dot_general3A_1555 {dimension_numbers = #tpu.dot_dimension_numbers<[1], [0], [0], [1], [0, 0, 1, 1], [], []>, transpose_lhs_hint = false} : vector<128x256xf32>, vector<256x512xf32>, vector<128x512xf32> -> vector<128x512xf32>
    %add3A_1557 = arith.addf %add3A_1549, %dot_general3A_1556 : vector<128x512xf32>
    %swap3A = arith.constant 0 : index
    %swap3A_1558 = arith.constant 0 : index
    %swap3A_1559 = vector.load %arg15[%swap3A, %swap3A_1558] : memref<128x512xf32, #tpu.memory_space<vmem>>, vector<128x512xf32>
    tpu.vector_store %arg15[%swap3A, %swap3A_1558], %add3A_1557 {strides = array<i32>} : memref<128x512xf32, #tpu.memory_space<vmem>>, vector<128x512xf32>,
    return
  }
  func.func @transform_0(%arg0: i32) -> (i32, i32) {
    %c0_i32 = arith.constant 0 : i32
    %c0_i32_0 = arith.constant 0 : i32
    return %arg0, %c0_i32 : i32, i32
  }
  func.func @transform_1(%arg0: i32) -> (i32, i32, i32) {
    %c0_i32 = arith.constant 0 : i32
    %c0_i32_0 = arith.constant 0 : i32
    %c0_i32_1 = arith.constant 0 : i32
    return %arg0, %c0_i32, %c0_i32_0 : i32, i32, i32
  }
  func.func @transform_2(%arg0: i32) -> (i32, i32, i32) {
    %c0_i32 = arith.constant 0 : i32
    %c0_i32_0 = arith.constant 0 : i32
    %c0_i32_1 = arith.constant 0 : i32
    return %arg0, %c0_i32, %c0_i32_0 : i32, i32, i32
  }
  func.func @transform_3(%arg0: i32) -> (i32, i32) {
    %c0_i32 = arith.constant 0 : i32
    %c0_i32_0 = arith.constant 0 : i32
    %c0_i32_1 = arith.constant 0 : i32
    return %c0_i32, %c0_i32_0 : i32, i32
  }
  func.func @transform_4(%arg0: i32) -> (i32, i32) {
    %c0_i32 = arith.constant 0 : i32
    %c0_i32_0 = arith.constant 0 : i32
    %c0_i32_1 = arith.constant 0 : i32
    return %c0_i32, %c0_i32_0 : i32, i32
  }
  func.func @transform_5(%arg0: i32) -> (i32, i32, i32) {
    %c0_i32 = arith.constant 0 : i32
    %c0_i32_0 = arith.constant 0 : i32
    %c0_i32_1 = arith.constant 0 : i32
    %c0_i32_2 = arith.constant 0 : i32
    return %c0_i32, %c0_i32_0, %c0_i32_1 : i32, i32, i32
  }
  func.func @transform_6(%arg0: i32) -> (i32, i32) {
    %c0_i32 = arith.constant 0 : i32
    %c0_i32_0 = arith.constant 0 : i32
    %c0_i32_1 = arith.constant 0 : i32
    return %c0_i32, %c0_i32_0 : i32, i32
  }
  func.func @transform_7(%arg0: i32) -> (i32, i32) {
    %c0_i32 = arith.constant 0 : i32
    %c0_i32_0 = arith.constant 0 : i32
    %c0_i32_1 = arith.constant 0 : i32
    return %c0_i32, %c0_i32_0 : i32, i32
  }
  func.func @transform_8(%arg0: i32) -> (i32, i32) {
    %c0_i32 = arith.constant 0 : i32
    %c0_i32_0 = arith.constant 0 : i32
    %c0_i32_1 = arith.constant 0 : i32
    return %c0_i32, %c0_i32_0 : i32, i32
  }
  func.func @transform_9(%arg0: i32) -> (i32, i32) {
    %c0_i32 = arith.constant 0 : i32
    %c0_i32_0 = arith.constant 0 : i32
    %c0_i32_1 = arith.constant 0 : i32
    return %c0_i32, %c0_i32_0 : i32, i32
  }
  func.func @transform_10(%arg0: i32) -> (i32, i32) {
    %c0_i32 = arith.constant 0 : i32
    %c0_i32_0 = arith.constant 0 : i32
    %c0_i32_1 = arith.constant 0 : i32
    return %c0_i32, %c0_i32_0 : i32, i32
  }
  func.func @transform_11(%arg0: i32) -> (i32, i32, i32) {
    %c0_i32 = arith.constant 0 : i32
    %c0_i32_0 = arith.constant 0 : i32
    %c0_i32_1 = arith.constant 0 : i32
    %c0_i32_2 = arith.constant 0 : i32
    return %c0_i32, %c0_i32_0, %c0_i32_1 : i32, i32, i32
  }
  func.func @transform_12(%arg0: i32) -> (i32, i32, i32) {
    %c0_i32 = arith.constant 0 : i32
    %c0_i32_0 = arith.constant 0 : i32
    %c0_i32_1 = arith.constant 0 : i32
    %c0_i32_2 = arith.constant 0 : i32
    return %c0_i32, %c0_i32_0, %c0_i32_1 : i32, i32, i32
  }
  func.func @transform_13(%arg0: i32) -> (i32, i32) {
    %c0_i32 = arith.constant 0 : i32
    %c0_i32_0 = arith.constant 0 : i32
    %c0_i32_1 = arith.constant 0 : i32
    return %c0_i32, %c0_i32_0 : i32, i32
  }
  func.func @transform_14(%arg0: i32) -> (i32, i32) {
    %c0_i32 = arith.constant 0 : i32
    %c0_i32_0 = arith.constant 0 : i32
    return %arg0, %c0_i32 : i32, i32
  }
}

</mosaic_0001>

<sc_bundles>
// kernel: kernel.6.cloned.1.call-start
scs
__scs_entry_jumppad:
0x0: {  	(pc) =	sbr.rel $0x88, $3  }
0x1: {  	(tag) =	ssettag $0x0;
	lr =	simm.s32 $0x1  }
0x2: {  	[smem:$0x3F94] =	sst lr;
	_ =	strace $0xD0000000  }
0x3: {  	_ = 	snop  }
0x4: {  	_ = 	snop  }
0x5: {  	_ = 	snop  }
0x6: {  	_ = 	snop  }
0x7: {  	_ = 	snop  }
__scs_overlays_trampoline_lowered:
0x8: {  	[smem:$0x3FA3] =	sst s0  }
0x9: {  	[smem:$0x3FA4] =	sst s1  }
0xa: {  	[smem:$0x3FA5] =	sst s2  }
0xb: {  	[smem:$0x3FA6] =	sst s3  }
0xc: {  	[smem:$0x3FA7] =	sst s4  }
0xd: {  	[smem:$0x3FA8] =	sst s5  }
0xe: {  	[smem:$0x3FA9] =	sst s6  }
0xf: {  	[smem:$0x3FAA] =	sst s7  }
0x10: {  	[smem:$0x3FAB] =	sst s8  }
0x11: {  	[smem:$0x3FAC] =	sst s9;
	s0 =	simm.s32 @!p0 $0x0  }
0x12: {  	s1 =	sld [smem:$0x3F92];
	s0 =	simm.s32 @p0 $0x1  }
0x13: {  	[smem:$0x3FAD] =	sst s0;
	s0 =	simm.s32 @!p1 $0x0  }
0x14: {  	s2 =	sld [smem:$0x3F91];
	s0 =	simm.s32 @p1 $0x1  }
0x15: {  	[smem:$0x3FAE] =	sst s0;
	s0 =	simm.s32 @!p2 $0x0  }
0x16: {  	s3 =	sld [smem:$0x3FDB];
	s0 =	simm.s32 @p2 $0x1  }
0x17: {  	s4 =	simm.s32 $0x1BF5;
	[smem:$0x3FB0] =	sst s0  }
0x18: {  	s0 =	sld [smem:$0x3F93];
	_ =	swait.ge [sflag:s4], $0x0  }
0x19: {  	s7 =	sld [smem:$0x3F94]  }
0x1a: {  	s8 =	sadd.s32 $0xFFFFE003, lr  }
0x1b: {  	s9 =	sadd.s32 $0xFFFFFEF7, lr;
	s5 =	simm.s32 $0xFFFFFFFF;
	p2 =	slt.u32 s8, $0xFFFFF086  }
0x1c: {  	p1 =	slt.u32 s9, $0xF7A;
	s5 =	simm.s32 @!p2 $0x0  }
0x1d: {  	s5 =	simm.s32 @p1 $0x1;
	p0 =	seq.s32 s7, s2  }
0x1e: {  	s7 =	smul.u32 @!p0 $0xF7A, s2;
	p2 =	seq.s32 @!p0 s5, $0x0  }
0x1f: {  	s9 =	smul.u32 $0xF7A, s1;
	s8 =	simm.s32 @!p0 $0x1BF5;
	p2 =	por !p2, p0  }
0x20: {  	[sflag:s8] =	ssyncset.s32 @!p0 $0xFFFFF086;
	s6 =	sadd.s32 @!p0 s3, s7;
	s7 =	simm.s32 @!p0 $0x108  }
0x21: {  	s3 =	sadd.s32 s3, s9;
	s6 =	sadd.s32 @!p0 $0x88, s6;
	s7 =	simm.s32 @p2 $0x1082  }
0x22: {  	[simem:s7], [sflag:s8] =	dma.local @!p0 [hbm:s6], $0xF7A  }
0x23: {  	s9 =	sor.u32 $0xD0000000, s2;
	s6 =	simm.s32 $0x108;
	_ =	swait.ge @!p0 [sflag:s8], $0x0  }
0x24: {  	s3 =	sadd.s32 $0x88, s3;
	s6 =	simm.s32 @!p1 $0x1082;
	[sflag:s4] =	ssyncset.s32 $0xFFFFF086  }
0x25: {  	[simem:s6], [sflag:s4] =	dma.local [hbm:s3], $0xF7A  }
0x26: {  	[smem:$0x3F94] =	sst s1;
	(tag) =	ssettag s2;
	_ =	strace s9  }
0x27: {  	s1 =	sld [smem:$0x3FA4]  }
0x28: {  	s2 =	sld [smem:$0x3FA5]  }
0x29: {  	s4 =	sld [smem:$0x3FA7]  }
0x2a: {  	p0 =	seq.s32 s5, $0x0;
	s5 =	sld [smem:$0x3FA8]  }
0x2b: {  	s6 =	sld [smem:$0x3FA9]  }
0x2c: {  	s7 =	sld [smem:$0x3FAA]  }
0x2d: {  	s3 =	simm.s32 $0x108;
	s8 =	sld [smem:$0x3FAB]  }
0x2e: {  	s3 =	simm.s32 @!p0 $0x1082;
	s9 =	sld [smem:$0x3FAC]  }
0x2f: {  	lr =	sadd.s32 s0, s3;
	s0 =	sld [smem:$0x3FA3]  }
0x30: {  	s3 =	sld [smem:$0x3FA6]  }
0x31: {  	[smem:$0x3FAF] =	sst s10  }
0x32: {  	s10 =	sld [smem:$0x3FAD];
	_ =	sdelay $0x3  }
0x33: {  	p0 =	seq.s32 s10, $0x1;
	s10 =	sld [smem:$0x3FAF];
	_ =	sdelay $0x3  }
0x34: {  	[smem:$0x3FAF] =	sst s10  }
0x35: {  	s10 =	sld [smem:$0x3FAE];
	_ =	sdelay $0x3  }
0x36: {  	p1 =	seq.s32 s10, $0x1;
	s10 =	sld [smem:$0x3FAF];
	_ =	sdelay $0x3  }
0x37: {  	[smem:$0x3FAF] =	sst s10  }
0x38: {  	s10 =	sld [smem:$0x3FB0]  }
0x39: {  	_ = 	snop;
	(pc) =	sbr.ind lr, $3  }
0x3a: {  	_ = 	snop  }
0x3b: {  	_ = 	snop  }
0x3c: {  	p2 =	seq.s32 s10, $0x1;
	s10 =	sld [smem:$0x3FAF]  }
0x3d: {  	_ =	shalt  }
0x3e: {  	_ =	shalt  }
0x3f: {  	_ =	shalt  }
0x40: {  	_ =	shalt  }
0x41: {  	_ =	shalt  }
0x42: {  	_ =	shalt  }
0x43: {  	_ =	shalt  }
0x44: {  	_ =	shalt  }
0x45: {  	_ =	shalt  }
0x46: {  	_ =	shalt  }
0x47: {  	_ =	shalt  }
0x48: {  	_ =	shalt  }
0x49: {  	_ =	shalt  }
0x4a: {  	_ =	shalt  }
0x4b: {  	_ =	shalt  }
0x4c: {  	_ =	shalt  }
0x4d: {  	_ =	shalt  }
0x4e: {  	_ =	shalt  }
0x4f: {  	_ =	shalt  }
0x50: {  	_ =	shalt  }
0x51: {  	_ =	shalt  }
0x52: {  	_ =	shalt  }
0x53: {  	_ =	shalt  }
0x54: {  	_ =	shalt  }
0x55: {  	_ =	shalt  }
0x56: {  	_ =	shalt  }
0x57: {  	_ =	shalt  }
0x58: {  	_ =	shalt  }
0x59: {  	_ =	shalt  }
0x5a: {  	_ =	shalt  }
0x5b: {  	_ =	shalt  }
0x5c: {  	_ =	shalt  }
0x5d: {  	_ =	shalt  }
0x5e: {  	_ =	shalt  }
0x5f: {  	_ =	shalt  }
0x60: {  	_ =	shalt  }
0x61: {  	_ =	shalt  }
0x62: {  	_ =	shalt  }
0x63: {  	_ =	shalt  }
0x64: {  	_ =	shalt  }
0x65: {  	_ =	shalt  }
0x66: {  	_ =	shalt  }
0x67: {  	_ =	shalt  }
0x68: {  	_ =	shalt  }
0x69: {  	_ =	shalt  }
0x6a: {  	_ =	shalt  }
0x6b: {  	_ =	shalt  }
0x6c: {  	_ =	shalt  }
0x6d: {  	_ =	shalt  }
0x6e: {  	_ =	shalt  }
0x6f: {  	_ =	shalt  }
0x70: {  	_ =	shalt  }
0x71: {  	_ =	shalt  }
0x72: {  	_ =	shalt  }
0x73: {  	_ =	shalt  }
0x74: {  	_ =	shalt  }
0x75: {  	_ =	shalt  }
0x76: {  	_ =	shalt  }
0x77: {  	_ =	shalt  }
0x78: {  	_ =	shalt  }
0x79: {  	_ =	shalt  }
0x7a: {  	_ =	shalt  }
0x7b: {  	_ =	shalt  }
0x7c: {  	_ =	shalt  }
0x7d: {  	_ =	shalt  }
0x7e: {  	_ =	shalt  }
0x7f: {  	_ =	shalt  }
0x80: {  	_ =	shalt  }
0x81: {  	_ =	shalt  }
0x82: {  	_ =	shalt  }
0x83: {  	_ =	shalt  }
0x84: {  	_ =	shalt  }
0x85: {  	_ =	shalt  }
0x86: {  	_ =	shalt  }
0x87: {  	_ =	shalt  }
.Lfunc_end0:
.L_simem_size_0:
called_computation_lowered:
.L_overlay_start_0:
0x88: {  	s2 =	sld [smem:$0x3FD9]  }
0x89: {  	s3 =	sld [smem:$0x3FFE];
	_ =	sdelay $0x1  }
0x8a: {  	s1 =	srdreg.scid  }
0x8b: {  	s0 =	sand.u32 $0x1, s1  }
0x8c: {  	s14 =	sshll.u32 s0, $0xA;
	s2 =	sadd.s32 s3, s2  }
0x8d: {  	s2 =	sadd.s32 s2, s14  }
0x8e: {  	[smem:$0x3FBB] =	sst s2  }
0x8f: {  	_ = 	snop  }
0x90: {  	s2 =	sld [smem:$0x3FD0];
	_ =	sdelay $0x2  }
0x91: {  	s15 =	simm.s32 $0xA;
	s4 =	simm.s32 $0x10  }
0x92: {  	[smem:s4], [sflag:s15] =	dma.local [hbm:s2], $0x1  }
0x93: {  	_ =	swait.eq [sflag:s15], $0x1  }
0x94: {  	[sflag:s15] =	ssyncset.done $0x0  }
0x95: {  	s16 =	sld [smem:$0x10];
	[sflag:s15] =	ssyncadd.s32 $0xFFFFFFFF  }
0x96: {  	s17 =	sld [smem:$0x11];
	(tm) =	ssettm $0x1  }
0x97: {  	s18 =	sld [smem:$0x3FFB];
	_ =	sdelay $0x3  }
0x98: {  	_ =	strace s18  }
0x99: {  	s4 =	sld [smem:$0x3FFC];
	_ =	sdelay $0x3  }
0x9a: {  	_ =	strace s4  }
0x9b: {  	s4 =	sld [smem:$0x3FFD];
	_ =	sdelay $0x3  }
0x9c: {  	_ =	strace s4  }
0x9d: {  	_ =	strace $0x8FFFFFFF  }
0x9e: {  	s19 =	sld [smem:$0x3FDB];
	_ =	sdelay $0x1  }
0x9f: {  	s5 =	simm.s32 $_scs_section_size  }
0xa0: {  	s6 =	simm.s32 $_size__tile_overlayer_lowered;
	s7 =	simm.s32 $_tile_overlayer_lowered  }
0xa1: {  	s22 =	simm.s32 $0x1BFF;
	s21 =	sshll.u32 s7, $0x1;
	s4 =	sadd.s32 s5, s19  }
0xa2: {  	s8 =	simm.s32 $0x0;
	s20 =	sshll.u32 s6, $0x1;
	s6 =	sadd.s32 s21, s4  }
0xa3: {  	[timem:s8], [sflag:s22] =	dma.local [hbm:s6], s20  }
0xa4: {  	_ =	swait.ge [sflag:s22], s20  }
0xa5: {  	s5 =	ssub.s32 $0x0, s20;
	[sflag:s22] =	ssyncset.done $0x0  }
0xa6: {  	[sflag:s22] =	ssyncadd.s32 s5;
	_ =	sdelay $0x1  }
0xa7: {  	s23 =	simm.s32 $0x1B8B  }
0xa8: {  	_ =	swait.ge [sflag:s23], $0x1  }
0xa9: {  	[sflag:s23] =	ssyncset.done $0x0  }
0xaa: {  	s25 =	simm.s32 $0x1B8E;
	s24 =	sld [smem:$0x3FFE];
	[sflag:s23] =	ssyncadd.s32 $0xFFFFFFFF  }
0xab: {  	s26 =	simm.s32 $execute0_lowered;
	[smem:$0x3FD2] =	sst s25  }
0xac: {  	s6 =	sshll.u32 s26, $0x1;
	_ =	strace $0x80000046;
	[dreg:$0x1] =	wrdreg $0xFFFFFFFF  }
0xad: {  	s28 =	simm.s32 $_size_execute0_lowered;
	s4 =	sadd.s32 s4, s6;
	[dreg:$0x0] =	wrdreg $0x0  }
0xae: {  	s6 =	sshll.u32 s28, $0x1;
	[dreg:$0x2] =	wrdreg s4  }
0xaf: {  	[dreg:$0x3] =	wrdreg s6  }
0xb0: {  	[dreg:$0x4] =	wrdreg $0xC0  }
0xb1: {  	_ =	task [dreg:s8], $0x5FFFF  }
0xb2: {  	[dreg:$0x1] =	wrdreg $0xFFFFFFFF  }
0xb3: {  	[dreg:$0x0] =	wrdreg $0x60  }
0xb4: {  	[dreg:$0x2] =	wrdreg s16  }
0xb5: {  	[dreg:$0x3] =	wrdreg s17  }
0xb6: {  	[dreg:$0x4] =	wrdreg s24  }
0xb7: {  	[dreg:$0x5] =	wrdreg $0x9  }
0xb8: {  	_ =	task.clear_ibuf [dreg:s8], $0x6FFFF;
	_ =	strace $0x90000046  }
0xb9: {  	s29 =	simm.s32 $0x9;
	_ =	strace $0x80000048  }
0xba: {  	_ =	swait.ge [sflag:s29], $0x1  }
0xbb: {  	[sflag:s29] =	ssyncadd.s32 $0xFFFFFFFF  }
0xbc: {  	_ =	strace $0x90000048  }
0xbd: {  	_ =	sfence  }
0xbe: {  	s30 =	sld [smem:$0x0];
	_ =	sdelay $0x2  }
0xbf: {  	s31 =	sshll.u32 s1, $0xD;
	s1 =	sshrl.u32 s1, $0x2  }
0xc0: {  	s3 =	sand.u32 $0x4000, s31;
	s1 =	sadd.s32 s1, s30  }
0xc1: {  	s0 =	sor.u32 s3, s0;
	s1 =	sshll.u32 s1, $0x11  }
0xc2: {  	s0 =	sor.u32 s1, s0  }
0xc3: {  	s0 =	sadd.s32 $0x8F2B, s0  }
0xc4: {  	[sflag:s0] =	ssyncadd.remote.s32 $0x1  }
0xc5: {  	_ =	sfence.sel $0xFFFF  }
0xc6: {  	[dreg:$0x0] =	wrdreg $0xFFFFFFFF;
	(pc) =	sbr.abs _section_cstart, $3  }
0xc7: {  	[dreg:$0x1] =	wrdreg $0xFFFFFFFF  }
0xc8: {  	_ =	task.clear_ibuf [dreg:s8], $0x2FFFF;
	_ =	strace $0x9FFFFFFF  }
0xc9: {  	(tm) =	ssettm $0x7FFFFFFF  }
tec
execute0_lowered:
.L_overlay_start_1:
0x0: {  	(tag) =	ssettag $0x1  }
0x1: {  	s4 =	rddreg [dreg:$0x0];
	s1 =	srdreg.scid  }
0x2: {  	s2 =	rddreg [dreg:$0x1];
	s0 =	stileid.u32  }
0x3: {  	s9 =	rddreg [dreg:$0x2];
	s3 =	simm.s32 $0x0;
	s6 =	sand.u32 $0x1, s1  }
0x4: {  	s5 =	sshll.u32 s0, $0x7;
	s1 =	rddreg [dreg:$0x3];
	s7 =	sshll.u32 s6, $0x6  }
0x5: {  	s8 =	simm.s32 $0x1;
	[smem:$0x7FF] =	sst s3;
	s10 =	sor.u32 s7, s5  }
0x6: {  	_ =	strace $0x80000047;
	s11 =	ssub.s32 $0x2, s6;
	s5 =	sshrl.u32 s10, $0x3  }
0x7: {  	s6 =	simm.s32 $0x40;
	s5 =	sadd.s32 s4, s5;
	s4 =	simm.s32 $0x2  }
0x8: {  	[tilespmem:s3], [sflag:$0x2] =	stream.linear.gather [hbm4b:s5+s3], $0x40, $0x38;
	[tilespmem:$0x2080] =	vst v63  }
0x9: {  	s7 =	simm.s32 $0x80;
	s12 =	sshrl.u32 s11, $0x1;
	_ =	swait.ge [sflag:s4], $0x40  }
0xa: {  	s10 =	sshll.u32 s10, $0x4;
	s31 =	ssub.s32 s11, s12;
	[sflag:s4] =	ssyncset.done $0x0  }
0xb: {  	s9 =	sadd.s32 s10, s9;
	s10 =	smax.u32 s31, $0x1;
	[sflag:s4] =	ssyncadd.s32 $0xFFFFFFC0  }
0xc: {  	[tilespmem:s7], [sflag:$0x1] =	stream.indirect.gather [hbm4b:s2+s6], $0x80, s3, s6, $0xb8;
	[tilespmem:$0x2080] =	vst v63  }
0xd: {  	p0 =	sne.s32 s10, $0x1;
	_ =	swait.ge [sflag:s8], $0x2000  }
.Ltmp0:
0xe: {  	[sflag:s8] =	ssyncset.done $0x0;
	(pc) =	sbr.rel @!p0 .LBB2_2-.Ltmp0, $4  }
0xf: {  	s9 =	sadd.s32 $0x2E00, s9;
	[sflag:s8] =	ssyncadd.s32 $0xFFFFE000  }
0x10: {  	[hbm4b:s9+s3] =	stream.linear.scatter [tilespmem:s7], [sflag:$0x2], $0x2000, $0x38;
	[tilespmem:$0x2080] =	vst v63  }
0x11: {  	_ =	swait.ge [sflag:s4], $0x2000  }
0x12: {  	s10 =	sadd.s32 $0xFFFFFFFF, s10;
	[sflag:s4] =	ssyncset.done $0x0  }
.LBB2_1:
0x13: {  	p0 =	sne.s32 s10, $0x1;
	s10 =	sadd.s32 $0xFFFFFFFF, s10;
	[sflag:s4] =	ssyncadd.s32 $0xFFFFE000  }
0x14: {  	[tilespmem:s3], [sflag:$0x2] =	stream.linear.gather [hbm4b:s5+s3], $0x40, $0x38;
	[tilespmem:$0x2080] =	vst v63  }
0x15: {  	_ =	swait.ge [sflag:s4], $0x40  }
0x16: {  	[sflag:s4] =	ssyncset.done $0x0  }
0x17: {  	[sflag:s4] =	ssyncadd.s32 $0xFFFFFFC0  }
0x18: {  	[tilespmem:s7], [sflag:$0x1] =	stream.indirect.gather [hbm4b:s2+s6], $0x80, s3, s6, $0xb8;
	[tilespmem:$0x2080] =	vst v63  }
0x19: {  	_ =	swait.ge [sflag:s8], $0x2000  }
.Ltmp1:
0x1a: {  	[sflag:s8] =	ssyncset.done $0x0;
	(pc) =	sbr.rel @p0 .LBB2_1-.Ltmp1, $4  }
0x1b: {  	[sflag:s8] =	ssyncadd.s32 $0xFFFFE000  }
0x1c: {  	[hbm4b:s9+s3] =	stream.linear.scatter [tilespmem:s7], [sflag:$0x2], $0x2000, $0x38;
	[tilespmem:$0x2080] =	vst v63  }
0x1d: {  	_ =	swait.ge [sflag:s4], $0x2000  }
0x1e: {  	[sflag:s4] =	ssyncset.done $0x0  }
.LBB2_2:
0x1f: {  	[sflag:s4] =	ssyncadd.s32 $0xFFFFE000  }
0x20: {  	_ =	sfence.sel $0x180000  }
0x21: {  	[bflag:$0x0] =	sbarrier.arrive $0xFFFF  }
0x22: {  	p0 =	sne.s32 s0, $0x0;
	_ =	strace $0x90000047  }
0x23: {  	s0 =	sadd.s32 @!p0 $0x100000, s1;
	[bflag:$0x2] =	sbarrier.arrive $0xFFFF  }
0x24: {  	[sflag:s0] =	ssyncadd.tile.s32 @!p0 $0x1;
	_ =	shalt  }
.Lfunc_end2:
_tile_overlayer_lowered:
.L_overlay_start_2:
0x25: {  	(tag) =	ssettag $0x2  }
0x26: {  	s0 =	rddreg [dreg:$0x0];
	s2 =	stileid.u32  }
0x27: {  	s1 =	rddreg [dreg:$0x1];
	p0 =	sne.s32 s2, $0x0  }
0x28: {  	s3 =	rddreg [dreg:$0x2];
	[bflag:$0x3] =	sbarrier.arrive $0xFFFF;
	s2 =	simm.s32 @!p0 $0x1C02  }
0x29: {  	[timem:s3], [sflag:s2] =	dma.local @!p0 [hbm:s0], s1  }
0x2a: {  	s0 =	simm.s32 @!p0 $0x2  }
0x2b: {  	_ =	swait.ge @!p0 [sflag:s0], s1  }
0x2c: {  	s1 =	ssub.s32 @!p0 $0x0, s1;
	[sflag:s0] =	ssyncset.done @!p0 $0x0  }
0x2d: {  	[sflag:s0] =	ssyncadd.s32 @!p0 s1  }
0x2e: {  	[bflag:$0x3] =	sbarrier.arrive $0xFFFF  }
0x2f: {  	_ =	shalt  }

// kernel: kernel.9.cloned.1.call-start
scs
__scs_entry_jumppad:
0x0: {  	(pc) =	sbr.rel $0x88, $3  }
0x1: {  	(tag) =	ssettag $0x0;
	lr =	simm.s32 $0x1  }
0x2: {  	[smem:$0x3F94] =	sst lr;
	_ =	strace $0xD0000000  }
0x3: {  	_ = 	snop  }
0x4: {  	_ = 	snop  }
0x5: {  	_ = 	snop  }
0x6: {  	_ = 	snop  }
0x7: {  	_ = 	snop  }
__scs_overlays_trampoline_lowered:
0x8: {  	[smem:$0x3FA3] =	sst s0  }
0x9: {  	[smem:$0x3FA4] =	sst s1  }
0xa: {  	[smem:$0x3FA5] =	sst s2  }
0xb: {  	[smem:$0x3FA6] =	sst s3  }
0xc: {  	[smem:$0x3FA7] =	sst s4  }
0xd: {  	[smem:$0x3FA8] =	sst s5  }
0xe: {  	[smem:$0x3FA9] =	sst s6  }
0xf: {  	[smem:$0x3FAA] =	sst s7  }
0x10: {  	[smem:$0x3FAB] =	sst s8  }
0x11: {  	[smem:$0x3FAC] =	sst s9;
	s0 =	simm.s32 @!p0 $0x0  }
0x12: {  	s1 =	sld [smem:$0x3F92];
	s0 =	simm.s32 @p0 $0x1  }
0x13: {  	[smem:$0x3FAD] =	sst s0;
	s0 =	simm.s32 @!p1 $0x0  }
0x14: {  	s2 =	sld [smem:$0x3F91];
	s0 =	simm.s32 @p1 $0x1  }
0x15: {  	[smem:$0x3FAE] =	sst s0;
	s0 =	simm.s32 @!p2 $0x0  }
0x16: {  	s3 =	sld [smem:$0x3FDB];
	s0 =	simm.s32 @p2 $0x1  }
0x17: {  	s4 =	simm.s32 $0x1BF5;
	[smem:$0x3FB0] =	sst s0  }
0x18: {  	s0 =	sld [smem:$0x3F93];
	_ =	swait.ge [sflag:s4], $0x0  }
0x19: {  	s7 =	sld [smem:$0x3F94]  }
0x1a: {  	s8 =	sadd.s32 $0xFFFFE003, lr  }
0x1b: {  	s9 =	sadd.s32 $0xFFFFFEF7, lr;
	s5 =	simm.s32 $0xFFFFFFFF;
	p2 =	slt.u32 s8, $0xFFFFF086  }
0x1c: {  	p1 =	slt.u32 s9, $0xF7A;
	s5 =	simm.s32 @!p2 $0x0  }
0x1d: {  	s5 =	simm.s32 @p1 $0x1;
	p0 =	seq.s32 s7, s2  }
0x1e: {  	s7 =	smul.u32 @!p0 $0xF7A, s2;
	p2 =	seq.s32 @!p0 s5, $0x0  }
0x1f: {  	s9 =	smul.u32 $0xF7A, s1;
	s8 =	simm.s32 @!p0 $0x1BF5;
	p2 =	por !p2, p0  }
0x20: {  	[sflag:s8] =	ssyncset.s32 @!p0 $0xFFFFF086;
	s6 =	sadd.s32 @!p0 s3, s7;
	s7 =	simm.s32 @!p0 $0x108  }
0x21: {  	s3 =	sadd.s32 s3, s9;
	s6 =	sadd.s32 @!p0 $0x88, s6;
	s7 =	simm.s32 @p2 $0x1082  }
0x22: {  	[simem:s7], [sflag:s8] =	dma.local @!p0 [hbm:s6], $0xF7A  }
0x23: {  	s9 =	sor.u32 $0xD0000000, s2;
	s6 =	simm.s32 $0x108;
	_ =	swait.ge @!p0 [sflag:s8], $0x0  }
0x24: {  	s3 =	sadd.s32 $0x88, s3;
	s6 =	simm.s32 @!p1 $0x1082;
	[sflag:s4] =	ssyncset.s32 $0xFFFFF086  }
0x25: {  	[simem:s6], [sflag:s4] =	dma.local [hbm:s3], $0xF7A  }
0x26: {  	[smem:$0x3F94] =	sst s1;
	(tag) =	ssettag s2;
	_ =	strace s9  }
0x27: {  	s1 =	sld [smem:$0x3FA4]  }
0x28: {  	s2 =	sld [smem:$0x3FA5]  }
0x29: {  	s4 =	sld [smem:$0x3FA7]  }
0x2a: {  	p0 =	seq.s32 s5, $0x0;
	s5 =	sld [smem:$0x3FA8]  }
0x2b: {  	s6 =	sld [smem:$0x3FA9]  }
0x2c: {  	s7 =	sld [smem:$0x3FAA]  }
0x2d: {  	s3 =	simm.s32 $0x108;
	s8 =	sld [smem:$0x3FAB]  }
0x2e: {  	s3 =	simm.s32 @!p0 $0x1082;
	s9 =	sld [smem:$0x3FAC]  }
0x2f: {  	lr =	sadd.s32 s0, s3;
	s0 =	sld [smem:$0x3FA3]  }
0x30: {  	s3 =	sld [smem:$0x3FA6]  }
0x31: {  	[smem:$0x3FAF] =	sst s10  }
0x32: {  	s10 =	sld [smem:$0x3FAD];
	_ =	sdelay $0x3  }
0x33: {  	p0 =	seq.s32 s10, $0x1;
	s10 =	sld [smem:$0x3FAF];
	_ =	sdelay $0x3  }
0x34: {  	[smem:$0x3FAF] =	sst s10  }
0x35: {  	s10 =	sld [smem:$0x3FAE];
	_ =	sdelay $0x3  }
0x36: {  	p1 =	seq.s32 s10, $0x1;
	s10 =	sld [smem:$0x3FAF];
	_ =	sdelay $0x3  }
0x37: {  	[smem:$0x3FAF] =	sst s10  }
0x38: {  	s10 =	sld [smem:$0x3FB0]  }
0x39: {  	_ = 	snop;
	(pc) =	sbr.ind lr, $3  }
0x3a: {  	_ = 	snop  }
0x3b: {  	_ = 	snop  }
0x3c: {  	p2 =	seq.s32 s10, $0x1;
	s10 =	sld [smem:$0x3FAF]  }
0x3d: {  	_ =	shalt  }
0x3e: {  	_ =	shalt  }
0x3f: {  	_ =	shalt  }
0x40: {  	_ =	shalt  }
0x41: {  	_ =	shalt  }
0x42: {  	_ =	shalt  }
0x43: {  	_ =	shalt  }
0x44: {  	_ =	shalt  }
0x45: {  	_ =	shalt  }
0x46: {  	_ =	shalt  }
0x47: {  	_ =	shalt  }
0x48: {  	_ =	shalt  }
0x49: {  	_ =	shalt  }
0x4a: {  	_ =	shalt  }
0x4b: {  	_ =	shalt  }
0x4c: {  	_ =	shalt  }
0x4d: {  	_ =	shalt  }
0x4e: {  	_ =	shalt  }
0x4f: {  	_ =	shalt  }
0x50: {  	_ =	shalt  }
0x51: {  	_ =	shalt  }
0x52: {  	_ =	shalt  }
0x53: {  	_ =	shalt  }
0x54: {  	_ =	shalt  }
0x55: {  	_ =	shalt  }
0x56: {  	_ =	shalt  }
0x57: {  	_ =	shalt  }
0x58: {  	_ =	shalt  }
0x59: {  	_ =	shalt  }
0x5a: {  	_ =	shalt  }
0x5b: {  	_ =	shalt  }
0x5c: {  	_ =	shalt  }
0x5d: {  	_ =	shalt  }
0x5e: {  	_ =	shalt  }
0x5f: {  	_ =	shalt  }
0x60: {  	_ =	shalt  }
0x61: {  	_ =	shalt  }
0x62: {  	_ =	shalt  }
0x63: {  	_ =	shalt  }
0x64: {  	_ =	shalt  }
0x65: {  	_ =	shalt  }
0x66: {  	_ =	shalt  }
0x67: {  	_ =	shalt  }
0x68: {  	_ =	shalt  }
0x69: {  	_ =	shalt  }
0x6a: {  	_ =	shalt  }
0x6b: {  	_ =	shalt  }
0x6c: {  	_ =	shalt  }
0x6d: {  	_ =	shalt  }
0x6e: {  	_ =	shalt  }
0x6f: {  	_ =	shalt  }
0x70: {  	_ =	shalt  }
0x71: {  	_ =	shalt  }
0x72: {  	_ =	shalt  }
0x73: {  	_ =	shalt  }
0x74: {  	_ =	shalt  }
0x75: {  	_ =	shalt  }
0x76: {  	_ =	shalt  }
0x77: {  	_ =	shalt  }
0x78: {  	_ =	shalt  }
0x79: {  	_ =	shalt  }
0x7a: {  	_ =	shalt  }
0x7b: {  	_ =	shalt  }
0x7c: {  	_ =	shalt  }
0x7d: {  	_ =	shalt  }
0x7e: {  	_ =	shalt  }
0x7f: {  	_ =	shalt  }
0x80: {  	_ =	shalt  }
0x81: {  	_ =	shalt  }
0x82: {  	_ =	shalt  }
0x83: {  	_ =	shalt  }
0x84: {  	_ =	shalt  }
0x85: {  	_ =	shalt  }
0x86: {  	_ =	shalt  }
0x87: {  	_ =	shalt  }
.Lfunc_end0:
.L_simem_size_0:
called_computation.1_lowered:
.L_overlay_start_0:
0x88: {  	s2 =	sld [smem:$0x3FD9]  }
0x89: {  	s3 =	sld [smem:$0x3FFE];
	_ =	sdelay $0x1  }
0x8a: {  	s1 =	srdreg.scid  }
0x8b: {  	s0 =	sand.u32 $0x1, s1  }
0x8c: {  	s14 =	sshll.u32 s0, $0xA;
	s2 =	sadd.s32 s3, s2  }
0x8d: {  	s2 =	sadd.s32 s2, s14  }
0x8e: {  	[smem:$0x3FBB] =	sst s2  }
0x8f: {  	_ = 	snop  }
0x90: {  	s2 =	sld [smem:$0x3FD0];
	_ =	sdelay $0x2  }
0x91: {  	s4 =	simm.s32 $0xA;
	s5 =	simm.s32 $0x10;
	s15 =	sld [smem:$0x3FC8]  }
0x92: {  	[smem:s5], [sflag:s4] =	dma.local [hbm:s2], $0x1  }
0x93: {  	_ =	swait.eq [sflag:s4], $0x1  }
0x94: {  	[sflag:s4] =	ssyncset.done $0x0  }
0x95: {  	[sflag:s4] =	ssyncadd.s32 $0xFFFFFFFF  }
0x96: {  	s16 =	sld [smem:$0x11];
	(tm) =	ssettm $0x1  }
0x97: {  	s17 =	sld [smem:$0x3FFB];
	_ =	sdelay $0x3  }
0x98: {  	_ =	strace s17  }
0x99: {  	s4 =	sld [smem:$0x3FFC];
	_ =	sdelay $0x3  }
0x9a: {  	_ =	strace s4  }
0x9b: {  	s4 =	sld [smem:$0x3FFD];
	_ =	sdelay $0x3  }
0x9c: {  	_ =	strace s4  }
0x9d: {  	_ =	strace $0x8FFFFFFF  }
0x9e: {  	s18 =	sld [smem:$0x3FDB];
	_ =	sdelay $0x1  }
0x9f: {  	s19 =	simm.s32 $_scs_section_size  }
0xa0: {  	s6 =	simm.s32 $_size__tile_overlayer_lowered;
	s7 =	simm.s32 $_tile_overlayer_lowered  }
0xa1: {  	s22 =	simm.s32 $0x1BFF;
	s21 =	sshll.u32 s7, $0x1;
	s4 =	sadd.s32 s19, s18  }
0xa2: {  	s8 =	simm.s32 $0x0;
	s20 =	sshll.u32 s6, $0x1;
	s6 =	sadd.s32 s21, s4  }
0xa3: {  	[timem:s8], [sflag:s22] =	dma.local [hbm:s6], s20  }
0xa4: {  	_ =	swait.ge [sflag:s22], s20  }
0xa5: {  	s5 =	ssub.s32 $0x0, s20;
	[sflag:s22] =	ssyncset.done $0x0  }
0xa6: {  	[sflag:s22] =	ssyncadd.s32 s5;
	_ =	sdelay $0x1  }
0xa7: {  	s23 =	simm.s32 $0x1B8B  }
0xa8: {  	_ =	swait.ge [sflag:s23], $0x1  }
0xa9: {  	[sflag:s23] =	ssyncset.done $0x0  }
0xaa: {  	s25 =	simm.s32 $0x1B8E;
	s24 =	sld [smem:$0x3FFE];
	[sflag:s23] =	ssyncadd.s32 $0xFFFFFFFF  }
0xab: {  	s26 =	simm.s32 $execute0_lowered;
	[smem:$0x3FD2] =	sst s25  }
0xac: {  	s6 =	sshll.u32 s26, $0x1;
	_ =	strace $0x80000049;
	[dreg:$0x1] =	wrdreg $0xFFFFFFFF  }
0xad: {  	s28 =	simm.s32 $_size_execute0_lowered;
	s4 =	sadd.s32 s4, s6;
	[dreg:$0x0] =	wrdreg $0x0  }
0xae: {  	s6 =	sshll.u32 s28, $0x1;
	[dreg:$0x2] =	wrdreg s4  }
0xaf: {  	[dreg:$0x3] =	wrdreg s6  }
0xb0: {  	[dreg:$0x4] =	wrdreg $0xC0  }
0xb1: {  	_ =	task [dreg:s8], $0x5FFFF  }
0xb2: {  	[dreg:$0x1] =	wrdreg $0xFFFFFFFF  }
0xb3: {  	[dreg:$0x0] =	wrdreg $0x60  }
0xb4: {  	[dreg:$0x2] =	wrdreg s24  }
0xb5: {  	[dreg:$0x3] =	wrdreg s15  }
0xb6: {  	[dreg:$0x4] =	wrdreg s16  }
0xb7: {  	[dreg:$0x5] =	wrdreg $0x9  }
0xb8: {  	_ =	task.clear_ibuf [dreg:s8], $0x6FFFF;
	_ =	strace $0x90000049  }
0xb9: {  	s29 =	simm.s32 $0x9;
	_ =	strace $0x8000004B  }
0xba: {  	_ =	swait.ge [sflag:s29], $0x1  }
0xbb: {  	[sflag:s29] =	ssyncadd.s32 $0xFFFFFFFF  }
0xbc: {  	_ =	strace $0x9000004B  }
0xbd: {  	_ =	sfence  }
0xbe: {  	s30 =	sld [smem:$0x0];
	_ =	sdelay $0x2  }
0xbf: {  	s31 =	sshll.u32 s1, $0xD;
	s1 =	sshrl.u32 s1, $0x2  }
0xc0: {  	s3 =	sand.u32 $0x4000, s31;
	s1 =	sadd.s32 s1, s30  }
0xc1: {  	s0 =	sor.u32 s3, s0;
	s1 =	sshll.u32 s1, $0x11  }
0xc2: {  	s0 =	sor.u32 s1, s0  }
0xc3: {  	s0 =	sadd.s32 $0x8F2B, s0  }
0xc4: {  	[sflag:s0] =	ssyncadd.remote.s32 $0x1  }
0xc5: {  	_ =	sfence.sel $0xFFFF  }
0xc6: {  	[dreg:$0x0] =	wrdreg $0xFFFFFFFF;
	(pc) =	sbr.abs _section_cstart, $3  }
0xc7: {  	[dreg:$0x1] =	wrdreg $0xFFFFFFFF  }
0xc8: {  	_ =	task.clear_ibuf [dreg:s8], $0x2FFFF;
	_ =	strace $0x9FFFFFFF  }
0xc9: {  	(tm) =	ssettm $0x7FFFFFFF  }
tec
execute0_lowered:
.L_overlay_start_1:
0x0: {  	(tag) =	ssettag $0x1  }
0x1: {  	s0 =	srdreg.scid;
	s8 =	rddreg [dreg:$0x0]  }
0x2: {  	s3 =	stileid.u32;
	s2 =	rddreg [dreg:$0x1];
	s0 =	sand.u32 $0x1, s0  }
0x3: {  	s4 =	sshll.u32 s3, $0xB;
	s6 =	sadd.s32 $0x3E00, s8;
	s5 =	sshll.u32 s0, $0xA  }
0x4: {  	s3 =	sadd.s32 $0x103E00, s8;
	s5 =	sor.u32 s5, s4;
	s4 =	simm.s32 $0x0  }
0x5: {  	s0 =	ssub.s32 $0x2, s0;
	s1 =	sshrl.u32 s5, $0x3;
	[smem:$0x7FF] =	sst s4  }
0x6: {  	s20 =	sshll.u32 s5, $0x5;
	s5 =	sshll.u32 s5, $0x4;
	s7 =	sadd.s32 s1, s8  }
0x7: {  	_ =	strace $0x8000004A;
	s21 =	sor.u32 $0x10, s1;
	s5 =	sadd.s32 s3, s5  }
0x8: {  	s26 =	sor.u32 $0x20, s1;
	s29 =	sor.u32 $0x30, s1;
	s11 =	sor.u32 $0x40, s1  }
0x9: {  	s13 =	sor.u32 $0x50, s1;
	s19 =	sor.u32 $0x60, s1;
	s1 =	sor.u32 $0x70, s1  }
0xa: {  	s7 =	sadd.s32 $0x2E00, s7;
	[dreg:$0x6] =	wrdreg s5;
	s31 =	sshll.u32 s29, $0x8  }
0xb: {  	s9 =	sshll.u32 s29, $0x7;
	s29 =	simm.s32 $0x280;
	[dreg:$0x4] =	wrdreg s7  }
0xc: {  	s22 =	sshll.u32 s21, $0x8;
	s7 =	sadd.s32 s6, s20;
	[dreg:$0x18] =	wrdreg s29  }
0xd: {  	s24 =	sshll.u32 s21, $0x7;
	s23 =	sadd.s32 s6, s22;
	[dreg:$0x5] =	wrdreg s7  }
0xe: {  	s28 =	sshll.u32 s26, $0x8;
	s25 =	sadd.s32 s3, s24;
	[dreg:$0x7] =	wrdreg s23  }
0xf: {  	s12 =	sshll.u32 s11, $0x8;
	s5 =	sadd.s32 s6, s28;
	[dreg:$0x8] =	wrdreg s25  }
0x10: {  	s15 =	sshll.u32 s13, $0x8;
	s10 =	sadd.s32 s3, s9;
	[dreg:$0x9] =	wrdreg s5  }
0x11: {  	s17 =	sshll.u32 s13, $0x7;
	s16 =	sadd.s32 s6, s15;
	[dreg:$0xc] =	wrdreg s10  }
0x12: {  	s18 =	sadd.s32 s3, s17;
	s20 =	sshll.u32 s19, $0x8;
	[dreg:$0xf] =	wrdreg s16  }
0x13: {  	s22 =	sshll.u32 s1, $0x8;
	s28 =	simm.s32 $0x200;
	[dreg:$0x10] =	wrdreg s18  }
0x14: {  	s1 =	sshll.u32 s1, $0x7;
	s5 =	sadd.s32 s6, s12;
	[dreg:$0x17] =	wrdreg s28  }
0x15: {  	s24 =	sshrl.u32 s0, $0x1;
	s23 =	sadd.s32 s6, s22;
	[dreg:$0xd] =	wrdreg s5  }
0x16: {  	s17 =	simm.s32 $0x2;
	s25 =	simm.s32 $0x100;
	[dreg:$0x13] =	wrdreg s23  }
0x17: {  	s7 =	sshll.u32 s26, $0x7;
	s26 =	simm.s32 $0x180;
	[dreg:$0x15] =	wrdreg s25  }
0x18: {  	s0 =	ssub.s32 s0, s24;
	s30 =	sadd.s32 s3, s7;
	[dreg:$0x16] =	wrdreg s26  }
0x19: {  	s24 =	simm.s32 $0x10400;
	s7 =	sadd.s32 s6, s31;
	[dreg:$0xa] =	wrdreg s30  }
0x1a: {  	s16 =	simm.s32 $0x14400;
	s5 =	sadd.s32 s6, s20;
	[dreg:$0xb] =	wrdreg s7  }
0x1b: {  	s6 =	simm.s32 $0x400;
	s31 =	simm.s32 $0x380;
	[dreg:$0x11] =	wrdreg s5  }
0x1c: {  	s7 =	sshll.u32 s11, $0x7;
	s30 =	simm.s32 $0x300;
	[dreg:$0x1a] =	wrdreg s31  }
0x1d: {  	s14 =	sadd.s32 s3, s7;
	s7 =	sshll.u32 s19, $0x7;
	[dreg:$0x19] =	wrdreg s30  }
0x1e: {  	v2 =	vlaneseq.u32;
	s23 =	simm.s32 $0x80;
	[dreg:$0xe] =	wrdreg s14;
	s21 =	sadd.s32 s3, s7  }
0x1f: {  	vm0 =	vmmov $0xffff;
	v1 =	vshrl.u32 v2, $0x3;
	s25 =	simm.s32 $0x1;
	s3 =	sadd.s32 s3, s1;
	[dreg:$0x12] =	wrdreg s21  }
0x20: {  	v0 =	vand.u32 $0x7, v2;
	v2 =	vor.u32 $0x8, v2;
	v1 =	vmul.u32 $0x8, v1;
	s26 =	simm.s32 $0x8400;
	s5 =	smax.u32 s0, $0x1;
	[dreg:$0x14] =	wrdreg s3  }
.LBB2_1:
0x21: {  	s18 =	rddreg [dreg:$0x4];
	s7 =	simm.s32 $0x3  }
0x22: {  	[tilespmem:s4], [sflag:$0x3] =	stream.linear.gather [hbm4b:s18+s4], $0x400, $0x38;
	[tilespmem:$0x18400] =	vst v63  }
0x23: {  	_ =	swait.ge [sflag:s7], $0x400  }
0x24: {  	[sflag:s7] =	ssyncset.done $0x0  }
0x25: {  	[sflag:s7] =	ssyncadd.s32 $0xFFFFFC00  }
0x26: {  	v3 =	vld [tilespmem:$0x0];
	_ =	sdelay $0x4  }
0x27: {  	v4 =	vshll.u32 v3, $0x1  }
0x28: {  	v3 =	vand.u32 $0x7, v3;
	v4 =	vand.u32 $0xFFFFFFF0, v4  }
0x29: {  	v3 =	vor.u32 v3, v4  }
0x2a: {  	v4 =	vperm.xlane v3, v0;
	_ =	sdelay $0x1  }
0x2b: {  	v3 =	vperm.xlane v3, v2;
	v4 =	vadd.s32 v1, v4;
	_ =	sdelay $0x1  }
0x2c: {  	v3 =	vadd.s32 v1, v3;
	_ =	sdelay $0x2  }
0x2d: {  	[tilespmem:s6], [sflag:$0x1] =	stream.indirect_vreg.gather [hbm4b:s2+s4], $0x80, v4, vm0, $0xb8;
	[tilespmem:$0x18400] =	vst v63  }
0x2e: {  	s0 =	simm.s32 $0xC00  }
0x2f: {  	[tilespmem:s0], [sflag:$0x1] =	stream.indirect_vreg.gather [hbm4b:s2+s4], $0x80, v3, vm0, $0xb8;
	[tilespmem:$0x18400] =	vst v63  }
0x30: {  	v3 =	vld [tilespmem:$0x10];
	_ =	sdelay $0x4  }
0x31: {  	v57 =	vshll.u32 v3, $0x1  }
0x32: {  	v3 =	vand.u32 $0x7, v3;
	v4 =	vand.u32 $0xFFFFFFF0, v57  }
0x33: {  	v3 =	vor.u32 v3, v4  }
0x34: {  	v4 =	vperm.xlane v3, v0;
	_ =	sdelay $0x1  }
0x35: {  	v3 =	vperm.xlane v3, v2;
	v4 =	vadd.s32 v1, v4;
	_ =	sdelay $0x1  }
0x36: {  	v3 =	vadd.s32 v1, v3;
	_ =	sdelay $0x1  }
0x37: {  	s8 =	simm.s32 $0x1400  }
0x38: {  	[tilespmem:s8], [sflag:$0x1] =	stream.indirect_vreg.gather [hbm4b:s2+s4], $0x80, v4, vm0, $0xb8;
	[tilespmem:$0x18400] =	vst v63  }
0x39: {  	s9 =	simm.s32 $0x1C00  }
0x3a: {  	[tilespmem:s9], [sflag:$0x1] =	stream.indirect_vreg.gather [hbm4b:s2+s4], $0x80, v3, vm0, $0xb8;
	[tilespmem:$0x18400] =	vst v63  }
0x3b: {  	v3 =	vld [tilespmem:$0x20];
	_ =	sdelay $0x4  }
0x3c: {  	v58 =	vshll.u32 v3, $0x1  }
0x3d: {  	v3 =	vand.u32 $0x7, v3;
	v4 =	vand.u32 $0xFFFFFFF0, v58  }
0x3e: {  	v3 =	vor.u32 v3, v4  }
0x3f: {  	v4 =	vperm.xlane v3, v0;
	_ =	sdelay $0x1  }
0x40: {  	v3 =	vperm.xlane v3, v2;
	v4 =	vadd.s32 v1, v4;
	_ =	sdelay $0x1  }
0x41: {  	v3 =	vadd.s32 v1, v3;
	_ =	sdelay $0x1  }
0x42: {  	s10 =	simm.s32 $0x2400  }
0x43: {  	[tilespmem:s10], [sflag:$0x1] =	stream.indirect_vreg.gather [hbm4b:s2+s4], $0x80, v4, vm0, $0xb8;
	[tilespmem:$0x18400] =	vst v63  }
0x44: {  	s11 =	simm.s32 $0x2C00  }
0x45: {  	[tilespmem:s11], [sflag:$0x1] =	stream.indirect_vreg.gather [hbm4b:s2+s4], $0x80, v3, vm0, $0xb8;
	[tilespmem:$0x18400] =	vst v63  }
0x46: {  	v3 =	vld [tilespmem:$0x30];
	_ =	sdelay $0x4  }
0x47: {  	v59 =	vshll.u32 v3, $0x1  }
0x48: {  	v3 =	vand.u32 $0x7, v3;
	v4 =	vand.u32 $0xFFFFFFF0, v59  }
0x49: {  	v3 =	vor.u32 v3, v4  }
0x4a: {  	v4 =	vperm.xlane v3, v0;
	_ =	sdelay $0x1  }
0x4b: {  	v3 =	vperm.xlane v3, v2;
	v4 =	vadd.s32 v1, v4;
	_ =	sdelay $0x1  }
0x4c: {  	v3 =	vadd.s32 v1, v3;
	_ =	sdelay $0x1  }
0x4d: {  	s12 =	simm.s32 $0x3400  }
0x4e: {  	[tilespmem:s12], [sflag:$0x1] =	stream.indirect_vreg.gather [hbm4b:s2+s4], $0x80, v4, vm0, $0xb8;
	[tilespmem:$0x18400] =	vst v63  }
0x4f: {  	s13 =	simm.s32 $0x3C00  }
0x50: {  	[tilespmem:s13], [sflag:$0x1] =	stream.indirect_vreg.gather [hbm4b:s2+s4], $0x80, v3, vm0, $0xb8;
	[tilespmem:$0x18400] =	vst v63  }
0x51: {  	v3 =	vld [tilespmem:$0x40];
	_ =	sdelay $0x4  }
0x52: {  	v60 =	vshll.u32 v3, $0x1  }
0x53: {  	v3 =	vand.u32 $0x7, v3;
	v4 =	vand.u32 $0xFFFFFFF0, v60  }
0x54: {  	v3 =	vor.u32 v3, v4  }
0x55: {  	v4 =	vperm.xlane v3, v0;
	_ =	sdelay $0x1  }
0x56: {  	v3 =	vperm.xlane v3, v2;
	v4 =	vadd.s32 v1, v4;
	_ =	sdelay $0x1  }
0x57: {  	v3 =	vadd.s32 v1, v3;
	_ =	sdelay $0x1  }
0x58: {  	s14 =	simm.s32 $0x4400  }
0x59: {  	[tilespmem:s14], [sflag:$0x1] =	stream.indirect_vreg.gather [hbm4b:s2+s4], $0x80, v4, vm0, $0xb8;
	[tilespmem:$0x18400] =	vst v63  }
0x5a: {  	s15 =	simm.s32 $0x4C00  }
0x5b: {  	[tilespmem:s15], [sflag:$0x1] =	stream.indirect_vreg.gather [hbm4b:s2+s4], $0x80, v3, vm0, $0xb8;
	[tilespmem:$0x18400] =	vst v63  }
0x5c: {  	v3 =	vld [tilespmem:$0x50];
	_ =	sdelay $0x4  }
0x5d: {  	v61 =	vshll.u32 v3, $0x1  }
0x5e: {  	v3 =	vand.u32 $0x7, v3;
	v4 =	vand.u32 $0xFFFFFFF0, v61  }
0x5f: {  	v3 =	vor.u32 v3, v4  }
0x60: {  	v4 =	vperm.xlane v3, v0;
	_ =	sdelay $0x1  }
0x61: {  	v3 =	vperm.xlane v3, v2;
	v4 =	vadd.s32 v1, v4;
	_ =	sdelay $0x1  }
0x62: {  	v3 =	vadd.s32 v1, v3;
	_ =	sdelay $0x1  }
0x63: {  	s18 =	simm.s32 $0x5400  }
0x64: {  	[tilespmem:s18], [sflag:$0x1] =	stream.indirect_vreg.gather [hbm4b:s2+s4], $0x80, v4, vm0, $0xb8;
	[tilespmem:$0x18400] =	vst v63  }
0x65: {  	s19 =	simm.s32 $0x5C00  }
0x66: {  	[tilespmem:s19], [sflag:$0x1] =	stream.indirect_vreg.gather [hbm4b:s2+s4], $0x80, v3, vm0, $0xb8;
	[tilespmem:$0x18400] =	vst v63  }
0x67: {  	v3 =	vld [tilespmem:$0x60];
	_ =	sdelay $0x4  }
0x68: {  	v62 =	vshll.u32 v3, $0x1  }
0x69: {  	v3 =	vand.u32 $0x7, v3;
	v4 =	vand.u32 $0xFFFFFFF0, v62  }
0x6a: {  	v3 =	vor.u32 v3, v4  }
0x6b: {  	v4 =	vperm.xlane v3, v0;
	_ =	sdelay $0x1  }
0x6c: {  	v3 =	vperm.xlane v3, v2;
	v4 =	vadd.s32 v1, v4;
	_ =	sdelay $0x1  }
0x6d: {  	v3 =	vadd.s32 v1, v3;
	_ =	sdelay $0x1  }
0x6e: {  	s20 =	simm.s32 $0x6400  }
0x6f: {  	[tilespmem:s20], [sflag:$0x1] =	stream.indirect_vreg.gather [hbm4b:s2+s4], $0x80, v4, vm0, $0xb8;
	[tilespmem:$0x18400] =	vst v63  }
0x70: {  	s21 =	simm.s32 $0x6C00  }
0x71: {  	[tilespmem:s21], [sflag:$0x1] =	stream.indirect_vreg.gather [hbm4b:s2+s4], $0x80, v3, vm0, $0xb8;
	[tilespmem:$0x18400] =	vst v63  }
0x72: {  	v3 =	vld [tilespmem:$0x70];
	_ =	sdelay $0x4  }
0x73: {  	v63 =	vshll.u32 v3, $0x1  }
0x74: {  	v3 =	vand.u32 $0x7, v3;
	v4 =	vand.u32 $0xFFFFFFF0, v63  }
0x75: {  	v3 =	vor.u32 v3, v4  }
0x76: {  	v4 =	vperm.xlane v3, v0;
	_ =	sdelay $0x1  }
0x77: {  	v3 =	vperm.xlane v3, v2;
	v4 =	vadd.s32 v1, v4;
	_ =	sdelay $0x1  }
0x78: {  	v3 =	vadd.s32 v1, v3;
	_ =	sdelay $0x1  }
0x79: {  	s1 =	simm.s32 $0x7400  }
0x7a: {  	[tilespmem:s1], [sflag:$0x1] =	stream.indirect_vreg.gather [hbm4b:s2+s4], $0x80, v4, vm0, $0xb8;
	[tilespmem:$0x18400] =	vst v63  }
0x7b: {  	s8 =	simm.s32 $0x7C00  }
0x7c: {  	[tilespmem:s8], [sflag:$0x1] =	stream.indirect_vreg.gather [hbm4b:s2+s4], $0x80, v3, vm0, $0xb8;
	[tilespmem:$0x18400] =	vst v63  }
0x7d: {  	s1 =	rddreg [dreg:$0x2]  }
0x7e: {  	[tilespmem:s24], [sflag:$0x1] =	stream.indirect.gather [hbm4b:s1+s23], $0x80, s4, s23, $0xb8;
	[tilespmem:$0x18400] =	vst v63  }
0x7f: {  	_ =	swait.ge [sflag:s25], $0x8000  }
0x80: {  	[sflag:s25] =	ssyncset.done $0x0  }
0x81: {  	[sflag:s25] =	ssyncadd.s32 $0xFFFF8000  }
0x82: {  	_ =	swait.ge [sflag:s25], $0x4000  }
0x83: {  	[sflag:s25] =	ssyncset.done $0x0  }
0x84: {  	[sflag:s25] =	ssyncadd.s32 $0xFFFFC000  }
0x85: {  	v3 =	vld [tilespmem:$0x80];
	_ =	sdelay $0x4  }
0x86: {  	v8 =	vshll.u32 v3, $0x1  }
0x87: {  	v3 =	vand.u32 $0x7, v3;
	v4 =	vand.u32 $0xFFFFFFF0, v8  }
0x88: {  	v3 =	vor.u32 v3, v4  }
0x89: {  	v4 =	vperm.xlane v3, v0;
	_ =	sdelay $0x1  }
0x8a: {  	v3 =	vperm.xlane v3, v2;
	v4 =	vadd.s32 v1, v4;
	_ =	sdelay $0x1  }
0x8b: {  	v3 =	vadd.s32 v1, v3;
	_ =	sdelay $0x2  }
0x8c: {  	[tilespmem:s26], [sflag:$0x1] =	stream.indirect_vreg.gather [hbm4b:s2+s4], $0x80, v4, vm0, $0xb8;
	[tilespmem:$0x18400] =	vst v63  }
0x8d: {  	s9 =	simm.s32 $0x8C00  }
0x8e: {  	[tilespmem:s9], [sflag:$0x1] =	stream.indirect_vreg.gather [hbm4b:s2+s4], $0x80, v3, vm0, $0xb8;
	[tilespmem:$0x18400] =	vst v63  }
0x8f: {  	v3 =	vld [tilespmem:$0x90];
	_ =	sdelay $0x4  }
0x90: {  	v9 =	vshll.u32 v3, $0x1  }
0x91: {  	v3 =	vand.u32 $0x7, v3;
	v4 =	vand.u32 $0xFFFFFFF0, v9  }
0x92: {  	v3 =	vor.u32 v3, v4  }
0x93: {  	v4 =	vperm.xlane v3, v0;
	_ =	sdelay $0x1  }
0x94: {  	v3 =	vperm.xlane v3, v2;
	v4 =	vadd.s32 v1, v4;
	_ =	sdelay $0x1  }
0x95: {  	v3 =	vadd.s32 v1, v3;
	_ =	sdelay $0x1  }
0x96: {  	s10 =	simm.s32 $0x9400  }
0x97: {  	[tilespmem:s10], [sflag:$0x1] =	stream.indirect_vreg.gather [hbm4b:s2+s4], $0x80, v4, vm0, $0xb8;
	[tilespmem:$0x18400] =	vst v63  }
0x98: {  	s11 =	simm.s32 $0x9C00  }
0x99: {  	[tilespmem:s11], [sflag:$0x1] =	stream.indirect_vreg.gather [hbm4b:s2+s4], $0x80, v3, vm0, $0xb8;
	[tilespmem:$0x18400] =	vst v63  }
0x9a: {  	v3 =	vld [tilespmem:$0xA0];
	_ =	sdelay $0x4  }
0x9b: {  	v10 =	vshll.u32 v3, $0x1  }
0x9c: {  	v3 =	vand.u32 $0x7, v3;
	v4 =	vand.u32 $0xFFFFFFF0, v10  }
0x9d: {  	v3 =	vor.u32 v3, v4  }
0x9e: {  	v4 =	vperm.xlane v3, v0;
	_ =	sdelay $0x1  }
0x9f: {  	v3 =	vperm.xlane v3, v2;
	v4 =	vadd.s32 v1, v4;
	_ =	sdelay $0x1  }
0xa0: {  	v3 =	vadd.s32 v1, v3;
	_ =	sdelay $0x1  }
0xa1: {  	s12 =	simm.s32 $0xA400  }
0xa2: {  	[tilespmem:s12], [sflag:$0x1] =	stream.indirect_vreg.gather [hbm4b:s2+s4], $0x80, v4, vm0, $0xb8;
	[tilespmem:$0x18400] =	vst v63  }
0xa3: {  	s13 =	simm.s32 $0xAC00  }
0xa4: {  	[tilespmem:s13], [sflag:$0x1] =	stream.indirect_vreg.gather [hbm4b:s2+s4], $0x80, v3, vm0, $0xb8;
	[tilespmem:$0x18400] =	vst v63  }
0xa5: {  	v3 =	vld [tilespmem:$0xB0];
	_ =	sdelay $0x4  }
0xa6: {  	v11 =	vshll.u32 v3, $0x1  }
0xa7: {  	v3 =	vand.u32 $0x7, v3;
	v4 =	vand.u32 $0xFFFFFFF0, v11  }
0xa8: {  	v3 =	vor.u32 v3, v4  }
0xa9: {  	v4 =	vperm.xlane v3, v0;
	_ =	sdelay $0x1  }
0xaa: {  	v3 =	vperm.xlane v3, v2;
	v4 =	vadd.s32 v1, v4;
	_ =	sdelay $0x1  }
0xab: {  	v3 =	vadd.s32 v1, v3;
	_ =	sdelay $0x1  }
0xac: {  	s14 =	simm.s32 $0xB400  }
0xad: {  	[tilespmem:s14], [sflag:$0x1] =	stream.indirect_vreg.gather [hbm4b:s2+s4], $0x80, v4, vm0, $0xb8;
	[tilespmem:$0x18400] =	vst v63  }
0xae: {  	s15 =	simm.s32 $0xBC00  }
0xaf: {  	[tilespmem:s15], [sflag:$0x1] =	stream.indirect_vreg.gather [hbm4b:s2+s4], $0x80, v3, vm0, $0xb8;
	[tilespmem:$0x18400] =	vst v63  }
0xb0: {  	v3 =	vld [tilespmem:$0xC0];
	_ =	sdelay $0x4  }
0xb1: {  	v12 =	vshll.u32 v3, $0x1  }
0xb2: {  	v3 =	vand.u32 $0x7, v3;
	v4 =	vand.u32 $0xFFFFFFF0, v12  }
0xb3: {  	v3 =	vor.u32 v3, v4  }
0xb4: {  	v4 =	vperm.xlane v3, v0;
	_ =	sdelay $0x1  }
0xb5: {  	v3 =	vperm.xlane v3, v2;
	v4 =	vadd.s32 v1, v4;
	_ =	sdelay $0x1  }
0xb6: {  	v3 =	vadd.s32 v1, v3;
	_ =	sdelay $0x1  }
0xb7: {  	s19 =	simm.s32 $0xC400  }
0xb8: {  	[tilespmem:s19], [sflag:$0x1] =	stream.indirect_vreg.gather [hbm4b:s2+s4], $0x80, v4, vm0, $0xb8;
	[tilespmem:$0x18400] =	vst v63  }
0xb9: {  	s20 =	simm.s32 $0xCC00  }
0xba: {  	[tilespmem:s20], [sflag:$0x1] =	stream.indirect_vreg.gather [hbm4b:s2+s4], $0x80, v3, vm0, $0xb8;
	[tilespmem:$0x18400] =	vst v63  }
0xbb: {  	v3 =	vld [tilespmem:$0xD0];
	_ =	sdelay $0x4  }
0xbc: {  	v13 =	vshll.u32 v3, $0x1  }
0xbd: {  	v3 =	vand.u32 $0x7, v3;
	v4 =	vand.u32 $0xFFFFFFF0, v13  }
0xbe: {  	v3 =	vor.u32 v3, v4  }
0xbf: {  	v4 =	vperm.xlane v3, v0;
	_ =	sdelay $0x1  }
0xc0: {  	v3 =	vperm.xlane v3, v2;
	v4 =	vadd.s32 v1, v4;
	_ =	sdelay $0x1  }
0xc1: {  	v3 =	vadd.s32 v1, v3;
	_ =	sdelay $0x1  }
0xc2: {  	s0 =	simm.s32 $0xD400  }
0xc3: {  	[tilespmem:s0], [sflag:$0x1] =	stream.indirect_vreg.gather [hbm4b:s2+s4], $0x80, v4, vm0, $0xb8;
	[tilespmem:$0x18400] =	vst v63  }
0xc4: {  	s12 =	simm.s32 $0xDC00  }
0xc5: {  	[tilespmem:s12], [sflag:$0x1] =	stream.indirect_vreg.gather [hbm4b:s2+s4], $0x80, v3, vm0, $0xb8;
	[tilespmem:$0x18400] =	vst v63  }
0xc6: {  	v3 =	vld [tilespmem:$0xE0];
	_ =	sdelay $0x4  }
0xc7: {  	v14 =	vshll.u32 v3, $0x1  }
0xc8: {  	v3 =	vand.u32 $0x7, v3;
	v4 =	vand.u32 $0xFFFFFFF0, v14  }
0xc9: {  	v3 =	vor.u32 v3, v4  }
0xca: {  	v4 =	vperm.xlane v3, v0;
	_ =	sdelay $0x1  }
0xcb: {  	v3 =	vperm.xlane v3, v2;
	v4 =	vadd.s32 v1, v4;
	_ =	sdelay $0x1  }
0xcc: {  	v3 =	vadd.s32 v1, v3;
	_ =	sdelay $0x1  }
0xcd: {  	s19 =	simm.s32 $0xE400  }
0xce: {  	[tilespmem:s19], [sflag:$0x1] =	stream.indirect_vreg.gather [hbm4b:s2+s4], $0x80, v4, vm0, $0xb8;
	[tilespmem:$0x18400] =	vst v63  }
0xcf: {  	s20 =	simm.s32 $0xEC00  }
0xd0: {  	[tilespmem:s20], [sflag:$0x1] =	stream.indirect_vreg.gather [hbm4b:s2+s4], $0x80, v3, vm0, $0xb8;
	[tilespmem:$0x18400] =	vst v63  }
0xd1: {  	v3 =	vld [tilespmem:$0xF0];
	_ =	sdelay $0x4  }
0xd2: {  	v15 =	vshll.u32 v3, $0x1  }
0xd3: {  	v3 =	vand.u32 $0x7, v3;
	v4 =	vand.u32 $0xFFFFFFF0, v15  }
0xd4: {  	v3 =	vor.u32 v3, v4  }
0xd5: {  	v4 =	vperm.xlane v3, v0;
	_ =	sdelay $0x1  }
0xd6: {  	v3 =	vperm.xlane v3, v2;
	v4 =	vadd.s32 v1, v4;
	_ =	sdelay $0x1  }
0xd7: {  	v3 =	vadd.s32 v1, v3;
	_ =	sdelay $0x1  }
0xd8: {  	s0 =	simm.s32 $0xF400  }
0xd9: {  	[tilespmem:s0], [sflag:$0x1] =	stream.indirect_vreg.gather [hbm4b:s2+s4], $0x80, v4, vm0, $0xb8;
	[tilespmem:$0x18400] =	vst v63  }
0xda: {  	s19 =	simm.s32 $0xFC00  }
0xdb: {  	[tilespmem:s19], [sflag:$0x1] =	stream.indirect_vreg.gather [hbm4b:s2+s4], $0x80, v3, vm0, $0xb8;
	[tilespmem:$0x18400] =	vst v63  }
0xdc: {  	_ = 	snop  }
0xdd: {  	[tilespmem:s16], [sflag:$0x1] =	stream.indirect.gather [hbm4b:s1+s23], $0x80, s23, s23, $0xb8;
	[tilespmem:$0x18400] =	vst v63  }
0xde: {  	s0 =	rddreg [dreg:$0x5]  }
0xdf: {  	[hbm4b:s0+s4] =	stream.linear.scatter [tilespmem:s6], [sflag:$0x2], $0x8000, $0x38;
	[tilespmem:$0x18400] =	vst v63  }
0xe0: {  	s19 =	rddreg [dreg:$0x6]  }
0xe1: {  	[hbm4b:s19+s4] =	stream.linear.scatter [tilespmem:s24], [sflag:$0x2], $0x4000, $0x38;
	[tilespmem:$0x18400] =	vst v63  }
0xe2: {  	_ =	swait.ge [sflag:s25], $0x8000  }
0xe3: {  	[sflag:s25] =	ssyncset.done $0x0  }
0xe4: {  	[sflag:s25] =	ssyncadd.s32 $0xFFFF8000  }
0xe5: {  	_ =	swait.ge [sflag:s25], $0x4000  }
0xe6: {  	[sflag:s25] =	ssyncset.done $0x0  }
0xe7: {  	[sflag:s25] =	ssyncadd.s32 $0xFFFFC000  }
0xe8: {  	_ =	swait.ge [sflag:s17], $0x8000  }
0xe9: {  	[sflag:s17] =	ssyncset.done $0x0  }
0xea: {  	[sflag:s17] =	ssyncadd.s32 $0xFFFF8000  }
0xeb: {  	_ =	swait.ge [sflag:s17], $0x4000  }
0xec: {  	[sflag:s17] =	ssyncset.done $0x0  }
0xed: {  	[sflag:s17] =	ssyncadd.s32 $0xFFFFC000  }
0xee: {  	v3 =	vld [tilespmem:$0x100];
	_ =	sdelay $0x4  }
0xef: {  	v16 =	vshll.u32 v3, $0x1  }
0xf0: {  	v3 =	vand.u32 $0x7, v3;
	v4 =	vand.u32 $0xFFFFFFF0, v16  }
0xf1: {  	v3 =	vor.u32 v3, v4  }
0xf2: {  	v4 =	vperm.xlane v3, v0;
	_ =	sdelay $0x1  }
0xf3: {  	v3 =	vperm.xlane v3, v2;
	v4 =	vadd.s32 v1, v4;
	_ =	sdelay $0x1  }
0xf4: {  	v3 =	vadd.s32 v1, v3;
	_ =	sdelay $0x2  }
0xf5: {  	[tilespmem:s6], [sflag:$0x1] =	stream.indirect_vreg.gather [hbm4b:s2+s4], $0x80, v4, vm0, $0xb8;
	[tilespmem:$0x18400] =	vst v63  }
0xf6: {  	s30 =	simm.s32 $0xC00  }
0xf7: {  	[tilespmem:s30], [sflag:$0x1] =	stream.indirect_vreg.gather [hbm4b:s2+s4], $0x80, v3, vm0, $0xb8;
	[tilespmem:$0x18400] =	vst v63  }
0xf8: {  	v3 =	vld [tilespmem:$0x110];
	_ =	sdelay $0x4  }
0xf9: {  	v17 =	vshll.u32 v3, $0x1  }
0xfa: {  	v3 =	vand.u32 $0x7, v3;
	v4 =	vand.u32 $0xFFFFFFF0, v17  }
0xfb: {  	v3 =	vor.u32 v3, v4  }
0xfc: {  	v4 =	vperm.xlane v3, v0;
	_ =	sdelay $0x1  }
0xfd: {  	v3 =	vperm.xlane v3, v2;
	v4 =	vadd.s32 v1, v4;
	_ =	sdelay $0x1  }
0xfe: {  	v3 =	vadd.s32 v1, v3;
	_ =	sdelay $0x1  }
0xff: {  	s22 =	simm.s32 $0x1400  }
0x100: {  	[tilespmem:s22], [sflag:$0x1] =	stream.indirect_vreg.gather [hbm4b:s2+s4], $0x80, v4, vm0, $0xb8;
	[tilespmem:$0x18400] =	vst v63  }
0x101: {  	s31 =	simm.s32 $0x1C00  }
0x102: {  	[tilespmem:s31], [sflag:$0x1] =	stream.indirect_vreg.gather [hbm4b:s2+s4], $0x80, v3, vm0, $0xb8;
	[tilespmem:$0x18400] =	vst v63  }
0x103: {  	v3 =	vld [tilespmem:$0x120];
	_ =	sdelay $0x4  }
0x104: {  	v18 =	vshll.u32 v3, $0x1  }
0x105: {  	v3 =	vand.u32 $0x7, v3;
	v4 =	vand.u32 $0xFFFFFFF0, v18  }
0x106: {  	v3 =	vor.u32 v3, v4  }
0x107: {  	v4 =	vperm.xlane v3, v0;
	_ =	sdelay $0x1  }
0x108: {  	v3 =	vperm.xlane v3, v2;
	v4 =	vadd.s32 v1, v4;
	_ =	sdelay $0x1  }
0x109: {  	v3 =	vadd.s32 v1, v3;
	_ =	sdelay $0x1  }
0x10a: {  	s28 =	simm.s32 $0x2400  }
0x10b: {  	[tilespmem:s28], [sflag:$0x1] =	stream.indirect_vreg.gather [hbm4b:s2+s4], $0x80, v4, vm0, $0xb8;
	[tilespmem:$0x18400] =	vst v63  }
0x10c: {  	s3 =	simm.s32 $0x2C00  }
0x10d: {  	[tilespmem:s3], [sflag:$0x1] =	stream.indirect_vreg.gather [hbm4b:s2+s4], $0x80, v3, vm0, $0xb8;
	[tilespmem:$0x18400] =	vst v63  }
0x10e: {  	v3 =	vld [tilespmem:$0x130];
	_ =	sdelay $0x4  }
0x10f: {  	v19 =	vshll.u32 v3, $0x1  }
0x110: {  	v3 =	vand.u32 $0x7, v3;
	v4 =	vand.u32 $0xFFFFFFF0, v19  }
0x111: {  	v3 =	vor.u32 v3, v4  }
0x112: {  	v4 =	vperm.xlane v3, v0;
	_ =	sdelay $0x1  }
0x113: {  	v3 =	vperm.xlane v3, v2;
	v4 =	vadd.s32 v1, v4;
	_ =	sdelay $0x1  }
0x114: {  	v3 =	vadd.s32 v1, v3;
	_ =	sdelay $0x1  }
0x115: {  	s29 =	simm.s32 $0x3400  }
0x116: {  	[tilespmem:s29], [sflag:$0x1] =	stream.indirect_vreg.gather [hbm4b:s2+s4], $0x80, v4, vm0, $0xb8;
	[tilespmem:$0x18400] =	vst v63  }
0x117: {  	s7 =	simm.s32 $0x3C00  }
0x118: {  	[tilespmem:s7], [sflag:$0x1] =	stream.indirect_vreg.gather [hbm4b:s2+s4], $0x80, v3, vm0, $0xb8;
	[tilespmem:$0x18400] =	vst v63  }
0x119: {  	v3 =	vld [tilespmem:$0x140];
	_ =	sdelay $0x4  }
0x11a: {  	v20 =	vshll.u32 v3, $0x1  }
0x11b: {  	v3 =	vand.u32 $0x7, v3;
	v4 =	vand.u32 $0xFFFFFFF0, v20  }
0x11c: {  	v3 =	vor.u32 v3, v4  }
0x11d: {  	v4 =	vperm.xlane v3, v0;
	_ =	sdelay $0x1  }
0x11e: {  	v3 =	vperm.xlane v3, v2;
	v4 =	vadd.s32 v1, v4;
	_ =	sdelay $0x1  }
0x11f: {  	v3 =	vadd.s32 v1, v3;
	_ =	sdelay $0x1  }
0x120: {  	s28 =	simm.s32 $0x4400  }
0x121: {  	[tilespmem:s28], [sflag:$0x1] =	stream.indirect_vreg.gather [hbm4b:s2+s4], $0x80, v4, vm0, $0xb8;
	[tilespmem:$0x18400] =	vst v63  }
0x122: {  	s0 =	simm.s32 $0x4C00  }
0x123: {  	[tilespmem:s0], [sflag:$0x1] =	stream.indirect_vreg.gather [hbm4b:s2+s4], $0x80, v3, vm0, $0xb8;
	[tilespmem:$0x18400] =	vst v63  }
0x124: {  	v3 =	vld [tilespmem:$0x150];
	_ =	sdelay $0x4  }
0x125: {  	v21 =	vshll.u32 v3, $0x1  }
0x126: {  	v3 =	vand.u32 $0x7, v3;
	v4 =	vand.u32 $0xFFFFFFF0, v21  }
0x127: {  	v3 =	vor.u32 v3, v4  }
0x128: {  	v4 =	vperm.xlane v3, v0;
	_ =	sdelay $0x1  }
0x129: {  	v3 =	vperm.xlane v3, v2;
	v4 =	vadd.s32 v1, v4;
	_ =	sdelay $0x1  }
0x12a: {  	v3 =	vadd.s32 v1, v3;
	_ =	sdelay $0x1  }
0x12b: {  	s29 =	simm.s32 $0x5400  }
0x12c: {  	[tilespmem:s29], [sflag:$0x1] =	stream.indirect_vreg.gather [hbm4b:s2+s4], $0x80, v4, vm0, $0xb8;
	[tilespmem:$0x18400] =	vst v63  }
0x12d: {  	s7 =	simm.s32 $0x5C00  }
0x12e: {  	[tilespmem:s7], [sflag:$0x1] =	stream.indirect_vreg.gather [hbm4b:s2+s4], $0x80, v3, vm0, $0xb8;
	[tilespmem:$0x18400] =	vst v63  }
0x12f: {  	v3 =	vld [tilespmem:$0x160];
	_ =	sdelay $0x4  }
0x130: {  	v22 =	vshll.u32 v3, $0x1  }
0x131: {  	v3 =	vand.u32 $0x7, v3;
	v4 =	vand.u32 $0xFFFFFFF0, v22  }
0x132: {  	v3 =	vor.u32 v3, v4  }
0x133: {  	v4 =	vperm.xlane v3, v0;
	_ =	sdelay $0x1  }
0x134: {  	v3 =	vperm.xlane v3, v2;
	v4 =	vadd.s32 v1, v4;
	_ =	sdelay $0x1  }
0x135: {  	v3 =	vadd.s32 v1, v3;
	_ =	sdelay $0x1  }
0x136: {  	s30 =	simm.s32 $0x6400  }
0x137: {  	[tilespmem:s30], [sflag:$0x1] =	stream.indirect_vreg.gather [hbm4b:s2+s4], $0x80, v4, vm0, $0xb8;
	[tilespmem:$0x18400] =	vst v63  }
0x138: {  	s3 =	simm.s32 $0x6C00  }
0x139: {  	[tilespmem:s3], [sflag:$0x1] =	stream.indirect_vreg.gather [hbm4b:s2+s4], $0x80, v3, vm0, $0xb8;
	[tilespmem:$0x18400] =	vst v63  }
0x13a: {  	v3 =	vld [tilespmem:$0x170];
	_ =	sdelay $0x4  }
0x13b: {  	v23 =	vshll.u32 v3, $0x1  }
0x13c: {  	v3 =	vand.u32 $0x7, v3;
	v4 =	vand.u32 $0xFFFFFFF0, v23  }
0x13d: {  	v3 =	vor.u32 v3, v4  }
0x13e: {  	v4 =	vperm.xlane v3, v0;
	_ =	sdelay $0x1  }
0x13f: {  	v3 =	vperm.xlane v3, v2;
	v4 =	vadd.s32 v1, v4;
	_ =	sdelay $0x1  }
0x140: {  	v3 =	vadd.s32 v1, v3;
	_ =	sdelay $0x1  }
0x141: {  	s31 =	simm.s32 $0x7400  }
0x142: {  	[tilespmem:s31], [sflag:$0x1] =	stream.indirect_vreg.gather [hbm4b:s2+s4], $0x80, v4, vm0, $0xb8;
	[tilespmem:$0x18400] =	vst v63  }
0x143: {  	s22 =	simm.s32 $0x7C00  }
0x144: {  	[tilespmem:s22], [sflag:$0x1] =	stream.indirect_vreg.gather [hbm4b:s2+s4], $0x80, v3, vm0, $0xb8;
	[tilespmem:$0x18400] =	vst v63  }
0x145: {  	s18 =	rddreg [dreg:$0x15]  }
0x146: {  	[tilespmem:s24], [sflag:$0x1] =	stream.indirect.gather [hbm4b:s1+s23], $0x80, s18, s23, $0xb8;
	[tilespmem:$0x18400] =	vst v63  }
0x147: {  	s19 =	rddreg [dreg:$0x7]  }
0x148: {  	[hbm4b:s19+s4] =	stream.linear.scatter [tilespmem:s26], [sflag:$0x2], $0x8000, $0x38;
	[tilespmem:$0x18400] =	vst v63  }
0x149: {  	s18 =	rddreg [dreg:$0x8]  }
0x14a: {  	[hbm4b:s18+s4] =	stream.linear.scatter [tilespmem:s16], [sflag:$0x2], $0x4000, $0x38;
	[tilespmem:$0x18400] =	vst v63  }
0x14b: {  	_ =	swait.ge [sflag:s25], $0x8000  }
0x14c: {  	[sflag:s25] =	ssyncset.done $0x0  }
0x14d: {  	[sflag:s25] =	ssyncadd.s32 $0xFFFF8000  }
0x14e: {  	_ =	swait.ge [sflag:s25], $0x4000  }
0x14f: {  	[sflag:s25] =	ssyncset.done $0x0  }
0x150: {  	[sflag:s25] =	ssyncadd.s32 $0xFFFFC000  }
0x151: {  	_ =	swait.ge [sflag:s17], $0x8000  }
0x152: {  	[sflag:s17] =	ssyncset.done $0x0  }
0x153: {  	[sflag:s17] =	ssyncadd.s32 $0xFFFF8000  }
0x154: {  	_ =	swait.ge [sflag:s17], $0x4000  }
0x155: {  	[sflag:s17] =	ssyncset.done $0x0  }
0x156: {  	[sflag:s17] =	ssyncadd.s32 $0xFFFFC000  }
0x157: {  	v3 =	vld [tilespmem:$0x180];
	_ =	sdelay $0x4  }
0x158: {  	v24 =	vshll.u32 v3, $0x1  }
0x159: {  	v3 =	vand.u32 $0x7, v3;
	v4 =	vand.u32 $0xFFFFFFF0, v24  }
0x15a: {  	v3 =	vor.u32 v3, v4  }
0x15b: {  	v4 =	vperm.xlane v3, v0;
	_ =	sdelay $0x1  }
0x15c: {  	v3 =	vperm.xlane v3, v2;
	v4 =	vadd.s32 v1, v4;
	_ =	sdelay $0x1  }
0x15d: {  	v3 =	vadd.s32 v1, v3;
	_ =	sdelay $0x2  }
0x15e: {  	[tilespmem:s26], [sflag:$0x1] =	stream.indirect_vreg.gather [hbm4b:s2+s4], $0x80, v4, vm0, $0xb8;
	[tilespmem:$0x18400] =	vst v63  }
0x15f: {  	s8 =	simm.s32 $0x8C00  }
0x160: {  	[tilespmem:s8], [sflag:$0x1] =	stream.indirect_vreg.gather [hbm4b:s2+s4], $0x80, v3, vm0, $0xb8;
	[tilespmem:$0x18400] =	vst v63  }
0x161: {  	v3 =	vld [tilespmem:$0x190];
	_ =	sdelay $0x4  }
0x162: {  	v25 =	vshll.u32 v3, $0x1  }
0x163: {  	v3 =	vand.u32 $0x7, v3;
	v4 =	vand.u32 $0xFFFFFFF0, v25  }
0x164: {  	v3 =	vor.u32 v3, v4  }
0x165: {  	v4 =	vperm.xlane v3, v0;
	_ =	sdelay $0x1  }
0x166: {  	v3 =	vperm.xlane v3, v2;
	v4 =	vadd.s32 v1, v4;
	_ =	sdelay $0x1  }
0x167: {  	v3 =	vadd.s32 v1, v3;
	_ =	sdelay $0x1  }
0x168: {  	s8 =	simm.s32 $0x9400  }
0x169: {  	[tilespmem:s8], [sflag:$0x1] =	stream.indirect_vreg.gather [hbm4b:s2+s4], $0x80, v4, vm0, $0xb8;
	[tilespmem:$0x18400] =	vst v63  }
0x16a: {  	s21 =	simm.s32 $0x9C00  }
0x16b: {  	[tilespmem:s21], [sflag:$0x1] =	stream.indirect_vreg.gather [hbm4b:s2+s4], $0x80, v3, vm0, $0xb8;
	[tilespmem:$0x18400] =	vst v63  }
0x16c: {  	v3 =	vld [tilespmem:$0x1A0];
	_ =	sdelay $0x4  }
0x16d: {  	v26 =	vshll.u32 v3, $0x1  }
0x16e: {  	v3 =	vand.u32 $0x7, v3;
	v4 =	vand.u32 $0xFFFFFFF0, v26  }
0x16f: {  	v3 =	vor.u32 v3, v4  }
0x170: {  	v4 =	vperm.xlane v3, v0;
	_ =	sdelay $0x1  }
0x171: {  	v3 =	vperm.xlane v3, v2;
	v4 =	vadd.s32 v1, v4;
	_ =	sdelay $0x1  }
0x172: {  	v3 =	vadd.s32 v1, v3;
	_ =	sdelay $0x1  }
0x173: {  	s21 =	simm.s32 $0xA400  }
0x174: {  	[tilespmem:s21], [sflag:$0x1] =	stream.indirect_vreg.gather [hbm4b:s2+s4], $0x80, v4, vm0, $0xb8;
	[tilespmem:$0x18400] =	vst v63  }
0x175: {  	s9 =	simm.s32 $0xAC00  }
0x176: {  	[tilespmem:s9], [sflag:$0x1] =	stream.indirect_vreg.gather [hbm4b:s2+s4], $0x80, v3, vm0, $0xb8;
	[tilespmem:$0x18400] =	vst v63  }
0x177: {  	v3 =	vld [tilespmem:$0x1B0];
	_ =	sdelay $0x4  }
0x178: {  	v27 =	vshll.u32 v3, $0x1  }
0x179: {  	v3 =	vand.u32 $0x7, v3;
	v4 =	vand.u32 $0xFFFFFFF0, v27  }
0x17a: {  	v3 =	vor.u32 v3, v4  }
0x17b: {  	v4 =	vperm.xlane v3, v0;
	_ =	sdelay $0x1  }
0x17c: {  	v3 =	vperm.xlane v3, v2;
	v4 =	vadd.s32 v1, v4;
	_ =	sdelay $0x1  }
0x17d: {  	v3 =	vadd.s32 v1, v3;
	_ =	sdelay $0x1  }
0x17e: {  	s14 =	simm.s32 $0xB400  }
0x17f: {  	[tilespmem:s14], [sflag:$0x1] =	stream.indirect_vreg.gather [hbm4b:s2+s4], $0x80, v4, vm0, $0xb8;
	[tilespmem:$0x18400] =	vst v63  }
0x180: {  	s10 =	simm.s32 $0xBC00  }
0x181: {  	[tilespmem:s10], [sflag:$0x1] =	stream.indirect_vreg.gather [hbm4b:s2+s4], $0x80, v3, vm0, $0xb8;
	[tilespmem:$0x18400] =	vst v63  }
0x182: {  	v3 =	vld [tilespmem:$0x1C0];
	_ =	sdelay $0x4  }
0x183: {  	v28 =	vshll.u32 v3, $0x1  }
0x184: {  	v3 =	vand.u32 $0x7, v3;
	v4 =	vand.u32 $0xFFFFFFF0, v28  }
0x185: {  	v3 =	vor.u32 v3, v4  }
0x186: {  	v4 =	vperm.xlane v3, v0;
	_ =	sdelay $0x1  }
0x187: {  	v3 =	vperm.xlane v3, v2;
	v4 =	vadd.s32 v1, v4;
	_ =	sdelay $0x1  }
0x188: {  	v3 =	vadd.s32 v1, v3;
	_ =	sdelay $0x1  }
0x189: {  	s15 =	simm.s32 $0xC400  }
0x18a: {  	[tilespmem:s15], [sflag:$0x1] =	stream.indirect_vreg.gather [hbm4b:s2+s4], $0x80, v4, vm0, $0xb8;
	[tilespmem:$0x18400] =	vst v63  }
0x18b: {  	s11 =	simm.s32 $0xCC00  }
0x18c: {  	[tilespmem:s11], [sflag:$0x1] =	stream.indirect_vreg.gather [hbm4b:s2+s4], $0x80, v3, vm0, $0xb8;
	[tilespmem:$0x18400] =	vst v63  }
0x18d: {  	v3 =	vld [tilespmem:$0x1D0];
	_ =	sdelay $0x4  }
0x18e: {  	v29 =	vshll.u32 v3, $0x1  }
0x18f: {  	v3 =	vand.u32 $0x7, v3;
	v4 =	vand.u32 $0xFFFFFFF0, v29  }
0x190: {  	v3 =	vor.u32 v3, v4  }
0x191: {  	v4 =	vperm.xlane v3, v0;
	_ =	sdelay $0x1  }
0x192: {  	v3 =	vperm.xlane v3, v2;
	v4 =	vadd.s32 v1, v4;
	_ =	sdelay $0x1  }
0x193: {  	v3 =	vadd.s32 v1, v3;
	_ =	sdelay $0x1  }
0x194: {  	s13 =	simm.s32 $0xD400  }
0x195: {  	[tilespmem:s13], [sflag:$0x1] =	stream.indirect_vreg.gather [hbm4b:s2+s4], $0x80, v4, vm0, $0xb8;
	[tilespmem:$0x18400] =	vst v63  }
0x196: {  	s12 =	simm.s32 $0xDC00  }
0x197: {  	[tilespmem:s12], [sflag:$0x1] =	stream.indirect_vreg.gather [hbm4b:s2+s4], $0x80, v3, vm0, $0xb8;
	[tilespmem:$0x18400] =	vst v63  }
0x198: {  	v3 =	vld [tilespmem:$0x1E0];
	_ =	sdelay $0x4  }
0x199: {  	v30 =	vshll.u32 v3, $0x1  }
0x19a: {  	v3 =	vand.u32 $0x7, v3;
	v4 =	vand.u32 $0xFFFFFFF0, v30  }
0x19b: {  	v3 =	vor.u32 v3, v4  }
0x19c: {  	v4 =	vperm.xlane v3, v0;
	_ =	sdelay $0x1  }
0x19d: {  	v3 =	vperm.xlane v3, v2;
	v4 =	vadd.s32 v1, v4;
	_ =	sdelay $0x1  }
0x19e: {  	v3 =	vadd.s32 v1, v3;
	_ =	sdelay $0x1  }
0x19f: {  	s18 =	simm.s32 $0xE400  }
0x1a0: {  	[tilespmem:s18], [sflag:$0x1] =	stream.indirect_vreg.gather [hbm4b:s2+s4], $0x80, v4, vm0, $0xb8;
	[tilespmem:$0x18400] =	vst v63  }
0x1a1: {  	s20 =	simm.s32 $0xEC00  }
0x1a2: {  	[tilespmem:s20], [sflag:$0x1] =	stream.indirect_vreg.gather [hbm4b:s2+s4], $0x80, v3, vm0, $0xb8;
	[tilespmem:$0x18400] =	vst v63  }
0x1a3: {  	v3 =	vld [tilespmem:$0x1F0];
	_ =	sdelay $0x4  }
0x1a4: {  	v31 =	vshll.u32 v3, $0x1  }
0x1a5: {  	v3 =	vand.u32 $0x7, v3;
	v4 =	vand.u32 $0xFFFFFFF0, v31  }
0x1a6: {  	v3 =	vor.u32 v3, v4  }
0x1a7: {  	v4 =	vperm.xlane v3, v0;
	_ =	sdelay $0x1  }
0x1a8: {  	v3 =	vperm.xlane v3, v2;
	v4 =	vadd.s32 v1, v4;
	_ =	sdelay $0x1  }
0x1a9: {  	v3 =	vadd.s32 v1, v3;
	_ =	sdelay $0x1  }
0x1aa: {  	s19 =	simm.s32 $0xF400  }
0x1ab: {  	[tilespmem:s19], [sflag:$0x1] =	stream.indirect_vreg.gather [hbm4b:s2+s4], $0x80, v4, vm0, $0xb8;
	[tilespmem:$0x18400] =	vst v63  }
0x1ac: {  	s21 =	simm.s32 $0xFC00  }
0x1ad: {  	[tilespmem:s21], [sflag:$0x1] =	stream.indirect_vreg.gather [hbm4b:s2+s4], $0x80, v3, vm0, $0xb8;
	[tilespmem:$0x18400] =	vst v63  }
0x1ae: {  	s20 =	rddreg [dreg:$0x16]  }
0x1af: {  	[tilespmem:s16], [sflag:$0x1] =	stream.indirect.gather [hbm4b:s1+s23], $0x80, s20, s23, $0xb8;
	[tilespmem:$0x18400] =	vst v63  }
0x1b0: {  	s9 =	rddreg [dreg:$0x9]  }
0x1b1: {  	[hbm4b:s9+s4] =	stream.linear.scatter [tilespmem:s6], [sflag:$0x2], $0x8000, $0x38;
	[tilespmem:$0x18400] =	vst v63  }
0x1b2: {  	s13 =	rddreg [dreg:$0xa]  }
0x1b3: {  	[hbm4b:s13+s4] =	stream.linear.scatter [tilespmem:s24], [sflag:$0x2], $0x4000, $0x38;
	[tilespmem:$0x18400] =	vst v63  }
0x1b4: {  	_ =	swait.ge [sflag:s25], $0x8000  }
0x1b5: {  	[sflag:s25] =	ssyncset.done $0x0  }
0x1b6: {  	[sflag:s25] =	ssyncadd.s32 $0xFFFF8000  }
0x1b7: {  	_ =	swait.ge [sflag:s25], $0x4000  }
0x1b8: {  	[sflag:s25] =	ssyncset.done $0x0  }
0x1b9: {  	[sflag:s25] =	ssyncadd.s32 $0xFFFFC000  }
0x1ba: {  	_ =	swait.ge [sflag:s17], $0x8000  }
0x1bb: {  	[sflag:s17] =	ssyncset.done $0x0  }
0x1bc: {  	[sflag:s17] =	ssyncadd.s32 $0xFFFF8000  }
0x1bd: {  	_ =	swait.ge [sflag:s17], $0x4000  }
0x1be: {  	[sflag:s17] =	ssyncset.done $0x0  }
0x1bf: {  	[sflag:s17] =	ssyncadd.s32 $0xFFFFC000  }
0x1c0: {  	v3 =	vld [tilespmem:$0x200];
	_ =	sdelay $0x4  }
0x1c1: {  	v32 =	vshll.u32 v3, $0x1  }
0x1c2: {  	v3 =	vand.u32 $0x7, v3;
	v4 =	vand.u32 $0xFFFFFFF0, v32  }
0x1c3: {  	v3 =	vor.u32 v3, v4  }
0x1c4: {  	v4 =	vperm.xlane v3, v0;
	_ =	sdelay $0x1  }
0x1c5: {  	v3 =	vperm.xlane v3, v2;
	v4 =	vadd.s32 v1, v4;
	_ =	sdelay $0x1  }
0x1c6: {  	v3 =	vadd.s32 v1, v3;
	_ =	sdelay $0x2  }
0x1c7: {  	[tilespmem:s6], [sflag:$0x1] =	stream.indirect_vreg.gather [hbm4b:s2+s4], $0x80, v4, vm0, $0xb8;
	[tilespmem:$0x18400] =	vst v63  }
0x1c8: {  	s20 =	simm.s32 $0xC00  }
0x1c9: {  	[tilespmem:s20], [sflag:$0x1] =	stream.indirect_vreg.gather [hbm4b:s2+s4], $0x80, v3, vm0, $0xb8;
	[tilespmem:$0x18400] =	vst v63  }
0x1ca: {  	v3 =	vld [tilespmem:$0x210];
	_ =	sdelay $0x4  }
0x1cb: {  	v33 =	vshll.u32 v3, $0x1  }
0x1cc: {  	v3 =	vand.u32 $0x7, v3;
	v4 =	vand.u32 $0xFFFFFFF0, v33  }
0x1cd: {  	v3 =	vor.u32 v3, v4  }
0x1ce: {  	v4 =	vperm.xlane v3, v0;
	_ =	sdelay $0x1  }
0x1cf: {  	v3 =	vperm.xlane v3, v2;
	v4 =	vadd.s32 v1, v4;
	_ =	sdelay $0x1  }
0x1d0: {  	v3 =	vadd.s32 v1, v3;
	_ =	sdelay $0x1  }
0x1d1: {  	s21 =	simm.s32 $0x1400  }
0x1d2: {  	[tilespmem:s21], [sflag:$0x1] =	stream.indirect_vreg.gather [hbm4b:s2+s4], $0x80, v4, vm0, $0xb8;
	[tilespmem:$0x18400] =	vst v63  }
0x1d3: {  	s13 =	simm.s32 $0x1C00  }
0x1d4: {  	[tilespmem:s13], [sflag:$0x1] =	stream.indirect_vreg.gather [hbm4b:s2+s4], $0x80, v3, vm0, $0xb8;
	[tilespmem:$0x18400] =	vst v63  }
0x1d5: {  	v3 =	vld [tilespmem:$0x220];
	_ =	sdelay $0x4  }
0x1d6: {  	v34 =	vshll.u32 v3, $0x1  }
0x1d7: {  	v3 =	vand.u32 $0x7, v3;
	v4 =	vand.u32 $0xFFFFFFF0, v34  }
0x1d8: {  	v3 =	vor.u32 v3, v4  }
0x1d9: {  	v4 =	vperm.xlane v3, v0;
	_ =	sdelay $0x1  }
0x1da: {  	v3 =	vperm.xlane v3, v2;
	v4 =	vadd.s32 v1, v4;
	_ =	sdelay $0x1  }
0x1db: {  	v3 =	vadd.s32 v1, v3;
	_ =	sdelay $0x1  }
0x1dc: {  	s18 =	simm.s32 $0x2400  }
0x1dd: {  	[tilespmem:s18], [sflag:$0x1] =	stream.indirect_vreg.gather [hbm4b:s2+s4], $0x80, v4, vm0, $0xb8;
	[tilespmem:$0x18400] =	vst v63  }
0x1de: {  	s19 =	simm.s32 $0x2C00  }
0x1df: {  	[tilespmem:s19], [sflag:$0x1] =	stream.indirect_vreg.gather [hbm4b:s2+s4], $0x80, v3, vm0, $0xb8;
	[tilespmem:$0x18400] =	vst v63  }
0x1e0: {  	v3 =	vld [tilespmem:$0x230];
	_ =	sdelay $0x4  }
0x1e1: {  	v35 =	vshll.u32 v3, $0x1  }
0x1e2: {  	v3 =	vand.u32 $0x7, v3;
	v4 =	vand.u32 $0xFFFFFFF0, v35  }
0x1e3: {  	v3 =	vor.u32 v3, v4  }
0x1e4: {  	v4 =	vperm.xlane v3, v0;
	_ =	sdelay $0x1  }
0x1e5: {  	v3 =	vperm.xlane v3, v2;
	v4 =	vadd.s32 v1, v4;
	_ =	sdelay $0x1  }
0x1e6: {  	v3 =	vadd.s32 v1, v3;
	_ =	sdelay $0x1  }
0x1e7: {  	s20 =	simm.s32 $0x3400  }
0x1e8: {  	[tilespmem:s20], [sflag:$0x1] =	stream.indirect_vreg.gather [hbm4b:s2+s4], $0x80, v4, vm0, $0xb8;
	[tilespmem:$0x18400] =	vst v63  }
0x1e9: {  	s21 =	simm.s32 $0x3C00  }
0x1ea: {  	[tilespmem:s21], [sflag:$0x1] =	stream.indirect_vreg.gather [hbm4b:s2+s4], $0x80, v3, vm0, $0xb8;
	[tilespmem:$0x18400] =	vst v63  }
0x1eb: {  	v3 =	vld [tilespmem:$0x240];
	_ =	sdelay $0x4  }
0x1ec: {  	v36 =	vshll.u32 v3, $0x1  }
0x1ed: {  	v3 =	vand.u32 $0x7, v3;
	v4 =	vand.u32 $0xFFFFFFF0, v36  }
0x1ee: {  	v3 =	vor.u32 v3, v4  }
0x1ef: {  	v4 =	vperm.xlane v3, v0;
	_ =	sdelay $0x1  }
0x1f0: {  	v3 =	vperm.xlane v3, v2;
	v4 =	vadd.s32 v1, v4;
	_ =	sdelay $0x1  }
0x1f1: {  	v3 =	vadd.s32 v1, v3;
	_ =	sdelay $0x2  }
0x1f2: {  	[tilespmem:s28], [sflag:$0x1] =	stream.indirect_vreg.gather [hbm4b:s2+s4], $0x80, v4, vm0, $0xb8;
	[tilespmem:$0x18400] =	vst v63  }
0x1f3: {  	_ = 	snop  }
0x1f4: {  	[tilespmem:s0], [sflag:$0x1] =	stream.indirect_vreg.gather [hbm4b:s2+s4], $0x80, v3, vm0, $0xb8;
	[tilespmem:$0x18400] =	vst v63  }
0x1f5: {  	v3 =	vld [tilespmem:$0x250];
	_ =	sdelay $0x4  }
0x1f6: {  	v37 =	vshll.u32 v3, $0x1  }
0x1f7: {  	v3 =	vand.u32 $0x7, v3;
	v4 =	vand.u32 $0xFFFFFFF0, v37  }
0x1f8: {  	v3 =	vor.u32 v3, v4  }
0x1f9: {  	v4 =	vperm.xlane v3, v0;
	_ =	sdelay $0x1  }
0x1fa: {  	v3 =	vperm.xlane v3, v2;
	v4 =	vadd.s32 v1, v4;
	_ =	sdelay $0x1  }
0x1fb: {  	v3 =	vadd.s32 v1, v3;
	_ =	sdelay $0x2  }
0x1fc: {  	[tilespmem:s29], [sflag:$0x1] =	stream.indirect_vreg.gather [hbm4b:s2+s4], $0x80, v4, vm0, $0xb8;
	[tilespmem:$0x18400] =	vst v63  }
0x1fd: {  	_ = 	snop  }
0x1fe: {  	[tilespmem:s7], [sflag:$0x1] =	stream.indirect_vreg.gather [hbm4b:s2+s4], $0x80, v3, vm0, $0xb8;
	[tilespmem:$0x18400] =	vst v63  }
0x1ff: {  	v3 =	vld [tilespmem:$0x260];
	_ =	sdelay $0x4  }
0x200: {  	v38 =	vshll.u32 v3, $0x1  }
0x201: {  	v3 =	vand.u32 $0x7, v3;
	v4 =	vand.u32 $0xFFFFFFF0, v38  }
0x202: {  	v3 =	vor.u32 v3, v4  }
0x203: {  	v4 =	vperm.xlane v3, v0;
	_ =	sdelay $0x1  }
0x204: {  	v3 =	vperm.xlane v3, v2;
	v4 =	vadd.s32 v1, v4;
	_ =	sdelay $0x1  }
0x205: {  	v3 =	vadd.s32 v1, v3;
	_ =	sdelay $0x2  }
0x206: {  	[tilespmem:s30], [sflag:$0x1] =	stream.indirect_vreg.gather [hbm4b:s2+s4], $0x80, v4, vm0, $0xb8;
	[tilespmem:$0x18400] =	vst v63  }
0x207: {  	_ = 	snop  }
0x208: {  	[tilespmem:s3], [sflag:$0x1] =	stream.indirect_vreg.gather [hbm4b:s2+s4], $0x80, v3, vm0, $0xb8;
	[tilespmem:$0x18400] =	vst v63  }
0x209: {  	v3 =	vld [tilespmem:$0x270];
	_ =	sdelay $0x4  }
0x20a: {  	v39 =	vshll.u32 v3, $0x1  }
0x20b: {  	v3 =	vand.u32 $0x7, v3;
	v4 =	vand.u32 $0xFFFFFFF0, v39  }
0x20c: {  	v3 =	vor.u32 v3, v4  }
0x20d: {  	v4 =	vperm.xlane v3, v0;
	_ =	sdelay $0x1  }
0x20e: {  	v3 =	vperm.xlane v3, v2;
	v4 =	vadd.s32 v1, v4;
	_ =	sdelay $0x1  }
0x20f: {  	v3 =	vadd.s32 v1, v3;
	_ =	sdelay $0x2  }
0x210: {  	[tilespmem:s31], [sflag:$0x1] =	stream.indirect_vreg.gather [hbm4b:s2+s4], $0x80, v4, vm0, $0xb8;
	[tilespmem:$0x18400] =	vst v63  }
0x211: {  	_ = 	snop  }
0x212: {  	[tilespmem:s22], [sflag:$0x1] =	stream.indirect_vreg.gather [hbm4b:s2+s4], $0x80, v3, vm0, $0xb8;
	[tilespmem:$0x18400] =	vst v63  }
0x213: {  	s31 =	rddreg [dreg:$0x17]  }
0x214: {  	[tilespmem:s24], [sflag:$0x1] =	stream.indirect.gather [hbm4b:s1+s23], $0x80, s31, s23, $0xb8;
	[tilespmem:$0x18400] =	vst v63  }
0x215: {  	s0 =	rddreg [dreg:$0xb]  }
0x216: {  	[hbm4b:s0+s4] =	stream.linear.scatter [tilespmem:s26], [sflag:$0x2], $0x8000, $0x38;
	[tilespmem:$0x18400] =	vst v63  }
0x217: {  	s13 =	rddreg [dreg:$0xc]  }
0x218: {  	[hbm4b:s13+s4] =	stream.linear.scatter [tilespmem:s16], [sflag:$0x2], $0x4000, $0x38;
	[tilespmem:$0x18400] =	vst v63  }
0x219: {  	_ =	swait.ge [sflag:s25], $0x8000  }
0x21a: {  	[sflag:s25] =	ssyncset.done $0x0  }
0x21b: {  	[sflag:s25] =	ssyncadd.s32 $0xFFFF8000  }
0x21c: {  	_ =	swait.ge [sflag:s25], $0x4000  }
0x21d: {  	[sflag:s25] =	ssyncset.done $0x0  }
0x21e: {  	[sflag:s25] =	ssyncadd.s32 $0xFFFFC000  }
0x21f: {  	_ =	swait.ge [sflag:s17], $0x8000  }
0x220: {  	[sflag:s17] =	ssyncset.done $0x0  }
0x221: {  	[sflag:s17] =	ssyncadd.s32 $0xFFFF8000  }
0x222: {  	_ =	swait.ge [sflag:s17], $0x4000  }
0x223: {  	[sflag:s17] =	ssyncset.done $0x0  }
0x224: {  	[sflag:s17] =	ssyncadd.s32 $0xFFFFC000  }
0x225: {  	v3 =	vld [tilespmem:$0x280];
	_ =	sdelay $0x4  }
0x226: {  	v40 =	vshll.u32 v3, $0x1  }
0x227: {  	v3 =	vand.u32 $0x7, v3;
	v4 =	vand.u32 $0xFFFFFFF0, v40  }
0x228: {  	v3 =	vor.u32 v3, v4  }
0x229: {  	v4 =	vperm.xlane v3, v0;
	_ =	sdelay $0x1  }
0x22a: {  	v3 =	vperm.xlane v3, v2;
	v4 =	vadd.s32 v1, v4;
	_ =	sdelay $0x1  }
0x22b: {  	v3 =	vadd.s32 v1, v3;
	_ =	sdelay $0x2  }
0x22c: {  	[tilespmem:s26], [sflag:$0x1] =	stream.indirect_vreg.gather [hbm4b:s2+s4], $0x80, v4, vm0, $0xb8;
	[tilespmem:$0x18400] =	vst v63  }
0x22d: {  	s19 =	simm.s32 $0x8C00  }
0x22e: {  	[tilespmem:s19], [sflag:$0x1] =	stream.indirect_vreg.gather [hbm4b:s2+s4], $0x80, v3, vm0, $0xb8;
	[tilespmem:$0x18400] =	vst v63  }
0x22f: {  	v3 =	vld [tilespmem:$0x290];
	_ =	sdelay $0x4  }
0x230: {  	v41 =	vshll.u32 v3, $0x1  }
0x231: {  	v3 =	vand.u32 $0x7, v3;
	v4 =	vand.u32 $0xFFFFFFF0, v41  }
0x232: {  	v3 =	vor.u32 v3, v4  }
0x233: {  	v4 =	vperm.xlane v3, v0;
	_ =	sdelay $0x1  }
0x234: {  	v3 =	vperm.xlane v3, v2;
	v4 =	vadd.s32 v1, v4;
	_ =	sdelay $0x1  }
0x235: {  	v3 =	vadd.s32 v1, v3;
	_ =	sdelay $0x2  }
0x236: {  	[tilespmem:s8], [sflag:$0x1] =	stream.indirect_vreg.gather [hbm4b:s2+s4], $0x80, v4, vm0, $0xb8;
	[tilespmem:$0x18400] =	vst v63  }
0x237: {  	s22 =	simm.s32 $0x9C00  }
0x238: {  	[tilespmem:s22], [sflag:$0x1] =	stream.indirect_vreg.gather [hbm4b:s2+s4], $0x80, v3, vm0, $0xb8;
	[tilespmem:$0x18400] =	vst v63  }
0x239: {  	v3 =	vld [tilespmem:$0x2A0];
	_ =	sdelay $0x4  }
0x23a: {  	v42 =	vshll.u32 v3, $0x1  }
0x23b: {  	v3 =	vand.u32 $0x7, v3;
	v4 =	vand.u32 $0xFFFFFFF0, v42  }
0x23c: {  	v3 =	vor.u32 v3, v4  }
0x23d: {  	v4 =	vperm.xlane v3, v0;
	_ =	sdelay $0x1  }
0x23e: {  	v3 =	vperm.xlane v3, v2;
	v4 =	vadd.s32 v1, v4;
	_ =	sdelay $0x1  }
0x23f: {  	v3 =	vadd.s32 v1, v3;
	_ =	sdelay $0x1  }
0x240: {  	s31 =	simm.s32 $0xA400  }
0x241: {  	[tilespmem:s31], [sflag:$0x1] =	stream.indirect_vreg.gather [hbm4b:s2+s4], $0x80, v4, vm0, $0xb8;
	[tilespmem:$0x18400] =	vst v63  }
0x242: {  	s13 =	simm.s32 $0xAC00  }
0x243: {  	[tilespmem:s13], [sflag:$0x1] =	stream.indirect_vreg.gather [hbm4b:s2+s4], $0x80, v3, vm0, $0xb8;
	[tilespmem:$0x18400] =	vst v63  }
0x244: {  	v3 =	vld [tilespmem:$0x2B0];
	_ =	sdelay $0x4  }
0x245: {  	v43 =	vshll.u32 v3, $0x1  }
0x246: {  	v3 =	vand.u32 $0x7, v3;
	v4 =	vand.u32 $0xFFFFFFF0, v43  }
0x247: {  	v3 =	vor.u32 v3, v4  }
0x248: {  	v4 =	vperm.xlane v3, v0;
	_ =	sdelay $0x1  }
0x249: {  	v3 =	vperm.xlane v3, v2;
	v4 =	vadd.s32 v1, v4;
	_ =	sdelay $0x1  }
0x24a: {  	v3 =	vadd.s32 v1, v3;
	_ =	sdelay $0x1  }
0x24b: {  	s14 =	simm.s32 $0xB400  }
0x24c: {  	[tilespmem:s14], [sflag:$0x1] =	stream.indirect_vreg.gather [hbm4b:s2+s4], $0x80, v4, vm0, $0xb8;
	[tilespmem:$0x18400] =	vst v63  }
0x24d: {  	s14 =	simm.s32 $0xBC00  }
0x24e: {  	[tilespmem:s14], [sflag:$0x1] =	stream.indirect_vreg.gather [hbm4b:s2+s4], $0x80, v3, vm0, $0xb8;
	[tilespmem:$0x18400] =	vst v63  }
0x24f: {  	v3 =	vld [tilespmem:$0x2C0];
	_ =	sdelay $0x4  }
0x250: {  	v44 =	vshll.u32 v3, $0x1  }
0x251: {  	v3 =	vand.u32 $0x7, v3;
	v4 =	vand.u32 $0xFFFFFFF0, v44  }
0x252: {  	v3 =	vor.u32 v3, v4  }
0x253: {  	v4 =	vperm.xlane v3, v0;
	_ =	sdelay $0x1  }
0x254: {  	v3 =	vperm.xlane v3, v2;
	v4 =	vadd.s32 v1, v4;
	_ =	sdelay $0x1  }
0x255: {  	v3 =	vadd.s32 v1, v3;
	_ =	sdelay $0x1  }
0x256: {  	s15 =	simm.s32 $0xC400  }
0x257: {  	[tilespmem:s15], [sflag:$0x1] =	stream.indirect_vreg.gather [hbm4b:s2+s4], $0x80, v4, vm0, $0xb8;
	[tilespmem:$0x18400] =	vst v63  }
0x258: {  	s18 =	simm.s32 $0xCC00  }
0x259: {  	[tilespmem:s18], [sflag:$0x1] =	stream.indirect_vreg.gather [hbm4b:s2+s4], $0x80, v3, vm0, $0xb8;
	[tilespmem:$0x18400] =	vst v63  }
0x25a: {  	v3 =	vld [tilespmem:$0x2D0];
	_ =	sdelay $0x4  }
0x25b: {  	v45 =	vshll.u32 v3, $0x1  }
0x25c: {  	v3 =	vand.u32 $0x7, v3;
	v4 =	vand.u32 $0xFFFFFFF0, v45  }
0x25d: {  	v3 =	vor.u32 v3, v4  }
0x25e: {  	v4 =	vperm.xlane v3, v0;
	_ =	sdelay $0x1  }
0x25f: {  	v3 =	vperm.xlane v3, v2;
	v4 =	vadd.s32 v1, v4;
	_ =	sdelay $0x1  }
0x260: {  	v3 =	vadd.s32 v1, v3;
	_ =	sdelay $0x1  }
0x261: {  	s11 =	simm.s32 $0xD400  }
0x262: {  	[tilespmem:s11], [sflag:$0x1] =	stream.indirect_vreg.gather [hbm4b:s2+s4], $0x80, v4, vm0, $0xb8;
	[tilespmem:$0x18400] =	vst v63  }
0x263: {  	s19 =	simm.s32 $0xDC00  }
0x264: {  	[tilespmem:s19], [sflag:$0x1] =	stream.indirect_vreg.gather [hbm4b:s2+s4], $0x80, v3, vm0, $0xb8;
	[tilespmem:$0x18400] =	vst v63  }
0x265: {  	v3 =	vld [tilespmem:$0x2E0];
	_ =	sdelay $0x4  }
0x266: {  	v46 =	vshll.u32 v3, $0x1  }
0x267: {  	v3 =	vand.u32 $0x7, v3;
	v4 =	vand.u32 $0xFFFFFFF0, v46  }
0x268: {  	v3 =	vor.u32 v3, v4  }
0x269: {  	v4 =	vperm.xlane v3, v0;
	_ =	sdelay $0x1  }
0x26a: {  	v3 =	vperm.xlane v3, v2;
	v4 =	vadd.s32 v1, v4;
	_ =	sdelay $0x1  }
0x26b: {  	v3 =	vadd.s32 v1, v3;
	_ =	sdelay $0x1  }
0x26c: {  	s11 =	simm.s32 $0xE400  }
0x26d: {  	[tilespmem:s11], [sflag:$0x1] =	stream.indirect_vreg.gather [hbm4b:s2+s4], $0x80, v4, vm0, $0xb8;
	[tilespmem:$0x18400] =	vst v63  }
0x26e: {  	s18 =	simm.s32 $0xEC00  }
0x26f: {  	[tilespmem:s18], [sflag:$0x1] =	stream.indirect_vreg.gather [hbm4b:s2+s4], $0x80, v3, vm0, $0xb8;
	[tilespmem:$0x18400] =	vst v63  }
0x270: {  	v3 =	vld [tilespmem:$0x2F0];
	_ =	sdelay $0x4  }
0x271: {  	v47 =	vshll.u32 v3, $0x1  }
0x272: {  	v3 =	vand.u32 $0x7, v3;
	v4 =	vand.u32 $0xFFFFFFF0, v47  }
0x273: {  	v3 =	vor.u32 v3, v4  }
0x274: {  	v4 =	vperm.xlane v3, v0;
	_ =	sdelay $0x1  }
0x275: {  	v3 =	vperm.xlane v3, v2;
	v4 =	vadd.s32 v1, v4;
	_ =	sdelay $0x1  }
0x276: {  	v3 =	vadd.s32 v1, v3;
	_ =	sdelay $0x1  }
0x277: {  	s12 =	simm.s32 $0xF400  }
0x278: {  	[tilespmem:s12], [sflag:$0x1] =	stream.indirect_vreg.gather [hbm4b:s2+s4], $0x80, v4, vm0, $0xb8;
	[tilespmem:$0x18400] =	vst v63  }
0x279: {  	s10 =	simm.s32 $0xFC00  }
0x27a: {  	[tilespmem:s10], [sflag:$0x1] =	stream.indirect_vreg.gather [hbm4b:s2+s4], $0x80, v3, vm0, $0xb8;
	[tilespmem:$0x18400] =	vst v63  }
0x27b: {  	s19 =	rddreg [dreg:$0x18]  }
0x27c: {  	[tilespmem:s16], [sflag:$0x1] =	stream.indirect.gather [hbm4b:s1+s23], $0x80, s19, s23, $0xb8;
	[tilespmem:$0x18400] =	vst v63  }
0x27d: {  	s10 =	rddreg [dreg:$0xd]  }
0x27e: {  	[hbm4b:s10+s4] =	stream.linear.scatter [tilespmem:s6], [sflag:$0x2], $0x8000, $0x38;
	[tilespmem:$0x18400] =	vst v63  }
0x27f: {  	s12 =	rddreg [dreg:$0xe]  }
0x280: {  	[hbm4b:s12+s4] =	stream.linear.scatter [tilespmem:s24], [sflag:$0x2], $0x4000, $0x38;
	[tilespmem:$0x18400] =	vst v63  }
0x281: {  	_ =	swait.ge [sflag:s25], $0x8000  }
0x282: {  	[sflag:s25] =	ssyncset.done $0x0  }
0x283: {  	[sflag:s25] =	ssyncadd.s32 $0xFFFF8000  }
0x284: {  	_ =	swait.ge [sflag:s25], $0x4000  }
0x285: {  	[sflag:s25] =	ssyncset.done $0x0  }
0x286: {  	[sflag:s25] =	ssyncadd.s32 $0xFFFFC000  }
0x287: {  	_ =	swait.ge [sflag:s17], $0x8000  }
0x288: {  	[sflag:s17] =	ssyncset.done $0x0  }
0x289: {  	[sflag:s17] =	ssyncadd.s32 $0xFFFF8000  }
0x28a: {  	_ =	swait.ge [sflag:s17], $0x4000  }
0x28b: {  	[sflag:s17] =	ssyncset.done $0x0  }
0x28c: {  	[sflag:s17] =	ssyncadd.s32 $0xFFFFC000  }
0x28d: {  	v3 =	vld [tilespmem:$0x300];
	_ =	sdelay $0x4  }
0x28e: {  	v48 =	vshll.u32 v3, $0x1  }
0x28f: {  	v3 =	vand.u32 $0x7, v3;
	v4 =	vand.u32 $0xFFFFFFF0, v48  }
0x290: {  	v3 =	vor.u32 v3, v4  }
0x291: {  	v4 =	vperm.xlane v3, v0;
	_ =	sdelay $0x1  }
0x292: {  	v3 =	vperm.xlane v3, v2;
	v4 =	vadd.s32 v1, v4;
	_ =	sdelay $0x1  }
0x293: {  	v3 =	vadd.s32 v1, v3;
	_ =	sdelay $0x2  }
0x294: {  	[tilespmem:s6], [sflag:$0x1] =	stream.indirect_vreg.gather [hbm4b:s2+s4], $0x80, v4, vm0, $0xb8;
	[tilespmem:$0x18400] =	vst v63  }
0x295: {  	s19 =	simm.s32 $0xC00  }
0x296: {  	[tilespmem:s19], [sflag:$0x1] =	stream.indirect_vreg.gather [hbm4b:s2+s4], $0x80, v3, vm0, $0xb8;
	[tilespmem:$0x18400] =	vst v63  }
0x297: {  	v3 =	vld [tilespmem:$0x310];
	_ =	sdelay $0x4  }
0x298: {  	v49 =	vshll.u32 v3, $0x1  }
0x299: {  	v3 =	vand.u32 $0x7, v3;
	v4 =	vand.u32 $0xFFFFFFF0, v49  }
0x29a: {  	v3 =	vor.u32 v3, v4  }
0x29b: {  	v4 =	vperm.xlane v3, v0;
	_ =	sdelay $0x1  }
0x29c: {  	v3 =	vperm.xlane v3, v2;
	v4 =	vadd.s32 v1, v4;
	_ =	sdelay $0x1  }
0x29d: {  	v3 =	vadd.s32 v1, v3;
	_ =	sdelay $0x1  }
0x29e: {  	s12 =	simm.s32 $0x1400  }
0x29f: {  	[tilespmem:s12], [sflag:$0x1] =	stream.indirect_vreg.gather [hbm4b:s2+s4], $0x80, v4, vm0, $0xb8;
	[tilespmem:$0x18400] =	vst v63  }
0x2a0: {  	s18 =	simm.s32 $0x1C00  }
0x2a1: {  	[tilespmem:s18], [sflag:$0x1] =	stream.indirect_vreg.gather [hbm4b:s2+s4], $0x80, v3, vm0, $0xb8;
	[tilespmem:$0x18400] =	vst v63  }
0x2a2: {  	v3 =	vld [tilespmem:$0x320];
	_ =	sdelay $0x4  }
0x2a3: {  	v50 =	vshll.u32 v3, $0x1  }
0x2a4: {  	v3 =	vand.u32 $0x7, v3;
	v4 =	vand.u32 $0xFFFFFFF0, v50  }
0x2a5: {  	v3 =	vor.u32 v3, v4  }
0x2a6: {  	v4 =	vperm.xlane v3, v0;
	_ =	sdelay $0x1  }
0x2a7: {  	v3 =	vperm.xlane v3, v2;
	v4 =	vadd.s32 v1, v4;
	_ =	sdelay $0x1  }
0x2a8: {  	v3 =	vadd.s32 v1, v3;
	_ =	sdelay $0x1  }
0x2a9: {  	s19 =	simm.s32 $0x2400  }
0x2aa: {  	[tilespmem:s19], [sflag:$0x1] =	stream.indirect_vreg.gather [hbm4b:s2+s4], $0x80, v4, vm0, $0xb8;
	[tilespmem:$0x18400] =	vst v63  }
0x2ab: {  	s12 =	simm.s32 $0x2C00  }
0x2ac: {  	[tilespmem:s12], [sflag:$0x1] =	stream.indirect_vreg.gather [hbm4b:s2+s4], $0x80, v3, vm0, $0xb8;
	[tilespmem:$0x18400] =	vst v63  }
0x2ad: {  	v3 =	vld [tilespmem:$0x330];
	_ =	sdelay $0x4  }
0x2ae: {  	v51 =	vshll.u32 v3, $0x1  }
0x2af: {  	v3 =	vand.u32 $0x7, v3;
	v4 =	vand.u32 $0xFFFFFFF0, v51  }
0x2b0: {  	v3 =	vor.u32 v3, v4  }
0x2b1: {  	v4 =	vperm.xlane v3, v0;
	_ =	sdelay $0x1  }
0x2b2: {  	v3 =	vperm.xlane v3, v2;
	v4 =	vadd.s32 v1, v4;
	_ =	sdelay $0x1  }
0x2b3: {  	v3 =	vadd.s32 v1, v3;
	_ =	sdelay $0x1  }
0x2b4: {  	s18 =	simm.s32 $0x3400  }
0x2b5: {  	[tilespmem:s18], [sflag:$0x1] =	stream.indirect_vreg.gather [hbm4b:s2+s4], $0x80, v4, vm0, $0xb8;
	[tilespmem:$0x18400] =	vst v63  }
0x2b6: {  	s19 =	simm.s32 $0x3C00  }
0x2b7: {  	[tilespmem:s19], [sflag:$0x1] =	stream.indirect_vreg.gather [hbm4b:s2+s4], $0x80, v3, vm0, $0xb8;
	[tilespmem:$0x18400] =	vst v63  }
0x2b8: {  	v3 =	vld [tilespmem:$0x340];
	_ =	sdelay $0x4  }
0x2b9: {  	v52 =	vshll.u32 v3, $0x1  }
0x2ba: {  	v3 =	vand.u32 $0x7, v3;
	v4 =	vand.u32 $0xFFFFFFF0, v52  }
0x2bb: {  	v3 =	vor.u32 v3, v4  }
0x2bc: {  	v4 =	vperm.xlane v3, v0;
	_ =	sdelay $0x1  }
0x2bd: {  	v3 =	vperm.xlane v3, v2;
	v4 =	vadd.s32 v1, v4;
	_ =	sdelay $0x1  }
0x2be: {  	v3 =	vadd.s32 v1, v3;
	_ =	sdelay $0x1  }
0x2bf: {  	s20 =	simm.s32 $0x4400  }
0x2c0: {  	[tilespmem:s20], [sflag:$0x1] =	stream.indirect_vreg.gather [hbm4b:s2+s4], $0x80, v4, vm0, $0xb8;
	[tilespmem:$0x18400] =	vst v63  }
0x2c1: {  	s9 =	simm.s32 $0x4C00  }
0x2c2: {  	[tilespmem:s9], [sflag:$0x1] =	stream.indirect_vreg.gather [hbm4b:s2+s4], $0x80, v3, vm0, $0xb8;
	[tilespmem:$0x18400] =	vst v63  }
0x2c3: {  	v3 =	vld [tilespmem:$0x350];
	_ =	sdelay $0x4  }
0x2c4: {  	v53 =	vshll.u32 v3, $0x1  }
0x2c5: {  	v3 =	vand.u32 $0x7, v3;
	v4 =	vand.u32 $0xFFFFFFF0, v53  }
0x2c6: {  	v3 =	vor.u32 v3, v4  }
0x2c7: {  	v4 =	vperm.xlane v3, v0;
	_ =	sdelay $0x1  }
0x2c8: {  	v3 =	vperm.xlane v3, v2;
	v4 =	vadd.s32 v1, v4;
	_ =	sdelay $0x1  }
0x2c9: {  	v3 =	vadd.s32 v1, v3;
	_ =	sdelay $0x1  }
0x2ca: {  	s21 =	simm.s32 $0x5400  }
0x2cb: {  	[tilespmem:s21], [sflag:$0x1] =	stream.indirect_vreg.gather [hbm4b:s2+s4], $0x80, v4, vm0, $0xb8;
	[tilespmem:$0x18400] =	vst v63  }
0x2cc: {  	s7 =	simm.s32 $0x5C00  }
0x2cd: {  	[tilespmem:s7], [sflag:$0x1] =	stream.indirect_vreg.gather [hbm4b:s2+s4], $0x80, v3, vm0, $0xb8;
	[tilespmem:$0x18400] =	vst v63  }
0x2ce: {  	v3 =	vld [tilespmem:$0x360];
	_ =	sdelay $0x4  }
0x2cf: {  	v54 =	vshll.u32 v3, $0x1  }
0x2d0: {  	v3 =	vand.u32 $0x7, v3;
	v4 =	vand.u32 $0xFFFFFFF0, v54  }
0x2d1: {  	v3 =	vor.u32 v3, v4  }
0x2d2: {  	v4 =	vperm.xlane v3, v0;
	_ =	sdelay $0x1  }
0x2d3: {  	v3 =	vperm.xlane v3, v2;
	v4 =	vadd.s32 v1, v4;
	_ =	sdelay $0x1  }
0x2d4: {  	v3 =	vadd.s32 v1, v3;
	_ =	sdelay $0x1  }
0x2d5: {  	s28 =	simm.s32 $0x6400  }
0x2d6: {  	[tilespmem:s28], [sflag:$0x1] =	stream.indirect_vreg.gather [hbm4b:s2+s4], $0x80, v4, vm0, $0xb8;
	[tilespmem:$0x18400] =	vst v63  }
0x2d7: {  	s30 =	simm.s32 $0x6C00  }
0x2d8: {  	[tilespmem:s30], [sflag:$0x1] =	stream.indirect_vreg.gather [hbm4b:s2+s4], $0x80, v3, vm0, $0xb8;
	[tilespmem:$0x18400] =	vst v63  }
0x2d9: {  	v3 =	vld [tilespmem:$0x370];
	_ =	sdelay $0x4  }
0x2da: {  	v55 =	vshll.u32 v3, $0x1  }
0x2db: {  	v3 =	vand.u32 $0x7, v3;
	v4 =	vand.u32 $0xFFFFFFF0, v55  }
0x2dc: {  	v3 =	vor.u32 v3, v4  }
0x2dd: {  	v4 =	vperm.xlane v3, v0;
	_ =	sdelay $0x1  }
0x2de: {  	v3 =	vperm.xlane v3, v2;
	v4 =	vadd.s32 v1, v4;
	_ =	sdelay $0x1  }
0x2df: {  	v3 =	vadd.s32 v1, v3;
	_ =	sdelay $0x1  }
0x2e0: {  	s29 =	simm.s32 $0x7400  }
0x2e1: {  	[tilespmem:s29], [sflag:$0x1] =	stream.indirect_vreg.gather [hbm4b:s2+s4], $0x80, v4, vm0, $0xb8;
	[tilespmem:$0x18400] =	vst v63  }
0x2e2: {  	s3 =	simm.s32 $0x7C00  }
0x2e3: {  	[tilespmem:s3], [sflag:$0x1] =	stream.indirect_vreg.gather [hbm4b:s2+s4], $0x80, v3, vm0, $0xb8;
	[tilespmem:$0x18400] =	vst v63  }
0x2e4: {  	s30 =	rddreg [dreg:$0x19]  }
0x2e5: {  	[tilespmem:s24], [sflag:$0x1] =	stream.indirect.gather [hbm4b:s1+s23], $0x80, s30, s23, $0xb8;
	[tilespmem:$0x18400] =	vst v63  }
0x2e6: {  	s7 =	rddreg [dreg:$0xf]  }
0x2e7: {  	[hbm4b:s7+s4] =	stream.linear.scatter [tilespmem:s26], [sflag:$0x2], $0x8000, $0x38;
	[tilespmem:$0x18400] =	vst v63  }
0x2e8: {  	s9 =	rddreg [dreg:$0x10]  }
0x2e9: {  	[hbm4b:s9+s4] =	stream.linear.scatter [tilespmem:s16], [sflag:$0x2], $0x4000, $0x38;
	[tilespmem:$0x18400] =	vst v63  }
0x2ea: {  	_ =	swait.ge [sflag:s25], $0x8000  }
0x2eb: {  	[sflag:s25] =	ssyncset.done $0x0  }
0x2ec: {  	[sflag:s25] =	ssyncadd.s32 $0xFFFF8000  }
0x2ed: {  	_ =	swait.ge [sflag:s25], $0x4000  }
0x2ee: {  	[sflag:s25] =	ssyncset.done $0x0  }
0x2ef: {  	[sflag:s25] =	ssyncadd.s32 $0xFFFFC000  }
0x2f0: {  	_ =	swait.ge [sflag:s17], $0x8000  }
0x2f1: {  	[sflag:s17] =	ssyncset.done $0x0  }
0x2f2: {  	[sflag:s17] =	ssyncadd.s32 $0xFFFF8000  }
0x2f3: {  	_ =	swait.ge [sflag:s17], $0x4000  }
0x2f4: {  	[sflag:s17] =	ssyncset.done $0x0  }
0x2f5: {  	[sflag:s17] =	ssyncadd.s32 $0xFFFFC000  }
0x2f6: {  	v3 =	vld [tilespmem:$0x380];
	_ =	sdelay $0x4  }
0x2f7: {  	v56 =	vshll.u32 v3, $0x1  }
0x2f8: {  	v3 =	vand.u32 $0x7, v3;
	v4 =	vand.u32 $0xFFFFFFF0, v56  }
0x2f9: {  	v3 =	vor.u32 v3, v4  }
0x2fa: {  	v4 =	vperm.xlane v3, v0;
	_ =	sdelay $0x1  }
0x2fb: {  	v3 =	vperm.xlane v3, v2;
	v4 =	vadd.s32 v1, v4;
	_ =	sdelay $0x1  }
0x2fc: {  	v3 =	vadd.s32 v1, v3;
	_ =	sdelay $0x2  }
0x2fd: {  	[tilespmem:s26], [sflag:$0x1] =	stream.indirect_vreg.gather [hbm4b:s2+s4], $0x80, v4, vm0, $0xb8;
	[tilespmem:$0x18400] =	vst v63  }
0x2fe: {  	s10 =	simm.s32 $0x8C00  }
0x2ff: {  	[tilespmem:s10], [sflag:$0x1] =	stream.indirect_vreg.gather [hbm4b:s2+s4], $0x80, v3, vm0, $0xb8;
	[tilespmem:$0x18400] =	vst v63  }
0x300: {  	v3 =	vld [tilespmem:$0x390];
	_ =	sdelay $0x4  }
0x301: {  	v57 =	vshll.u32 v3, $0x1  }
0x302: {  	v3 =	vand.u32 $0x7, v3;
	v4 =	vand.u32 $0xFFFFFFF0, v57  }
0x303: {  	v3 =	vor.u32 v3, v4  }
0x304: {  	v4 =	vperm.xlane v3, v0;
	_ =	sdelay $0x1  }
0x305: {  	v3 =	vperm.xlane v3, v2;
	v4 =	vadd.s32 v1, v4;
	_ =	sdelay $0x1  }
0x306: {  	v3 =	vadd.s32 v1, v3;
	_ =	sdelay $0x1  }
0x307: {  	s0 =	simm.s32 $0x9400  }
0x308: {  	[tilespmem:s0], [sflag:$0x1] =	stream.indirect_vreg.gather [hbm4b:s2+s4], $0x80, v4, vm0, $0xb8;
	[tilespmem:$0x18400] =	vst v63  }
0x309: {  	s12 =	simm.s32 $0x9C00  }
0x30a: {  	[tilespmem:s12], [sflag:$0x1] =	stream.indirect_vreg.gather [hbm4b:s2+s4], $0x80, v3, vm0, $0xb8;
	[tilespmem:$0x18400] =	vst v63  }
0x30b: {  	v3 =	vld [tilespmem:$0x3A0];
	_ =	sdelay $0x4  }
0x30c: {  	v58 =	vshll.u32 v3, $0x1  }
0x30d: {  	v3 =	vand.u32 $0x7, v3;
	v4 =	vand.u32 $0xFFFFFFF0, v58  }
0x30e: {  	v3 =	vor.u32 v3, v4  }
0x30f: {  	v4 =	vperm.xlane v3, v0;
	_ =	sdelay $0x1  }
0x310: {  	v3 =	vperm.xlane v3, v2;
	v4 =	vadd.s32 v1, v4;
	_ =	sdelay $0x1  }
0x311: {  	v3 =	vadd.s32 v1, v3;
	_ =	sdelay $0x1  }
0x312: {  	s22 =	simm.s32 $0xA400  }
0x313: {  	[tilespmem:s22], [sflag:$0x1] =	stream.indirect_vreg.gather [hbm4b:s2+s4], $0x80, v4, vm0, $0xb8;
	[tilespmem:$0x18400] =	vst v63  }
0x314: {  	s13 =	simm.s32 $0xAC00  }
0x315: {  	[tilespmem:s13], [sflag:$0x1] =	stream.indirect_vreg.gather [hbm4b:s2+s4], $0x80, v3, vm0, $0xb8;
	[tilespmem:$0x18400] =	vst v63  }
0x316: {  	v3 =	vld [tilespmem:$0x3B0];
	_ =	sdelay $0x4  }
0x317: {  	v59 =	vshll.u32 v3, $0x1  }
0x318: {  	v3 =	vand.u32 $0x7, v3;
	v4 =	vand.u32 $0xFFFFFFF0, v59  }
0x319: {  	v3 =	vor.u32 v3, v4  }
0x31a: {  	v4 =	vperm.xlane v3, v0;
	_ =	sdelay $0x1  }
0x31b: {  	v3 =	vperm.xlane v3, v2;
	v4 =	vadd.s32 v1, v4;
	_ =	sdelay $0x1  }
0x31c: {  	v3 =	vadd.s32 v1, v3;
	_ =	sdelay $0x1  }
0x31d: {  	s31 =	simm.s32 $0xB400  }
0x31e: {  	[tilespmem:s31], [sflag:$0x1] =	stream.indirect_vreg.gather [hbm4b:s2+s4], $0x80, v4, vm0, $0xb8;
	[tilespmem:$0x18400] =	vst v63  }
0x31f: {  	s13 =	simm.s32 $0xBC00  }
0x320: {  	[tilespmem:s13], [sflag:$0x1] =	stream.indirect_vreg.gather [hbm4b:s2+s4], $0x80, v3, vm0, $0xb8;
	[tilespmem:$0x18400] =	vst v63  }
0x321: {  	v3 =	vld [tilespmem:$0x3C0];
	_ =	sdelay $0x4  }
0x322: {  	v60 =	vshll.u32 v3, $0x1  }
0x323: {  	v3 =	vand.u32 $0x7, v3;
	v4 =	vand.u32 $0xFFFFFFF0, v60  }
0x324: {  	v3 =	vor.u32 v3, v4  }
0x325: {  	v4 =	vperm.xlane v3, v0;
	_ =	sdelay $0x1  }
0x326: {  	v3 =	vperm.xlane v3, v2;
	v4 =	vadd.s32 v1, v4;
	_ =	sdelay $0x1  }
0x327: {  	v3 =	vadd.s32 v1, v3;
	_ =	sdelay $0x1  }
0x328: {  	s14 =	simm.s32 $0xC400  }
0x329: {  	[tilespmem:s14], [sflag:$0x1] =	stream.indirect_vreg.gather [hbm4b:s2+s4], $0x80, v4, vm0, $0xb8;
	[tilespmem:$0x18400] =	vst v63  }
0x32a: {  	s18 =	simm.s32 $0xCC00  }
0x32b: {  	[tilespmem:s18], [sflag:$0x1] =	stream.indirect_vreg.gather [hbm4b:s2+s4], $0x80, v3, vm0, $0xb8;
	[tilespmem:$0x18400] =	vst v63  }
0x32c: {  	v3 =	vld [tilespmem:$0x3D0];
	_ =	sdelay $0x4  }
0x32d: {  	v61 =	vshll.u32 v3, $0x1  }
0x32e: {  	v3 =	vand.u32 $0x7, v3;
	v4 =	vand.u32 $0xFFFFFFF0, v61  }
0x32f: {  	v3 =	vor.u32 v3, v4  }
0x330: {  	v4 =	vperm.xlane v3, v0;
	_ =	sdelay $0x1  }
0x331: {  	v3 =	vperm.xlane v3, v2;
	v4 =	vadd.s32 v1, v4;
	_ =	sdelay $0x1  }
0x332: {  	v3 =	vadd.s32 v1, v3;
	_ =	sdelay $0x1  }
0x333: {  	s15 =	simm.s32 $0xD400  }
0x334: {  	[tilespmem:s15], [sflag:$0x1] =	stream.indirect_vreg.gather [hbm4b:s2+s4], $0x80, v4, vm0, $0xb8;
	[tilespmem:$0x18400] =	vst v63  }
0x335: {  	s19 =	simm.s32 $0xDC00  }
0x336: {  	[tilespmem:s19], [sflag:$0x1] =	stream.indirect_vreg.gather [hbm4b:s2+s4], $0x80, v3, vm0, $0xb8;
	[tilespmem:$0x18400] =	vst v63  }
0x337: {  	v3 =	vld [tilespmem:$0x3E0];
	_ =	sdelay $0x4  }
0x338: {  	v62 =	vshll.u32 v3, $0x1  }
0x339: {  	v3 =	vand.u32 $0x7, v3;
	v4 =	vand.u32 $0xFFFFFFF0, v62  }
0x33a: {  	v3 =	vor.u32 v3, v4  }
0x33b: {  	v4 =	vperm.xlane v3, v0;
	_ =	sdelay $0x1  }
0x33c: {  	v3 =	vperm.xlane v3, v2;
	v4 =	vadd.s32 v1, v4;
	_ =	sdelay $0x1  }
0x33d: {  	v3 =	vadd.s32 v1, v3;
	_ =	sdelay $0x1  }
0x33e: {  	s20 =	simm.s32 $0xE400  }
0x33f: {  	[tilespmem:s20], [sflag:$0x1] =	stream.indirect_vreg.gather [hbm4b:s2+s4], $0x80, v4, vm0, $0xb8;
	[tilespmem:$0x18400] =	vst v63  }
0x340: {  	s21 =	simm.s32 $0xEC00  }
0x341: {  	[tilespmem:s21], [sflag:$0x1] =	stream.indirect_vreg.gather [hbm4b:s2+s4], $0x80, v3, vm0, $0xb8;
	[tilespmem:$0x18400] =	vst v63  }
0x342: {  	v3 =	vld [tilespmem:$0x3F0];
	_ =	sdelay $0x4  }
0x343: {  	v63 =	vshll.u32 v3, $0x1  }
0x344: {  	v3 =	vand.u32 $0x7, v3;
	v4 =	vand.u32 $0xFFFFFFF0, v63  }
0x345: {  	v3 =	vor.u32 v3, v4  }
0x346: {  	v4 =	vperm.xlane v3, v0;
	_ =	sdelay $0x1  }
0x347: {  	v3 =	vperm.xlane v3, v2;
	v4 =	vadd.s32 v1, v4;
	_ =	sdelay $0x1  }
0x348: {  	v3 =	vadd.s32 v1, v3;
	_ =	sdelay $0x1  }
0x349: {  	s11 =	simm.s32 $0xF400  }
0x34a: {  	[tilespmem:s11], [sflag:$0x1] =	stream.indirect_vreg.gather [hbm4b:s2+s4], $0x80, v4, vm0, $0xb8;
	[tilespmem:$0x18400] =	vst v63  }
0x34b: {  	s8 =	simm.s32 $0xFC00  }
0x34c: {  	[tilespmem:s8], [sflag:$0x1] =	stream.indirect_vreg.gather [hbm4b:s2+s4], $0x80, v3, vm0, $0xb8;
	[tilespmem:$0x18400] =	vst v63  }
0x34d: {  	s22 =	rddreg [dreg:$0x1a]  }
0x34e: {  	[tilespmem:s16], [sflag:$0x1] =	stream.indirect.gather [hbm4b:s1+s23], $0x80, s22, s23, $0xb8;
	[tilespmem:$0x18400] =	vst v63  }
0x34f: {  	s28 =	rddreg [dreg:$0x11]  }
0x350: {  	[hbm4b:s28+s4] =	stream.linear.scatter [tilespmem:s6], [sflag:$0x2], $0x8000, $0x38;
	[tilespmem:$0x18400] =	vst v63  }
0x351: {  	s29 =	rddreg [dreg:$0x12]  }
0x352: {  	[hbm4b:s29+s4] =	stream.linear.scatter [tilespmem:s24], [sflag:$0x2], $0x4000, $0x38;
	[tilespmem:$0x18400] =	vst v63  }
0x353: {  	_ =	swait.ge [sflag:s25], $0x8000  }
0x354: {  	[sflag:s25] =	ssyncset.done $0x0  }
0x355: {  	[sflag:s25] =	ssyncadd.s32 $0xFFFF8000  }
0x356: {  	_ =	swait.ge [sflag:s25], $0x4000  }
0x357: {  	[sflag:s25] =	ssyncset.done $0x0  }
0x358: {  	[sflag:s25] =	ssyncadd.s32 $0xFFFFC000  }
0x359: {  	_ =	swait.ge [sflag:s17], $0x8000  }
0x35a: {  	[sflag:s17] =	ssyncset.done $0x0  }
0x35b: {  	[sflag:s17] =	ssyncadd.s32 $0xFFFF8000  }
0x35c: {  	_ =	swait.ge [sflag:s17], $0x4000  }
0x35d: {  	[sflag:s17] =	ssyncset.done $0x0  }
0x35e: {  	s30 =	rddreg [dreg:$0x13];
	[sflag:s17] =	ssyncadd.s32 $0xFFFFC000  }
0x35f: {  	[hbm4b:s30+s4] =	stream.linear.scatter [tilespmem:s26], [sflag:$0x2], $0x8000, $0x38;
	[tilespmem:$0x18400] =	vst v63  }
0x360: {  	s31 =	rddreg [dreg:$0x14]  }
0x361: {  	[hbm4b:s31+s4] =	stream.linear.scatter [tilespmem:s16], [sflag:$0x2], $0x4000, $0x38;
	[tilespmem:$0x18400] =	vst v63  }
0x362: {  	p0 =	sne.s32 s5, $0x1;
	_ =	swait.ge [sflag:s17], $0x8000  }
.Ltmp0:
0x363: {  	[sflag:s17] =	ssyncset.done $0x0;
	(pc) =	sbr.rel @p0 .LBB2_1-.Ltmp0, $4  }
0x364: {  	[sflag:s17] =	ssyncadd.s32 $0xFFFF8000  }
0x365: {  	_ =	swait.ge [sflag:s17], $0x4000  }
0x366: {  	[sflag:s17] =	ssyncset.done $0x0  }
0x367: {  	s5 =	sadd.s32 $0xFFFFFFFF, s5;
	[sflag:s17] =	ssyncadd.s32 $0xFFFFC000  }
0x368: {  	_ =	sfence.sel $0x180000  }
0x369: {  	[bflag:$0x0] =	sbarrier.arrive $0xFFFF  }
0x36a: {  	_ =	strace $0x9000004A  }
0x36b: {  	s0 =	stileid.u32;
	[bflag:$0x2] =	sbarrier.arrive $0xFFFF  }
0x36c: {  	p0 =	sne.s32 s0, $0x0;
	s0 =	rddreg [dreg:$0x3]  }
0x36d: {  	s0 =	sadd.s32 @!p0 $0x100000, s0  }
0x36e: {  	[sflag:s0] =	ssyncadd.tile.s32 @!p0 $0x1;
	_ =	shalt  }
.Lfunc_end2:
_tile_overlayer_lowered:
.L_overlay_start_2:
0x36f: {  	(tag) =	ssettag $0x2  }
0x370: {  	s0 =	rddreg [dreg:$0x0];
	s2 =	stileid.u32  }
0x371: {  	s1 =	rddreg [dreg:$0x1];
	p0 =	sne.s32 s2, $0x0  }
0x372: {  	s3 =	rddreg [dreg:$0x2];
	[bflag:$0x3] =	sbarrier.arrive $0xFFFF;
	s2 =	simm.s32 @!p0 $0x1C03  }
0x373: {  	[timem:s3], [sflag:s2] =	dma.local @!p0 [hbm:s0], s1  }
0x374: {  	s0 =	simm.s32 @!p0 $0x3  }
0x375: {  	_ =	swait.ge @!p0 [sflag:s0], s1  }
0x376: {  	s1 =	ssub.s32 @!p0 $0x0, s1;
	[sflag:s0] =	ssyncset.done @!p0 $0x0  }
0x377: {  	[sflag:s0] =	ssyncadd.s32 @!p0 s1  }
0x378: {  	[bflag:$0x3] =	sbarrier.arrive $0xFFFF  }
0x379: {  	_ =	shalt  }

</sc_bundles>
